<compile_context>
chip_gen: v7x
topology: tpu7x:2x2x1
jax: 0.10.2.dev20260603
libtpu: 0.0.44.dev20260713+nightly
codegen_flags: <defaults>
</compile_context>

<pallas_src>
import functools
import math

import jax
import jax.numpy as jnp
from jax import lax
from jax.experimental import pallas as pl
from jax.experimental.pallas import tpu as pltpu
from jax.experimental.pallas import tpu_sc as plsc

N = 10000
E = 320000
D = 128
A = 8
EE = 16
EA = 4
HID = 8

_NC = 2
_NS = 16
_NW = _NC * _NS
_CH = 64
_NCHUNK = E // _CH
_CBASE = _NCHUNK // _NW
_CEXTRA = _NCHUNK - _CBASE * _NW
_S = 3
_NSUP = _CBASE // _S
_RPT = 624


def _pack_cols(y):
    bl = lax.bitcast_convert_type(y[:, :D // 2], jnp.int32)
    bh = lax.bitcast_convert_type(y[:, D // 2:], jnp.int32)
    lo = lax.shift_right_logical(bl + 32768, 16)
    hi = (bh + 32768) & (-65536)
    return lo | hi


def _nf_body(x_ref, w_ref, o_ref):
    o_ref[...] = (x_ref[...] @ w_ref[...]) * (1.0 / math.sqrt(D))


def _wsum_body(eeT_ref, eaT_ref, w0_ref, wg_ref, r1_ref, r2_ref, o_ref):
    dn0 = (((0,), (0,)), ((), ()))
    f32 = jnp.float32
    hT = jax.nn.silu(
        lax.dot_general(w0_ref[...], eeT_ref[...], dn0,
                        preferred_element_type=f32) * (1.0 / math.sqrt(EE)))
    g1 = lax.dot_general(r1_ref[...], hT, dn0, preferred_element_type=f32)
    g2 = lax.dot_general(r2_ref[...], eaT_ref[...], dn0,
                         preferred_element_type=f32)
    o_ref[...] = _pack_cols(
        lax.dot_general(g1 * g2, wg_ref[...], dn0,
                        preferred_element_type=f32) * (1.0 / 32.0))


def _out_body(pa_ref, pb_ref, nf_ref, na_ref, w2_ref, wsc_ref, o_ref):
    acc = ((pa_ref[...] + pb_ref[...]) @ w2_ref[...]) * (1.0 / math.sqrt(D))
    nf = nf_ref[...]
    na = na_ref[...]
    s = (nf * na[:, 0:1]) @ wsc_ref[0]
    for j in range(1, A):
        s = s + (nf * na[:, j:j + 1]) @ wsc_ref[j]
    o_ref[...] = acc + s * (1.0 / math.sqrt(float(D * A)))


def _sc_body(nf_hbm, wsum_hbm, ei_hbm, out_hbm,
             sidx0_v, sidx1_v, didx0_v, didx1_v, pdst_v, psrc_v, xe_v, m_v,
             p_v, acc_sh, *sems):
    sidx = (sidx0_v, sidx1_v)
    didx = (didx0_v, didx1_v)
    sg = sems[0:2]
    sw = sems[2:4]
    ss = sems[4:6]
    si = sems[6:8]
    c = lax.axis_index("c")
    s = lax.axis_index("s")
    w = c * _NS + s

    def _zrow(r, carry):
        for q in range(D // 16):
            p_v[0, r, pl.ds(q * 16, 16)] = jnp.zeros((16,), jnp.float32)
        return carry
    lax.fori_loop(0, _CH, _zrow, 0)
    for k in range(_RPT // _CH):
        pltpu.sync_copy(p_v.at[0, pl.ds(0, _CH)],
                        acc_sh.at[pl.ds(s * _RPT + k * _CH, _CH)])
    _zfull = (_RPT // _CH) * _CH
    _zrem = _RPT - _zfull

    @pl.when(s < _NS - 1)
    def _():
        pltpu.sync_copy(p_v.at[0, pl.ds(0, _zrem)],
                        acc_sh.at[pl.ds(s * _RPT + _zfull, _zrem)])

    @pl.when(s == _NS - 1)
    def _():
        pltpu.sync_copy(p_v.at[0, pl.ds(0, _CH)],
                        acc_sh.at[pl.ds(s * _RPT + _zfull, _CH)])
    plsc.subcore_barrier()

    start = w * _CBASE
    _SB = _S * _CH

    def _load_super(bb, t, sem):
        base = pl.multiple_of((start + t * _S) * _CH, _CH)
        if sem is None:
            pltpu.sync_copy(ei_hbm.at[pl.ds(base, _SB)], sidx[bb])
            pltpu.sync_copy(ei_hbm.at[pl.ds(E + base, _SB)], didx[bb])
        else:
            pltpu.async_copy(ei_hbm.at[pl.ds(base, _SB)], sidx[bb], sem)
            pltpu.async_copy(ei_hbm.at[pl.ds(E + base, _SB)], didx[bb], sem)

    def _stash_src(bp, bb, jloc):
        for q in range(_CH // 16):
            psrc_v[bp, pl.ds(q * 16, 16)] = (
                sidx[bb][pl.ds(jloc * _CH + q * 16, 16)])

    def _issue(b, i):
        base = pl.multiple_of((start + i) * _CH, _CH)
        pltpu.async_copy(nf_hbm.at[psrc_v.at[b]], xe_v.at[b], sg[b])
        pltpu.async_copy(wsum_hbm.at[pl.ds(base, _CH)], m_v.at[b], sw[b])

    def _multiply(b):
        mask = jnp.full((16,), -65536, jnp.int32)

        def _mrow(r, cc):
            for q in range(D // 32):
                sl = pl.ds(q * 16, 16)
                mi = m_v[b, r, sl]
                ml = plsc.bitcast(mi << 16, jnp.float32)
                mh = plsc.bitcast(mi & mask, jnp.float32)
                xl = xe_v[b, r, pl.ds(q * 16, 16)]
                xh = xe_v[b, r, pl.ds(D // 2 + q * 16, 16)]
                p_v[b, r, pl.ds(q * 16, 16)] = ml * xl
                p_v[b, r, pl.ds(D // 2 + q * 16, 16)] = mh * xh
            return cc
        lax.fori_loop(0, _CH, _mrow, 0)

    _load_super(0, 0, None)
    _stash_src(0, 0, 0)
    _issue(0, 0)

    @pl.loop(0, _NSUP, step=2)
    def _superpair(k):
        for dt in (0, 1):
            t = k + dt
            bb = dt
            for j in range(_S):
                b = (dt + j) % 2
                i = t * _S + j
                pltpu.make_async_copy(nf_hbm.at[pl.ds(0, _CH)],
                                      xe_v.at[b], sg[b]).wait()
                pltpu.make_async_copy(wsum_hbm.at[pl.ds(0, _CH)],
                                      m_v.at[b], sw[b]).wait()
                if j == 0:
                    if dt == 0:
                        _load_super(1 - bb, t + 1, si[1 - bb])
                    else:
                        @pl.when(k < _NSUP - 2)
                        def _():
                            _load_super(1 - bb, t + 1, si[1 - bb])
                if j < _S - 1:
                    _stash_src(1 - b, bb, j + 1)
                    _issue(1 - b, i + 1)
                else:
                    def _nxt():
                        pltpu.make_async_copy(ei_hbm.at[pl.ds(0, _SB)],
                                              sidx[1 - bb], si[1 - bb]).wait()
                        pltpu.make_async_copy(ei_hbm.at[pl.ds(0, _SB)],
                                              didx[1 - bb], si[1 - bb]).wait()
                        _stash_src(1 - b, 1 - bb, 0)
                        _issue(1 - b, i + 1)
                    if dt == 0:
                        _nxt()
                    else:
                        pl.when(k < _NSUP - 2)(_nxt)

                @pl.when(i >= 2)
                def _():
                    pltpu.make_async_copy(out_hbm.at[0, pl.ds(0, _CH)],
                                          p_v.at[b], ss[b]).wait()
                _multiply(b)
                for q in range(_CH // 16):
                    sl = pl.ds(q * 16, 16)
                    pdst_v[b, sl] = didx[bb][pl.ds(j * _CH + q * 16, 16)]
                pltpu.async_copy(p_v.at[b], acc_sh.at[pdst_v.at[b]], ss[b],
                                 add=True)

    for b in (0, 1):
        pltpu.make_async_copy(out_hbm.at[0, pl.ds(0, _CH)],
                              p_v.at[b], ss[b]).wait()

    @pl.when(w < _CEXTRA)
    def _():
        base = pl.multiple_of((_NW * _CBASE + w) * _CH, _CH)
        pltpu.sync_copy(ei_hbm.at[pl.ds(base, _CH)], psrc_v.at[0])
        pltpu.sync_copy(ei_hbm.at[pl.ds(E + base, _CH)], pdst_v.at[0])
        pltpu.async_copy(nf_hbm.at[psrc_v.at[0]],
                         xe_v.at[0], sg[0]).wait()
        pltpu.sync_copy(wsum_hbm.at[pl.ds(base, _CH)], m_v.at[0])
        _multiply(0)
        pltpu.sync_copy(p_v.at[0], acc_sh.at[pdst_v.at[0]], add=True)

    plsc.subcore_barrier()

    @pl.when(s < _NS - 1)
    def _():
        pltpu.sync_copy(acc_sh.at[pl.ds(s * _RPT, _RPT)],
                        out_hbm.at[c, pl.ds(s * _RPT, _RPT)])

    @pl.when(s == _NS - 1)
    def _():
        pltpu.sync_copy(acc_sh.at[pl.ds(s * _RPT, N - (_NS - 1) * _RPT)],
                        out_hbm.at[c, pl.ds(s * _RPT, N - (_NS - 1) * _RPT)])


@functools.lru_cache(maxsize=1)
def _sc_gather_scatter():
    return functools.partial(
        pl.kernel,
        out_type=jax.ShapeDtypeStruct((_NC, N, D), jnp.float32),
        mesh=plsc.VectorSubcoreMesh(core_axis_name="c", subcore_axis_name="s",
                                    num_cores=_NC, num_subcores=_NS),
        compiler_params=pltpu.CompilerParams(needs_layout_passes=False),
        scratch_types=[
            pltpu.VMEM((_S * _CH,), jnp.int32),
            pltpu.VMEM((_S * _CH,), jnp.int32),
            pltpu.VMEM((_S * _CH,), jnp.int32),
            pltpu.VMEM((_S * _CH,), jnp.int32),
            pltpu.VMEM((2, _CH), jnp.int32),
            pltpu.VMEM((2, _CH), jnp.int32),
            pltpu.VMEM((2, _CH, D), jnp.float32),
            pltpu.VMEM((2, _CH, D // 2), jnp.int32),
            pltpu.VMEM((2, _CH, D), jnp.float32),
            pltpu.VMEM_SHARED((N, D), jnp.float32),
            pltpu.SemaphoreType.DMA,
            pltpu.SemaphoreType.DMA,
            pltpu.SemaphoreType.DMA,
            pltpu.SemaphoreType.DMA,
            pltpu.SemaphoreType.DMA,
            pltpu.SemaphoreType.DMA,
            pltpu.SemaphoreType.DMA,
            pltpu.SemaphoreType.DMA,
        ],
    )(_sc_body)


def kernel(node_features, node_attrs, edge_embedding, edge_attrs, edge_index,
           W1, mlp_w0, mlp_w1, W2, W_sc):
    f32 = jnp.float32
    ei_flat = edge_index.astype(jnp.int32).reshape(2 * E)

    Wg = mlp_w1.reshape(HID, D, EA).transpose(0, 2, 1).reshape(HID * EA, D)
    Wsc = W_sc.transpose(1, 0, 2)
    R1 = (jnp.arange(HID)[:, None]
          == (jnp.arange(HID * EA)[None, :] // EA)).astype(f32)
    R2 = (jnp.arange(EA)[:, None]
          == (jnp.arange(HID * EA)[None, :] % EA)).astype(f32)

    TN = 2000
    node_feats = pl.pallas_call(
        _nf_body,
        grid=(N // TN,),
        in_specs=[pl.BlockSpec((TN, D), lambda i: (i, 0)),
                  pl.BlockSpec((D, D), lambda i: (0, 0))],
        out_specs=pl.BlockSpec((TN, D), lambda i: (i, 0)),
        out_shape=jax.ShapeDtypeStruct((N, D), f32),
    )(node_features, W1)

    TE = 12800
    wsum = pl.pallas_call(
        _wsum_body,
        grid=(E // TE,),
        in_specs=[pl.BlockSpec((EE, TE), lambda i: (0, i)),
                  pl.BlockSpec((EA, TE), lambda i: (0, i)),
                  pl.BlockSpec((EE, HID), lambda i: (0, 0)),
                  pl.BlockSpec((HID * EA, D), lambda i: (0, 0)),
                  pl.BlockSpec((HID, HID * EA), lambda i: (0, 0)),
                  pl.BlockSpec((EA, HID * EA), lambda i: (0, 0))],
        out_specs=pl.BlockSpec((TE, D // 2), lambda i: (i, 0)),
        out_shape=jax.ShapeDtypeStruct((E, D // 2), jnp.int32),
    )(edge_embedding.T, edge_attrs.T, mlp_w0, Wg, R1, R2)

    partials = _sc_gather_scatter()(node_feats, wsum, ei_flat)

    out = pl.pallas_call(
        _out_body,
        grid=(N // TN,),
        in_specs=[pl.BlockSpec((TN, D), lambda i: (i, 0)),
                  pl.BlockSpec((TN, D), lambda i: (i, 0)),
                  pl.BlockSpec((TN, D), lambda i: (i, 0)),
                  pl.BlockSpec((TN, A), lambda i: (i, 0)),
                  pl.BlockSpec((D, D), lambda i: (0, 0)),
                  pl.BlockSpec((A, D, D), lambda i: (0, 0, 0))],
        out_specs=pl.BlockSpec((TN, D), lambda i: (i, 0)),
        out_shape=jax.ShapeDtypeStruct((N, D), f32),
    )(partials[0], partials[1], node_features, node_attrs, W2, Wsc)
    return out

# --- scband reference (transcript-rebuilt; emitter-appended) ---
"""Pipeline reference for scband-point-conv-81587198754960 (READ-ONLY COPY).

The authoritative reference and input builder live on the scoring server;
editing this copy changes nothing except your own understanding.
"""

import jax, jax.numpy as jnp
import numpy as np

# Scalar-irreps (all 0e) instantiation of the equivariant PointConv:
#   node_features: 128x0e, node_attrs: 8x0e, edge_embedding: 16x0e, edge_attrs: 4x0e
# Under scalar irreps: e3nn Linear -> dense matmul (with 1/sqrt(fan_in) path norm),
# UVU tensor product -> per-edge weighted elementwise product with weights from the
# radial MLP on edge_embedding, FullyConnectedTensorProduct -> bilinear form.

N = 10000      # n_nodes
E = 320000     # n_edges (avg_degree=32)
D = 128        # node feature dim (128x0e)
A = 8          # node attr dim (8x0e)
EE = 16        # edge embedding dim (16x0e)
EA = 4         # edge attr dim (4x0e)
HID = 8        # fc_hidden_size
AVG_NEIGH = 32.0


def setup_inputs(seed: int = 0) -> dict:
    key = jax.random.key(seed)
    ks = jax.random.split(key, 10)
    return {
        "node_features": jax.random.normal(ks[0], (N, D), dtype=jnp.float32),
        "node_attrs": jax.random.normal(ks[1], (N, A), dtype=jnp.float32),
        "edge_embedding": jax.random.normal(ks[2], (E, EE), dtype=jnp.float32),
        "edge_attrs": jax.random.normal(ks[3], (E, EA), dtype=jnp.float32),
        "edge_index": jax.random.randint(ks[4], (2, E), 0, N, dtype=jnp.int64),
        # learned parameters
        "W1": jax.random.normal(ks[5], (D, D), dtype=jnp.float32),          # linear_1
        "mlp_w0": jax.random.normal(ks[6], (EE, HID), dtype=jnp.float32),   # radial MLP layer 0
        "mlp_w1": jax.random.normal(ks[7], (HID, D * EA), dtype=jnp.float32),  # radial MLP output -> tp weights
        "W2": jax.random.normal(ks[8], (D, D), dtype=jnp.float32),          # linear_2
        "W_sc": jax.random.normal(ks[9], (D, A, D), dtype=jnp.float32),     # self-connection FCTP
    }


def reference(node_features, node_attrs, edge_embedding, edge_attrs, edge_index,
              W1, mlp_w0, mlp_w1, W2, W_sc):
    edge_src = edge_index[0]
    edge_dst = edge_index[1]

    # linear_1 (e3nn Linear on 128x0e, path-normalized)
    node_feats = (node_features @ W1) / jnp.sqrt(float(D))

    # radial MLP on edge_embedding -> per-edge UVU tensor-product weights [E, D, EA]
    h = jax.nn.silu((edge_embedding @ mlp_w0) / jnp.sqrt(float(EE)))
    tp_w = ((h @ mlp_w1) / jnp.sqrt(float(HID))).reshape(-1, D, EA)

    # gather source node features per edge (SparseCore gather)
    x_e = jnp.take(node_feats, edge_src, axis=0)  # [E, D]

    # UVU tensor product on scalars: out[e,u] = sum_v w[e,u,v] * x[e,u] * y[e,v]
    msg_per_edge = jnp.einsum('euv,eu,ev->eu', tp_w, x_e, edge_attrs) / jnp.sqrt(float(EA))

    # scatter-add messages to destination nodes (SparseCore scatter-add)
    msg = jax.ops.segment_sum(msg_per_edge, edge_dst, num_segments=N)

    # avg_num_neighbors normalization
    msg = msg / jnp.sqrt(AVG_NEIGH)

    # linear_2
    msg = (msg @ W2) / jnp.sqrt(float(D))

    # self connection: FullyConnectedTensorProduct(node_feats_in, node_attrs)
    sc = jnp.einsum('ijk,ni,nj->nk', W_sc, node_features, node_attrs) / jnp.sqrt(float(D * A))

    return msg + sc

if __name__ == "__main__":
    import jax
    _d = setup_inputs()
    print(jax.jit(kernel)(*tuple(_d.values())))

</pallas_src>

<mosaic_0001>
#map = affine_map<(d0, d1) -> (0, 0)>
#map1 = affine_map<(d0, d1) -> (0)>
#map2 = affine_map<(d0, d1) -> (0, 0, 0)>
module attributes {stable_mosaic.version = 14 : i64} {
  func.func @_sc_body(%arg0: i32, %arg1: i32, %arg2: memref<10000x128xf32, #tpu.memory_space<hbm>>, %arg3: memref<320000x64xi32, #tpu.memory_space<hbm>>, %arg4: memref<640000xi32, #tpu.memory_space<hbm>>, %arg5: memref<2x10000x128xf32, #tpu.memory_space<hbm>>, %arg6: memref<192xi32, #tpu.memory_space<vmem>>, %arg7: memref<192xi32, #tpu.memory_space<vmem>>, %arg8: memref<192xi32, #tpu.memory_space<vmem>>, %arg9: memref<192xi32, #tpu.memory_space<vmem>>, %arg10: memref<2x64xi32, #tpu.memory_space<vmem>>, %arg11: memref<2x64xi32, #tpu.memory_space<vmem>>, %arg12: memref<2x64x128xf32, #tpu.memory_space<vmem>>, %arg13: memref<2x64x64xi32, #tpu.memory_space<vmem>>, %arg14: memref<2x64x128xf32, #tpu.memory_space<vmem>>, %arg15: memref<10000x128xf32, #tpu.memory_space<vmem_shared>>, %arg16: memref<!tpu.dma_semaphore, #tpu.memory_space<semaphore_mem>>, %arg17: memref<!tpu.dma_semaphore, #tpu.memory_space<semaphore_mem>>, %arg18: memref<!tpu.dma_semaphore, #tpu.memory_space<semaphore_mem>>, %arg19: memref<!tpu.dma_semaphore, #tpu.memory_space<semaphore_mem>>, %arg20: memref<!tpu.dma_semaphore, #tpu.memory_space<semaphore_mem>>, %arg21: memref<!tpu.dma_semaphore, #tpu.memory_space<semaphore_mem>>, %arg22: memref<!tpu.dma_semaphore, #tpu.memory_space<semaphore_mem>>, %arg23: memref<!tpu.dma_semaphore, #tpu.memory_space<semaphore_mem>>) attributes {dimension_semantics = [#tpu.dimension_semantics<core_parallel>, #tpu.dimension_semantics<subcore_parallel>], iteration_bounds = array<i64: 2, 16>, scalar_prefetch = 0 : i64, scratch_operands = 18 : i64, tpu.core_type = #tpu.core_type<sc_vector_subcore>, window_params = [{transform_indices = #map}, {transform_indices = #map}, {transform_indices = #map1}, {transform_indices = #map2}]} {
    %mul3A = arith.constant 16 : i32
    %mul3A_0 = arith.muli %arg0, %mul3A : i32
    %add3A = arith.addi %mul3A_0, %arg1 : i32
    %scan3A = arith.constant 0 : i32
    %scan3A_1 = arith.constant 0 : i32
    %scan3A_2 = arith.constant 64 : i32
    %scan3A_3 = arith.addi %scan3A_1, %scan3A_2 : i32
    %scan3A_4 = arith.constant 1 : i32
    scf.for %scan3A_171 = %scan3A_1 to %scan3A_3 step %scan3A_4  : i32 {
      %broadcast_in_dim3A = arith.constant 0.000000e+00 : f32
      %broadcast_in_dim3A_172 = vector.broadcast %broadcast_in_dim3A : f32 to vector<16xf32>
      %swap3A_173 = arith.constant 0 : i32
      %swap3A_174 = arith.index_cast %swap3A_173 : i32 to index
      %swap3A_175 = arith.index_cast %scan3A_171 : i32 to index
      %swap3A_176 = arith.constant 0 : index
      %swap3A_177 = tpu.vector_load %arg14[%swap3A_174, %swap3A_175, %swap3A_176] {strides = array<i32>} : memref<2x64x128xf32, #tpu.memory_space<vmem>>, vector<16xf32>,
      tpu.vector_store %arg14[%swap3A_174, %swap3A_175, %swap3A_176], %broadcast_in_dim3A_172 {strides = array<i32>} : memref<2x64x128xf32, #tpu.memory_space<vmem>>, vector<16xf32>,
      %broadcast_in_dim3A_178 = arith.constant 0.000000e+00 : f32
      %broadcast_in_dim3A_179 = vector.broadcast %broadcast_in_dim3A_178 : f32 to vector<16xf32>
      %swap3A_180 = arith.constant 0 : i32
      %swap3A_181 = arith.index_cast %swap3A_180 : i32 to index
      %swap3A_182 = arith.index_cast %scan3A_171 : i32 to index
      %swap3A_183 = arith.constant 16 : index
      %swap3A_184 = tpu.vector_load %arg14[%swap3A_181, %swap3A_182, %swap3A_183] {strides = array<i32>} : memref<2x64x128xf32, #tpu.memory_space<vmem>>, vector<16xf32>,
      tpu.vector_store %arg14[%swap3A_181, %swap3A_182, %swap3A_183], %broadcast_in_dim3A_179 {strides = array<i32>} : memref<2x64x128xf32, #tpu.memory_space<vmem>>, vector<16xf32>,
      %broadcast_in_dim3A_185 = arith.constant 0.000000e+00 : f32
      %broadcast_in_dim3A_186 = vector.broadcast %broadcast_in_dim3A_185 : f32 to vector<16xf32>
      %swap3A_187 = arith.constant 0 : i32
      %swap3A_188 = arith.index_cast %swap3A_187 : i32 to index
      %swap3A_189 = arith.index_cast %scan3A_171 : i32 to index
      %swap3A_190 = arith.constant 32 : index
      %swap3A_191 = tpu.vector_load %arg14[%swap3A_188, %swap3A_189, %swap3A_190] {strides = array<i32>} : memref<2x64x128xf32, #tpu.memory_space<vmem>>, vector<16xf32>,
      tpu.vector_store %arg14[%swap3A_188, %swap3A_189, %swap3A_190], %broadcast_in_dim3A_186 {strides = array<i32>} : memref<2x64x128xf32, #tpu.memory_space<vmem>>, vector<16xf32>,
      %broadcast_in_dim3A_192 = arith.constant 0.000000e+00 : f32
      %broadcast_in_dim3A_193 = vector.broadcast %broadcast_in_dim3A_192 : f32 to vector<16xf32>
      %swap3A_194 = arith.constant 0 : i32
      %swap3A_195 = arith.index_cast %swap3A_194 : i32 to index
      %swap3A_196 = arith.index_cast %scan3A_171 : i32 to index
      %swap3A_197 = arith.constant 48 : index
      %swap3A_198 = tpu.vector_load %arg14[%swap3A_195, %swap3A_196, %swap3A_197] {strides = array<i32>} : memref<2x64x128xf32, #tpu.memory_space<vmem>>, vector<16xf32>,
      tpu.vector_store %arg14[%swap3A_195, %swap3A_196, %swap3A_197], %broadcast_in_dim3A_193 {strides = array<i32>} : memref<2x64x128xf32, #tpu.memory_space<vmem>>, vector<16xf32>,
      %broadcast_in_dim3A_199 = arith.constant 0.000000e+00 : f32
      %broadcast_in_dim3A_200 = vector.broadcast %broadcast_in_dim3A_199 : f32 to vector<16xf32>
      %swap3A_201 = arith.constant 0 : i32
      %swap3A_202 = arith.index_cast %swap3A_201 : i32 to index
      %swap3A_203 = arith.index_cast %scan3A_171 : i32 to index
      %swap3A_204 = arith.constant 64 : index
      %swap3A_205 = tpu.vector_load %arg14[%swap3A_202, %swap3A_203, %swap3A_204] {strides = array<i32>} : memref<2x64x128xf32, #tpu.memory_space<vmem>>, vector<16xf32>,
      tpu.vector_store %arg14[%swap3A_202, %swap3A_203, %swap3A_204], %broadcast_in_dim3A_200 {strides = array<i32>} : memref<2x64x128xf32, #tpu.memory_space<vmem>>, vector<16xf32>,
      %broadcast_in_dim3A_206 = arith.constant 0.000000e+00 : f32
      %broadcast_in_dim3A_207 = vector.broadcast %broadcast_in_dim3A_206 : f32 to vector<16xf32>
      %swap3A_208 = arith.constant 0 : i32
      %swap3A_209 = arith.index_cast %swap3A_208 : i32 to index
      %swap3A_210 = arith.index_cast %scan3A_171 : i32 to index
      %swap3A_211 = arith.constant 80 : index
      %swap3A_212 = tpu.vector_load %arg14[%swap3A_209, %swap3A_210, %swap3A_211] {strides = array<i32>} : memref<2x64x128xf32, #tpu.memory_space<vmem>>, vector<16xf32>,
      tpu.vector_store %arg14[%swap3A_209, %swap3A_210, %swap3A_211], %broadcast_in_dim3A_207 {strides = array<i32>} : memref<2x64x128xf32, #tpu.memory_space<vmem>>, vector<16xf32>,
      %broadcast_in_dim3A_213 = arith.constant 0.000000e+00 : f32
      %broadcast_in_dim3A_214 = vector.broadcast %broadcast_in_dim3A_213 : f32 to vector<16xf32>
      %swap3A_215 = arith.constant 0 : i32
      %swap3A_216 = arith.index_cast %swap3A_215 : i32 to index
      %swap3A_217 = arith.index_cast %scan3A_171 : i32 to index
      %swap3A_218 = arith.constant 96 : index
      %swap3A_219 = tpu.vector_load %arg14[%swap3A_216, %swap3A_217, %swap3A_218] {strides = array<i32>} : memref<2x64x128xf32, #tpu.memory_space<vmem>>, vector<16xf32>,
      tpu.vector_store %arg14[%swap3A_216, %swap3A_217, %swap3A_218], %broadcast_in_dim3A_214 {strides = array<i32>} : memref<2x64x128xf32, #tpu.memory_space<vmem>>, vector<16xf32>,
      %broadcast_in_dim3A_220 = arith.constant 0.000000e+00 : f32
      %broadcast_in_dim3A_221 = vector.broadcast %broadcast_in_dim3A_220 : f32 to vector<16xf32>
      %swap3A_222 = arith.constant 0 : i32
      %swap3A_223 = arith.index_cast %swap3A_222 : i32 to index
      %swap3A_224 = arith.index_cast %scan3A_171 : i32 to index
      %swap3A_225 = arith.constant 112 : index
      %swap3A_226 = tpu.vector_load %arg14[%swap3A_223, %swap3A_224, %swap3A_225] {strides = array<i32>} : memref<2x64x128xf32, #tpu.memory_space<vmem>>, vector<16xf32>,
      tpu.vector_store %arg14[%swap3A_223, %swap3A_224, %swap3A_225], %broadcast_in_dim3A_221 {strides = array<i32>} : memref<2x64x128xf32, #tpu.memory_space<vmem>>, vector<16xf32>,
    }
    %scan3A_5 = arith.constant 64 : i32
    %mul3A_6 = arith.constant 624 : i32
    %mul3A_7 = arith.muli %arg1, %mul3A_6 : i32
    %add3A_8 = arith.constant 0 : i32
    %add3A_9 = arith.addi %mul3A_7, %add3A_8 : i32
    %run_scoped3A = arith.constant 0 : i32
    "tpu.region"() ({
      %run_scoped3A_171 = tpu.sem_alloc : memref<!tpu.dma_semaphore, #tpu.memory_space<semaphore_mem>>
      %dma_start3A_172 = arith.constant 0 : i32
      %dma_start3A_173 = arith.constant 0 : i32
      %dma_start3A_174 = tpu.memref_slice %arg14[%run_scoped3A, %dma_start3A_172, %dma_start3A_173] : memref<2x64x128xf32, #tpu.memory_space<vmem>> -> memref<1x64x128xf32, #tpu.memory_space<vmem>>
      %dma_start3A_175 = tpu.memref_squeeze %dma_start3A_174 : memref<1x64x128xf32, #tpu.memory_space<vmem>> -> memref<64x128xf32, #tpu.memory_space<vmem>>
      %dma_start3A_176 = arith.constant 0 : i32
      %dma_start3A_177 = tpu.memref_slice %arg15[%add3A_9, %dma_start3A_176] : memref<10000x128xf32, #tpu.memory_space<vmem_shared>> -> memref<64x128xf32, #tpu.memory_space<vmem_shared>>
      %dma_start3A_178 = arith.constant 0 : i32
      %dma_start3A_179 = tpu.memref_slice %arg15[%add3A_9, %dma_start3A_178] : memref<10000x128xf32, #tpu.memory_space<vmem_shared>> -> memref<64x128xf32, #tpu.memory_space<vmem_shared>>
      %dma_start3A_180 = arith.constant 0 : i32
      %dma_start3A_181 = arith.constant 0 : i32
      %dma_start3A_182 = tpu.memref_slice %arg14[%run_scoped3A, %dma_start3A_180, %dma_start3A_181] : memref<2x64x128xf32, #tpu.memory_space<vmem>> -> memref<1x64x128xf32, #tpu.memory_space<vmem>>
      %dma_start3A_183 = tpu.memref_squeeze %dma_start3A_182 : memref<1x64x128xf32, #tpu.memory_space<vmem>> -> memref<64x128xf32, #tpu.memory_space<vmem>>
      tpu.enqueue_dma source(%dma_start3A_183 : memref<64x128xf32, #tpu.memory_space<vmem>>) target(%dma_start3A_179 : memref<64x128xf32, #tpu.memory_space<vmem_shared>>) target_semaphore(%run_scoped3A_171 : memref<!tpu.dma_semaphore, #tpu.memory_space<semaphore_mem>>)
      %dma_wait3A_184 = arith.constant 0 : i32
      %dma_wait3A_185 = arith.constant 0 : i32
      %dma_wait3A_186 = tpu.memref_slice %arg14[%run_scoped3A, %dma_wait3A_184, %dma_wait3A_185] : memref<2x64x128xf32, #tpu.memory_space<vmem>> -> memref<1x64x128xf32, #tpu.memory_space<vmem>>
      %dma_wait3A_187 = tpu.memref_squeeze %dma_wait3A_186 : memref<1x64x128xf32, #tpu.memory_space<vmem>> -> memref<64x128xf32, #tpu.memory_space<vmem>>
      %dma_wait3A_188 = arith.constant 0 : i32
      %dma_wait3A_189 = tpu.memref_slice %arg15[%add3A_9, %dma_wait3A_188] : memref<10000x128xf32, #tpu.memory_space<vmem_shared>> -> memref<64x128xf32, #tpu.memory_space<vmem_shared>>
      %dma_wait3A_190 = arith.constant 0 : i32
      %dma_wait3A_191 = tpu.memref_slice %arg15[%add3A_9, %dma_wait3A_190] : memref<10000x128xf32, #tpu.memory_space<vmem_shared>> -> memref<64x128xf32, #tpu.memory_space<vmem_shared>>
      %dma_wait3A_192 = arith.constant 0 : i32
      %dma_wait3A_193 = arith.constant 0 : i32
      %dma_wait3A_194 = tpu.memref_slice %arg14[%run_scoped3A, %dma_wait3A_192, %dma_wait3A_193] : memref<2x64x128xf32, #tpu.memory_space<vmem>> -> memref<1x64x128xf32, #tpu.memory_space<vmem>>
      %dma_wait3A_195 = tpu.memref_squeeze %dma_wait3A_194 : memref<1x64x128xf32, #tpu.memory_space<vmem>> -> memref<64x128xf32, #tpu.memory_space<vmem>>
      tpu.wait_dma2 semaphore(%run_scoped3A_171 : memref<!tpu.dma_semaphore, #tpu.memory_space<semaphore_mem>>) src(%dma_wait3A_195 : memref<64x128xf32, #tpu.memory_space<vmem>>) dst(%dma_wait3A_191 : memref<64x128xf32, #tpu.memory_space<vmem_shared>>)
      tpu.yield
    }) : () -> ()
    %mul3A_10 = arith.constant 624 : i32
    %mul3A_11 = arith.muli %arg1, %mul3A_10 : i32
    %add3A_12 = arith.constant 64 : i32
    %add3A_13 = arith.addi %mul3A_11, %add3A_12 : i32
    %run_scoped3A_14 = arith.constant 0 : i32
    "tpu.region"() ({
      %run_scoped3A_171 = tpu.sem_alloc : memref<!tpu.dma_semaphore, #tpu.memory_space<semaphore_mem>>
      %dma_start3A_172 = arith.constant 0 : i32
      %dma_start3A_173 = arith.constant 0 : i32
      %dma_start3A_174 = tpu.memref_slice %arg14[%run_scoped3A_14, %dma_start3A_172, %dma_start3A_173] : memref<2x64x128xf32, #tpu.memory_space<vmem>> -> memref<1x64x128xf32, #tpu.memory_space<vmem>>
      %dma_start3A_175 = tpu.memref_squeeze %dma_start3A_174 : memref<1x64x128xf32, #tpu.memory_space<vmem>> -> memref<64x128xf32, #tpu.memory_space<vmem>>
      %dma_start3A_176 = arith.constant 0 : i32
      %dma_start3A_177 = tpu.memref_slice %arg15[%add3A_13, %dma_start3A_176] : memref<10000x128xf32, #tpu.memory_space<vmem_shared>> -> memref<64x128xf32, #tpu.memory_space<vmem_shared>>
      %dma_start3A_178 = arith.constant 0 : i32
      %dma_start3A_179 = tpu.memref_slice %arg15[%add3A_13, %dma_start3A_178] : memref<10000x128xf32, #tpu.memory_space<vmem_shared>> -> memref<64x128xf32, #tpu.memory_space<vmem_shared>>
      %dma_start3A_180 = arith.constant 0 : i32
      %dma_start3A_181 = arith.constant 0 : i32
      %dma_start3A_182 = tpu.memref_slice %arg14[%run_scoped3A_14, %dma_start3A_180, %dma_start3A_181] : memref<2x64x128xf32, #tpu.memory_space<vmem>> -> memref<1x64x128xf32, #tpu.memory_space<vmem>>
      %dma_start3A_183 = tpu.memref_squeeze %dma_start3A_182 : memref<1x64x128xf32, #tpu.memory_space<vmem>> -> memref<64x128xf32, #tpu.memory_space<vmem>>
      tpu.enqueue_dma source(%dma_start3A_183 : memref<64x128xf32, #tpu.memory_space<vmem>>) target(%dma_start3A_179 : memref<64x128xf32, #tpu.memory_space<vmem_shared>>) target_semaphore(%run_scoped3A_171 : memref<!tpu.dma_semaphore, #tpu.memory_space<semaphore_mem>>)
      %dma_wait3A_184 = arith.constant 0 : i32
      %dma_wait3A_185 = arith.constant 0 : i32
      %dma_wait3A_186 = tpu.memref_slice %arg14[%run_scoped3A_14, %dma_wait3A_184, %dma_wait3A_185] : memref<2x64x128xf32, #tpu.memory_space<vmem>> -> memref<1x64x128xf32, #tpu.memory_space<vmem>>
      %dma_wait3A_187 = tpu.memref_squeeze %dma_wait3A_186 : memref<1x64x128xf32, #tpu.memory_space<vmem>> -> memref<64x128xf32, #tpu.memory_space<vmem>>
      %dma_wait3A_188 = arith.constant 0 : i32
      %dma_wait3A_189 = tpu.memref_slice %arg15[%add3A_13, %dma_wait3A_188] : memref<10000x128xf32, #tpu.memory_space<vmem_shared>> -> memref<64x128xf32, #tpu.memory_space<vmem_shared>>
      %dma_wait3A_190 = arith.constant 0 : i32
      %dma_wait3A_191 = tpu.memref_slice %arg15[%add3A_13, %dma_wait3A_190] : memref<10000x128xf32, #tpu.memory_space<vmem_shared>> -> memref<64x128xf32, #tpu.memory_space<vmem_shared>>
      %dma_wait3A_192 = arith.constant 0 : i32
      %dma_wait3A_193 = arith.constant 0 : i32
      %dma_wait3A_194 = tpu.memref_slice %arg14[%run_scoped3A_14, %dma_wait3A_192, %dma_wait3A_193] : memref<2x64x128xf32, #tpu.memory_space<vmem>> -> memref<1x64x128xf32, #tpu.memory_space<vmem>>
      %dma_wait3A_195 = tpu.memref_squeeze %dma_wait3A_194 : memref<1x64x128xf32, #tpu.memory_space<vmem>> -> memref<64x128xf32, #tpu.memory_space<vmem>>
      tpu.wait_dma2 semaphore(%run_scoped3A_171 : memref<!tpu.dma_semaphore, #tpu.memory_space<semaphore_mem>>) src(%dma_wait3A_195 : memref<64x128xf32, #tpu.memory_space<vmem>>) dst(%dma_wait3A_191 : memref<64x128xf32, #tpu.memory_space<vmem_shared>>)
      tpu.yield
    }) : () -> ()
    %mul3A_15 = arith.constant 624 : i32
    %mul3A_16 = arith.muli %arg1, %mul3A_15 : i32
    %add3A_17 = arith.constant 128 : i32
    %add3A_18 = arith.addi %mul3A_16, %add3A_17 : i32
    %run_scoped3A_19 = arith.constant 0 : i32
    "tpu.region"() ({
      %run_scoped3A_171 = tpu.sem_alloc : memref<!tpu.dma_semaphore, #tpu.memory_space<semaphore_mem>>
      %dma_start3A_172 = arith.constant 0 : i32
      %dma_start3A_173 = arith.constant 0 : i32
      %dma_start3A_174 = tpu.memref_slice %arg14[%run_scoped3A_19, %dma_start3A_172, %dma_start3A_173] : memref<2x64x128xf32, #tpu.memory_space<vmem>> -> memref<1x64x128xf32, #tpu.memory_space<vmem>>
      %dma_start3A_175 = tpu.memref_squeeze %dma_start3A_174 : memref<1x64x128xf32, #tpu.memory_space<vmem>> -> memref<64x128xf32, #tpu.memory_space<vmem>>
      %dma_start3A_176 = arith.constant 0 : i32
      %dma_start3A_177 = tpu.memref_slice %arg15[%add3A_18, %dma_start3A_176] : memref<10000x128xf32, #tpu.memory_space<vmem_shared>> -> memref<64x128xf32, #tpu.memory_space<vmem_shared>>
      %dma_start3A_178 = arith.constant 0 : i32
      %dma_start3A_179 = tpu.memref_slice %arg15[%add3A_18, %dma_start3A_178] : memref<10000x128xf32, #tpu.memory_space<vmem_shared>> -> memref<64x128xf32, #tpu.memory_space<vmem_shared>>
      %dma_start3A_180 = arith.constant 0 : i32
      %dma_start3A_181 = arith.constant 0 : i32
      %dma_start3A_182 = tpu.memref_slice %arg14[%run_scoped3A_19, %dma_start3A_180, %dma_start3A_181] : memref<2x64x128xf32, #tpu.memory_space<vmem>> -> memref<1x64x128xf32, #tpu.memory_space<vmem>>
      %dma_start3A_183 = tpu.memref_squeeze %dma_start3A_182 : memref<1x64x128xf32, #tpu.memory_space<vmem>> -> memref<64x128xf32, #tpu.memory_space<vmem>>
      tpu.enqueue_dma source(%dma_start3A_183 : memref<64x128xf32, #tpu.memory_space<vmem>>) target(%dma_start3A_179 : memref<64x128xf32, #tpu.memory_space<vmem_shared>>) target_semaphore(%run_scoped3A_171 : memref<!tpu.dma_semaphore, #tpu.memory_space<semaphore_mem>>)
      %dma_wait3A_184 = arith.constant 0 : i32
      %dma_wait3A_185 = arith.constant 0 : i32
      %dma_wait3A_186 = tpu.memref_slice %arg14[%run_scoped3A_19, %dma_wait3A_184, %dma_wait3A_185] : memref<2x64x128xf32, #tpu.memory_space<vmem>> -> memref<1x64x128xf32, #tpu.memory_space<vmem>>
      %dma_wait3A_187 = tpu.memref_squeeze %dma_wait3A_186 : memref<1x64x128xf32, #tpu.memory_space<vmem>> -> memref<64x128xf32, #tpu.memory_space<vmem>>
      %dma_wait3A_188 = arith.constant 0 : i32
      %dma_wait3A_189 = tpu.memref_slice %arg15[%add3A_18, %dma_wait3A_188] : memref<10000x128xf32, #tpu.memory_space<vmem_shared>> -> memref<64x128xf32, #tpu.memory_space<vmem_shared>>
      %dma_wait3A_190 = arith.constant 0 : i32
      %dma_wait3A_191 = tpu.memref_slice %arg15[%add3A_18, %dma_wait3A_190] : memref<10000x128xf32, #tpu.memory_space<vmem_shared>> -> memref<64x128xf32, #tpu.memory_space<vmem_shared>>
      %dma_wait3A_192 = arith.constant 0 : i32
      %dma_wait3A_193 = arith.constant 0 : i32
      %dma_wait3A_194 = tpu.memref_slice %arg14[%run_scoped3A_19, %dma_wait3A_192, %dma_wait3A_193] : memref<2x64x128xf32, #tpu.memory_space<vmem>> -> memref<1x64x128xf32, #tpu.memory_space<vmem>>
      %dma_wait3A_195 = tpu.memref_squeeze %dma_wait3A_194 : memref<1x64x128xf32, #tpu.memory_space<vmem>> -> memref<64x128xf32, #tpu.memory_space<vmem>>
      tpu.wait_dma2 semaphore(%run_scoped3A_171 : memref<!tpu.dma_semaphore, #tpu.memory_space<semaphore_mem>>) src(%dma_wait3A_195 : memref<64x128xf32, #tpu.memory_space<vmem>>) dst(%dma_wait3A_191 : memref<64x128xf32, #tpu.memory_space<vmem_shared>>)
      tpu.yield
    }) : () -> ()
    %mul3A_20 = arith.constant 624 : i32
    %mul3A_21 = arith.muli %arg1, %mul3A_20 : i32
    %add3A_22 = arith.constant 192 : i32
    %add3A_23 = arith.addi %mul3A_21, %add3A_22 : i32
    %run_scoped3A_24 = arith.constant 0 : i32
    "tpu.region"() ({
      %run_scoped3A_171 = tpu.sem_alloc : memref<!tpu.dma_semaphore, #tpu.memory_space<semaphore_mem>>
      %dma_start3A_172 = arith.constant 0 : i32
      %dma_start3A_173 = arith.constant 0 : i32
      %dma_start3A_174 = tpu.memref_slice %arg14[%run_scoped3A_24, %dma_start3A_172, %dma_start3A_173] : memref<2x64x128xf32, #tpu.memory_space<vmem>> -> memref<1x64x128xf32, #tpu.memory_space<vmem>>
      %dma_start3A_175 = tpu.memref_squeeze %dma_start3A_174 : memref<1x64x128xf32, #tpu.memory_space<vmem>> -> memref<64x128xf32, #tpu.memory_space<vmem>>
      %dma_start3A_176 = arith.constant 0 : i32
      %dma_start3A_177 = tpu.memref_slice %arg15[%add3A_23, %dma_start3A_176] : memref<10000x128xf32, #tpu.memory_space<vmem_shared>> -> memref<64x128xf32, #tpu.memory_space<vmem_shared>>
      %dma_start3A_178 = arith.constant 0 : i32
      %dma_start3A_179 = tpu.memref_slice %arg15[%add3A_23, %dma_start3A_178] : memref<10000x128xf32, #tpu.memory_space<vmem_shared>> -> memref<64x128xf32, #tpu.memory_space<vmem_shared>>
      %dma_start3A_180 = arith.constant 0 : i32
      %dma_start3A_181 = arith.constant 0 : i32
      %dma_start3A_182 = tpu.memref_slice %arg14[%run_scoped3A_24, %dma_start3A_180, %dma_start3A_181] : memref<2x64x128xf32, #tpu.memory_space<vmem>> -> memref<1x64x128xf32, #tpu.memory_space<vmem>>
      %dma_start3A_183 = tpu.memref_squeeze %dma_start3A_182 : memref<1x64x128xf32, #tpu.memory_space<vmem>> -> memref<64x128xf32, #tpu.memory_space<vmem>>
      tpu.enqueue_dma source(%dma_start3A_183 : memref<64x128xf32, #tpu.memory_space<vmem>>) target(%dma_start3A_179 : memref<64x128xf32, #tpu.memory_space<vmem_shared>>) target_semaphore(%run_scoped3A_171 : memref<!tpu.dma_semaphore, #tpu.memory_space<semaphore_mem>>)
      %dma_wait3A_184 = arith.constant 0 : i32
      %dma_wait3A_185 = arith.constant 0 : i32
      %dma_wait3A_186 = tpu.memref_slice %arg14[%run_scoped3A_24, %dma_wait3A_184, %dma_wait3A_185] : memref<2x64x128xf32, #tpu.memory_space<vmem>> -> memref<1x64x128xf32, #tpu.memory_space<vmem>>
      %dma_wait3A_187 = tpu.memref_squeeze %dma_wait3A_186 : memref<1x64x128xf32, #tpu.memory_space<vmem>> -> memref<64x128xf32, #tpu.memory_space<vmem>>
      %dma_wait3A_188 = arith.constant 0 : i32
      %dma_wait3A_189 = tpu.memref_slice %arg15[%add3A_23, %dma_wait3A_188] : memref<10000x128xf32, #tpu.memory_space<vmem_shared>> -> memref<64x128xf32, #tpu.memory_space<vmem_shared>>
      %dma_wait3A_190 = arith.constant 0 : i32
      %dma_wait3A_191 = tpu.memref_slice %arg15[%add3A_23, %dma_wait3A_190] : memref<10000x128xf32, #tpu.memory_space<vmem_shared>> -> memref<64x128xf32, #tpu.memory_space<vmem_shared>>
      %dma_wait3A_192 = arith.constant 0 : i32
      %dma_wait3A_193 = arith.constant 0 : i32
      %dma_wait3A_194 = tpu.memref_slice %arg14[%run_scoped3A_24, %dma_wait3A_192, %dma_wait3A_193] : memref<2x64x128xf32, #tpu.memory_space<vmem>> -> memref<1x64x128xf32, #tpu.memory_space<vmem>>
      %dma_wait3A_195 = tpu.memref_squeeze %dma_wait3A_194 : memref<1x64x128xf32, #tpu.memory_space<vmem>> -> memref<64x128xf32, #tpu.memory_space<vmem>>
      tpu.wait_dma2 semaphore(%run_scoped3A_171 : memref<!tpu.dma_semaphore, #tpu.memory_space<semaphore_mem>>) src(%dma_wait3A_195 : memref<64x128xf32, #tpu.memory_space<vmem>>) dst(%dma_wait3A_191 : memref<64x128xf32, #tpu.memory_space<vmem_shared>>)
      tpu.yield
    }) : () -> ()
    %mul3A_25 = arith.constant 624 : i32
    %mul3A_26 = arith.muli %arg1, %mul3A_25 : i32
    %add3A_27 = arith.constant 256 : i32
    %add3A_28 = arith.addi %mul3A_26, %add3A_27 : i32
    %run_scoped3A_29 = arith.constant 0 : i32
    "tpu.region"() ({
      %run_scoped3A_171 = tpu.sem_alloc : memref<!tpu.dma_semaphore, #tpu.memory_space<semaphore_mem>>
      %dma_start3A_172 = arith.constant 0 : i32
      %dma_start3A_173 = arith.constant 0 : i32
      %dma_start3A_174 = tpu.memref_slice %arg14[%run_scoped3A_29, %dma_start3A_172, %dma_start3A_173] : memref<2x64x128xf32, #tpu.memory_space<vmem>> -> memref<1x64x128xf32, #tpu.memory_space<vmem>>
      %dma_start3A_175 = tpu.memref_squeeze %dma_start3A_174 : memref<1x64x128xf32, #tpu.memory_space<vmem>> -> memref<64x128xf32, #tpu.memory_space<vmem>>
      %dma_start3A_176 = arith.constant 0 : i32
      %dma_start3A_177 = tpu.memref_slice %arg15[%add3A_28, %dma_start3A_176] : memref<10000x128xf32, #tpu.memory_space<vmem_shared>> -> memref<64x128xf32, #tpu.memory_space<vmem_shared>>
      %dma_start3A_178 = arith.constant 0 : i32
      %dma_start3A_179 = tpu.memref_slice %arg15[%add3A_28, %dma_start3A_178] : memref<10000x128xf32, #tpu.memory_space<vmem_shared>> -> memref<64x128xf32, #tpu.memory_space<vmem_shared>>
      %dma_start3A_180 = arith.constant 0 : i32
      %dma_start3A_181 = arith.constant 0 : i32
      %dma_start3A_182 = tpu.memref_slice %arg14[%run_scoped3A_29, %dma_start3A_180, %dma_start3A_181] : memref<2x64x128xf32, #tpu.memory_space<vmem>> -> memref<1x64x128xf32, #tpu.memory_space<vmem>>
      %dma_start3A_183 = tpu.memref_squeeze %dma_start3A_182 : memref<1x64x128xf32, #tpu.memory_space<vmem>> -> memref<64x128xf32, #tpu.memory_space<vmem>>
      tpu.enqueue_dma source(%dma_start3A_183 : memref<64x128xf32, #tpu.memory_space<vmem>>) target(%dma_start3A_179 : memref<64x128xf32, #tpu.memory_space<vmem_shared>>) target_semaphore(%run_scoped3A_171 : memref<!tpu.dma_semaphore, #tpu.memory_space<semaphore_mem>>)
      %dma_wait3A_184 = arith.constant 0 : i32
      %dma_wait3A_185 = arith.constant 0 : i32
      %dma_wait3A_186 = tpu.memref_slice %arg14[%run_scoped3A_29, %dma_wait3A_184, %dma_wait3A_185] : memref<2x64x128xf32, #tpu.memory_space<vmem>> -> memref<1x64x128xf32, #tpu.memory_space<vmem>>
      %dma_wait3A_187 = tpu.memref_squeeze %dma_wait3A_186 : memref<1x64x128xf32, #tpu.memory_space<vmem>> -> memref<64x128xf32, #tpu.memory_space<vmem>>
      %dma_wait3A_188 = arith.constant 0 : i32
      %dma_wait3A_189 = tpu.memref_slice %arg15[%add3A_28, %dma_wait3A_188] : memref<10000x128xf32, #tpu.memory_space<vmem_shared>> -> memref<64x128xf32, #tpu.memory_space<vmem_shared>>
      %dma_wait3A_190 = arith.constant 0 : i32
      %dma_wait3A_191 = tpu.memref_slice %arg15[%add3A_28, %dma_wait3A_190] : memref<10000x128xf32, #tpu.memory_space<vmem_shared>> -> memref<64x128xf32, #tpu.memory_space<vmem_shared>>
      %dma_wait3A_192 = arith.constant 0 : i32
      %dma_wait3A_193 = arith.constant 0 : i32
      %dma_wait3A_194 = tpu.memref_slice %arg14[%run_scoped3A_29, %dma_wait3A_192, %dma_wait3A_193] : memref<2x64x128xf32, #tpu.memory_space<vmem>> -> memref<1x64x128xf32, #tpu.memory_space<vmem>>
      %dma_wait3A_195 = tpu.memref_squeeze %dma_wait3A_194 : memref<1x64x128xf32, #tpu.memory_space<vmem>> -> memref<64x128xf32, #tpu.memory_space<vmem>>
      tpu.wait_dma2 semaphore(%run_scoped3A_171 : memref<!tpu.dma_semaphore, #tpu.memory_space<semaphore_mem>>) src(%dma_wait3A_195 : memref<64x128xf32, #tpu.memory_space<vmem>>) dst(%dma_wait3A_191 : memref<64x128xf32, #tpu.memory_space<vmem_shared>>)
      tpu.yield
    }) : () -> ()
    %mul3A_30 = arith.constant 624 : i32
    %mul3A_31 = arith.muli %arg1, %mul3A_30 : i32
    %add3A_32 = arith.constant 320 : i32
    %add3A_33 = arith.addi %mul3A_31, %add3A_32 : i32
    %run_scoped3A_34 = arith.constant 0 : i32
    "tpu.region"() ({
      %run_scoped3A_171 = tpu.sem_alloc : memref<!tpu.dma_semaphore, #tpu.memory_space<semaphore_mem>>
      %dma_start3A_172 = arith.constant 0 : i32
      %dma_start3A_173 = arith.constant 0 : i32
      %dma_start3A_174 = tpu.memref_slice %arg14[%run_scoped3A_34, %dma_start3A_172, %dma_start3A_173] : memref<2x64x128xf32, #tpu.memory_space<vmem>> -> memref<1x64x128xf32, #tpu.memory_space<vmem>>
      %dma_start3A_175 = tpu.memref_squeeze %dma_start3A_174 : memref<1x64x128xf32, #tpu.memory_space<vmem>> -> memref<64x128xf32, #tpu.memory_space<vmem>>
      %dma_start3A_176 = arith.constant 0 : i32
      %dma_start3A_177 = tpu.memref_slice %arg15[%add3A_33, %dma_start3A_176] : memref<10000x128xf32, #tpu.memory_space<vmem_shared>> -> memref<64x128xf32, #tpu.memory_space<vmem_shared>>
      %dma_start3A_178 = arith.constant 0 : i32
      %dma_start3A_179 = tpu.memref_slice %arg15[%add3A_33, %dma_start3A_178] : memref<10000x128xf32, #tpu.memory_space<vmem_shared>> -> memref<64x128xf32, #tpu.memory_space<vmem_shared>>
      %dma_start3A_180 = arith.constant 0 : i32
      %dma_start3A_181 = arith.constant 0 : i32
      %dma_start3A_182 = tpu.memref_slice %arg14[%run_scoped3A_34, %dma_start3A_180, %dma_start3A_181] : memref<2x64x128xf32, #tpu.memory_space<vmem>> -> memref<1x64x128xf32, #tpu.memory_space<vmem>>
      %dma_start3A_183 = tpu.memref_squeeze %dma_start3A_182 : memref<1x64x128xf32, #tpu.memory_space<vmem>> -> memref<64x128xf32, #tpu.memory_space<vmem>>
      tpu.enqueue_dma source(%dma_start3A_183 : memref<64x128xf32, #tpu.memory_space<vmem>>) target(%dma_start3A_179 : memref<64x128xf32, #tpu.memory_space<vmem_shared>>) target_semaphore(%run_scoped3A_171 : memref<!tpu.dma_semaphore, #tpu.memory_space<semaphore_mem>>)
      %dma_wait3A_184 = arith.constant 0 : i32
      %dma_wait3A_185 = arith.constant 0 : i32
      %dma_wait3A_186 = tpu.memref_slice %arg14[%run_scoped3A_34, %dma_wait3A_184, %dma_wait3A_185] : memref<2x64x128xf32, #tpu.memory_space<vmem>> -> memref<1x64x128xf32, #tpu.memory_space<vmem>>
      %dma_wait3A_187 = tpu.memref_squeeze %dma_wait3A_186 : memref<1x64x128xf32, #tpu.memory_space<vmem>> -> memref<64x128xf32, #tpu.memory_space<vmem>>
      %dma_wait3A_188 = arith.constant 0 : i32
      %dma_wait3A_189 = tpu.memref_slice %arg15[%add3A_33, %dma_wait3A_188] : memref<10000x128xf32, #tpu.memory_space<vmem_shared>> -> memref<64x128xf32, #tpu.memory_space<vmem_shared>>
      %dma_wait3A_190 = arith.constant 0 : i32
      %dma_wait3A_191 = tpu.memref_slice %arg15[%add3A_33, %dma_wait3A_190] : memref<10000x128xf32, #tpu.memory_space<vmem_shared>> -> memref<64x128xf32, #tpu.memory_space<vmem_shared>>
      %dma_wait3A_192 = arith.constant 0 : i32
      %dma_wait3A_193 = arith.constant 0 : i32
      %dma_wait3A_194 = tpu.memref_slice %arg14[%run_scoped3A_34, %dma_wait3A_192, %dma_wait3A_193] : memref<2x64x128xf32, #tpu.memory_space<vmem>> -> memref<1x64x128xf32, #tpu.memory_space<vmem>>
      %dma_wait3A_195 = tpu.memref_squeeze %dma_wait3A_194 : memref<1x64x128xf32, #tpu.memory_space<vmem>> -> memref<64x128xf32, #tpu.memory_space<vmem>>
      tpu.wait_dma2 semaphore(%run_scoped3A_171 : memref<!tpu.dma_semaphore, #tpu.memory_space<semaphore_mem>>) src(%dma_wait3A_195 : memref<64x128xf32, #tpu.memory_space<vmem>>) dst(%dma_wait3A_191 : memref<64x128xf32, #tpu.memory_space<vmem_shared>>)
      tpu.yield
    }) : () -> ()
    %mul3A_35 = arith.constant 624 : i32
    %mul3A_36 = arith.muli %arg1, %mul3A_35 : i32
    %add3A_37 = arith.constant 384 : i32
    %add3A_38 = arith.addi %mul3A_36, %add3A_37 : i32
    %run_scoped3A_39 = arith.constant 0 : i32
    "tpu.region"() ({
      %run_scoped3A_171 = tpu.sem_alloc : memref<!tpu.dma_semaphore, #tpu.memory_space<semaphore_mem>>
      %dma_start3A_172 = arith.constant 0 : i32
      %dma_start3A_173 = arith.constant 0 : i32
      %dma_start3A_174 = tpu.memref_slice %arg14[%run_scoped3A_39, %dma_start3A_172, %dma_start3A_173] : memref<2x64x128xf32, #tpu.memory_space<vmem>> -> memref<1x64x128xf32, #tpu.memory_space<vmem>>
      %dma_start3A_175 = tpu.memref_squeeze %dma_start3A_174 : memref<1x64x128xf32, #tpu.memory_space<vmem>> -> memref<64x128xf32, #tpu.memory_space<vmem>>
      %dma_start3A_176 = arith.constant 0 : i32
      %dma_start3A_177 = tpu.memref_slice %arg15[%add3A_38, %dma_start3A_176] : memref<10000x128xf32, #tpu.memory_space<vmem_shared>> -> memref<64x128xf32, #tpu.memory_space<vmem_shared>>
      %dma_start3A_178 = arith.constant 0 : i32
      %dma_start3A_179 = tpu.memref_slice %arg15[%add3A_38, %dma_start3A_178] : memref<10000x128xf32, #tpu.memory_space<vmem_shared>> -> memref<64x128xf32, #tpu.memory_space<vmem_shared>>
      %dma_start3A_180 = arith.constant 0 : i32
      %dma_start3A_181 = arith.constant 0 : i32
      %dma_start3A_182 = tpu.memref_slice %arg14[%run_scoped3A_39, %dma_start3A_180, %dma_start3A_181] : memref<2x64x128xf32, #tpu.memory_space<vmem>> -> memref<1x64x128xf32, #tpu.memory_space<vmem>>
      %dma_start3A_183 = tpu.memref_squeeze %dma_start3A_182 : memref<1x64x128xf32, #tpu.memory_space<vmem>> -> memref<64x128xf32, #tpu.memory_space<vmem>>
      tpu.enqueue_dma source(%dma_start3A_183 : memref<64x128xf32, #tpu.memory_space<vmem>>) target(%dma_start3A_179 : memref<64x128xf32, #tpu.memory_space<vmem_shared>>) target_semaphore(%run_scoped3A_171 : memref<!tpu.dma_semaphore, #tpu.memory_space<semaphore_mem>>)
      %dma_wait3A_184 = arith.constant 0 : i32
      %dma_wait3A_185 = arith.constant 0 : i32
      %dma_wait3A_186 = tpu.memref_slice %arg14[%run_scoped3A_39, %dma_wait3A_184, %dma_wait3A_185] : memref<2x64x128xf32, #tpu.memory_space<vmem>> -> memref<1x64x128xf32, #tpu.memory_space<vmem>>
      %dma_wait3A_187 = tpu.memref_squeeze %dma_wait3A_186 : memref<1x64x128xf32, #tpu.memory_space<vmem>> -> memref<64x128xf32, #tpu.memory_space<vmem>>
      %dma_wait3A_188 = arith.constant 0 : i32
      %dma_wait3A_189 = tpu.memref_slice %arg15[%add3A_38, %dma_wait3A_188] : memref<10000x128xf32, #tpu.memory_space<vmem_shared>> -> memref<64x128xf32, #tpu.memory_space<vmem_shared>>
      %dma_wait3A_190 = arith.constant 0 : i32
      %dma_wait3A_191 = tpu.memref_slice %arg15[%add3A_38, %dma_wait3A_190] : memref<10000x128xf32, #tpu.memory_space<vmem_shared>> -> memref<64x128xf32, #tpu.memory_space<vmem_shared>>
      %dma_wait3A_192 = arith.constant 0 : i32
      %dma_wait3A_193 = arith.constant 0 : i32
      %dma_wait3A_194 = tpu.memref_slice %arg14[%run_scoped3A_39, %dma_wait3A_192, %dma_wait3A_193] : memref<2x64x128xf32, #tpu.memory_space<vmem>> -> memref<1x64x128xf32, #tpu.memory_space<vmem>>
      %dma_wait3A_195 = tpu.memref_squeeze %dma_wait3A_194 : memref<1x64x128xf32, #tpu.memory_space<vmem>> -> memref<64x128xf32, #tpu.memory_space<vmem>>
      tpu.wait_dma2 semaphore(%run_scoped3A_171 : memref<!tpu.dma_semaphore, #tpu.memory_space<semaphore_mem>>) src(%dma_wait3A_195 : memref<64x128xf32, #tpu.memory_space<vmem>>) dst(%dma_wait3A_191 : memref<64x128xf32, #tpu.memory_space<vmem_shared>>)
      tpu.yield
    }) : () -> ()
    %mul3A_40 = arith.constant 624 : i32
    %mul3A_41 = arith.muli %arg1, %mul3A_40 : i32
    %add3A_42 = arith.constant 448 : i32
    %add3A_43 = arith.addi %mul3A_41, %add3A_42 : i32
    %run_scoped3A_44 = arith.constant 0 : i32
    "tpu.region"() ({
      %run_scoped3A_171 = tpu.sem_alloc : memref<!tpu.dma_semaphore, #tpu.memory_space<semaphore_mem>>
      %dma_start3A_172 = arith.constant 0 : i32
      %dma_start3A_173 = arith.constant 0 : i32
      %dma_start3A_174 = tpu.memref_slice %arg14[%run_scoped3A_44, %dma_start3A_172, %dma_start3A_173] : memref<2x64x128xf32, #tpu.memory_space<vmem>> -> memref<1x64x128xf32, #tpu.memory_space<vmem>>
      %dma_start3A_175 = tpu.memref_squeeze %dma_start3A_174 : memref<1x64x128xf32, #tpu.memory_space<vmem>> -> memref<64x128xf32, #tpu.memory_space<vmem>>
      %dma_start3A_176 = arith.constant 0 : i32
      %dma_start3A_177 = tpu.memref_slice %arg15[%add3A_43, %dma_start3A_176] : memref<10000x128xf32, #tpu.memory_space<vmem_shared>> -> memref<64x128xf32, #tpu.memory_space<vmem_shared>>
      %dma_start3A_178 = arith.constant 0 : i32
      %dma_start3A_179 = tpu.memref_slice %arg15[%add3A_43, %dma_start3A_178] : memref<10000x128xf32, #tpu.memory_space<vmem_shared>> -> memref<64x128xf32, #tpu.memory_space<vmem_shared>>
      %dma_start3A_180 = arith.constant 0 : i32
      %dma_start3A_181 = arith.constant 0 : i32
      %dma_start3A_182 = tpu.memref_slice %arg14[%run_scoped3A_44, %dma_start3A_180, %dma_start3A_181] : memref<2x64x128xf32, #tpu.memory_space<vmem>> -> memref<1x64x128xf32, #tpu.memory_space<vmem>>
      %dma_start3A_183 = tpu.memref_squeeze %dma_start3A_182 : memref<1x64x128xf32, #tpu.memory_space<vmem>> -> memref<64x128xf32, #tpu.memory_space<vmem>>
      tpu.enqueue_dma source(%dma_start3A_183 : memref<64x128xf32, #tpu.memory_space<vmem>>) target(%dma_start3A_179 : memref<64x128xf32, #tpu.memory_space<vmem_shared>>) target_semaphore(%run_scoped3A_171 : memref<!tpu.dma_semaphore, #tpu.memory_space<semaphore_mem>>)
      %dma_wait3A_184 = arith.constant 0 : i32
      %dma_wait3A_185 = arith.constant 0 : i32
      %dma_wait3A_186 = tpu.memref_slice %arg14[%run_scoped3A_44, %dma_wait3A_184, %dma_wait3A_185] : memref<2x64x128xf32, #tpu.memory_space<vmem>> -> memref<1x64x128xf32, #tpu.memory_space<vmem>>
      %dma_wait3A_187 = tpu.memref_squeeze %dma_wait3A_186 : memref<1x64x128xf32, #tpu.memory_space<vmem>> -> memref<64x128xf32, #tpu.memory_space<vmem>>
      %dma_wait3A_188 = arith.constant 0 : i32
      %dma_wait3A_189 = tpu.memref_slice %arg15[%add3A_43, %dma_wait3A_188] : memref<10000x128xf32, #tpu.memory_space<vmem_shared>> -> memref<64x128xf32, #tpu.memory_space<vmem_shared>>
      %dma_wait3A_190 = arith.constant 0 : i32
      %dma_wait3A_191 = tpu.memref_slice %arg15[%add3A_43, %dma_wait3A_190] : memref<10000x128xf32, #tpu.memory_space<vmem_shared>> -> memref<64x128xf32, #tpu.memory_space<vmem_shared>>
      %dma_wait3A_192 = arith.constant 0 : i32
      %dma_wait3A_193 = arith.constant 0 : i32
      %dma_wait3A_194 = tpu.memref_slice %arg14[%run_scoped3A_44, %dma_wait3A_192, %dma_wait3A_193] : memref<2x64x128xf32, #tpu.memory_space<vmem>> -> memref<1x64x128xf32, #tpu.memory_space<vmem>>
      %dma_wait3A_195 = tpu.memref_squeeze %dma_wait3A_194 : memref<1x64x128xf32, #tpu.memory_space<vmem>> -> memref<64x128xf32, #tpu.memory_space<vmem>>
      tpu.wait_dma2 semaphore(%run_scoped3A_171 : memref<!tpu.dma_semaphore, #tpu.memory_space<semaphore_mem>>) src(%dma_wait3A_195 : memref<64x128xf32, #tpu.memory_space<vmem>>) dst(%dma_wait3A_191 : memref<64x128xf32, #tpu.memory_space<vmem_shared>>)
      tpu.yield
    }) : () -> ()
    %mul3A_45 = arith.constant 624 : i32
    %mul3A_46 = arith.muli %arg1, %mul3A_45 : i32
    %add3A_47 = arith.constant 512 : i32
    %add3A_48 = arith.addi %mul3A_46, %add3A_47 : i32
    %run_scoped3A_49 = arith.constant 0 : i32
    "tpu.region"() ({
      %run_scoped3A_171 = tpu.sem_alloc : memref<!tpu.dma_semaphore, #tpu.memory_space<semaphore_mem>>
      %dma_start3A_172 = arith.constant 0 : i32
      %dma_start3A_173 = arith.constant 0 : i32
      %dma_start3A_174 = tpu.memref_slice %arg14[%run_scoped3A_49, %dma_start3A_172, %dma_start3A_173] : memref<2x64x128xf32, #tpu.memory_space<vmem>> -> memref<1x64x128xf32, #tpu.memory_space<vmem>>
      %dma_start3A_175 = tpu.memref_squeeze %dma_start3A_174 : memref<1x64x128xf32, #tpu.memory_space<vmem>> -> memref<64x128xf32, #tpu.memory_space<vmem>>
      %dma_start3A_176 = arith.constant 0 : i32
      %dma_start3A_177 = tpu.memref_slice %arg15[%add3A_48, %dma_start3A_176] : memref<10000x128xf32, #tpu.memory_space<vmem_shared>> -> memref<64x128xf32, #tpu.memory_space<vmem_shared>>
      %dma_start3A_178 = arith.constant 0 : i32
      %dma_start3A_179 = tpu.memref_slice %arg15[%add3A_48, %dma_start3A_178] : memref<10000x128xf32, #tpu.memory_space<vmem_shared>> -> memref<64x128xf32, #tpu.memory_space<vmem_shared>>
      %dma_start3A_180 = arith.constant 0 : i32
      %dma_start3A_181 = arith.constant 0 : i32
      %dma_start3A_182 = tpu.memref_slice %arg14[%run_scoped3A_49, %dma_start3A_180, %dma_start3A_181] : memref<2x64x128xf32, #tpu.memory_space<vmem>> -> memref<1x64x128xf32, #tpu.memory_space<vmem>>
      %dma_start3A_183 = tpu.memref_squeeze %dma_start3A_182 : memref<1x64x128xf32, #tpu.memory_space<vmem>> -> memref<64x128xf32, #tpu.memory_space<vmem>>
      tpu.enqueue_dma source(%dma_start3A_183 : memref<64x128xf32, #tpu.memory_space<vmem>>) target(%dma_start3A_179 : memref<64x128xf32, #tpu.memory_space<vmem_shared>>) target_semaphore(%run_scoped3A_171 : memref<!tpu.dma_semaphore, #tpu.memory_space<semaphore_mem>>)
      %dma_wait3A_184 = arith.constant 0 : i32
      %dma_wait3A_185 = arith.constant 0 : i32
      %dma_wait3A_186 = tpu.memref_slice %arg14[%run_scoped3A_49, %dma_wait3A_184, %dma_wait3A_185] : memref<2x64x128xf32, #tpu.memory_space<vmem>> -> memref<1x64x128xf32, #tpu.memory_space<vmem>>
      %dma_wait3A_187 = tpu.memref_squeeze %dma_wait3A_186 : memref<1x64x128xf32, #tpu.memory_space<vmem>> -> memref<64x128xf32, #tpu.memory_space<vmem>>
      %dma_wait3A_188 = arith.constant 0 : i32
      %dma_wait3A_189 = tpu.memref_slice %arg15[%add3A_48, %dma_wait3A_188] : memref<10000x128xf32, #tpu.memory_space<vmem_shared>> -> memref<64x128xf32, #tpu.memory_space<vmem_shared>>
      %dma_wait3A_190 = arith.constant 0 : i32
      %dma_wait3A_191 = tpu.memref_slice %arg15[%add3A_48, %dma_wait3A_190] : memref<10000x128xf32, #tpu.memory_space<vmem_shared>> -> memref<64x128xf32, #tpu.memory_space<vmem_shared>>
      %dma_wait3A_192 = arith.constant 0 : i32
      %dma_wait3A_193 = arith.constant 0 : i32
      %dma_wait3A_194 = tpu.memref_slice %arg14[%run_scoped3A_49, %dma_wait3A_192, %dma_wait3A_193] : memref<2x64x128xf32, #tpu.memory_space<vmem>> -> memref<1x64x128xf32, #tpu.memory_space<vmem>>
      %dma_wait3A_195 = tpu.memref_squeeze %dma_wait3A_194 : memref<1x64x128xf32, #tpu.memory_space<vmem>> -> memref<64x128xf32, #tpu.memory_space<vmem>>
      tpu.wait_dma2 semaphore(%run_scoped3A_171 : memref<!tpu.dma_semaphore, #tpu.memory_space<semaphore_mem>>) src(%dma_wait3A_195 : memref<64x128xf32, #tpu.memory_space<vmem>>) dst(%dma_wait3A_191 : memref<64x128xf32, #tpu.memory_space<vmem_shared>>)
      tpu.yield
    }) : () -> ()
    %lt3A = arith.constant 15 : i32
    %lt3A_50 = arith.cmpi slt, %arg1, %lt3A : i32
    %convert_element_type3A = arith.extui %lt3A_50 : i1 to i32
    %cond3A = arith.constant 0 : i32
    %cond3A_51 = arith.cmpi ne, %convert_element_type3A, %cond3A : i32
    scf.if %cond3A_51 {
      %mul3A_171 = arith.constant 624 : i32
      %mul3A_172 = arith.muli %arg1, %mul3A_171 : i32
      %add3A_173 = arith.constant 576 : i32
      %add3A_174 = arith.addi %mul3A_172, %add3A_173 : i32
      %run_scoped3A_175 = arith.constant 0 : i32
      "tpu.region"() ({
        %run_scoped3A_176 = tpu.sem_alloc : memref<!tpu.dma_semaphore, #tpu.memory_space<semaphore_mem>>
        %dma_start3A_177 = arith.constant 0 : i32
        %dma_start3A_178 = arith.constant 0 : i32
        %dma_start3A_179 = tpu.memref_slice %arg14[%run_scoped3A_175, %dma_start3A_177, %dma_start3A_178] : memref<2x64x128xf32, #tpu.memory_space<vmem>> -> memref<1x48x128xf32, #tpu.memory_space<vmem>>
        %dma_start3A_180 = tpu.memref_squeeze %dma_start3A_179 : memref<1x48x128xf32, #tpu.memory_space<vmem>> -> memref<48x128xf32, #tpu.memory_space<vmem>>
        %dma_start3A_181 = arith.constant 0 : i32
        %dma_start3A_182 = tpu.memref_slice %arg15[%add3A_174, %dma_start3A_181] : memref<10000x128xf32, #tpu.memory_space<vmem_shared>> -> memref<48x128xf32, #tpu.memory_space<vmem_shared>>
        %dma_start3A_183 = arith.constant 0 : i32
        %dma_start3A_184 = tpu.memref_slice %arg15[%add3A_174, %dma_start3A_183] : memref<10000x128xf32, #tpu.memory_space<vmem_shared>> -> memref<48x128xf32, #tpu.memory_space<vmem_shared>>
        %dma_start3A_185 = arith.constant 0 : i32
        %dma_start3A_186 = arith.constant 0 : i32
        %dma_start3A_187 = tpu.memref_slice %arg14[%run_scoped3A_175, %dma_start3A_185, %dma_start3A_186] : memref<2x64x128xf32, #tpu.memory_space<vmem>> -> memref<1x48x128xf32, #tpu.memory_space<vmem>>
        %dma_start3A_188 = tpu.memref_squeeze %dma_start3A_187 : memref<1x48x128xf32, #tpu.memory_space<vmem>> -> memref<48x128xf32, #tpu.memory_space<vmem>>
        tpu.enqueue_dma source(%dma_start3A_188 : memref<48x128xf32, #tpu.memory_space<vmem>>) target(%dma_start3A_184 : memref<48x128xf32, #tpu.memory_space<vmem_shared>>) target_semaphore(%run_scoped3A_176 : memref<!tpu.dma_semaphore, #tpu.memory_space<semaphore_mem>>)
        %dma_wait3A_189 = arith.constant 0 : i32
        %dma_wait3A_190 = arith.constant 0 : i32
        %dma_wait3A_191 = tpu.memref_slice %arg14[%run_scoped3A_175, %dma_wait3A_189, %dma_wait3A_190] : memref<2x64x128xf32, #tpu.memory_space<vmem>> -> memref<1x48x128xf32, #tpu.memory_space<vmem>>
        %dma_wait3A_192 = tpu.memref_squeeze %dma_wait3A_191 : memref<1x48x128xf32, #tpu.memory_space<vmem>> -> memref<48x128xf32, #tpu.memory_space<vmem>>
        %dma_wait3A_193 = arith.constant 0 : i32
        %dma_wait3A_194 = tpu.memref_slice %arg15[%add3A_174, %dma_wait3A_193] : memref<10000x128xf32, #tpu.memory_space<vmem_shared>> -> memref<48x128xf32, #tpu.memory_space<vmem_shared>>
        %dma_wait3A_195 = arith.constant 0 : i32
        %dma_wait3A_196 = tpu.memref_slice %arg15[%add3A_174, %dma_wait3A_195] : memref<10000x128xf32, #tpu.memory_space<vmem_shared>> -> memref<48x128xf32, #tpu.memory_space<vmem_shared>>
        %dma_wait3A_197 = arith.constant 0 : i32
        %dma_wait3A_198 = arith.constant 0 : i32
        %dma_wait3A_199 = tpu.memref_slice %arg14[%run_scoped3A_175, %dma_wait3A_197, %dma_wait3A_198] : memref<2x64x128xf32, #tpu.memory_space<vmem>> -> memref<1x48x128xf32, #tpu.memory_space<vmem>>
        %dma_wait3A_200 = tpu.memref_squeeze %dma_wait3A_199 : memref<1x48x128xf32, #tpu.memory_space<vmem>> -> memref<48x128xf32, #tpu.memory_space<vmem>>
        tpu.wait_dma2 semaphore(%run_scoped3A_176 : memref<!tpu.dma_semaphore, #tpu.memory_space<semaphore_mem>>) src(%dma_wait3A_200 : memref<48x128xf32, #tpu.memory_space<vmem>>) dst(%dma_wait3A_196 : memref<48x128xf32, #tpu.memory_space<vmem_shared>>)
        tpu.yield
      }) : () -> ()
    } else {
    }
    %eq3A = arith.constant 15 : i32
    %eq3A_52 = arith.cmpi eq, %arg1, %eq3A : i32
    %convert_element_type3A_53 = arith.extui %eq3A_52 : i1 to i32
    %cond3A_54 = arith.constant 0 : i32
    %cond3A_55 = arith.cmpi ne, %convert_element_type3A_53, %cond3A_54 : i32
    scf.if %cond3A_55 {
      %mul3A_171 = arith.constant 624 : i32
      %mul3A_172 = arith.muli %arg1, %mul3A_171 : i32
      %add3A_173 = arith.constant 576 : i32
      %add3A_174 = arith.addi %mul3A_172, %add3A_173 : i32
      %run_scoped3A_175 = arith.constant 0 : i32
      "tpu.region"() ({
        %run_scoped3A_176 = tpu.sem_alloc : memref<!tpu.dma_semaphore, #tpu.memory_space<semaphore_mem>>
        %dma_start3A_177 = arith.constant 0 : i32
        %dma_start3A_178 = arith.constant 0 : i32
        %dma_start3A_179 = tpu.memref_slice %arg14[%run_scoped3A_175, %dma_start3A_177, %dma_start3A_178] : memref<2x64x128xf32, #tpu.memory_space<vmem>> -> memref<1x64x128xf32, #tpu.memory_space<vmem>>
        %dma_start3A_180 = tpu.memref_squeeze %dma_start3A_179 : memref<1x64x128xf32, #tpu.memory_space<vmem>> -> memref<64x128xf32, #tpu.memory_space<vmem>>
        %dma_start3A_181 = arith.constant 0 : i32
        %dma_start3A_182 = tpu.memref_slice %arg15[%add3A_174, %dma_start3A_181] : memref<10000x128xf32, #tpu.memory_space<vmem_shared>> -> memref<64x128xf32, #tpu.memory_space<vmem_shared>>
        %dma_start3A_183 = arith.constant 0 : i32
        %dma_start3A_184 = tpu.memref_slice %arg15[%add3A_174, %dma_start3A_183] : memref<10000x128xf32, #tpu.memory_space<vmem_shared>> -> memref<64x128xf32, #tpu.memory_space<vmem_shared>>
        %dma_start3A_185 = arith.constant 0 : i32
        %dma_start3A_186 = arith.constant 0 : i32
        %dma_start3A_187 = tpu.memref_slice %arg14[%run_scoped3A_175, %dma_start3A_185, %dma_start3A_186] : memref<2x64x128xf32, #tpu.memory_space<vmem>> -> memref<1x64x128xf32, #tpu.memory_space<vmem>>
        %dma_start3A_188 = tpu.memref_squeeze %dma_start3A_187 : memref<1x64x128xf32, #tpu.memory_space<vmem>> -> memref<64x128xf32, #tpu.memory_space<vmem>>
        tpu.enqueue_dma source(%dma_start3A_188 : memref<64x128xf32, #tpu.memory_space<vmem>>) target(%dma_start3A_184 : memref<64x128xf32, #tpu.memory_space<vmem_shared>>) target_semaphore(%run_scoped3A_176 : memref<!tpu.dma_semaphore, #tpu.memory_space<semaphore_mem>>)
        %dma_wait3A_189 = arith.constant 0 : i32
        %dma_wait3A_190 = arith.constant 0 : i32
        %dma_wait3A_191 = tpu.memref_slice %arg14[%run_scoped3A_175, %dma_wait3A_189, %dma_wait3A_190] : memref<2x64x128xf32, #tpu.memory_space<vmem>> -> memref<1x64x128xf32, #tpu.memory_space<vmem>>
        %dma_wait3A_192 = tpu.memref_squeeze %dma_wait3A_191 : memref<1x64x128xf32, #tpu.memory_space<vmem>> -> memref<64x128xf32, #tpu.memory_space<vmem>>
        %dma_wait3A_193 = arith.constant 0 : i32
        %dma_wait3A_194 = tpu.memref_slice %arg15[%add3A_174, %dma_wait3A_193] : memref<10000x128xf32, #tpu.memory_space<vmem_shared>> -> memref<64x128xf32, #tpu.memory_space<vmem_shared>>
        %dma_wait3A_195 = arith.constant 0 : i32
        %dma_wait3A_196 = tpu.memref_slice %arg15[%add3A_174, %dma_wait3A_195] : memref<10000x128xf32, #tpu.memory_space<vmem_shared>> -> memref<64x128xf32, #tpu.memory_space<vmem_shared>>
        %dma_wait3A_197 = arith.constant 0 : i32
        %dma_wait3A_198 = arith.constant 0 : i32
        %dma_wait3A_199 = tpu.memref_slice %arg14[%run_scoped3A_175, %dma_wait3A_197, %dma_wait3A_198] : memref<2x64x128xf32, #tpu.memory_space<vmem>> -> memref<1x64x128xf32, #tpu.memory_space<vmem>>
        %dma_wait3A_200 = tpu.memref_squeeze %dma_wait3A_199 : memref<1x64x128xf32, #tpu.memory_space<vmem>> -> memref<64x128xf32, #tpu.memory_space<vmem>>
        tpu.wait_dma2 semaphore(%run_scoped3A_176 : memref<!tpu.dma_semaphore, #tpu.memory_space<semaphore_mem>>) src(%dma_wait3A_200 : memref<64x128xf32, #tpu.memory_space<vmem>>) dst(%dma_wait3A_196 : memref<64x128xf32, #tpu.memory_space<vmem_shared>>)
        tpu.yield
      }) : () -> ()
    } else {
    }
    %barrier3A = arith.constant 0 : index
    tpu.barrier barrier_id(%barrier3A)
    %mul3A_56 = arith.constant 156 : i32
    %mul3A_57 = arith.muli %add3A, %mul3A_56 : i32
    %add3A_58 = arith.constant 0 : i32
    %add3A_59 = arith.addi %mul3A_57, %add3A_58 : i32
    %mul3A_60 = arith.constant 64 : i32
    %mul3A_61 = arith.muli %add3A_59, %mul3A_60 : i32
    %multiple_of3A = tpu.assume_multiple %mul3A_61, 64 : i32
    "tpu.region"() ({
      %run_scoped3A_171 = tpu.sem_alloc : memref<!tpu.dma_semaphore, #tpu.memory_space<semaphore_mem>>
      %dma_start3A_172 = tpu.memref_slice %arg4[%multiple_of3A] : memref<640000xi32, #tpu.memory_space<hbm>> -> memref<192xi32, #tpu.memory_space<hbm>>
      %dma_start3A_173 = tpu.memref_slice %arg4[%multiple_of3A] : memref<640000xi32, #tpu.memory_space<hbm>> -> memref<192xi32, #tpu.memory_space<hbm>>
      tpu.enqueue_dma source(%dma_start3A_173 : memref<192xi32, #tpu.memory_space<hbm>>) target(%arg6 : memref<192xi32, #tpu.memory_space<vmem>>) target_semaphore(%run_scoped3A_171 : memref<!tpu.dma_semaphore, #tpu.memory_space<semaphore_mem>>)
      %dma_wait3A_174 = tpu.memref_slice %arg4[%multiple_of3A] : memref<640000xi32, #tpu.memory_space<hbm>> -> memref<192xi32, #tpu.memory_space<hbm>>
      %dma_wait3A_175 = tpu.memref_slice %arg4[%multiple_of3A] : memref<640000xi32, #tpu.memory_space<hbm>> -> memref<192xi32, #tpu.memory_space<hbm>>
      tpu.wait_dma2 semaphore(%run_scoped3A_171 : memref<!tpu.dma_semaphore, #tpu.memory_space<semaphore_mem>>) src(%dma_wait3A_175 : memref<192xi32, #tpu.memory_space<hbm>>) dst(%arg6 : memref<192xi32, #tpu.memory_space<vmem>>)
      tpu.yield
    }) : () -> ()
    %add3A_62 = arith.constant 320000 : i32
    %add3A_63 = arith.addi %add3A_62, %multiple_of3A : i32
    "tpu.region"() ({
      %run_scoped3A_171 = tpu.sem_alloc : memref<!tpu.dma_semaphore, #tpu.memory_space<semaphore_mem>>
      %dma_start3A_172 = tpu.memref_slice %arg4[%add3A_63] : memref<640000xi32, #tpu.memory_space<hbm>> -> memref<192xi32, #tpu.memory_space<hbm>>
      %dma_start3A_173 = tpu.memref_slice %arg4[%add3A_63] : memref<640000xi32, #tpu.memory_space<hbm>> -> memref<192xi32, #tpu.memory_space<hbm>>
      tpu.enqueue_dma source(%dma_start3A_173 : memref<192xi32, #tpu.memory_space<hbm>>) target(%arg8 : memref<192xi32, #tpu.memory_space<vmem>>) target_semaphore(%run_scoped3A_171 : memref<!tpu.dma_semaphore, #tpu.memory_space<semaphore_mem>>)
      %dma_wait3A_174 = tpu.memref_slice %arg4[%add3A_63] : memref<640000xi32, #tpu.memory_space<hbm>> -> memref<192xi32, #tpu.memory_space<hbm>>
      %dma_wait3A_175 = tpu.memref_slice %arg4[%add3A_63] : memref<640000xi32, #tpu.memory_space<hbm>> -> memref<192xi32, #tpu.memory_space<hbm>>
      tpu.wait_dma2 semaphore(%run_scoped3A_171 : memref<!tpu.dma_semaphore, #tpu.memory_space<semaphore_mem>>) src(%dma_wait3A_175 : memref<192xi32, #tpu.memory_space<hbm>>) dst(%arg8 : memref<192xi32, #tpu.memory_space<vmem>>)
      tpu.yield
    }) : () -> ()
    %get3A = arith.constant 0 : index
    %get3A_64 = tpu.vector_load %arg6[%get3A] {strides = array<i32>} : memref<192xi32, #tpu.memory_space<vmem>>, vector<16xi32>,
    %swap3A = arith.constant 0 : i32
    %swap3A_65 = arith.index_cast %swap3A : i32 to index
    %swap3A_66 = arith.constant 0 : index
    %swap3A_67 = tpu.vector_load %arg11[%swap3A_65, %swap3A_66] {strides = array<i32>} : memref<2x64xi32, #tpu.memory_space<vmem>>, vector<16xi32>,
    tpu.vector_store %arg11[%swap3A_65, %swap3A_66], %get3A_64 {strides = array<i32>} : memref<2x64xi32, #tpu.memory_space<vmem>>, vector<16xi32>,
    %get3A_68 = arith.constant 16 : index
    %get3A_69 = tpu.vector_load %arg6[%get3A_68] {strides = array<i32>} : memref<192xi32, #tpu.memory_space<vmem>>, vector<16xi32>,
    %swap3A_70 = arith.constant 0 : i32
    %swap3A_71 = arith.index_cast %swap3A_70 : i32 to index
    %swap3A_72 = arith.constant 16 : index
    %swap3A_73 = tpu.vector_load %arg11[%swap3A_71, %swap3A_72] {strides = array<i32>} : memref<2x64xi32, #tpu.memory_space<vmem>>, vector<16xi32>,
    tpu.vector_store %arg11[%swap3A_71, %swap3A_72], %get3A_69 {strides = array<i32>} : memref<2x64xi32, #tpu.memory_space<vmem>>, vector<16xi32>,
    %get3A_74 = arith.constant 32 : index
    %get3A_75 = tpu.vector_load %arg6[%get3A_74] {strides = array<i32>} : memref<192xi32, #tpu.memory_space<vmem>>, vector<16xi32>,
    %swap3A_76 = arith.constant 0 : i32
    %swap3A_77 = arith.index_cast %swap3A_76 : i32 to index
    %swap3A_78 = arith.constant 32 : index
    %swap3A_79 = tpu.vector_load %arg11[%swap3A_77, %swap3A_78] {strides = array<i32>} : memref<2x64xi32, #tpu.memory_space<vmem>>, vector<16xi32>,
    tpu.vector_store %arg11[%swap3A_77, %swap3A_78], %get3A_75 {strides = array<i32>} : memref<2x64xi32, #tpu.memory_space<vmem>>, vector<16xi32>,
    %get3A_80 = arith.constant 48 : index
    %get3A_81 = tpu.vector_load %arg6[%get3A_80] {strides = array<i32>} : memref<192xi32, #tpu.memory_space<vmem>>, vector<16xi32>,
    %swap3A_82 = arith.constant 0 : i32
    %swap3A_83 = arith.index_cast %swap3A_82 : i32 to index
    %swap3A_84 = arith.constant 48 : index
    %swap3A_85 = tpu.vector_load %arg11[%swap3A_83, %swap3A_84] {strides = array<i32>} : memref<2x64xi32, #tpu.memory_space<vmem>>, vector<16xi32>,
    tpu.vector_store %arg11[%swap3A_83, %swap3A_84], %get3A_81 {strides = array<i32>} : memref<2x64xi32, #tpu.memory_space<vmem>>, vector<16xi32>,
    %add3A_86 = arith.constant 0 : i32
    %add3A_87 = arith.addi %mul3A_57, %add3A_86 : i32
    %mul3A_88 = arith.constant 64 : i32
    %mul3A_89 = arith.muli %add3A_87, %mul3A_88 : i32
    %multiple_of3A_90 = tpu.assume_multiple %mul3A_89, 64 : i32
    %dma_start3A = arith.constant 0 : i32
    %dma_start3A_91 = arith.constant 0 : i32
    %dma_start3A_92 = arith.constant 0 : i32
    %dma_start3A_93 = arith.constant 0 : i32
    %dma_start3A_94 = tpu.memref_slice %arg12[%dma_start3A_91, %dma_start3A_92, %dma_start3A_93] : memref<2x64x128xf32, #tpu.memory_space<vmem>> -> memref<1x64x128xf32, #tpu.memory_space<vmem>>
    %dma_start3A_95 = tpu.memref_squeeze %dma_start3A_94 : memref<1x64x128xf32, #tpu.memory_space<vmem>> -> memref<64x128xf32, #tpu.memory_space<vmem>>
    %dma_start3A_96 = arith.constant 0 : i32
    %dma_start3A_97 = tpu.memref_slice %arg11[%dma_start3A, %dma_start3A_96] : memref<2x64xi32, #tpu.memory_space<vmem>> -> memref<1x64xi32, #tpu.memory_space<vmem>>
    %dma_start3A_98 = tpu.memref_squeeze %dma_start3A_97 : memref<1x64xi32, #tpu.memory_space<vmem>> -> memref<64xi32, #tpu.memory_space<vmem>>
    %dma_start3A_99 = arith.constant 0 : i32
    %dma_start3A_100 = arith.constant 0 : i32
    %dma_start3A_101 = tpu.memref_slice %arg2[%dma_start3A_99, %dma_start3A_100] : memref<10000x128xf32, #tpu.memory_space<hbm>> -> memref<10000x128xf32, #tpu.memory_space<hbm>>
    tpu.enqueue_indirect_dma source(%dma_start3A_101 : memref<10000x128xf32, #tpu.memory_space<hbm>>) target(%dma_start3A_95 : memref<64x128xf32, #tpu.memory_space<vmem>>) offsets(%dma_start3A_98 : memref<64xi32, #tpu.memory_space<vmem>>) semaphore(%arg16 : memref<!tpu.dma_semaphore, #tpu.memory_space<semaphore_mem>>)
    %dma_start3A_102 = arith.constant 0 : i32
    %dma_start3A_103 = arith.constant 0 : i32
    %dma_start3A_104 = arith.constant 0 : i32
    %dma_start3A_105 = tpu.memref_slice %arg13[%dma_start3A_102, %dma_start3A_103, %dma_start3A_104] : memref<2x64x64xi32, #tpu.memory_space<vmem>> -> memref<1x64x64xi32, #tpu.memory_space<vmem>>
    %dma_start3A_106 = tpu.memref_squeeze %dma_start3A_105 : memref<1x64x64xi32, #tpu.memory_space<vmem>> -> memref<64x64xi32, #tpu.memory_space<vmem>>
    %dma_start3A_107 = arith.constant 0 : i32
    %dma_start3A_108 = tpu.memref_slice %arg3[%multiple_of3A_90, %dma_start3A_107] : memref<320000x64xi32, #tpu.memory_space<hbm>> -> memref<64x64xi32, #tpu.memory_space<hbm>>
    %dma_start3A_109 = arith.constant 0 : i32
    %dma_start3A_110 = arith.constant 0 : i32
    %dma_start3A_111 = tpu.memref_slice %arg13[%dma_start3A_102, %dma_start3A_109, %dma_start3A_110] : memref<2x64x64xi32, #tpu.memory_space<vmem>> -> memref<1x64x64xi32, #tpu.memory_space<vmem>>
    %dma_start3A_112 = tpu.memref_squeeze %dma_start3A_111 : memref<1x64x64xi32, #tpu.memory_space<vmem>> -> memref<64x64xi32, #tpu.memory_space<vmem>>
    %dma_start3A_113 = arith.constant 0 : i32
    %dma_start3A_114 = tpu.memref_slice %arg3[%multiple_of3A_90, %dma_start3A_113] : memref<320000x64xi32, #tpu.memory_space<hbm>> -> memref<64x64xi32, #tpu.memory_space<hbm>>
    tpu.enqueue_dma source(%dma_start3A_114 : memref<64x64xi32, #tpu.memory_space<hbm>>) target(%dma_start3A_112 : memref<64x64xi32, #tpu.memory_space<vmem>>) target_semaphore(%arg18 : memref<!tpu.dma_semaphore, #tpu.memory_space<semaphore_mem>>)
    %scan3A_115 = arith.constant 0 : i32
    %scan3A_116 = arith.constant 26 : i32
    %scan3A_117 = arith.addi %scan3A_115, %scan3A_116 : i32
    %scan3A_118 = arith.constant 1 : i32
    scf.for %scan3A_171 = %scan3A_115 to %scan3A_117 step %scan3A_118  : i32 {
      %mul3A_172 = arith.constant 2 : i32
      %mul3A_173 = arith.muli %scan3A_171, %mul3A_172 : i32
      %add3A_174 = arith.constant 0 : i32
      %add3A_175 = arith.addi %add3A_174, %mul3A_173 : i32
      %add3A_176 = arith.constant 0 : i32
      %add3A_177 = arith.addi %add3A_175, %add3A_176 : i32
      %mul3A_178 = arith.constant 3 : i32
      %mul3A_179 = arith.muli %add3A_177, %mul3A_178 : i32
      %add3A_180 = arith.constant 0 : i32
      %add3A_181 = arith.addi %mul3A_179, %add3A_180 : i32
      %dma_wait3A_182 = arith.constant 0 : i32
      %dma_wait3A_183 = arith.constant 0 : i32
      %dma_wait3A_184 = arith.constant 0 : i32
      %dma_wait3A_185 = tpu.memref_slice %arg12[%dma_wait3A_182, %dma_wait3A_183, %dma_wait3A_184] : memref<2x64x128xf32, #tpu.memory_space<vmem>> -> memref<1x64x128xf32, #tpu.memory_space<vmem>>
      %dma_wait3A_186 = tpu.memref_squeeze %dma_wait3A_185 : memref<1x64x128xf32, #tpu.memory_space<vmem>> -> memref<64x128xf32, #tpu.memory_space<vmem>>
      %dma_wait3A_187 = arith.constant 0 : i32
      %dma_wait3A_188 = arith.constant 0 : i32
      %dma_wait3A_189 = tpu.memref_slice %arg2[%dma_wait3A_187, %dma_wait3A_188] : memref<10000x128xf32, #tpu.memory_space<hbm>> -> memref<64x128xf32, #tpu.memory_space<hbm>>
      %dma_wait3A_190 = arith.constant 0 : i32
      %dma_wait3A_191 = arith.constant 0 : i32
      %dma_wait3A_192 = tpu.memref_slice %arg12[%dma_wait3A_182, %dma_wait3A_190, %dma_wait3A_191] : memref<2x64x128xf32, #tpu.memory_space<vmem>> -> memref<1x64x128xf32, #tpu.memory_space<vmem>>
      %dma_wait3A_193 = tpu.memref_squeeze %dma_wait3A_192 : memref<1x64x128xf32, #tpu.memory_space<vmem>> -> memref<64x128xf32, #tpu.memory_space<vmem>>
      %dma_wait3A_194 = arith.constant 0 : i32
      %dma_wait3A_195 = arith.constant 0 : i32
      %dma_wait3A_196 = tpu.memref_slice %arg2[%dma_wait3A_194, %dma_wait3A_195] : memref<10000x128xf32, #tpu.memory_space<hbm>> -> memref<64x128xf32, #tpu.memory_space<hbm>>
      tpu.wait_dma2 semaphore(%arg16 : memref<!tpu.dma_semaphore, #tpu.memory_space<semaphore_mem>>) src(%dma_wait3A_196 : memref<64x128xf32, #tpu.memory_space<hbm>>) dst(%dma_wait3A_193 : memref<64x128xf32, #tpu.memory_space<vmem>>)
      %dma_wait3A_197 = arith.constant 0 : i32
      %dma_wait3A_198 = arith.constant 0 : i32
      %dma_wait3A_199 = arith.constant 0 : i32
      %dma_wait3A_200 = tpu.memref_slice %arg13[%dma_wait3A_197, %dma_wait3A_198, %dma_wait3A_199] : memref<2x64x64xi32, #tpu.memory_space<vmem>> -> memref<1x64x64xi32, #tpu.memory_space<vmem>>
      %dma_wait3A_201 = tpu.memref_squeeze %dma_wait3A_200 : memref<1x64x64xi32, #tpu.memory_space<vmem>> -> memref<64x64xi32, #tpu.memory_space<vmem>>
      %dma_wait3A_202 = arith.constant 0 : i32
      %dma_wait3A_203 = arith.constant 0 : i32
      %dma_wait3A_204 = tpu.memref_slice %arg3[%dma_wait3A_202, %dma_wait3A_203] : memref<320000x64xi32, #tpu.memory_space<hbm>> -> memref<64x64xi32, #tpu.memory_space<hbm>>
      %dma_wait3A_205 = arith.constant 0 : i32
      %dma_wait3A_206 = arith.constant 0 : i32
      %dma_wait3A_207 = tpu.memref_slice %arg13[%dma_wait3A_197, %dma_wait3A_205, %dma_wait3A_206] : memref<2x64x64xi32, #tpu.memory_space<vmem>> -> memref<1x64x64xi32, #tpu.memory_space<vmem>>
      %dma_wait3A_208 = tpu.memref_squeeze %dma_wait3A_207 : memref<1x64x64xi32, #tpu.memory_space<vmem>> -> memref<64x64xi32, #tpu.memory_space<vmem>>
      %dma_wait3A_209 = arith.constant 0 : i32
      %dma_wait3A_210 = arith.constant 0 : i32
      %dma_wait3A_211 = tpu.memref_slice %arg3[%dma_wait3A_209, %dma_wait3A_210] : memref<320000x64xi32, #tpu.memory_space<hbm>> -> memref<64x64xi32, #tpu.memory_space<hbm>>
      tpu.wait_dma2 semaphore(%arg18 : memref<!tpu.dma_semaphore, #tpu.memory_space<semaphore_mem>>) src(%dma_wait3A_211 : memref<64x64xi32, #tpu.memory_space<hbm>>) dst(%dma_wait3A_208 : memref<64x64xi32, #tpu.memory_space<vmem>>)
      %add3A_212 = arith.constant 1 : i32
      %add3A_213 = arith.addi %add3A_177, %add3A_212 : i32
      %mul3A_214 = arith.constant 3 : i32
      %mul3A_215 = arith.muli %add3A_213, %mul3A_214 : i32
      %add3A_216 = arith.addi %mul3A_57, %mul3A_215 : i32
      %mul3A_217 = arith.constant 64 : i32
      %mul3A_218 = arith.muli %add3A_216, %mul3A_217 : i32
      %multiple_of3A_219 = tpu.assume_multiple %mul3A_218, 64 : i32
      %dma_start3A_220 = tpu.memref_slice %arg4[%multiple_of3A_219] : memref<640000xi32, #tpu.memory_space<hbm>> -> memref<192xi32, #tpu.memory_space<hbm>>
      %dma_start3A_221 = tpu.memref_slice %arg4[%multiple_of3A_219] : memref<640000xi32, #tpu.memory_space<hbm>> -> memref<192xi32, #tpu.memory_space<hbm>>
      tpu.enqueue_dma source(%dma_start3A_221 : memref<192xi32, #tpu.memory_space<hbm>>) target(%arg7 : memref<192xi32, #tpu.memory_space<vmem>>) target_semaphore(%arg23 : memref<!tpu.dma_semaphore, #tpu.memory_space<semaphore_mem>>)
      %add3A_222 = arith.constant 320000 : i32
      %add3A_223 = arith.addi %add3A_222, %multiple_of3A_219 : i32
      %dma_start3A_224 = tpu.memref_slice %arg4[%add3A_223] : memref<640000xi32, #tpu.memory_space<hbm>> -> memref<192xi32, #tpu.memory_space<hbm>>
      %dma_start3A_225 = tpu.memref_slice %arg4[%add3A_223] : memref<640000xi32, #tpu.memory_space<hbm>> -> memref<192xi32, #tpu.memory_space<hbm>>
      tpu.enqueue_dma source(%dma_start3A_225 : memref<192xi32, #tpu.memory_space<hbm>>) target(%arg9 : memref<192xi32, #tpu.memory_space<vmem>>) target_semaphore(%arg23 : memref<!tpu.dma_semaphore, #tpu.memory_space<semaphore_mem>>)
      %get3A_226 = arith.constant 64 : index
      %get3A_227 = tpu.vector_load %arg6[%get3A_226] {strides = array<i32>} : memref<192xi32, #tpu.memory_space<vmem>>, vector<16xi32>,
      %swap3A_228 = arith.constant 1 : i32
      %swap3A_229 = arith.index_cast %swap3A_228 : i32 to index
      %swap3A_230 = arith.constant 0 : index
      %swap3A_231 = tpu.vector_load %arg11[%swap3A_229, %swap3A_230] {strides = array<i32>} : memref<2x64xi32, #tpu.memory_space<vmem>>, vector<16xi32>,
      tpu.vector_store %arg11[%swap3A_229, %swap3A_230], %get3A_227 {strides = array<i32>} : memref<2x64xi32, #tpu.memory_space<vmem>>, vector<16xi32>,
      %get3A_232 = arith.constant 80 : index
      %get3A_233 = tpu.vector_load %arg6[%get3A_232] {strides = array<i32>} : memref<192xi32, #tpu.memory_space<vmem>>, vector<16xi32>,
      %swap3A_234 = arith.constant 1 : i32
      %swap3A_235 = arith.index_cast %swap3A_234 : i32 to index
      %swap3A_236 = arith.constant 16 : index
      %swap3A_237 = tpu.vector_load %arg11[%swap3A_235, %swap3A_236] {strides = array<i32>} : memref<2x64xi32, #tpu.memory_space<vmem>>, vector<16xi32>,
      tpu.vector_store %arg11[%swap3A_235, %swap3A_236], %get3A_233 {strides = array<i32>} : memref<2x64xi32, #tpu.memory_space<vmem>>, vector<16xi32>,
      %get3A_238 = arith.constant 96 : index
      %get3A_239 = tpu.vector_load %arg6[%get3A_238] {strides = array<i32>} : memref<192xi32, #tpu.memory_space<vmem>>, vector<16xi32>,
      %swap3A_240 = arith.constant 1 : i32
      %swap3A_241 = arith.index_cast %swap3A_240 : i32 to index
      %swap3A_242 = arith.constant 32 : index
      %swap3A_243 = tpu.vector_load %arg11[%swap3A_241, %swap3A_242] {strides = array<i32>} : memref<2x64xi32, #tpu.memory_space<vmem>>, vector<16xi32>,
      tpu.vector_store %arg11[%swap3A_241, %swap3A_242], %get3A_239 {strides = array<i32>} : memref<2x64xi32, #tpu.memory_space<vmem>>, vector<16xi32>,
      %get3A_244 = arith.constant 112 : index
      %get3A_245 = tpu.vector_load %arg6[%get3A_244] {strides = array<i32>} : memref<192xi32, #tpu.memory_space<vmem>>, vector<16xi32>,
      %swap3A_246 = arith.constant 1 : i32
      %swap3A_247 = arith.index_cast %swap3A_246 : i32 to index
      %swap3A_248 = arith.constant 48 : index
      %swap3A_249 = tpu.vector_load %arg11[%swap3A_247, %swap3A_248] {strides = array<i32>} : memref<2x64xi32, #tpu.memory_space<vmem>>, vector<16xi32>,
      tpu.vector_store %arg11[%swap3A_247, %swap3A_248], %get3A_245 {strides = array<i32>} : memref<2x64xi32, #tpu.memory_space<vmem>>, vector<16xi32>,
      %add3A_250 = arith.constant 1 : i32
      %add3A_251 = arith.addi %add3A_181, %add3A_250 : i32
      %add3A_252 = arith.addi %mul3A_57, %add3A_251 : i32
      %mul3A_253 = arith.constant 64 : i32
      %mul3A_254 = arith.muli %add3A_252, %mul3A_253 : i32
      %multiple_of3A_255 = tpu.assume_multiple %mul3A_254, 64 : i32
      %dma_start3A_256 = arith.constant 1 : i32
      %dma_start3A_257 = arith.constant 1 : i32
      %dma_start3A_258 = arith.constant 0 : i32
      %dma_start3A_259 = arith.constant 0 : i32
      %dma_start3A_260 = tpu.memref_slice %arg12[%dma_start3A_257, %dma_start3A_258, %dma_start3A_259] : memref<2x64x128xf32, #tpu.memory_space<vmem>> -> memref<1x64x128xf32, #tpu.memory_space<vmem>>
      %dma_start3A_261 = tpu.memref_squeeze %dma_start3A_260 : memref<1x64x128xf32, #tpu.memory_space<vmem>> -> memref<64x128xf32, #tpu.memory_space<vmem>>
      %dma_start3A_262 = arith.constant 0 : i32
      %dma_start3A_263 = tpu.memref_slice %arg11[%dma_start3A_256, %dma_start3A_262] : memref<2x64xi32, #tpu.memory_space<vmem>> -> memref<1x64xi32, #tpu.memory_space<vmem>>
      %dma_start3A_264 = tpu.memref_squeeze %dma_start3A_263 : memref<1x64xi32, #tpu.memory_space<vmem>> -> memref<64xi32, #tpu.memory_space<vmem>>
      %dma_start3A_265 = arith.constant 0 : i32
      %dma_start3A_266 = arith.constant 0 : i32
      %dma_start3A_267 = tpu.memref_slice %arg2[%dma_start3A_265, %dma_start3A_266] : memref<10000x128xf32, #tpu.memory_space<hbm>> -> memref<10000x128xf32, #tpu.memory_space<hbm>>
      tpu.enqueue_indirect_dma source(%dma_start3A_267 : memref<10000x128xf32, #tpu.memory_space<hbm>>) target(%dma_start3A_261 : memref<64x128xf32, #tpu.memory_space<vmem>>) offsets(%dma_start3A_264 : memref<64xi32, #tpu.memory_space<vmem>>) semaphore(%arg17 : memref<!tpu.dma_semaphore, #tpu.memory_space<semaphore_mem>>)
      %dma_start3A_268 = arith.constant 1 : i32
      %dma_start3A_269 = arith.constant 0 : i32
      %dma_start3A_270 = arith.constant 0 : i32
      %dma_start3A_271 = tpu.memref_slice %arg13[%dma_start3A_268, %dma_start3A_269, %dma_start3A_270] : memref<2x64x64xi32, #tpu.memory_space<vmem>> -> memref<1x64x64xi32, #tpu.memory_space<vmem>>
      %dma_start3A_272 = tpu.memref_squeeze %dma_start3A_271 : memref<1x64x64xi32, #tpu.memory_space<vmem>> -> memref<64x64xi32, #tpu.memory_space<vmem>>
      %dma_start3A_273 = arith.constant 0 : i32
      %dma_start3A_274 = tpu.memref_slice %arg3[%multiple_of3A_255, %dma_start3A_273] : memref<320000x64xi32, #tpu.memory_space<hbm>> -> memref<64x64xi32, #tpu.memory_space<hbm>>
      %dma_start3A_275 = arith.constant 0 : i32
      %dma_start3A_276 = arith.constant 0 : i32
      %dma_start3A_277 = tpu.memref_slice %arg13[%dma_start3A_268, %dma_start3A_275, %dma_start3A_276] : memref<2x64x64xi32, #tpu.memory_space<vmem>> -> memref<1x64x64xi32, #tpu.memory_space<vmem>>
      %dma_start3A_278 = tpu.memref_squeeze %dma_start3A_277 : memref<1x64x64xi32, #tpu.memory_space<vmem>> -> memref<64x64xi32, #tpu.memory_space<vmem>>
      %dma_start3A_279 = arith.constant 0 : i32
      %dma_start3A_280 = tpu.memref_slice %arg3[%multiple_of3A_255, %dma_start3A_279] : memref<320000x64xi32, #tpu.memory_space<hbm>> -> memref<64x64xi32, #tpu.memory_space<hbm>>
      tpu.enqueue_dma source(%dma_start3A_280 : memref<64x64xi32, #tpu.memory_space<hbm>>) target(%dma_start3A_278 : memref<64x64xi32, #tpu.memory_space<vmem>>) target_semaphore(%arg19 : memref<!tpu.dma_semaphore, #tpu.memory_space<semaphore_mem>>)
      %ge3A = arith.constant 2 : i32
      %ge3A_281 = arith.cmpi sge, %add3A_181, %ge3A : i32
      %convert_element_type3A_282 = arith.extui %ge3A_281 : i1 to i32
      %cond3A_283 = arith.constant 0 : i32
      %cond3A_284 = arith.cmpi ne, %convert_element_type3A_282, %cond3A_283 : i32
      scf.if %cond3A_284 {
        %dma_wait3A_983 = arith.constant 0 : i32
        %dma_wait3A_984 = arith.constant 0 : i32
        %dma_wait3A_985 = arith.constant 0 : i32
        %dma_wait3A_986 = arith.constant 0 : i32
        %dma_wait3A_987 = tpu.memref_slice %arg14[%dma_wait3A_984, %dma_wait3A_985, %dma_wait3A_986] : memref<2x64x128xf32, #tpu.memory_space<vmem>> -> memref<1x64x128xf32, #tpu.memory_space<vmem>>
        %dma_wait3A_988 = tpu.memref_squeeze %dma_wait3A_987 : memref<1x64x128xf32, #tpu.memory_space<vmem>> -> memref<64x128xf32, #tpu.memory_space<vmem>>
        %dma_wait3A_989 = arith.constant 0 : i32
        %dma_wait3A_990 = arith.constant 0 : i32
        %dma_wait3A_991 = tpu.memref_slice %arg5[%dma_wait3A_983, %dma_wait3A_989, %dma_wait3A_990] : memref<2x10000x128xf32, #tpu.memory_space<hbm>> -> memref<1x64x128xf32, #tpu.memory_space<hbm>>
        %dma_wait3A_992 = tpu.memref_squeeze %dma_wait3A_991 : memref<1x64x128xf32, #tpu.memory_space<hbm>> -> memref<64x128xf32, #tpu.memory_space<hbm>>
        %dma_wait3A_993 = arith.constant 0 : i32
        %dma_wait3A_994 = arith.constant 0 : i32
        %dma_wait3A_995 = tpu.memref_slice %arg14[%dma_wait3A_984, %dma_wait3A_993, %dma_wait3A_994] : memref<2x64x128xf32, #tpu.memory_space<vmem>> -> memref<1x64x128xf32, #tpu.memory_space<vmem>>
        %dma_wait3A_996 = tpu.memref_squeeze %dma_wait3A_995 : memref<1x64x128xf32, #tpu.memory_space<vmem>> -> memref<64x128xf32, #tpu.memory_space<vmem>>
        %dma_wait3A_997 = arith.constant 0 : i32
        %dma_wait3A_998 = arith.constant 0 : i32
        %dma_wait3A_999 = tpu.memref_slice %arg5[%dma_wait3A_983, %dma_wait3A_997, %dma_wait3A_998] : memref<2x10000x128xf32, #tpu.memory_space<hbm>> -> memref<1x64x128xf32, #tpu.memory_space<hbm>>
        %dma_wait3A_1000 = tpu.memref_squeeze %dma_wait3A_999 : memref<1x64x128xf32, #tpu.memory_space<hbm>> -> memref<64x128xf32, #tpu.memory_space<hbm>>
        tpu.wait_dma2 semaphore(%arg20 : memref<!tpu.dma_semaphore, #tpu.memory_space<semaphore_mem>>) src(%dma_wait3A_1000 : memref<64x128xf32, #tpu.memory_space<hbm>>) dst(%dma_wait3A_996 : memref<64x128xf32, #tpu.memory_space<vmem>>)
      } else {
      }
      %broadcast_in_dim3A = arith.constant -65536 : i32
      %broadcast_in_dim3A_285 = vector.broadcast %broadcast_in_dim3A : i32 to vector<16xi32>
      %scan3A_286 = arith.constant 0 : i32
      %scan3A_287 = arith.constant 0 : i32
      %scan3A_288 = arith.constant 64 : i32
      %scan3A_289 = arith.addi %scan3A_287, %scan3A_288 : i32
      %scan3A_290 = arith.constant 1 : i32
      scf.for %scan3A_983 = %scan3A_287 to %scan3A_289 step %scan3A_290  : i32 {
        %get3A_984 = arith.constant 0 : i32
        %get3A_985 = arith.index_cast %get3A_984 : i32 to index
        %get3A_986 = arith.index_cast %scan3A_983 : i32 to index
        %get3A_987 = arith.constant 0 : index
        %get3A_988 = tpu.vector_load %arg13[%get3A_985, %get3A_986, %get3A_987] {strides = array<i32>} : memref<2x64x64xi32, #tpu.memory_space<vmem>>, vector<16xi32>,
        %shift_left3A = arith.constant 16 : i32
        %shift_left3A_989 = vector.broadcast %shift_left3A : i32 to vector<16xi32>
        %shift_left3A_990 = arith.shli %get3A_988, %shift_left3A_989 : vector<16xi32>
        %bitcast3A = vector.bitcast %shift_left3A_990 : vector<16xi32> to vector<16xf32>
        %and3A = arith.andi %get3A_988, %broadcast_in_dim3A_285 : vector<16xi32>
        %bitcast3A_991 = vector.bitcast %and3A : vector<16xi32> to vector<16xf32>
        %get3A_992 = arith.constant 0 : i32
        %get3A_993 = arith.index_cast %get3A_992 : i32 to index
        %get3A_994 = arith.index_cast %scan3A_983 : i32 to index
        %get3A_995 = arith.constant 0 : index
        %get3A_996 = tpu.vector_load %arg12[%get3A_993, %get3A_994, %get3A_995] {strides = array<i32>} : memref<2x64x128xf32, #tpu.memory_space<vmem>>, vector<16xf32>,
        %get3A_997 = arith.constant 0 : i32
        %get3A_998 = arith.index_cast %get3A_997 : i32 to index
        %get3A_999 = arith.index_cast %scan3A_983 : i32 to index
        %get3A_1000 = arith.constant 64 : index
        %get3A_1001 = tpu.vector_load %arg12[%get3A_998, %get3A_999, %get3A_1000] {strides = array<i32>} : memref<2x64x128xf32, #tpu.memory_space<vmem>>, vector<16xf32>,
        %mul3A_1002 = arith.mulf %bitcast3A, %get3A_996 : vector<16xf32>
        %swap3A_1003 = arith.constant 0 : i32
        %swap3A_1004 = arith.index_cast %swap3A_1003 : i32 to index
        %swap3A_1005 = arith.index_cast %scan3A_983 : i32 to index
        %swap3A_1006 = arith.constant 0 : index
        %swap3A_1007 = tpu.vector_load %arg14[%swap3A_1004, %swap3A_1005, %swap3A_1006] {strides = array<i32>} : memref<2x64x128xf32, #tpu.memory_space<vmem>>, vector<16xf32>,
        tpu.vector_store %arg14[%swap3A_1004, %swap3A_1005, %swap3A_1006], %mul3A_1002 {strides = array<i32>} : memref<2x64x128xf32, #tpu.memory_space<vmem>>, vector<16xf32>,
        %mul3A_1008 = arith.mulf %bitcast3A_991, %get3A_1001 : vector<16xf32>
        %swap3A_1009 = arith.constant 0 : i32
        %swap3A_1010 = arith.index_cast %swap3A_1009 : i32 to index
        %swap3A_1011 = arith.index_cast %scan3A_983 : i32 to index
        %swap3A_1012 = arith.constant 64 : index
        %swap3A_1013 = tpu.vector_load %arg14[%swap3A_1010, %swap3A_1011, %swap3A_1012] {strides = array<i32>} : memref<2x64x128xf32, #tpu.memory_space<vmem>>, vector<16xf32>,
        tpu.vector_store %arg14[%swap3A_1010, %swap3A_1011, %swap3A_1012], %mul3A_1008 {strides = array<i32>} : memref<2x64x128xf32, #tpu.memory_space<vmem>>, vector<16xf32>,
        %get3A_1014 = arith.constant 0 : i32
        %get3A_1015 = arith.index_cast %get3A_1014 : i32 to index
        %get3A_1016 = arith.index_cast %scan3A_983 : i32 to index
        %get3A_1017 = arith.constant 16 : index
        %get3A_1018 = tpu.vector_load %arg13[%get3A_1015, %get3A_1016, %get3A_1017] {strides = array<i32>} : memref<2x64x64xi32, #tpu.memory_space<vmem>>, vector<16xi32>,
        %shift_left3A_1019 = arith.constant 16 : i32
        %shift_left3A_1020 = vector.broadcast %shift_left3A_1019 : i32 to vector<16xi32>
        %shift_left3A_1021 = arith.shli %get3A_1018, %shift_left3A_1020 : vector<16xi32>
        %bitcast3A_1022 = vector.bitcast %shift_left3A_1021 : vector<16xi32> to vector<16xf32>
        %and3A_1023 = arith.andi %get3A_1018, %broadcast_in_dim3A_285 : vector<16xi32>
        %bitcast3A_1024 = vector.bitcast %and3A_1023 : vector<16xi32> to vector<16xf32>
        %get3A_1025 = arith.constant 0 : i32
        %get3A_1026 = arith.index_cast %get3A_1025 : i32 to index
        %get3A_1027 = arith.index_cast %scan3A_983 : i32 to index
        %get3A_1028 = arith.constant 16 : index
        %get3A_1029 = tpu.vector_load %arg12[%get3A_1026, %get3A_1027, %get3A_1028] {strides = array<i32>} : memref<2x64x128xf32, #tpu.memory_space<vmem>>, vector<16xf32>,
        %get3A_1030 = arith.constant 0 : i32
        %get3A_1031 = arith.index_cast %get3A_1030 : i32 to index
        %get3A_1032 = arith.index_cast %scan3A_983 : i32 to index
        %get3A_1033 = arith.constant 80 : index
        %get3A_1034 = tpu.vector_load %arg12[%get3A_1031, %get3A_1032, %get3A_1033] {strides = array<i32>} : memref<2x64x128xf32, #tpu.memory_space<vmem>>, vector<16xf32>,
        %mul3A_1035 = arith.mulf %bitcast3A_1022, %get3A_1029 : vector<16xf32>
        %swap3A_1036 = arith.constant 0 : i32
        %swap3A_1037 = arith.index_cast %swap3A_1036 : i32 to index
        %swap3A_1038 = arith.index_cast %scan3A_983 : i32 to index
        %swap3A_1039 = arith.constant 16 : index
        %swap3A_1040 = tpu.vector_load %arg14[%swap3A_1037, %swap3A_1038, %swap3A_1039] {strides = array<i32>} : memref<2x64x128xf32, #tpu.memory_space<vmem>>, vector<16xf32>,
        tpu.vector_store %arg14[%swap3A_1037, %swap3A_1038, %swap3A_1039], %mul3A_1035 {strides = array<i32>} : memref<2x64x128xf32, #tpu.memory_space<vmem>>, vector<16xf32>,
        %mul3A_1041 = arith.mulf %bitcast3A_1024, %get3A_1034 : vector<16xf32>
        %swap3A_1042 = arith.constant 0 : i32
        %swap3A_1043 = arith.index_cast %swap3A_1042 : i32 to index
        %swap3A_1044 = arith.index_cast %scan3A_983 : i32 to index
        %swap3A_1045 = arith.constant 80 : index
        %swap3A_1046 = tpu.vector_load %arg14[%swap3A_1043, %swap3A_1044, %swap3A_1045] {strides = array<i32>} : memref<2x64x128xf32, #tpu.memory_space<vmem>>, vector<16xf32>,
        tpu.vector_store %arg14[%swap3A_1043, %swap3A_1044, %swap3A_1045], %mul3A_1041 {strides = array<i32>} : memref<2x64x128xf32, #tpu.memory_space<vmem>>, vector<16xf32>,
        %get3A_1047 = arith.constant 0 : i32
        %get3A_1048 = arith.index_cast %get3A_1047 : i32 to index
        %get3A_1049 = arith.index_cast %scan3A_983 : i32 to index
        %get3A_1050 = arith.constant 32 : index
        %get3A_1051 = tpu.vector_load %arg13[%get3A_1048, %get3A_1049, %get3A_1050] {strides = array<i32>} : memref<2x64x64xi32, #tpu.memory_space<vmem>>, vector<16xi32>,
        %shift_left3A_1052 = arith.constant 16 : i32
        %shift_left3A_1053 = vector.broadcast %shift_left3A_1052 : i32 to vector<16xi32>
        %shift_left3A_1054 = arith.shli %get3A_1051, %shift_left3A_1053 : vector<16xi32>
        %bitcast3A_1055 = vector.bitcast %shift_left3A_1054 : vector<16xi32> to vector<16xf32>
        %and3A_1056 = arith.andi %get3A_1051, %broadcast_in_dim3A_285 : vector<16xi32>
        %bitcast3A_1057 = vector.bitcast %and3A_1056 : vector<16xi32> to vector<16xf32>
        %get3A_1058 = arith.constant 0 : i32
        %get3A_1059 = arith.index_cast %get3A_1058 : i32 to index
        %get3A_1060 = arith.index_cast %scan3A_983 : i32 to index
        %get3A_1061 = arith.constant 32 : index
        %get3A_1062 = tpu.vector_load %arg12[%get3A_1059, %get3A_1060, %get3A_1061] {strides = array<i32>} : memref<2x64x128xf32, #tpu.memory_space<vmem>>, vector<16xf32>,
        %get3A_1063 = arith.constant 0 : i32
        %get3A_1064 = arith.index_cast %get3A_1063 : i32 to index
        %get3A_1065 = arith.index_cast %scan3A_983 : i32 to index
        %get3A_1066 = arith.constant 96 : index
        %get3A_1067 = tpu.vector_load %arg12[%get3A_1064, %get3A_1065, %get3A_1066] {strides = array<i32>} : memref<2x64x128xf32, #tpu.memory_space<vmem>>, vector<16xf32>,
        %mul3A_1068 = arith.mulf %bitcast3A_1055, %get3A_1062 : vector<16xf32>
        %swap3A_1069 = arith.constant 0 : i32
        %swap3A_1070 = arith.index_cast %swap3A_1069 : i32 to index
        %swap3A_1071 = arith.index_cast %scan3A_983 : i32 to index
        %swap3A_1072 = arith.constant 32 : index
        %swap3A_1073 = tpu.vector_load %arg14[%swap3A_1070, %swap3A_1071, %swap3A_1072] {strides = array<i32>} : memref<2x64x128xf32, #tpu.memory_space<vmem>>, vector<16xf32>,
        tpu.vector_store %arg14[%swap3A_1070, %swap3A_1071, %swap3A_1072], %mul3A_1068 {strides = array<i32>} : memref<2x64x128xf32, #tpu.memory_space<vmem>>, vector<16xf32>,
        %mul3A_1074 = arith.mulf %bitcast3A_1057, %get3A_1067 : vector<16xf32>
        %swap3A_1075 = arith.constant 0 : i32
        %swap3A_1076 = arith.index_cast %swap3A_1075 : i32 to index
        %swap3A_1077 = arith.index_cast %scan3A_983 : i32 to index
        %swap3A_1078 = arith.constant 96 : index
        %swap3A_1079 = tpu.vector_load %arg14[%swap3A_1076, %swap3A_1077, %swap3A_1078] {strides = array<i32>} : memref<2x64x128xf32, #tpu.memory_space<vmem>>, vector<16xf32>,
        tpu.vector_store %arg14[%swap3A_1076, %swap3A_1077, %swap3A_1078], %mul3A_1074 {strides = array<i32>} : memref<2x64x128xf32, #tpu.memory_space<vmem>>, vector<16xf32>,
        %get3A_1080 = arith.constant 0 : i32
        %get3A_1081 = arith.index_cast %get3A_1080 : i32 to index
        %get3A_1082 = arith.index_cast %scan3A_983 : i32 to index
        %get3A_1083 = arith.constant 48 : index
        %get3A_1084 = tpu.vector_load %arg13[%get3A_1081, %get3A_1082, %get3A_1083] {strides = array<i32>} : memref<2x64x64xi32, #tpu.memory_space<vmem>>, vector<16xi32>,
        %shift_left3A_1085 = arith.constant 16 : i32
        %shift_left3A_1086 = vector.broadcast %shift_left3A_1085 : i32 to vector<16xi32>
        %shift_left3A_1087 = arith.shli %get3A_1084, %shift_left3A_1086 : vector<16xi32>
        %bitcast3A_1088 = vector.bitcast %shift_left3A_1087 : vector<16xi32> to vector<16xf32>
        %and3A_1089 = arith.andi %get3A_1084, %broadcast_in_dim3A_285 : vector<16xi32>
        %bitcast3A_1090 = vector.bitcast %and3A_1089 : vector<16xi32> to vector<16xf32>
        %get3A_1091 = arith.constant 0 : i32
        %get3A_1092 = arith.index_cast %get3A_1091 : i32 to index
        %get3A_1093 = arith.index_cast %scan3A_983 : i32 to index
        %get3A_1094 = arith.constant 48 : index
        %get3A_1095 = tpu.vector_load %arg12[%get3A_1092, %get3A_1093, %get3A_1094] {strides = array<i32>} : memref<2x64x128xf32, #tpu.memory_space<vmem>>, vector<16xf32>,
        %get3A_1096 = arith.constant 0 : i32
        %get3A_1097 = arith.index_cast %get3A_1096 : i32 to index
        %get3A_1098 = arith.index_cast %scan3A_983 : i32 to index
        %get3A_1099 = arith.constant 112 : index
        %get3A_1100 = tpu.vector_load %arg12[%get3A_1097, %get3A_1098, %get3A_1099] {strides = array<i32>} : memref<2x64x128xf32, #tpu.memory_space<vmem>>, vector<16xf32>,
        %mul3A_1101 = arith.mulf %bitcast3A_1088, %get3A_1095 : vector<16xf32>
        %swap3A_1102 = arith.constant 0 : i32
        %swap3A_1103 = arith.index_cast %swap3A_1102 : i32 to index
        %swap3A_1104 = arith.index_cast %scan3A_983 : i32 to index
        %swap3A_1105 = arith.constant 48 : index
        %swap3A_1106 = tpu.vector_load %arg14[%swap3A_1103, %swap3A_1104, %swap3A_1105] {strides = array<i32>} : memref<2x64x128xf32, #tpu.memory_space<vmem>>, vector<16xf32>,
        tpu.vector_store %arg14[%swap3A_1103, %swap3A_1104, %swap3A_1105], %mul3A_1101 {strides = array<i32>} : memref<2x64x128xf32, #tpu.memory_space<vmem>>, vector<16xf32>,
        %mul3A_1107 = arith.mulf %bitcast3A_1090, %get3A_1100 : vector<16xf32>
        %swap3A_1108 = arith.constant 0 : i32
        %swap3A_1109 = arith.index_cast %swap3A_1108 : i32 to index
        %swap3A_1110 = arith.index_cast %scan3A_983 : i32 to index
        %swap3A_1111 = arith.constant 112 : index
        %swap3A_1112 = tpu.vector_load %arg14[%swap3A_1109, %swap3A_1110, %swap3A_1111] {strides = array<i32>} : memref<2x64x128xf32, #tpu.memory_space<vmem>>, vector<16xf32>,
        tpu.vector_store %arg14[%swap3A_1109, %swap3A_1110, %swap3A_1111], %mul3A_1107 {strides = array<i32>} : memref<2x64x128xf32, #tpu.memory_space<vmem>>, vector<16xf32>,
      }
      %scan3A_291 = arith.constant 64 : i32
      %get3A_292 = arith.constant 0 : index
      %get3A_293 = tpu.vector_load %arg8[%get3A_292] {strides = array<i32>} : memref<192xi32, #tpu.memory_space<vmem>>, vector<16xi32>,
      %swap3A_294 = arith.constant 0 : i32
      %swap3A_295 = arith.index_cast %swap3A_294 : i32 to index
      %swap3A_296 = arith.constant 0 : index
      %swap3A_297 = tpu.vector_load %arg10[%swap3A_295, %swap3A_296] {strides = array<i32>} : memref<2x64xi32, #tpu.memory_space<vmem>>, vector<16xi32>,
      tpu.vector_store %arg10[%swap3A_295, %swap3A_296], %get3A_293 {strides = array<i32>} : memref<2x64xi32, #tpu.memory_space<vmem>>, vector<16xi32>,
      %get3A_298 = arith.constant 16 : index
      %get3A_299 = tpu.vector_load %arg8[%get3A_298] {strides = array<i32>} : memref<192xi32, #tpu.memory_space<vmem>>, vector<16xi32>,
      %swap3A_300 = arith.constant 0 : i32
      %swap3A_301 = arith.index_cast %swap3A_300 : i32 to index
      %swap3A_302 = arith.constant 16 : index
      %swap3A_303 = tpu.vector_load %arg10[%swap3A_301, %swap3A_302] {strides = array<i32>} : memref<2x64xi32, #tpu.memory_space<vmem>>, vector<16xi32>,
      tpu.vector_store %arg10[%swap3A_301, %swap3A_302], %get3A_299 {strides = array<i32>} : memref<2x64xi32, #tpu.memory_space<vmem>>, vector<16xi32>,
      %get3A_304 = arith.constant 32 : index
      %get3A_305 = tpu.vector_load %arg8[%get3A_304] {strides = array<i32>} : memref<192xi32, #tpu.memory_space<vmem>>, vector<16xi32>,
      %swap3A_306 = arith.constant 0 : i32
      %swap3A_307 = arith.index_cast %swap3A_306 : i32 to index
      %swap3A_308 = arith.constant 32 : index
      %swap3A_309 = tpu.vector_load %arg10[%swap3A_307, %swap3A_308] {strides = array<i32>} : memref<2x64xi32, #tpu.memory_space<vmem>>, vector<16xi32>,
      tpu.vector_store %arg10[%swap3A_307, %swap3A_308], %get3A_305 {strides = array<i32>} : memref<2x64xi32, #tpu.memory_space<vmem>>, vector<16xi32>,
      %get3A_310 = arith.constant 48 : index
      %get3A_311 = tpu.vector_load %arg8[%get3A_310] {strides = array<i32>} : memref<192xi32, #tpu.memory_space<vmem>>, vector<16xi32>,
      %swap3A_312 = arith.constant 0 : i32
      %swap3A_313 = arith.index_cast %swap3A_312 : i32 to index
      %swap3A_314 = arith.constant 48 : index
      %swap3A_315 = tpu.vector_load %arg10[%swap3A_313, %swap3A_314] {strides = array<i32>} : memref<2x64xi32, #tpu.memory_space<vmem>>, vector<16xi32>,
      tpu.vector_store %arg10[%swap3A_313, %swap3A_314], %get3A_311 {strides = array<i32>} : memref<2x64xi32, #tpu.memory_space<vmem>>, vector<16xi32>,
      %dma_start3A_316 = arith.constant 0 : i32
      %dma_start3A_317 = arith.constant 0 : i32
      %dma_start3A_318 = arith.constant 0 : i32
      %dma_start3A_319 = arith.constant 0 : i32
      %dma_start3A_320 = tpu.memref_slice %arg14[%dma_start3A_316, %dma_start3A_318, %dma_start3A_319] : memref<2x64x128xf32, #tpu.memory_space<vmem>> -> memref<1x64x128xf32, #tpu.memory_space<vmem>>
      %dma_start3A_321 = tpu.memref_squeeze %dma_start3A_320 : memref<1x64x128xf32, #tpu.memory_space<vmem>> -> memref<64x128xf32, #tpu.memory_space<vmem>>
      %dma_start3A_322 = arith.constant 0 : i32
      %dma_start3A_323 = tpu.memref_slice %arg10[%dma_start3A_317, %dma_start3A_322] : memref<2x64xi32, #tpu.memory_space<vmem>> -> memref<1x64xi32, #tpu.memory_space<vmem>>
      %dma_start3A_324 = tpu.memref_squeeze %dma_start3A_323 : memref<1x64xi32, #tpu.memory_space<vmem>> -> memref<64xi32, #tpu.memory_space<vmem>>
      %dma_start3A_325 = arith.constant 0 : i32
      %dma_start3A_326 = arith.constant 0 : i32
      %dma_start3A_327 = tpu.memref_slice %arg15[%dma_start3A_325, %dma_start3A_326] : memref<10000x128xf32, #tpu.memory_space<vmem_shared>> -> memref<10000x128xf32, #tpu.memory_space<vmem_shared>>
      tpu.enqueue_indirect_dma source(%dma_start3A_321 : memref<64x128xf32, #tpu.memory_space<vmem>>) target(%dma_start3A_327 : memref<10000x128xf32, #tpu.memory_space<vmem_shared>>) offsets(%dma_start3A_324 : memref<64xi32, #tpu.memory_space<vmem>>) semaphore(%arg20 : memref<!tpu.dma_semaphore, #tpu.memory_space<semaphore_mem>>) {add = true}
      %mul3A_328 = arith.constant 3 : i32
      %mul3A_329 = arith.muli %add3A_177, %mul3A_328 : i32
      %add3A_330 = arith.constant 1 : i32
      %add3A_331 = arith.addi %mul3A_329, %add3A_330 : i32
      %dma_wait3A_332 = arith.constant 1 : i32
      %dma_wait3A_333 = arith.constant 0 : i32
      %dma_wait3A_334 = arith.constant 0 : i32
      %dma_wait3A_335 = tpu.memref_slice %arg12[%dma_wait3A_332, %dma_wait3A_333, %dma_wait3A_334] : memref<2x64x128xf32, #tpu.memory_space<vmem>> -> memref<1x64x128xf32, #tpu.memory_space<vmem>>
      %dma_wait3A_336 = tpu.memref_squeeze %dma_wait3A_335 : memref<1x64x128xf32, #tpu.memory_space<vmem>> -> memref<64x128xf32, #tpu.memory_space<vmem>>
      %dma_wait3A_337 = arith.constant 0 : i32
      %dma_wait3A_338 = arith.constant 0 : i32
      %dma_wait3A_339 = tpu.memref_slice %arg2[%dma_wait3A_337, %dma_wait3A_338] : memref<10000x128xf32, #tpu.memory_space<hbm>> -> memref<64x128xf32, #tpu.memory_space<hbm>>
      %dma_wait3A_340 = arith.constant 0 : i32
      %dma_wait3A_341 = arith.constant 0 : i32
      %dma_wait3A_342 = tpu.memref_slice %arg12[%dma_wait3A_332, %dma_wait3A_340, %dma_wait3A_341] : memref<2x64x128xf32, #tpu.memory_space<vmem>> -> memref<1x64x128xf32, #tpu.memory_space<vmem>>
      %dma_wait3A_343 = tpu.memref_squeeze %dma_wait3A_342 : memref<1x64x128xf32, #tpu.memory_space<vmem>> -> memref<64x128xf32, #tpu.memory_space<vmem>>
      %dma_wait3A_344 = arith.constant 0 : i32
      %dma_wait3A_345 = arith.constant 0 : i32
      %dma_wait3A_346 = tpu.memref_slice %arg2[%dma_wait3A_344, %dma_wait3A_345] : memref<10000x128xf32, #tpu.memory_space<hbm>> -> memref<64x128xf32, #tpu.memory_space<hbm>>
      tpu.wait_dma2 semaphore(%arg17 : memref<!tpu.dma_semaphore, #tpu.memory_space<semaphore_mem>>) src(%dma_wait3A_346 : memref<64x128xf32, #tpu.memory_space<hbm>>) dst(%dma_wait3A_343 : memref<64x128xf32, #tpu.memory_space<vmem>>)
      %dma_wait3A_347 = arith.constant 1 : i32
      %dma_wait3A_348 = arith.constant 0 : i32
      %dma_wait3A_349 = arith.constant 0 : i32
      %dma_wait3A_350 = tpu.memref_slice %arg13[%dma_wait3A_347, %dma_wait3A_348, %dma_wait3A_349] : memref<2x64x64xi32, #tpu.memory_space<vmem>> -> memref<1x64x64xi32, #tpu.memory_space<vmem>>
      %dma_wait3A_351 = tpu.memref_squeeze %dma_wait3A_350 : memref<1x64x64xi32, #tpu.memory_space<vmem>> -> memref<64x64xi32, #tpu.memory_space<vmem>>
      %dma_wait3A_352 = arith.constant 0 : i32
      %dma_wait3A_353 = arith.constant 0 : i32
      %dma_wait3A_354 = tpu.memref_slice %arg3[%dma_wait3A_352, %dma_wait3A_353] : memref<320000x64xi32, #tpu.memory_space<hbm>> -> memref<64x64xi32, #tpu.memory_space<hbm>>
      %dma_wait3A_355 = arith.constant 0 : i32
      %dma_wait3A_356 = arith.constant 0 : i32
      %dma_wait3A_357 = tpu.memref_slice %arg13[%dma_wait3A_347, %dma_wait3A_355, %dma_wait3A_356] : memref<2x64x64xi32, #tpu.memory_space<vmem>> -> memref<1x64x64xi32, #tpu.memory_space<vmem>>
      %dma_wait3A_358 = tpu.memref_squeeze %dma_wait3A_357 : memref<1x64x64xi32, #tpu.memory_space<vmem>> -> memref<64x64xi32, #tpu.memory_space<vmem>>
      %dma_wait3A_359 = arith.constant 0 : i32
      %dma_wait3A_360 = arith.constant 0 : i32
      %dma_wait3A_361 = tpu.memref_slice %arg3[%dma_wait3A_359, %dma_wait3A_360] : memref<320000x64xi32, #tpu.memory_space<hbm>> -> memref<64x64xi32, #tpu.memory_space<hbm>>
      tpu.wait_dma2 semaphore(%arg19 : memref<!tpu.dma_semaphore, #tpu.memory_space<semaphore_mem>>) src(%dma_wait3A_361 : memref<64x64xi32, #tpu.memory_space<hbm>>) dst(%dma_wait3A_358 : memref<64x64xi32, #tpu.memory_space<vmem>>)
      %get3A_362 = arith.constant 128 : index
      %get3A_363 = tpu.vector_load %arg6[%get3A_362] {strides = array<i32>} : memref<192xi32, #tpu.memory_space<vmem>>, vector<16xi32>,
      %swap3A_364 = arith.constant 0 : i32
      %swap3A_365 = arith.index_cast %swap3A_364 : i32 to index
      %swap3A_366 = arith.constant 0 : index
      %swap3A_367 = tpu.vector_load %arg11[%swap3A_365, %swap3A_366] {strides = array<i32>} : memref<2x64xi32, #tpu.memory_space<vmem>>, vector<16xi32>,
      tpu.vector_store %arg11[%swap3A_365, %swap3A_366], %get3A_363 {strides = array<i32>} : memref<2x64xi32, #tpu.memory_space<vmem>>, vector<16xi32>,
      %get3A_368 = arith.constant 144 : index
      %get3A_369 = tpu.vector_load %arg6[%get3A_368] {strides = array<i32>} : memref<192xi32, #tpu.memory_space<vmem>>, vector<16xi32>,
      %swap3A_370 = arith.constant 0 : i32
      %swap3A_371 = arith.index_cast %swap3A_370 : i32 to index
      %swap3A_372 = arith.constant 16 : index
      %swap3A_373 = tpu.vector_load %arg11[%swap3A_371, %swap3A_372] {strides = array<i32>} : memref<2x64xi32, #tpu.memory_space<vmem>>, vector<16xi32>,
      tpu.vector_store %arg11[%swap3A_371, %swap3A_372], %get3A_369 {strides = array<i32>} : memref<2x64xi32, #tpu.memory_space<vmem>>, vector<16xi32>,
      %get3A_374 = arith.constant 160 : index
      %get3A_375 = tpu.vector_load %arg6[%get3A_374] {strides = array<i32>} : memref<192xi32, #tpu.memory_space<vmem>>, vector<16xi32>,
      %swap3A_376 = arith.constant 0 : i32
      %swap3A_377 = arith.index_cast %swap3A_376 : i32 to index
      %swap3A_378 = arith.constant 32 : index
      %swap3A_379 = tpu.vector_load %arg11[%swap3A_377, %swap3A_378] {strides = array<i32>} : memref<2x64xi32, #tpu.memory_space<vmem>>, vector<16xi32>,
      tpu.vector_store %arg11[%swap3A_377, %swap3A_378], %get3A_375 {strides = array<i32>} : memref<2x64xi32, #tpu.memory_space<vmem>>, vector<16xi32>,
      %get3A_380 = arith.constant 176 : index
      %get3A_381 = tpu.vector_load %arg6[%get3A_380] {strides = array<i32>} : memref<192xi32, #tpu.memory_space<vmem>>, vector<16xi32>,
      %swap3A_382 = arith.constant 0 : i32
      %swap3A_383 = arith.index_cast %swap3A_382 : i32 to index
      %swap3A_384 = arith.constant 48 : index
      %swap3A_385 = tpu.vector_load %arg11[%swap3A_383, %swap3A_384] {strides = array<i32>} : memref<2x64xi32, #tpu.memory_space<vmem>>, vector<16xi32>,
      tpu.vector_store %arg11[%swap3A_383, %swap3A_384], %get3A_381 {strides = array<i32>} : memref<2x64xi32, #tpu.memory_space<vmem>>, vector<16xi32>,
      %add3A_386 = arith.constant 1 : i32
      %add3A_387 = arith.addi %add3A_331, %add3A_386 : i32
      %add3A_388 = arith.addi %mul3A_57, %add3A_387 : i32
      %mul3A_389 = arith.constant 64 : i32
      %mul3A_390 = arith.muli %add3A_388, %mul3A_389 : i32
      %multiple_of3A_391 = tpu.assume_multiple %mul3A_390, 64 : i32
      %dma_start3A_392 = arith.constant 0 : i32
      %dma_start3A_393 = arith.constant 0 : i32
      %dma_start3A_394 = arith.constant 0 : i32
      %dma_start3A_395 = arith.constant 0 : i32
      %dma_start3A_396 = tpu.memref_slice %arg12[%dma_start3A_393, %dma_start3A_394, %dma_start3A_395] : memref<2x64x128xf32, #tpu.memory_space<vmem>> -> memref<1x64x128xf32, #tpu.memory_space<vmem>>
      %dma_start3A_397 = tpu.memref_squeeze %dma_start3A_396 : memref<1x64x128xf32, #tpu.memory_space<vmem>> -> memref<64x128xf32, #tpu.memory_space<vmem>>
      %dma_start3A_398 = arith.constant 0 : i32
      %dma_start3A_399 = tpu.memref_slice %arg11[%dma_start3A_392, %dma_start3A_398] : memref<2x64xi32, #tpu.memory_space<vmem>> -> memref<1x64xi32, #tpu.memory_space<vmem>>
      %dma_start3A_400 = tpu.memref_squeeze %dma_start3A_399 : memref<1x64xi32, #tpu.memory_space<vmem>> -> memref<64xi32, #tpu.memory_space<vmem>>
      %dma_start3A_401 = arith.constant 0 : i32
      %dma_start3A_402 = arith.constant 0 : i32
      %dma_start3A_403 = tpu.memref_slice %arg2[%dma_start3A_401, %dma_start3A_402] : memref<10000x128xf32, #tpu.memory_space<hbm>> -> memref<10000x128xf32, #tpu.memory_space<hbm>>
      tpu.enqueue_indirect_dma source(%dma_start3A_403 : memref<10000x128xf32, #tpu.memory_space<hbm>>) target(%dma_start3A_397 : memref<64x128xf32, #tpu.memory_space<vmem>>) offsets(%dma_start3A_400 : memref<64xi32, #tpu.memory_space<vmem>>) semaphore(%arg16 : memref<!tpu.dma_semaphore, #tpu.memory_space<semaphore_mem>>)
      %dma_start3A_404 = arith.constant 0 : i32
      %dma_start3A_405 = arith.constant 0 : i32
      %dma_start3A_406 = arith.constant 0 : i32
      %dma_start3A_407 = tpu.memref_slice %arg13[%dma_start3A_404, %dma_start3A_405, %dma_start3A_406] : memref<2x64x64xi32, #tpu.memory_space<vmem>> -> memref<1x64x64xi32, #tpu.memory_space<vmem>>
      %dma_start3A_408 = tpu.memref_squeeze %dma_start3A_407 : memref<1x64x64xi32, #tpu.memory_space<vmem>> -> memref<64x64xi32, #tpu.memory_space<vmem>>
      %dma_start3A_409 = arith.constant 0 : i32
      %dma_start3A_410 = tpu.memref_slice %arg3[%multiple_of3A_391, %dma_start3A_409] : memref<320000x64xi32, #tpu.memory_space<hbm>> -> memref<64x64xi32, #tpu.memory_space<hbm>>
      %dma_start3A_411 = arith.constant 0 : i32
      %dma_start3A_412 = arith.constant 0 : i32
      %dma_start3A_413 = tpu.memref_slice %arg13[%dma_start3A_404, %dma_start3A_411, %dma_start3A_412] : memref<2x64x64xi32, #tpu.memory_space<vmem>> -> memref<1x64x64xi32, #tpu.memory_space<vmem>>
      %dma_start3A_414 = tpu.memref_squeeze %dma_start3A_413 : memref<1x64x64xi32, #tpu.memory_space<vmem>> -> memref<64x64xi32, #tpu.memory_space<vmem>>
      %dma_start3A_415 = arith.constant 0 : i32
      %dma_start3A_416 = tpu.memref_slice %arg3[%multiple_of3A_391, %dma_start3A_415] : memref<320000x64xi32, #tpu.memory_space<hbm>> -> memref<64x64xi32, #tpu.memory_space<hbm>>
      tpu.enqueue_dma source(%dma_start3A_416 : memref<64x64xi32, #tpu.memory_space<hbm>>) target(%dma_start3A_414 : memref<64x64xi32, #tpu.memory_space<vmem>>) target_semaphore(%arg18 : memref<!tpu.dma_semaphore, #tpu.memory_space<semaphore_mem>>)
      %ge3A_417 = arith.constant 2 : i32
      %ge3A_418 = arith.cmpi sge, %add3A_331, %ge3A_417 : i32
      %convert_element_type3A_419 = arith.extui %ge3A_418 : i1 to i32
      %cond3A_420 = arith.constant 0 : i32
      %cond3A_421 = arith.cmpi ne, %convert_element_type3A_419, %cond3A_420 : i32
      scf.if %cond3A_421 {
        %dma_wait3A_983 = arith.constant 0 : i32
        %dma_wait3A_984 = arith.constant 1 : i32
        %dma_wait3A_985 = arith.constant 0 : i32
        %dma_wait3A_986 = arith.constant 0 : i32
        %dma_wait3A_987 = tpu.memref_slice %arg14[%dma_wait3A_984, %dma_wait3A_985, %dma_wait3A_986] : memref<2x64x128xf32, #tpu.memory_space<vmem>> -> memref<1x64x128xf32, #tpu.memory_space<vmem>>
        %dma_wait3A_988 = tpu.memref_squeeze %dma_wait3A_987 : memref<1x64x128xf32, #tpu.memory_space<vmem>> -> memref<64x128xf32, #tpu.memory_space<vmem>>
        %dma_wait3A_989 = arith.constant 0 : i32
        %dma_wait3A_990 = arith.constant 0 : i32
        %dma_wait3A_991 = tpu.memref_slice %arg5[%dma_wait3A_983, %dma_wait3A_989, %dma_wait3A_990] : memref<2x10000x128xf32, #tpu.memory_space<hbm>> -> memref<1x64x128xf32, #tpu.memory_space<hbm>>
        %dma_wait3A_992 = tpu.memref_squeeze %dma_wait3A_991 : memref<1x64x128xf32, #tpu.memory_space<hbm>> -> memref<64x128xf32, #tpu.memory_space<hbm>>
        %dma_wait3A_993 = arith.constant 0 : i32
        %dma_wait3A_994 = arith.constant 0 : i32
        %dma_wait3A_995 = tpu.memref_slice %arg14[%dma_wait3A_984, %dma_wait3A_993, %dma_wait3A_994] : memref<2x64x128xf32, #tpu.memory_space<vmem>> -> memref<1x64x128xf32, #tpu.memory_space<vmem>>
        %dma_wait3A_996 = tpu.memref_squeeze %dma_wait3A_995 : memref<1x64x128xf32, #tpu.memory_space<vmem>> -> memref<64x128xf32, #tpu.memory_space<vmem>>
        %dma_wait3A_997 = arith.constant 0 : i32
        %dma_wait3A_998 = arith.constant 0 : i32
        %dma_wait3A_999 = tpu.memref_slice %arg5[%dma_wait3A_983, %dma_wait3A_997, %dma_wait3A_998] : memref<2x10000x128xf32, #tpu.memory_space<hbm>> -> memref<1x64x128xf32, #tpu.memory_space<hbm>>
        %dma_wait3A_1000 = tpu.memref_squeeze %dma_wait3A_999 : memref<1x64x128xf32, #tpu.memory_space<hbm>> -> memref<64x128xf32, #tpu.memory_space<hbm>>
        tpu.wait_dma2 semaphore(%arg21 : memref<!tpu.dma_semaphore, #tpu.memory_space<semaphore_mem>>) src(%dma_wait3A_1000 : memref<64x128xf32, #tpu.memory_space<hbm>>) dst(%dma_wait3A_996 : memref<64x128xf32, #tpu.memory_space<vmem>>)
      } else {
      }
      %broadcast_in_dim3A_422 = arith.constant -65536 : i32
      %broadcast_in_dim3A_423 = vector.broadcast %broadcast_in_dim3A_422 : i32 to vector<16xi32>
      %scan3A_424 = arith.constant 0 : i32
      %scan3A_425 = arith.constant 0 : i32
      %scan3A_426 = arith.constant 64 : i32
      %scan3A_427 = arith.addi %scan3A_425, %scan3A_426 : i32
      %scan3A_428 = arith.constant 1 : i32
      scf.for %scan3A_983 = %scan3A_425 to %scan3A_427 step %scan3A_428  : i32 {
        %get3A_984 = arith.constant 1 : i32
        %get3A_985 = arith.index_cast %get3A_984 : i32 to index
        %get3A_986 = arith.index_cast %scan3A_983 : i32 to index
        %get3A_987 = arith.constant 0 : index
        %get3A_988 = tpu.vector_load %arg13[%get3A_985, %get3A_986, %get3A_987] {strides = array<i32>} : memref<2x64x64xi32, #tpu.memory_space<vmem>>, vector<16xi32>,
        %shift_left3A = arith.constant 16 : i32
        %shift_left3A_989 = vector.broadcast %shift_left3A : i32 to vector<16xi32>
        %shift_left3A_990 = arith.shli %get3A_988, %shift_left3A_989 : vector<16xi32>
        %bitcast3A = vector.bitcast %shift_left3A_990 : vector<16xi32> to vector<16xf32>
        %and3A = arith.andi %get3A_988, %broadcast_in_dim3A_423 : vector<16xi32>
        %bitcast3A_991 = vector.bitcast %and3A : vector<16xi32> to vector<16xf32>
        %get3A_992 = arith.constant 1 : i32
        %get3A_993 = arith.index_cast %get3A_992 : i32 to index
        %get3A_994 = arith.index_cast %scan3A_983 : i32 to index
        %get3A_995 = arith.constant 0 : index
        %get3A_996 = tpu.vector_load %arg12[%get3A_993, %get3A_994, %get3A_995] {strides = array<i32>} : memref<2x64x128xf32, #tpu.memory_space<vmem>>, vector<16xf32>,
        %get3A_997 = arith.constant 1 : i32
        %get3A_998 = arith.index_cast %get3A_997 : i32 to index
        %get3A_999 = arith.index_cast %scan3A_983 : i32 to index
        %get3A_1000 = arith.constant 64 : index
        %get3A_1001 = tpu.vector_load %arg12[%get3A_998, %get3A_999, %get3A_1000] {strides = array<i32>} : memref<2x64x128xf32, #tpu.memory_space<vmem>>, vector<16xf32>,
        %mul3A_1002 = arith.mulf %bitcast3A, %get3A_996 : vector<16xf32>
        %swap3A_1003 = arith.constant 1 : i32
        %swap3A_1004 = arith.index_cast %swap3A_1003 : i32 to index
        %swap3A_1005 = arith.index_cast %scan3A_983 : i32 to index
        %swap3A_1006 = arith.constant 0 : index
        %swap3A_1007 = tpu.vector_load %arg14[%swap3A_1004, %swap3A_1005, %swap3A_1006] {strides = array<i32>} : memref<2x64x128xf32, #tpu.memory_space<vmem>>, vector<16xf32>,
        tpu.vector_store %arg14[%swap3A_1004, %swap3A_1005, %swap3A_1006], %mul3A_1002 {strides = array<i32>} : memref<2x64x128xf32, #tpu.memory_space<vmem>>, vector<16xf32>,
        %mul3A_1008 = arith.mulf %bitcast3A_991, %get3A_1001 : vector<16xf32>
        %swap3A_1009 = arith.constant 1 : i32
        %swap3A_1010 = arith.index_cast %swap3A_1009 : i32 to index
        %swap3A_1011 = arith.index_cast %scan3A_983 : i32 to index
        %swap3A_1012 = arith.constant 64 : index
        %swap3A_1013 = tpu.vector_load %arg14[%swap3A_1010, %swap3A_1011, %swap3A_1012] {strides = array<i32>} : memref<2x64x128xf32, #tpu.memory_space<vmem>>, vector<16xf32>,
        tpu.vector_store %arg14[%swap3A_1010, %swap3A_1011, %swap3A_1012], %mul3A_1008 {strides = array<i32>} : memref<2x64x128xf32, #tpu.memory_space<vmem>>, vector<16xf32>,
        %get3A_1014 = arith.constant 1 : i32
        %get3A_1015 = arith.index_cast %get3A_1014 : i32 to index
        %get3A_1016 = arith.index_cast %scan3A_983 : i32 to index
        %get3A_1017 = arith.constant 16 : index
        %get3A_1018 = tpu.vector_load %arg13[%get3A_1015, %get3A_1016, %get3A_1017] {strides = array<i32>} : memref<2x64x64xi32, #tpu.memory_space<vmem>>, vector<16xi32>,
        %shift_left3A_1019 = arith.constant 16 : i32
        %shift_left3A_1020 = vector.broadcast %shift_left3A_1019 : i32 to vector<16xi32>
        %shift_left3A_1021 = arith.shli %get3A_1018, %shift_left3A_1020 : vector<16xi32>
        %bitcast3A_1022 = vector.bitcast %shift_left3A_1021 : vector<16xi32> to vector<16xf32>
        %and3A_1023 = arith.andi %get3A_1018, %broadcast_in_dim3A_423 : vector<16xi32>
        %bitcast3A_1024 = vector.bitcast %and3A_1023 : vector<16xi32> to vector<16xf32>
        %get3A_1025 = arith.constant 1 : i32
        %get3A_1026 = arith.index_cast %get3A_1025 : i32 to index
        %get3A_1027 = arith.index_cast %scan3A_983 : i32 to index
        %get3A_1028 = arith.constant 16 : index
        %get3A_1029 = tpu.vector_load %arg12[%get3A_1026, %get3A_1027, %get3A_1028] {strides = array<i32>} : memref<2x64x128xf32, #tpu.memory_space<vmem>>, vector<16xf32>,
        %get3A_1030 = arith.constant 1 : i32
        %get3A_1031 = arith.index_cast %get3A_1030 : i32 to index
        %get3A_1032 = arith.index_cast %scan3A_983 : i32 to index
        %get3A_1033 = arith.constant 80 : index
        %get3A_1034 = tpu.vector_load %arg12[%get3A_1031, %get3A_1032, %get3A_1033] {strides = array<i32>} : memref<2x64x128xf32, #tpu.memory_space<vmem>>, vector<16xf32>,
        %mul3A_1035 = arith.mulf %bitcast3A_1022, %get3A_1029 : vector<16xf32>
        %swap3A_1036 = arith.constant 1 : i32
        %swap3A_1037 = arith.index_cast %swap3A_1036 : i32 to index
        %swap3A_1038 = arith.index_cast %scan3A_983 : i32 to index
        %swap3A_1039 = arith.constant 16 : index
        %swap3A_1040 = tpu.vector_load %arg14[%swap3A_1037, %swap3A_1038, %swap3A_1039] {strides = array<i32>} : memref<2x64x128xf32, #tpu.memory_space<vmem>>, vector<16xf32>,
        tpu.vector_store %arg14[%swap3A_1037, %swap3A_1038, %swap3A_1039], %mul3A_1035 {strides = array<i32>} : memref<2x64x128xf32, #tpu.memory_space<vmem>>, vector<16xf32>,
        %mul3A_1041 = arith.mulf %bitcast3A_1024, %get3A_1034 : vector<16xf32>
        %swap3A_1042 = arith.constant 1 : i32
        %swap3A_1043 = arith.index_cast %swap3A_1042 : i32 to index
        %swap3A_1044 = arith.index_cast %scan3A_983 : i32 to index
        %swap3A_1045 = arith.constant 80 : index
        %swap3A_1046 = tpu.vector_load %arg14[%swap3A_1043, %swap3A_1044, %swap3A_1045] {strides = array<i32>} : memref<2x64x128xf32, #tpu.memory_space<vmem>>, vector<16xf32>,
        tpu.vector_store %arg14[%swap3A_1043, %swap3A_1044, %swap3A_1045], %mul3A_1041 {strides = array<i32>} : memref<2x64x128xf32, #tpu.memory_space<vmem>>, vector<16xf32>,
        %get3A_1047 = arith.constant 1 : i32
        %get3A_1048 = arith.index_cast %get3A_1047 : i32 to index
        %get3A_1049 = arith.index_cast %scan3A_983 : i32 to index
        %get3A_1050 = arith.constant 32 : index
        %get3A_1051 = tpu.vector_load %arg13[%get3A_1048, %get3A_1049, %get3A_1050] {strides = array<i32>} : memref<2x64x64xi32, #tpu.memory_space<vmem>>, vector<16xi32>,
        %shift_left3A_1052 = arith.constant 16 : i32
        %shift_left3A_1053 = vector.broadcast %shift_left3A_1052 : i32 to vector<16xi32>
        %shift_left3A_1054 = arith.shli %get3A_1051, %shift_left3A_1053 : vector<16xi32>
        %bitcast3A_1055 = vector.bitcast %shift_left3A_1054 : vector<16xi32> to vector<16xf32>
        %and3A_1056 = arith.andi %get3A_1051, %broadcast_in_dim3A_423 : vector<16xi32>
        %bitcast3A_1057 = vector.bitcast %and3A_1056 : vector<16xi32> to vector<16xf32>
        %get3A_1058 = arith.constant 1 : i32
        %get3A_1059 = arith.index_cast %get3A_1058 : i32 to index
        %get3A_1060 = arith.index_cast %scan3A_983 : i32 to index
        %get3A_1061 = arith.constant 32 : index
        %get3A_1062 = tpu.vector_load %arg12[%get3A_1059, %get3A_1060, %get3A_1061] {strides = array<i32>} : memref<2x64x128xf32, #tpu.memory_space<vmem>>, vector<16xf32>,
        %get3A_1063 = arith.constant 1 : i32
        %get3A_1064 = arith.index_cast %get3A_1063 : i32 to index
        %get3A_1065 = arith.index_cast %scan3A_983 : i32 to index
        %get3A_1066 = arith.constant 96 : index
        %get3A_1067 = tpu.vector_load %arg12[%get3A_1064, %get3A_1065, %get3A_1066] {strides = array<i32>} : memref<2x64x128xf32, #tpu.memory_space<vmem>>, vector<16xf32>,
        %mul3A_1068 = arith.mulf %bitcast3A_1055, %get3A_1062 : vector<16xf32>
        %swap3A_1069 = arith.constant 1 : i32
        %swap3A_1070 = arith.index_cast %swap3A_1069 : i32 to index
        %swap3A_1071 = arith.index_cast %scan3A_983 : i32 to index
        %swap3A_1072 = arith.constant 32 : index
        %swap3A_1073 = tpu.vector_load %arg14[%swap3A_1070, %swap3A_1071, %swap3A_1072] {strides = array<i32>} : memref<2x64x128xf32, #tpu.memory_space<vmem>>, vector<16xf32>,
        tpu.vector_store %arg14[%swap3A_1070, %swap3A_1071, %swap3A_1072], %mul3A_1068 {strides = array<i32>} : memref<2x64x128xf32, #tpu.memory_space<vmem>>, vector<16xf32>,
        %mul3A_1074 = arith.mulf %bitcast3A_1057, %get3A_1067 : vector<16xf32>
        %swap3A_1075 = arith.constant 1 : i32
        %swap3A_1076 = arith.index_cast %swap3A_1075 : i32 to index
        %swap3A_1077 = arith.index_cast %scan3A_983 : i32 to index
        %swap3A_1078 = arith.constant 96 : index
        %swap3A_1079 = tpu.vector_load %arg14[%swap3A_1076, %swap3A_1077, %swap3A_1078] {strides = array<i32>} : memref<2x64x128xf32, #tpu.memory_space<vmem>>, vector<16xf32>,
        tpu.vector_store %arg14[%swap3A_1076, %swap3A_1077, %swap3A_1078], %mul3A_1074 {strides = array<i32>} : memref<2x64x128xf32, #tpu.memory_space<vmem>>, vector<16xf32>,
        %get3A_1080 = arith.constant 1 : i32
        %get3A_1081 = arith.index_cast %get3A_1080 : i32 to index
        %get3A_1082 = arith.index_cast %scan3A_983 : i32 to index
        %get3A_1083 = arith.constant 48 : index
        %get3A_1084 = tpu.vector_load %arg13[%get3A_1081, %get3A_1082, %get3A_1083] {strides = array<i32>} : memref<2x64x64xi32, #tpu.memory_space<vmem>>, vector<16xi32>,
        %shift_left3A_1085 = arith.constant 16 : i32
        %shift_left3A_1086 = vector.broadcast %shift_left3A_1085 : i32 to vector<16xi32>
        %shift_left3A_1087 = arith.shli %get3A_1084, %shift_left3A_1086 : vector<16xi32>
        %bitcast3A_1088 = vector.bitcast %shift_left3A_1087 : vector<16xi32> to vector<16xf32>
        %and3A_1089 = arith.andi %get3A_1084, %broadcast_in_dim3A_423 : vector<16xi32>
        %bitcast3A_1090 = vector.bitcast %and3A_1089 : vector<16xi32> to vector<16xf32>
        %get3A_1091 = arith.constant 1 : i32
        %get3A_1092 = arith.index_cast %get3A_1091 : i32 to index
        %get3A_1093 = arith.index_cast %scan3A_983 : i32 to index
        %get3A_1094 = arith.constant 48 : index
        %get3A_1095 = tpu.vector_load %arg12[%get3A_1092, %get3A_1093, %get3A_1094] {strides = array<i32>} : memref<2x64x128xf32, #tpu.memory_space<vmem>>, vector<16xf32>,
        %get3A_1096 = arith.constant 1 : i32
        %get3A_1097 = arith.index_cast %get3A_1096 : i32 to index
        %get3A_1098 = arith.index_cast %scan3A_983 : i32 to index
        %get3A_1099 = arith.constant 112 : index
        %get3A_1100 = tpu.vector_load %arg12[%get3A_1097, %get3A_1098, %get3A_1099] {strides = array<i32>} : memref<2x64x128xf32, #tpu.memory_space<vmem>>, vector<16xf32>,
        %mul3A_1101 = arith.mulf %bitcast3A_1088, %get3A_1095 : vector<16xf32>
        %swap3A_1102 = arith.constant 1 : i32
        %swap3A_1103 = arith.index_cast %swap3A_1102 : i32 to index
        %swap3A_1104 = arith.index_cast %scan3A_983 : i32 to index
        %swap3A_1105 = arith.constant 48 : index
        %swap3A_1106 = tpu.vector_load %arg14[%swap3A_1103, %swap3A_1104, %swap3A_1105] {strides = array<i32>} : memref<2x64x128xf32, #tpu.memory_space<vmem>>, vector<16xf32>,
        tpu.vector_store %arg14[%swap3A_1103, %swap3A_1104, %swap3A_1105], %mul3A_1101 {strides = array<i32>} : memref<2x64x128xf32, #tpu.memory_space<vmem>>, vector<16xf32>,
        %mul3A_1107 = arith.mulf %bitcast3A_1090, %get3A_1100 : vector<16xf32>
        %swap3A_1108 = arith.constant 1 : i32
        %swap3A_1109 = arith.index_cast %swap3A_1108 : i32 to index
        %swap3A_1110 = arith.index_cast %scan3A_983 : i32 to index
        %swap3A_1111 = arith.constant 112 : index
        %swap3A_1112 = tpu.vector_load %arg14[%swap3A_1109, %swap3A_1110, %swap3A_1111] {strides = array<i32>} : memref<2x64x128xf32, #tpu.memory_space<vmem>>, vector<16xf32>,
        tpu.vector_store %arg14[%swap3A_1109, %swap3A_1110, %swap3A_1111], %mul3A_1107 {strides = array<i32>} : memref<2x64x128xf32, #tpu.memory_space<vmem>>, vector<16xf32>,
      }
      %scan3A_429 = arith.constant 64 : i32
      %get3A_430 = arith.constant 64 : index
      %get3A_431 = tpu.vector_load %arg8[%get3A_430] {strides = array<i32>} : memref<192xi32, #tpu.memory_space<vmem>>, vector<16xi32>,
      %swap3A_432 = arith.constant 1 : i32
      %swap3A_433 = arith.index_cast %swap3A_432 : i32 to index
      %swap3A_434 = arith.constant 0 : index
      %swap3A_435 = tpu.vector_load %arg10[%swap3A_433, %swap3A_434] {strides = array<i32>} : memref<2x64xi32, #tpu.memory_space<vmem>>, vector<16xi32>,
      tpu.vector_store %arg10[%swap3A_433, %swap3A_434], %get3A_431 {strides = array<i32>} : memref<2x64xi32, #tpu.memory_space<vmem>>, vector<16xi32>,
      %get3A_436 = arith.constant 80 : index
      %get3A_437 = tpu.vector_load %arg8[%get3A_436] {strides = array<i32>} : memref<192xi32, #tpu.memory_space<vmem>>, vector<16xi32>,
      %swap3A_438 = arith.constant 1 : i32
      %swap3A_439 = arith.index_cast %swap3A_438 : i32 to index
      %swap3A_440 = arith.constant 16 : index
      %swap3A_441 = tpu.vector_load %arg10[%swap3A_439, %swap3A_440] {strides = array<i32>} : memref<2x64xi32, #tpu.memory_space<vmem>>, vector<16xi32>,
      tpu.vector_store %arg10[%swap3A_439, %swap3A_440], %get3A_437 {strides = array<i32>} : memref<2x64xi32, #tpu.memory_space<vmem>>, vector<16xi32>,
      %get3A_442 = arith.constant 96 : index
      %get3A_443 = tpu.vector_load %arg8[%get3A_442] {strides = array<i32>} : memref<192xi32, #tpu.memory_space<vmem>>, vector<16xi32>,
      %swap3A_444 = arith.constant 1 : i32
      %swap3A_445 = arith.index_cast %swap3A_444 : i32 to index
      %swap3A_446 = arith.constant 32 : index
      %swap3A_447 = tpu.vector_load %arg10[%swap3A_445, %swap3A_446] {strides = array<i32>} : memref<2x64xi32, #tpu.memory_space<vmem>>, vector<16xi32>,
      tpu.vector_store %arg10[%swap3A_445, %swap3A_446], %get3A_443 {strides = array<i32>} : memref<2x64xi32, #tpu.memory_space<vmem>>, vector<16xi32>,
      %get3A_448 = arith.constant 112 : index
      %get3A_449 = tpu.vector_load %arg8[%get3A_448] {strides = array<i32>} : memref<192xi32, #tpu.memory_space<vmem>>, vector<16xi32>,
      %swap3A_450 = arith.constant 1 : i32
      %swap3A_451 = arith.index_cast %swap3A_450 : i32 to index
      %swap3A_452 = arith.constant 48 : index
      %swap3A_453 = tpu.vector_load %arg10[%swap3A_451, %swap3A_452] {strides = array<i32>} : memref<2x64xi32, #tpu.memory_space<vmem>>, vector<16xi32>,
      tpu.vector_store %arg10[%swap3A_451, %swap3A_452], %get3A_449 {strides = array<i32>} : memref<2x64xi32, #tpu.memory_space<vmem>>, vector<16xi32>,
      %dma_start3A_454 = arith.constant 1 : i32
      %dma_start3A_455 = arith.constant 1 : i32
      %dma_start3A_456 = arith.constant 0 : i32
      %dma_start3A_457 = arith.constant 0 : i32
      %dma_start3A_458 = tpu.memref_slice %arg14[%dma_start3A_454, %dma_start3A_456, %dma_start3A_457] : memref<2x64x128xf32, #tpu.memory_space<vmem>> -> memref<1x64x128xf32, #tpu.memory_space<vmem>>
      %dma_start3A_459 = tpu.memref_squeeze %dma_start3A_458 : memref<1x64x128xf32, #tpu.memory_space<vmem>> -> memref<64x128xf32, #tpu.memory_space<vmem>>
      %dma_start3A_460 = arith.constant 0 : i32
      %dma_start3A_461 = tpu.memref_slice %arg10[%dma_start3A_455, %dma_start3A_460] : memref<2x64xi32, #tpu.memory_space<vmem>> -> memref<1x64xi32, #tpu.memory_space<vmem>>
      %dma_start3A_462 = tpu.memref_squeeze %dma_start3A_461 : memref<1x64xi32, #tpu.memory_space<vmem>> -> memref<64xi32, #tpu.memory_space<vmem>>
      %dma_start3A_463 = arith.constant 0 : i32
      %dma_start3A_464 = arith.constant 0 : i32
      %dma_start3A_465 = tpu.memref_slice %arg15[%dma_start3A_463, %dma_start3A_464] : memref<10000x128xf32, #tpu.memory_space<vmem_shared>> -> memref<10000x128xf32, #tpu.memory_space<vmem_shared>>
      tpu.enqueue_indirect_dma source(%dma_start3A_459 : memref<64x128xf32, #tpu.memory_space<vmem>>) target(%dma_start3A_465 : memref<10000x128xf32, #tpu.memory_space<vmem_shared>>) offsets(%dma_start3A_462 : memref<64xi32, #tpu.memory_space<vmem>>) semaphore(%arg21 : memref<!tpu.dma_semaphore, #tpu.memory_space<semaphore_mem>>) {add = true}
      %mul3A_466 = arith.constant 3 : i32
      %mul3A_467 = arith.muli %add3A_177, %mul3A_466 : i32
      %add3A_468 = arith.constant 2 : i32
      %add3A_469 = arith.addi %mul3A_467, %add3A_468 : i32
      %dma_wait3A_470 = arith.constant 0 : i32
      %dma_wait3A_471 = arith.constant 0 : i32
      %dma_wait3A_472 = arith.constant 0 : i32
      %dma_wait3A_473 = tpu.memref_slice %arg12[%dma_wait3A_470, %dma_wait3A_471, %dma_wait3A_472] : memref<2x64x128xf32, #tpu.memory_space<vmem>> -> memref<1x64x128xf32, #tpu.memory_space<vmem>>
      %dma_wait3A_474 = tpu.memref_squeeze %dma_wait3A_473 : memref<1x64x128xf32, #tpu.memory_space<vmem>> -> memref<64x128xf32, #tpu.memory_space<vmem>>
      %dma_wait3A_475 = arith.constant 0 : i32
      %dma_wait3A_476 = arith.constant 0 : i32
      %dma_wait3A_477 = tpu.memref_slice %arg2[%dma_wait3A_475, %dma_wait3A_476] : memref<10000x128xf32, #tpu.memory_space<hbm>> -> memref<64x128xf32, #tpu.memory_space<hbm>>
      %dma_wait3A_478 = arith.constant 0 : i32
      %dma_wait3A_479 = arith.constant 0 : i32
      %dma_wait3A_480 = tpu.memref_slice %arg12[%dma_wait3A_470, %dma_wait3A_478, %dma_wait3A_479] : memref<2x64x128xf32, #tpu.memory_space<vmem>> -> memref<1x64x128xf32, #tpu.memory_space<vmem>>
      %dma_wait3A_481 = tpu.memref_squeeze %dma_wait3A_480 : memref<1x64x128xf32, #tpu.memory_space<vmem>> -> memref<64x128xf32, #tpu.memory_space<vmem>>
      %dma_wait3A_482 = arith.constant 0 : i32
      %dma_wait3A_483 = arith.constant 0 : i32
      %dma_wait3A_484 = tpu.memref_slice %arg2[%dma_wait3A_482, %dma_wait3A_483] : memref<10000x128xf32, #tpu.memory_space<hbm>> -> memref<64x128xf32, #tpu.memory_space<hbm>>
      tpu.wait_dma2 semaphore(%arg16 : memref<!tpu.dma_semaphore, #tpu.memory_space<semaphore_mem>>) src(%dma_wait3A_484 : memref<64x128xf32, #tpu.memory_space<hbm>>) dst(%dma_wait3A_481 : memref<64x128xf32, #tpu.memory_space<vmem>>)
      %dma_wait3A_485 = arith.constant 0 : i32
      %dma_wait3A_486 = arith.constant 0 : i32
      %dma_wait3A_487 = arith.constant 0 : i32
      %dma_wait3A_488 = tpu.memref_slice %arg13[%dma_wait3A_485, %dma_wait3A_486, %dma_wait3A_487] : memref<2x64x64xi32, #tpu.memory_space<vmem>> -> memref<1x64x64xi32, #tpu.memory_space<vmem>>
      %dma_wait3A_489 = tpu.memref_squeeze %dma_wait3A_488 : memref<1x64x64xi32, #tpu.memory_space<vmem>> -> memref<64x64xi32, #tpu.memory_space<vmem>>
      %dma_wait3A_490 = arith.constant 0 : i32
      %dma_wait3A_491 = arith.constant 0 : i32
      %dma_wait3A_492 = tpu.memref_slice %arg3[%dma_wait3A_490, %dma_wait3A_491] : memref<320000x64xi32, #tpu.memory_space<hbm>> -> memref<64x64xi32, #tpu.memory_space<hbm>>
      %dma_wait3A_493 = arith.constant 0 : i32
      %dma_wait3A_494 = arith.constant 0 : i32
      %dma_wait3A_495 = tpu.memref_slice %arg13[%dma_wait3A_485, %dma_wait3A_493, %dma_wait3A_494] : memref<2x64x64xi32, #tpu.memory_space<vmem>> -> memref<1x64x64xi32, #tpu.memory_space<vmem>>
      %dma_wait3A_496 = tpu.memref_squeeze %dma_wait3A_495 : memref<1x64x64xi32, #tpu.memory_space<vmem>> -> memref<64x64xi32, #tpu.memory_space<vmem>>
      %dma_wait3A_497 = arith.constant 0 : i32
      %dma_wait3A_498 = arith.constant 0 : i32
      %dma_wait3A_499 = tpu.memref_slice %arg3[%dma_wait3A_497, %dma_wait3A_498] : memref<320000x64xi32, #tpu.memory_space<hbm>> -> memref<64x64xi32, #tpu.memory_space<hbm>>
      tpu.wait_dma2 semaphore(%arg18 : memref<!tpu.dma_semaphore, #tpu.memory_space<semaphore_mem>>) src(%dma_wait3A_499 : memref<64x64xi32, #tpu.memory_space<hbm>>) dst(%dma_wait3A_496 : memref<64x64xi32, #tpu.memory_space<vmem>>)
      %dma_wait3A_500 = arith.constant 0 : i32
      %dma_wait3A_501 = tpu.memref_slice %arg4[%dma_wait3A_500] : memref<640000xi32, #tpu.memory_space<hbm>> -> memref<192xi32, #tpu.memory_space<hbm>>
      %dma_wait3A_502 = arith.constant 0 : i32
      %dma_wait3A_503 = tpu.memref_slice %arg4[%dma_wait3A_502] : memref<640000xi32, #tpu.memory_space<hbm>> -> memref<192xi32, #tpu.memory_space<hbm>>
      tpu.wait_dma2 semaphore(%arg23 : memref<!tpu.dma_semaphore, #tpu.memory_space<semaphore_mem>>) src(%dma_wait3A_503 : memref<192xi32, #tpu.memory_space<hbm>>) dst(%arg7 : memref<192xi32, #tpu.memory_space<vmem>>)
      %dma_wait3A_504 = arith.constant 0 : i32
      %dma_wait3A_505 = tpu.memref_slice %arg4[%dma_wait3A_504] : memref<640000xi32, #tpu.memory_space<hbm>> -> memref<192xi32, #tpu.memory_space<hbm>>
      %dma_wait3A_506 = arith.constant 0 : i32
      %dma_wait3A_507 = tpu.memref_slice %arg4[%dma_wait3A_506] : memref<640000xi32, #tpu.memory_space<hbm>> -> memref<192xi32, #tpu.memory_space<hbm>>
      tpu.wait_dma2 semaphore(%arg23 : memref<!tpu.dma_semaphore, #tpu.memory_space<semaphore_mem>>) src(%dma_wait3A_507 : memref<192xi32, #tpu.memory_space<hbm>>) dst(%arg9 : memref<192xi32, #tpu.memory_space<vmem>>)
      %get3A_508 = arith.constant 0 : index
      %get3A_509 = tpu.vector_load %arg7[%get3A_508] {strides = array<i32>} : memref<192xi32, #tpu.memory_space<vmem>>, vector<16xi32>,
      %swap3A_510 = arith.constant 1 : i32
      %swap3A_511 = arith.index_cast %swap3A_510 : i32 to index
      %swap3A_512 = arith.constant 0 : index
      %swap3A_513 = tpu.vector_load %arg11[%swap3A_511, %swap3A_512] {strides = array<i32>} : memref<2x64xi32, #tpu.memory_space<vmem>>, vector<16xi32>,
      tpu.vector_store %arg11[%swap3A_511, %swap3A_512], %get3A_509 {strides = array<i32>} : memref<2x64xi32, #tpu.memory_space<vmem>>, vector<16xi32>,
      %get3A_514 = arith.constant 16 : index
      %get3A_515 = tpu.vector_load %arg7[%get3A_514] {strides = array<i32>} : memref<192xi32, #tpu.memory_space<vmem>>, vector<16xi32>,
      %swap3A_516 = arith.constant 1 : i32
      %swap3A_517 = arith.index_cast %swap3A_516 : i32 to index
      %swap3A_518 = arith.constant 16 : index
      %swap3A_519 = tpu.vector_load %arg11[%swap3A_517, %swap3A_518] {strides = array<i32>} : memref<2x64xi32, #tpu.memory_space<vmem>>, vector<16xi32>,
      tpu.vector_store %arg11[%swap3A_517, %swap3A_518], %get3A_515 {strides = array<i32>} : memref<2x64xi32, #tpu.memory_space<vmem>>, vector<16xi32>,
      %get3A_520 = arith.constant 32 : index
      %get3A_521 = tpu.vector_load %arg7[%get3A_520] {strides = array<i32>} : memref<192xi32, #tpu.memory_space<vmem>>, vector<16xi32>,
      %swap3A_522 = arith.constant 1 : i32
      %swap3A_523 = arith.index_cast %swap3A_522 : i32 to index
      %swap3A_524 = arith.constant 32 : index
      %swap3A_525 = tpu.vector_load %arg11[%swap3A_523, %swap3A_524] {strides = array<i32>} : memref<2x64xi32, #tpu.memory_space<vmem>>, vector<16xi32>,
      tpu.vector_store %arg11[%swap3A_523, %swap3A_524], %get3A_521 {strides = array<i32>} : memref<2x64xi32, #tpu.memory_space<vmem>>, vector<16xi32>,
      %get3A_526 = arith.constant 48 : index
      %get3A_527 = tpu.vector_load %arg7[%get3A_526] {strides = array<i32>} : memref<192xi32, #tpu.memory_space<vmem>>, vector<16xi32>,
      %swap3A_528 = arith.constant 1 : i32
      %swap3A_529 = arith.index_cast %swap3A_528 : i32 to index
      %swap3A_530 = arith.constant 48 : index
      %swap3A_531 = tpu.vector_load %arg11[%swap3A_529, %swap3A_530] {strides = array<i32>} : memref<2x64xi32, #tpu.memory_space<vmem>>, vector<16xi32>,
      tpu.vector_store %arg11[%swap3A_529, %swap3A_530], %get3A_527 {strides = array<i32>} : memref<2x64xi32, #tpu.memory_space<vmem>>, vector<16xi32>,
      %add3A_532 = arith.constant 1 : i32
      %add3A_533 = arith.addi %add3A_469, %add3A_532 : i32
      %add3A_534 = arith.addi %mul3A_57, %add3A_533 : i32
      %mul3A_535 = arith.constant 64 : i32
      %mul3A_536 = arith.muli %add3A_534, %mul3A_535 : i32
      %multiple_of3A_537 = tpu.assume_multiple %mul3A_536, 64 : i32
      %dma_start3A_538 = arith.constant 1 : i32
      %dma_start3A_539 = arith.constant 1 : i32
      %dma_start3A_540 = arith.constant 0 : i32
      %dma_start3A_541 = arith.constant 0 : i32
      %dma_start3A_542 = tpu.memref_slice %arg12[%dma_start3A_539, %dma_start3A_540, %dma_start3A_541] : memref<2x64x128xf32, #tpu.memory_space<vmem>> -> memref<1x64x128xf32, #tpu.memory_space<vmem>>
      %dma_start3A_543 = tpu.memref_squeeze %dma_start3A_542 : memref<1x64x128xf32, #tpu.memory_space<vmem>> -> memref<64x128xf32, #tpu.memory_space<vmem>>
      %dma_start3A_544 = arith.constant 0 : i32
      %dma_start3A_545 = tpu.memref_slice %arg11[%dma_start3A_538, %dma_start3A_544] : memref<2x64xi32, #tpu.memory_space<vmem>> -> memref<1x64xi32, #tpu.memory_space<vmem>>
      %dma_start3A_546 = tpu.memref_squeeze %dma_start3A_545 : memref<1x64xi32, #tpu.memory_space<vmem>> -> memref<64xi32, #tpu.memory_space<vmem>>
      %dma_start3A_547 = arith.constant 0 : i32
      %dma_start3A_548 = arith.constant 0 : i32
      %dma_start3A_549 = tpu.memref_slice %arg2[%dma_start3A_547, %dma_start3A_548] : memref<10000x128xf32, #tpu.memory_space<hbm>> -> memref<10000x128xf32, #tpu.memory_space<hbm>>
      tpu.enqueue_indirect_dma source(%dma_start3A_549 : memref<10000x128xf32, #tpu.memory_space<hbm>>) target(%dma_start3A_543 : memref<64x128xf32, #tpu.memory_space<vmem>>) offsets(%dma_start3A_546 : memref<64xi32, #tpu.memory_space<vmem>>) semaphore(%arg17 : memref<!tpu.dma_semaphore, #tpu.memory_space<semaphore_mem>>)
      %dma_start3A_550 = arith.constant 1 : i32
      %dma_start3A_551 = arith.constant 0 : i32
      %dma_start3A_552 = arith.constant 0 : i32
      %dma_start3A_553 = tpu.memref_slice %arg13[%dma_start3A_550, %dma_start3A_551, %dma_start3A_552] : memref<2x64x64xi32, #tpu.memory_space<vmem>> -> memref<1x64x64xi32, #tpu.memory_space<vmem>>
      %dma_start3A_554 = tpu.memref_squeeze %dma_start3A_553 : memref<1x64x64xi32, #tpu.memory_space<vmem>> -> memref<64x64xi32, #tpu.memory_space<vmem>>
      %dma_start3A_555 = arith.constant 0 : i32
      %dma_start3A_556 = tpu.memref_slice %arg3[%multiple_of3A_537, %dma_start3A_555] : memref<320000x64xi32, #tpu.memory_space<hbm>> -> memref<64x64xi32, #tpu.memory_space<hbm>>
      %dma_start3A_557 = arith.constant 0 : i32
      %dma_start3A_558 = arith.constant 0 : i32
      %dma_start3A_559 = tpu.memref_slice %arg13[%dma_start3A_550, %dma_start3A_557, %dma_start3A_558] : memref<2x64x64xi32, #tpu.memory_space<vmem>> -> memref<1x64x64xi32, #tpu.memory_space<vmem>>
      %dma_start3A_560 = tpu.memref_squeeze %dma_start3A_559 : memref<1x64x64xi32, #tpu.memory_space<vmem>> -> memref<64x64xi32, #tpu.memory_space<vmem>>
      %dma_start3A_561 = arith.constant 0 : i32
      %dma_start3A_562 = tpu.memref_slice %arg3[%multiple_of3A_537, %dma_start3A_561] : memref<320000x64xi32, #tpu.memory_space<hbm>> -> memref<64x64xi32, #tpu.memory_space<hbm>>
      tpu.enqueue_dma source(%dma_start3A_562 : memref<64x64xi32, #tpu.memory_space<hbm>>) target(%dma_start3A_560 : memref<64x64xi32, #tpu.memory_space<vmem>>) target_semaphore(%arg19 : memref<!tpu.dma_semaphore, #tpu.memory_space<semaphore_mem>>)
      %ge3A_563 = arith.constant 2 : i32
      %ge3A_564 = arith.cmpi sge, %add3A_469, %ge3A_563 : i32
      %convert_element_type3A_565 = arith.extui %ge3A_564 : i1 to i32
      %cond3A_566 = arith.constant 0 : i32
      %cond3A_567 = arith.cmpi ne, %convert_element_type3A_565, %cond3A_566 : i32
      scf.if %cond3A_567 {
        %dma_wait3A_983 = arith.constant 0 : i32
        %dma_wait3A_984 = arith.constant 0 : i32
        %dma_wait3A_985 = arith.constant 0 : i32
        %dma_wait3A_986 = arith.constant 0 : i32
        %dma_wait3A_987 = tpu.memref_slice %arg14[%dma_wait3A_984, %dma_wait3A_985, %dma_wait3A_986] : memref<2x64x128xf32, #tpu.memory_space<vmem>> -> memref<1x64x128xf32, #tpu.memory_space<vmem>>
        %dma_wait3A_988 = tpu.memref_squeeze %dma_wait3A_987 : memref<1x64x128xf32, #tpu.memory_space<vmem>> -> memref<64x128xf32, #tpu.memory_space<vmem>>
        %dma_wait3A_989 = arith.constant 0 : i32
        %dma_wait3A_990 = arith.constant 0 : i32
        %dma_wait3A_991 = tpu.memref_slice %arg5[%dma_wait3A_983, %dma_wait3A_989, %dma_wait3A_990] : memref<2x10000x128xf32, #tpu.memory_space<hbm>> -> memref<1x64x128xf32, #tpu.memory_space<hbm>>
        %dma_wait3A_992 = tpu.memref_squeeze %dma_wait3A_991 : memref<1x64x128xf32, #tpu.memory_space<hbm>> -> memref<64x128xf32, #tpu.memory_space<hbm>>
        %dma_wait3A_993 = arith.constant 0 : i32
        %dma_wait3A_994 = arith.constant 0 : i32
        %dma_wait3A_995 = tpu.memref_slice %arg14[%dma_wait3A_984, %dma_wait3A_993, %dma_wait3A_994] : memref<2x64x128xf32, #tpu.memory_space<vmem>> -> memref<1x64x128xf32, #tpu.memory_space<vmem>>
        %dma_wait3A_996 = tpu.memref_squeeze %dma_wait3A_995 : memref<1x64x128xf32, #tpu.memory_space<vmem>> -> memref<64x128xf32, #tpu.memory_space<vmem>>
        %dma_wait3A_997 = arith.constant 0 : i32
        %dma_wait3A_998 = arith.constant 0 : i32
        %dma_wait3A_999 = tpu.memref_slice %arg5[%dma_wait3A_983, %dma_wait3A_997, %dma_wait3A_998] : memref<2x10000x128xf32, #tpu.memory_space<hbm>> -> memref<1x64x128xf32, #tpu.memory_space<hbm>>
        %dma_wait3A_1000 = tpu.memref_squeeze %dma_wait3A_999 : memref<1x64x128xf32, #tpu.memory_space<hbm>> -> memref<64x128xf32, #tpu.memory_space<hbm>>
        tpu.wait_dma2 semaphore(%arg20 : memref<!tpu.dma_semaphore, #tpu.memory_space<semaphore_mem>>) src(%dma_wait3A_1000 : memref<64x128xf32, #tpu.memory_space<hbm>>) dst(%dma_wait3A_996 : memref<64x128xf32, #tpu.memory_space<vmem>>)
      } else {
      }
      %broadcast_in_dim3A_568 = arith.constant -65536 : i32
      %broadcast_in_dim3A_569 = vector.broadcast %broadcast_in_dim3A_568 : i32 to vector<16xi32>
      %scan3A_570 = arith.constant 0 : i32
      %scan3A_571 = arith.constant 0 : i32
      %scan3A_572 = arith.constant 64 : i32
      %scan3A_573 = arith.addi %scan3A_571, %scan3A_572 : i32
      %scan3A_574 = arith.constant 1 : i32
      scf.for %scan3A_983 = %scan3A_571 to %scan3A_573 step %scan3A_574  : i32 {
        %get3A_984 = arith.constant 0 : i32
        %get3A_985 = arith.index_cast %get3A_984 : i32 to index
        %get3A_986 = arith.index_cast %scan3A_983 : i32 to index
        %get3A_987 = arith.constant 0 : index
        %get3A_988 = tpu.vector_load %arg13[%get3A_985, %get3A_986, %get3A_987] {strides = array<i32>} : memref<2x64x64xi32, #tpu.memory_space<vmem>>, vector<16xi32>,
        %shift_left3A = arith.constant 16 : i32
        %shift_left3A_989 = vector.broadcast %shift_left3A : i32 to vector<16xi32>
        %shift_left3A_990 = arith.shli %get3A_988, %shift_left3A_989 : vector<16xi32>
        %bitcast3A = vector.bitcast %shift_left3A_990 : vector<16xi32> to vector<16xf32>
        %and3A = arith.andi %get3A_988, %broadcast_in_dim3A_569 : vector<16xi32>
        %bitcast3A_991 = vector.bitcast %and3A : vector<16xi32> to vector<16xf32>
        %get3A_992 = arith.constant 0 : i32
        %get3A_993 = arith.index_cast %get3A_992 : i32 to index
        %get3A_994 = arith.index_cast %scan3A_983 : i32 to index
        %get3A_995 = arith.constant 0 : index
        %get3A_996 = tpu.vector_load %arg12[%get3A_993, %get3A_994, %get3A_995] {strides = array<i32>} : memref<2x64x128xf32, #tpu.memory_space<vmem>>, vector<16xf32>,
        %get3A_997 = arith.constant 0 : i32
        %get3A_998 = arith.index_cast %get3A_997 : i32 to index
        %get3A_999 = arith.index_cast %scan3A_983 : i32 to index
        %get3A_1000 = arith.constant 64 : index
        %get3A_1001 = tpu.vector_load %arg12[%get3A_998, %get3A_999, %get3A_1000] {strides = array<i32>} : memref<2x64x128xf32, #tpu.memory_space<vmem>>, vector<16xf32>,
        %mul3A_1002 = arith.mulf %bitcast3A, %get3A_996 : vector<16xf32>
        %swap3A_1003 = arith.constant 0 : i32
        %swap3A_1004 = arith.index_cast %swap3A_1003 : i32 to index
        %swap3A_1005 = arith.index_cast %scan3A_983 : i32 to index
        %swap3A_1006 = arith.constant 0 : index
        %swap3A_1007 = tpu.vector_load %arg14[%swap3A_1004, %swap3A_1005, %swap3A_1006] {strides = array<i32>} : memref<2x64x128xf32, #tpu.memory_space<vmem>>, vector<16xf32>,
        tpu.vector_store %arg14[%swap3A_1004, %swap3A_1005, %swap3A_1006], %mul3A_1002 {strides = array<i32>} : memref<2x64x128xf32, #tpu.memory_space<vmem>>, vector<16xf32>,
        %mul3A_1008 = arith.mulf %bitcast3A_991, %get3A_1001 : vector<16xf32>
        %swap3A_1009 = arith.constant 0 : i32
        %swap3A_1010 = arith.index_cast %swap3A_1009 : i32 to index
        %swap3A_1011 = arith.index_cast %scan3A_983 : i32 to index
        %swap3A_1012 = arith.constant 64 : index
        %swap3A_1013 = tpu.vector_load %arg14[%swap3A_1010, %swap3A_1011, %swap3A_1012] {strides = array<i32>} : memref<2x64x128xf32, #tpu.memory_space<vmem>>, vector<16xf32>,
        tpu.vector_store %arg14[%swap3A_1010, %swap3A_1011, %swap3A_1012], %mul3A_1008 {strides = array<i32>} : memref<2x64x128xf32, #tpu.memory_space<vmem>>, vector<16xf32>,
        %get3A_1014 = arith.constant 0 : i32
        %get3A_1015 = arith.index_cast %get3A_1014 : i32 to index
        %get3A_1016 = arith.index_cast %scan3A_983 : i32 to index
        %get3A_1017 = arith.constant 16 : index
        %get3A_1018 = tpu.vector_load %arg13[%get3A_1015, %get3A_1016, %get3A_1017] {strides = array<i32>} : memref<2x64x64xi32, #tpu.memory_space<vmem>>, vector<16xi32>,
        %shift_left3A_1019 = arith.constant 16 : i32
        %shift_left3A_1020 = vector.broadcast %shift_left3A_1019 : i32 to vector<16xi32>
        %shift_left3A_1021 = arith.shli %get3A_1018, %shift_left3A_1020 : vector<16xi32>
        %bitcast3A_1022 = vector.bitcast %shift_left3A_1021 : vector<16xi32> to vector<16xf32>
        %and3A_1023 = arith.andi %get3A_1018, %broadcast_in_dim3A_569 : vector<16xi32>
        %bitcast3A_1024 = vector.bitcast %and3A_1023 : vector<16xi32> to vector<16xf32>
        %get3A_1025 = arith.constant 0 : i32
        %get3A_1026 = arith.index_cast %get3A_1025 : i32 to index
        %get3A_1027 = arith.index_cast %scan3A_983 : i32 to index
        %get3A_1028 = arith.constant 16 : index
        %get3A_1029 = tpu.vector_load %arg12[%get3A_1026, %get3A_1027, %get3A_1028] {strides = array<i32>} : memref<2x64x128xf32, #tpu.memory_space<vmem>>, vector<16xf32>,
        %get3A_1030 = arith.constant 0 : i32
        %get3A_1031 = arith.index_cast %get3A_1030 : i32 to index
        %get3A_1032 = arith.index_cast %scan3A_983 : i32 to index
        %get3A_1033 = arith.constant 80 : index
        %get3A_1034 = tpu.vector_load %arg12[%get3A_1031, %get3A_1032, %get3A_1033] {strides = array<i32>} : memref<2x64x128xf32, #tpu.memory_space<vmem>>, vector<16xf32>,
        %mul3A_1035 = arith.mulf %bitcast3A_1022, %get3A_1029 : vector<16xf32>
        %swap3A_1036 = arith.constant 0 : i32
        %swap3A_1037 = arith.index_cast %swap3A_1036 : i32 to index
        %swap3A_1038 = arith.index_cast %scan3A_983 : i32 to index
        %swap3A_1039 = arith.constant 16 : index
        %swap3A_1040 = tpu.vector_load %arg14[%swap3A_1037, %swap3A_1038, %swap3A_1039] {strides = array<i32>} : memref<2x64x128xf32, #tpu.memory_space<vmem>>, vector<16xf32>,
        tpu.vector_store %arg14[%swap3A_1037, %swap3A_1038, %swap3A_1039], %mul3A_1035 {strides = array<i32>} : memref<2x64x128xf32, #tpu.memory_space<vmem>>, vector<16xf32>,
        %mul3A_1041 = arith.mulf %bitcast3A_1024, %get3A_1034 : vector<16xf32>
        %swap3A_1042 = arith.constant 0 : i32
        %swap3A_1043 = arith.index_cast %swap3A_1042 : i32 to index
        %swap3A_1044 = arith.index_cast %scan3A_983 : i32 to index
        %swap3A_1045 = arith.constant 80 : index
        %swap3A_1046 = tpu.vector_load %arg14[%swap3A_1043, %swap3A_1044, %swap3A_1045] {strides = array<i32>} : memref<2x64x128xf32, #tpu.memory_space<vmem>>, vector<16xf32>,
        tpu.vector_store %arg14[%swap3A_1043, %swap3A_1044, %swap3A_1045], %mul3A_1041 {strides = array<i32>} : memref<2x64x128xf32, #tpu.memory_space<vmem>>, vector<16xf32>,
        %get3A_1047 = arith.constant 0 : i32
        %get3A_1048 = arith.index_cast %get3A_1047 : i32 to index
        %get3A_1049 = arith.index_cast %scan3A_983 : i32 to index
        %get3A_1050 = arith.constant 32 : index
        %get3A_1051 = tpu.vector_load %arg13[%get3A_1048, %get3A_1049, %get3A_1050] {strides = array<i32>} : memref<2x64x64xi32, #tpu.memory_space<vmem>>, vector<16xi32>,
        %shift_left3A_1052 = arith.constant 16 : i32
        %shift_left3A_1053 = vector.broadcast %shift_left3A_1052 : i32 to vector<16xi32>
        %shift_left3A_1054 = arith.shli %get3A_1051, %shift_left3A_1053 : vector<16xi32>
        %bitcast3A_1055 = vector.bitcast %shift_left3A_1054 : vector<16xi32> to vector<16xf32>
        %and3A_1056 = arith.andi %get3A_1051, %broadcast_in_dim3A_569 : vector<16xi32>
        %bitcast3A_1057 = vector.bitcast %and3A_1056 : vector<16xi32> to vector<16xf32>
        %get3A_1058 = arith.constant 0 : i32
        %get3A_1059 = arith.index_cast %get3A_1058 : i32 to index
        %get3A_1060 = arith.index_cast %scan3A_983 : i32 to index
        %get3A_1061 = arith.constant 32 : index
        %get3A_1062 = tpu.vector_load %arg12[%get3A_1059, %get3A_1060, %get3A_1061] {strides = array<i32>} : memref<2x64x128xf32, #tpu.memory_space<vmem>>, vector<16xf32>,
        %get3A_1063 = arith.constant 0 : i32
        %get3A_1064 = arith.index_cast %get3A_1063 : i32 to index
        %get3A_1065 = arith.index_cast %scan3A_983 : i32 to index
        %get3A_1066 = arith.constant 96 : index
        %get3A_1067 = tpu.vector_load %arg12[%get3A_1064, %get3A_1065, %get3A_1066] {strides = array<i32>} : memref<2x64x128xf32, #tpu.memory_space<vmem>>, vector<16xf32>,
        %mul3A_1068 = arith.mulf %bitcast3A_1055, %get3A_1062 : vector<16xf32>
        %swap3A_1069 = arith.constant 0 : i32
        %swap3A_1070 = arith.index_cast %swap3A_1069 : i32 to index
        %swap3A_1071 = arith.index_cast %scan3A_983 : i32 to index
        %swap3A_1072 = arith.constant 32 : index
        %swap3A_1073 = tpu.vector_load %arg14[%swap3A_1070, %swap3A_1071, %swap3A_1072] {strides = array<i32>} : memref<2x64x128xf32, #tpu.memory_space<vmem>>, vector<16xf32>,
        tpu.vector_store %arg14[%swap3A_1070, %swap3A_1071, %swap3A_1072], %mul3A_1068 {strides = array<i32>} : memref<2x64x128xf32, #tpu.memory_space<vmem>>, vector<16xf32>,
        %mul3A_1074 = arith.mulf %bitcast3A_1057, %get3A_1067 : vector<16xf32>
        %swap3A_1075 = arith.constant 0 : i32
        %swap3A_1076 = arith.index_cast %swap3A_1075 : i32 to index
        %swap3A_1077 = arith.index_cast %scan3A_983 : i32 to index
        %swap3A_1078 = arith.constant 96 : index
        %swap3A_1079 = tpu.vector_load %arg14[%swap3A_1076, %swap3A_1077, %swap3A_1078] {strides = array<i32>} : memref<2x64x128xf32, #tpu.memory_space<vmem>>, vector<16xf32>,
        tpu.vector_store %arg14[%swap3A_1076, %swap3A_1077, %swap3A_1078], %mul3A_1074 {strides = array<i32>} : memref<2x64x128xf32, #tpu.memory_space<vmem>>, vector<16xf32>,
        %get3A_1080 = arith.constant 0 : i32
        %get3A_1081 = arith.index_cast %get3A_1080 : i32 to index
        %get3A_1082 = arith.index_cast %scan3A_983 : i32 to index
        %get3A_1083 = arith.constant 48 : index
        %get3A_1084 = tpu.vector_load %arg13[%get3A_1081, %get3A_1082, %get3A_1083] {strides = array<i32>} : memref<2x64x64xi32, #tpu.memory_space<vmem>>, vector<16xi32>,
        %shift_left3A_1085 = arith.constant 16 : i32
        %shift_left3A_1086 = vector.broadcast %shift_left3A_1085 : i32 to vector<16xi32>
        %shift_left3A_1087 = arith.shli %get3A_1084, %shift_left3A_1086 : vector<16xi32>
        %bitcast3A_1088 = vector.bitcast %shift_left3A_1087 : vector<16xi32> to vector<16xf32>
        %and3A_1089 = arith.andi %get3A_1084, %broadcast_in_dim3A_569 : vector<16xi32>
        %bitcast3A_1090 = vector.bitcast %and3A_1089 : vector<16xi32> to vector<16xf32>
        %get3A_1091 = arith.constant 0 : i32
        %get3A_1092 = arith.index_cast %get3A_1091 : i32 to index
        %get3A_1093 = arith.index_cast %scan3A_983 : i32 to index
        %get3A_1094 = arith.constant 48 : index
        %get3A_1095 = tpu.vector_load %arg12[%get3A_1092, %get3A_1093, %get3A_1094] {strides = array<i32>} : memref<2x64x128xf32, #tpu.memory_space<vmem>>, vector<16xf32>,
        %get3A_1096 = arith.constant 0 : i32
        %get3A_1097 = arith.index_cast %get3A_1096 : i32 to index
        %get3A_1098 = arith.index_cast %scan3A_983 : i32 to index
        %get3A_1099 = arith.constant 112 : index
        %get3A_1100 = tpu.vector_load %arg12[%get3A_1097, %get3A_1098, %get3A_1099] {strides = array<i32>} : memref<2x64x128xf32, #tpu.memory_space<vmem>>, vector<16xf32>,
        %mul3A_1101 = arith.mulf %bitcast3A_1088, %get3A_1095 : vector<16xf32>
        %swap3A_1102 = arith.constant 0 : i32
        %swap3A_1103 = arith.index_cast %swap3A_1102 : i32 to index
        %swap3A_1104 = arith.index_cast %scan3A_983 : i32 to index
        %swap3A_1105 = arith.constant 48 : index
        %swap3A_1106 = tpu.vector_load %arg14[%swap3A_1103, %swap3A_1104, %swap3A_1105] {strides = array<i32>} : memref<2x64x128xf32, #tpu.memory_space<vmem>>, vector<16xf32>,
        tpu.vector_store %arg14[%swap3A_1103, %swap3A_1104, %swap3A_1105], %mul3A_1101 {strides = array<i32>} : memref<2x64x128xf32, #tpu.memory_space<vmem>>, vector<16xf32>,
        %mul3A_1107 = arith.mulf %bitcast3A_1090, %get3A_1100 : vector<16xf32>
        %swap3A_1108 = arith.constant 0 : i32
        %swap3A_1109 = arith.index_cast %swap3A_1108 : i32 to index
        %swap3A_1110 = arith.index_cast %scan3A_983 : i32 to index
        %swap3A_1111 = arith.constant 112 : index
        %swap3A_1112 = tpu.vector_load %arg14[%swap3A_1109, %swap3A_1110, %swap3A_1111] {strides = array<i32>} : memref<2x64x128xf32, #tpu.memory_space<vmem>>, vector<16xf32>,
        tpu.vector_store %arg14[%swap3A_1109, %swap3A_1110, %swap3A_1111], %mul3A_1107 {strides = array<i32>} : memref<2x64x128xf32, #tpu.memory_space<vmem>>, vector<16xf32>,
      }
      %scan3A_575 = arith.constant 64 : i32
      %get3A_576 = arith.constant 128 : index
      %get3A_577 = tpu.vector_load %arg8[%get3A_576] {strides = array<i32>} : memref<192xi32, #tpu.memory_space<vmem>>, vector<16xi32>,
      %swap3A_578 = arith.constant 0 : i32
      %swap3A_579 = arith.index_cast %swap3A_578 : i32 to index
      %swap3A_580 = arith.constant 0 : index
      %swap3A_581 = tpu.vector_load %arg10[%swap3A_579, %swap3A_580] {strides = array<i32>} : memref<2x64xi32, #tpu.memory_space<vmem>>, vector<16xi32>,
      tpu.vector_store %arg10[%swap3A_579, %swap3A_580], %get3A_577 {strides = array<i32>} : memref<2x64xi32, #tpu.memory_space<vmem>>, vector<16xi32>,
      %get3A_582 = arith.constant 144 : index
      %get3A_583 = tpu.vector_load %arg8[%get3A_582] {strides = array<i32>} : memref<192xi32, #tpu.memory_space<vmem>>, vector<16xi32>,
      %swap3A_584 = arith.constant 0 : i32
      %swap3A_585 = arith.index_cast %swap3A_584 : i32 to index
      %swap3A_586 = arith.constant 16 : index
      %swap3A_587 = tpu.vector_load %arg10[%swap3A_585, %swap3A_586] {strides = array<i32>} : memref<2x64xi32, #tpu.memory_space<vmem>>, vector<16xi32>,
      tpu.vector_store %arg10[%swap3A_585, %swap3A_586], %get3A_583 {strides = array<i32>} : memref<2x64xi32, #tpu.memory_space<vmem>>, vector<16xi32>,
      %get3A_588 = arith.constant 160 : index
      %get3A_589 = tpu.vector_load %arg8[%get3A_588] {strides = array<i32>} : memref<192xi32, #tpu.memory_space<vmem>>, vector<16xi32>,
      %swap3A_590 = arith.constant 0 : i32
      %swap3A_591 = arith.index_cast %swap3A_590 : i32 to index
      %swap3A_592 = arith.constant 32 : index
      %swap3A_593 = tpu.vector_load %arg10[%swap3A_591, %swap3A_592] {strides = array<i32>} : memref<2x64xi32, #tpu.memory_space<vmem>>, vector<16xi32>,
      tpu.vector_store %arg10[%swap3A_591, %swap3A_592], %get3A_589 {strides = array<i32>} : memref<2x64xi32, #tpu.memory_space<vmem>>, vector<16xi32>,
      %get3A_594 = arith.constant 176 : index
      %get3A_595 = tpu.vector_load %arg8[%get3A_594] {strides = array<i32>} : memref<192xi32, #tpu.memory_space<vmem>>, vector<16xi32>,
      %swap3A_596 = arith.constant 0 : i32
      %swap3A_597 = arith.index_cast %swap3A_596 : i32 to index
      %swap3A_598 = arith.constant 48 : index
      %swap3A_599 = tpu.vector_load %arg10[%swap3A_597, %swap3A_598] {strides = array<i32>} : memref<2x64xi32, #tpu.memory_space<vmem>>, vector<16xi32>,
      tpu.vector_store %arg10[%swap3A_597, %swap3A_598], %get3A_595 {strides = array<i32>} : memref<2x64xi32, #tpu.memory_space<vmem>>, vector<16xi32>,
      %dma_start3A_600 = arith.constant 0 : i32
      %dma_start3A_601 = arith.constant 0 : i32
      %dma_start3A_602 = arith.constant 0 : i32
      %dma_start3A_603 = arith.constant 0 : i32
      %dma_start3A_604 = tpu.memref_slice %arg14[%dma_start3A_600, %dma_start3A_602, %dma_start3A_603] : memref<2x64x128xf32, #tpu.memory_space<vmem>> -> memref<1x64x128xf32, #tpu.memory_space<vmem>>
      %dma_start3A_605 = tpu.memref_squeeze %dma_start3A_604 : memref<1x64x128xf32, #tpu.memory_space<vmem>> -> memref<64x128xf32, #tpu.memory_space<vmem>>
      %dma_start3A_606 = arith.constant 0 : i32
      %dma_start3A_607 = tpu.memref_slice %arg10[%dma_start3A_601, %dma_start3A_606] : memref<2x64xi32, #tpu.memory_space<vmem>> -> memref<1x64xi32, #tpu.memory_space<vmem>>
      %dma_start3A_608 = tpu.memref_squeeze %dma_start3A_607 : memref<1x64xi32, #tpu.memory_space<vmem>> -> memref<64xi32, #tpu.memory_space<vmem>>
      %dma_start3A_609 = arith.constant 0 : i32
      %dma_start3A_610 = arith.constant 0 : i32
      %dma_start3A_611 = tpu.memref_slice %arg15[%dma_start3A_609, %dma_start3A_610] : memref<10000x128xf32, #tpu.memory_space<vmem_shared>> -> memref<10000x128xf32, #tpu.memory_space<vmem_shared>>
      tpu.enqueue_indirect_dma source(%dma_start3A_605 : memref<64x128xf32, #tpu.memory_space<vmem>>) target(%dma_start3A_611 : memref<10000x128xf32, #tpu.memory_space<vmem_shared>>) offsets(%dma_start3A_608 : memref<64xi32, #tpu.memory_space<vmem>>) semaphore(%arg20 : memref<!tpu.dma_semaphore, #tpu.memory_space<semaphore_mem>>) {add = true}
      %add3A_612 = arith.constant 1 : i32
      %add3A_613 = arith.addi %add3A_175, %add3A_612 : i32
      %mul3A_614 = arith.constant 3 : i32
      %mul3A_615 = arith.muli %add3A_613, %mul3A_614 : i32
      %add3A_616 = arith.constant 0 : i32
      %add3A_617 = arith.addi %mul3A_615, %add3A_616 : i32
      %dma_wait3A_618 = arith.constant 1 : i32
      %dma_wait3A_619 = arith.constant 0 : i32
      %dma_wait3A_620 = arith.constant 0 : i32
      %dma_wait3A_621 = tpu.memref_slice %arg12[%dma_wait3A_618, %dma_wait3A_619, %dma_wait3A_620] : memref<2x64x128xf32, #tpu.memory_space<vmem>> -> memref<1x64x128xf32, #tpu.memory_space<vmem>>
      %dma_wait3A_622 = tpu.memref_squeeze %dma_wait3A_621 : memref<1x64x128xf32, #tpu.memory_space<vmem>> -> memref<64x128xf32, #tpu.memory_space<vmem>>
      %dma_wait3A_623 = arith.constant 0 : i32
      %dma_wait3A_624 = arith.constant 0 : i32
      %dma_wait3A_625 = tpu.memref_slice %arg2[%dma_wait3A_623, %dma_wait3A_624] : memref<10000x128xf32, #tpu.memory_space<hbm>> -> memref<64x128xf32, #tpu.memory_space<hbm>>
      %dma_wait3A_626 = arith.constant 0 : i32
      %dma_wait3A_627 = arith.constant 0 : i32
      %dma_wait3A_628 = tpu.memref_slice %arg12[%dma_wait3A_618, %dma_wait3A_626, %dma_wait3A_627] : memref<2x64x128xf32, #tpu.memory_space<vmem>> -> memref<1x64x128xf32, #tpu.memory_space<vmem>>
      %dma_wait3A_629 = tpu.memref_squeeze %dma_wait3A_628 : memref<1x64x128xf32, #tpu.memory_space<vmem>> -> memref<64x128xf32, #tpu.memory_space<vmem>>
      %dma_wait3A_630 = arith.constant 0 : i32
      %dma_wait3A_631 = arith.constant 0 : i32
      %dma_wait3A_632 = tpu.memref_slice %arg2[%dma_wait3A_630, %dma_wait3A_631] : memref<10000x128xf32, #tpu.memory_space<hbm>> -> memref<64x128xf32, #tpu.memory_space<hbm>>
      tpu.wait_dma2 semaphore(%arg17 : memref<!tpu.dma_semaphore, #tpu.memory_space<semaphore_mem>>) src(%dma_wait3A_632 : memref<64x128xf32, #tpu.memory_space<hbm>>) dst(%dma_wait3A_629 : memref<64x128xf32, #tpu.memory_space<vmem>>)
      %dma_wait3A_633 = arith.constant 1 : i32
      %dma_wait3A_634 = arith.constant 0 : i32
      %dma_wait3A_635 = arith.constant 0 : i32
      %dma_wait3A_636 = tpu.memref_slice %arg13[%dma_wait3A_633, %dma_wait3A_634, %dma_wait3A_635] : memref<2x64x64xi32, #tpu.memory_space<vmem>> -> memref<1x64x64xi32, #tpu.memory_space<vmem>>
      %dma_wait3A_637 = tpu.memref_squeeze %dma_wait3A_636 : memref<1x64x64xi32, #tpu.memory_space<vmem>> -> memref<64x64xi32, #tpu.memory_space<vmem>>
      %dma_wait3A_638 = arith.constant 0 : i32
      %dma_wait3A_639 = arith.constant 0 : i32
      %dma_wait3A_640 = tpu.memref_slice %arg3[%dma_wait3A_638, %dma_wait3A_639] : memref<320000x64xi32, #tpu.memory_space<hbm>> -> memref<64x64xi32, #tpu.memory_space<hbm>>
      %dma_wait3A_641 = arith.constant 0 : i32
      %dma_wait3A_642 = arith.constant 0 : i32
      %dma_wait3A_643 = tpu.memref_slice %arg13[%dma_wait3A_633, %dma_wait3A_641, %dma_wait3A_642] : memref<2x64x64xi32, #tpu.memory_space<vmem>> -> memref<1x64x64xi32, #tpu.memory_space<vmem>>
      %dma_wait3A_644 = tpu.memref_squeeze %dma_wait3A_643 : memref<1x64x64xi32, #tpu.memory_space<vmem>> -> memref<64x64xi32, #tpu.memory_space<vmem>>
      %dma_wait3A_645 = arith.constant 0 : i32
      %dma_wait3A_646 = arith.constant 0 : i32
      %dma_wait3A_647 = tpu.memref_slice %arg3[%dma_wait3A_645, %dma_wait3A_646] : memref<320000x64xi32, #tpu.memory_space<hbm>> -> memref<64x64xi32, #tpu.memory_space<hbm>>
      tpu.wait_dma2 semaphore(%arg19 : memref<!tpu.dma_semaphore, #tpu.memory_space<semaphore_mem>>) src(%dma_wait3A_647 : memref<64x64xi32, #tpu.memory_space<hbm>>) dst(%dma_wait3A_644 : memref<64x64xi32, #tpu.memory_space<vmem>>)
      %lt3A_648 = arith.constant 50 : i32
      %lt3A_649 = arith.cmpi slt, %add3A_175, %lt3A_648 : i32
      %convert_element_type3A_650 = arith.extui %lt3A_649 : i1 to i32
      %cond3A_651 = arith.constant 0 : i32
      %cond3A_652 = arith.cmpi ne, %convert_element_type3A_650, %cond3A_651 : i32
      scf.if %cond3A_652 {
        %add3A_983 = arith.constant 1 : i32
        %add3A_984 = arith.addi %add3A_613, %add3A_983 : i32
        %mul3A_985 = arith.constant 3 : i32
        %mul3A_986 = arith.muli %add3A_984, %mul3A_985 : i32
        %add3A_987 = arith.addi %mul3A_57, %mul3A_986 : i32
        %mul3A_988 = arith.constant 64 : i32
        %mul3A_989 = arith.muli %add3A_987, %mul3A_988 : i32
        %multiple_of3A_990 = tpu.assume_multiple %mul3A_989, 64 : i32
        %dma_start3A_991 = tpu.memref_slice %arg4[%multiple_of3A_990] : memref<640000xi32, #tpu.memory_space<hbm>> -> memref<192xi32, #tpu.memory_space<hbm>>
        %dma_start3A_992 = tpu.memref_slice %arg4[%multiple_of3A_990] : memref<640000xi32, #tpu.memory_space<hbm>> -> memref<192xi32, #tpu.memory_space<hbm>>
        tpu.enqueue_dma source(%dma_start3A_992 : memref<192xi32, #tpu.memory_space<hbm>>) target(%arg6 : memref<192xi32, #tpu.memory_space<vmem>>) target_semaphore(%arg22 : memref<!tpu.dma_semaphore, #tpu.memory_space<semaphore_mem>>)
        %add3A_993 = arith.constant 320000 : i32
        %add3A_994 = arith.addi %add3A_993, %multiple_of3A_990 : i32
        %dma_start3A_995 = tpu.memref_slice %arg4[%add3A_994] : memref<640000xi32, #tpu.memory_space<hbm>> -> memref<192xi32, #tpu.memory_space<hbm>>
        %dma_start3A_996 = tpu.memref_slice %arg4[%add3A_994] : memref<640000xi32, #tpu.memory_space<hbm>> -> memref<192xi32, #tpu.memory_space<hbm>>
        tpu.enqueue_dma source(%dma_start3A_996 : memref<192xi32, #tpu.memory_space<hbm>>) target(%arg8 : memref<192xi32, #tpu.memory_space<vmem>>) target_semaphore(%arg22 : memref<!tpu.dma_semaphore, #tpu.memory_space<semaphore_mem>>)
      } else {
      }
      %get3A_653 = arith.constant 64 : index
      %get3A_654 = tpu.vector_load %arg7[%get3A_653] {strides = array<i32>} : memref<192xi32, #tpu.memory_space<vmem>>, vector<16xi32>,
      %swap3A_655 = arith.constant 0 : i32
      %swap3A_656 = arith.index_cast %swap3A_655 : i32 to index
      %swap3A_657 = arith.constant 0 : index
      %swap3A_658 = tpu.vector_load %arg11[%swap3A_656, %swap3A_657] {strides = array<i32>} : memref<2x64xi32, #tpu.memory_space<vmem>>, vector<16xi32>,
      tpu.vector_store %arg11[%swap3A_656, %swap3A_657], %get3A_654 {strides = array<i32>} : memref<2x64xi32, #tpu.memory_space<vmem>>, vector<16xi32>,
      %get3A_659 = arith.constant 80 : index
      %get3A_660 = tpu.vector_load %arg7[%get3A_659] {strides = array<i32>} : memref<192xi32, #tpu.memory_space<vmem>>, vector<16xi32>,
      %swap3A_661 = arith.constant 0 : i32
      %swap3A_662 = arith.index_cast %swap3A_661 : i32 to index
      %swap3A_663 = arith.constant 16 : index
      %swap3A_664 = tpu.vector_load %arg11[%swap3A_662, %swap3A_663] {strides = array<i32>} : memref<2x64xi32, #tpu.memory_space<vmem>>, vector<16xi32>,
      tpu.vector_store %arg11[%swap3A_662, %swap3A_663], %get3A_660 {strides = array<i32>} : memref<2x64xi32, #tpu.memory_space<vmem>>, vector<16xi32>,
      %get3A_665 = arith.constant 96 : index
      %get3A_666 = tpu.vector_load %arg7[%get3A_665] {strides = array<i32>} : memref<192xi32, #tpu.memory_space<vmem>>, vector<16xi32>,
      %swap3A_667 = arith.constant 0 : i32
      %swap3A_668 = arith.index_cast %swap3A_667 : i32 to index
      %swap3A_669 = arith.constant 32 : index
      %swap3A_670 = tpu.vector_load %arg11[%swap3A_668, %swap3A_669] {strides = array<i32>} : memref<2x64xi32, #tpu.memory_space<vmem>>, vector<16xi32>,
      tpu.vector_store %arg11[%swap3A_668, %swap3A_669], %get3A_666 {strides = array<i32>} : memref<2x64xi32, #tpu.memory_space<vmem>>, vector<16xi32>,
      %get3A_671 = arith.constant 112 : index
      %get3A_672 = tpu.vector_load %arg7[%get3A_671] {strides = array<i32>} : memref<192xi32, #tpu.memory_space<vmem>>, vector<16xi32>,
      %swap3A_673 = arith.constant 0 : i32
      %swap3A_674 = arith.index_cast %swap3A_673 : i32 to index
      %swap3A_675 = arith.constant 48 : index
      %swap3A_676 = tpu.vector_load %arg11[%swap3A_674, %swap3A_675] {strides = array<i32>} : memref<2x64xi32, #tpu.memory_space<vmem>>, vector<16xi32>,
      tpu.vector_store %arg11[%swap3A_674, %swap3A_675], %get3A_672 {strides = array<i32>} : memref<2x64xi32, #tpu.memory_space<vmem>>, vector<16xi32>,
      %add3A_677 = arith.constant 1 : i32
      %add3A_678 = arith.addi %add3A_617, %add3A_677 : i32
      %add3A_679 = arith.addi %mul3A_57, %add3A_678 : i32
      %mul3A_680 = arith.constant 64 : i32
      %mul3A_681 = arith.muli %add3A_679, %mul3A_680 : i32
      %multiple_of3A_682 = tpu.assume_multiple %mul3A_681, 64 : i32
      %dma_start3A_683 = arith.constant 0 : i32
      %dma_start3A_684 = arith.constant 0 : i32
      %dma_start3A_685 = arith.constant 0 : i32
      %dma_start3A_686 = arith.constant 0 : i32
      %dma_start3A_687 = tpu.memref_slice %arg12[%dma_start3A_684, %dma_start3A_685, %dma_start3A_686] : memref<2x64x128xf32, #tpu.memory_space<vmem>> -> memref<1x64x128xf32, #tpu.memory_space<vmem>>
      %dma_start3A_688 = tpu.memref_squeeze %dma_start3A_687 : memref<1x64x128xf32, #tpu.memory_space<vmem>> -> memref<64x128xf32, #tpu.memory_space<vmem>>
      %dma_start3A_689 = arith.constant 0 : i32
      %dma_start3A_690 = tpu.memref_slice %arg11[%dma_start3A_683, %dma_start3A_689] : memref<2x64xi32, #tpu.memory_space<vmem>> -> memref<1x64xi32, #tpu.memory_space<vmem>>
      %dma_start3A_691 = tpu.memref_squeeze %dma_start3A_690 : memref<1x64xi32, #tpu.memory_space<vmem>> -> memref<64xi32, #tpu.memory_space<vmem>>
      %dma_start3A_692 = arith.constant 0 : i32
      %dma_start3A_693 = arith.constant 0 : i32
      %dma_start3A_694 = tpu.memref_slice %arg2[%dma_start3A_692, %dma_start3A_693] : memref<10000x128xf32, #tpu.memory_space<hbm>> -> memref<10000x128xf32, #tpu.memory_space<hbm>>
      tpu.enqueue_indirect_dma source(%dma_start3A_694 : memref<10000x128xf32, #tpu.memory_space<hbm>>) target(%dma_start3A_688 : memref<64x128xf32, #tpu.memory_space<vmem>>) offsets(%dma_start3A_691 : memref<64xi32, #tpu.memory_space<vmem>>) semaphore(%arg16 : memref<!tpu.dma_semaphore, #tpu.memory_space<semaphore_mem>>)
      %dma_start3A_695 = arith.constant 0 : i32
      %dma_start3A_696 = arith.constant 0 : i32
      %dma_start3A_697 = arith.constant 0 : i32
      %dma_start3A_698 = tpu.memref_slice %arg13[%dma_start3A_695, %dma_start3A_696, %dma_start3A_697] : memref<2x64x64xi32, #tpu.memory_space<vmem>> -> memref<1x64x64xi32, #tpu.memory_space<vmem>>
      %dma_start3A_699 = tpu.memref_squeeze %dma_start3A_698 : memref<1x64x64xi32, #tpu.memory_space<vmem>> -> memref<64x64xi32, #tpu.memory_space<vmem>>
      %dma_start3A_700 = arith.constant 0 : i32
      %dma_start3A_701 = tpu.memref_slice %arg3[%multiple_of3A_682, %dma_start3A_700] : memref<320000x64xi32, #tpu.memory_space<hbm>> -> memref<64x64xi32, #tpu.memory_space<hbm>>
      %dma_start3A_702 = arith.constant 0 : i32
      %dma_start3A_703 = arith.constant 0 : i32
      %dma_start3A_704 = tpu.memref_slice %arg13[%dma_start3A_695, %dma_start3A_702, %dma_start3A_703] : memref<2x64x64xi32, #tpu.memory_space<vmem>> -> memref<1x64x64xi32, #tpu.memory_space<vmem>>
      %dma_start3A_705 = tpu.memref_squeeze %dma_start3A_704 : memref<1x64x64xi32, #tpu.memory_space<vmem>> -> memref<64x64xi32, #tpu.memory_space<vmem>>
      %dma_start3A_706 = arith.constant 0 : i32
      %dma_start3A_707 = tpu.memref_slice %arg3[%multiple_of3A_682, %dma_start3A_706] : memref<320000x64xi32, #tpu.memory_space<hbm>> -> memref<64x64xi32, #tpu.memory_space<hbm>>
      tpu.enqueue_dma source(%dma_start3A_707 : memref<64x64xi32, #tpu.memory_space<hbm>>) target(%dma_start3A_705 : memref<64x64xi32, #tpu.memory_space<vmem>>) target_semaphore(%arg18 : memref<!tpu.dma_semaphore, #tpu.memory_space<semaphore_mem>>)
      %ge3A_708 = arith.constant 2 : i32
      %ge3A_709 = arith.cmpi sge, %add3A_617, %ge3A_708 : i32
      %convert_element_type3A_710 = arith.extui %ge3A_709 : i1 to i32
      %cond3A_711 = arith.constant 0 : i32
      %cond3A_712 = arith.cmpi ne, %convert_element_type3A_710, %cond3A_711 : i32
      scf.if %cond3A_712 {
        %dma_wait3A_983 = arith.constant 0 : i32
        %dma_wait3A_984 = arith.constant 1 : i32
        %dma_wait3A_985 = arith.constant 0 : i32
        %dma_wait3A_986 = arith.constant 0 : i32
        %dma_wait3A_987 = tpu.memref_slice %arg14[%dma_wait3A_984, %dma_wait3A_985, %dma_wait3A_986] : memref<2x64x128xf32, #tpu.memory_space<vmem>> -> memref<1x64x128xf32, #tpu.memory_space<vmem>>
        %dma_wait3A_988 = tpu.memref_squeeze %dma_wait3A_987 : memref<1x64x128xf32, #tpu.memory_space<vmem>> -> memref<64x128xf32, #tpu.memory_space<vmem>>
        %dma_wait3A_989 = arith.constant 0 : i32
        %dma_wait3A_990 = arith.constant 0 : i32
        %dma_wait3A_991 = tpu.memref_slice %arg5[%dma_wait3A_983, %dma_wait3A_989, %dma_wait3A_990] : memref<2x10000x128xf32, #tpu.memory_space<hbm>> -> memref<1x64x128xf32, #tpu.memory_space<hbm>>
        %dma_wait3A_992 = tpu.memref_squeeze %dma_wait3A_991 : memref<1x64x128xf32, #tpu.memory_space<hbm>> -> memref<64x128xf32, #tpu.memory_space<hbm>>
        %dma_wait3A_993 = arith.constant 0 : i32
        %dma_wait3A_994 = arith.constant 0 : i32
        %dma_wait3A_995 = tpu.memref_slice %arg14[%dma_wait3A_984, %dma_wait3A_993, %dma_wait3A_994] : memref<2x64x128xf32, #tpu.memory_space<vmem>> -> memref<1x64x128xf32, #tpu.memory_space<vmem>>
        %dma_wait3A_996 = tpu.memref_squeeze %dma_wait3A_995 : memref<1x64x128xf32, #tpu.memory_space<vmem>> -> memref<64x128xf32, #tpu.memory_space<vmem>>
        %dma_wait3A_997 = arith.constant 0 : i32
        %dma_wait3A_998 = arith.constant 0 : i32
        %dma_wait3A_999 = tpu.memref_slice %arg5[%dma_wait3A_983, %dma_wait3A_997, %dma_wait3A_998] : memref<2x10000x128xf32, #tpu.memory_space<hbm>> -> memref<1x64x128xf32, #tpu.memory_space<hbm>>
        %dma_wait3A_1000 = tpu.memref_squeeze %dma_wait3A_999 : memref<1x64x128xf32, #tpu.memory_space<hbm>> -> memref<64x128xf32, #tpu.memory_space<hbm>>
        tpu.wait_dma2 semaphore(%arg21 : memref<!tpu.dma_semaphore, #tpu.memory_space<semaphore_mem>>) src(%dma_wait3A_1000 : memref<64x128xf32, #tpu.memory_space<hbm>>) dst(%dma_wait3A_996 : memref<64x128xf32, #tpu.memory_space<vmem>>)
      } else {
      }
      %broadcast_in_dim3A_713 = arith.constant -65536 : i32
      %broadcast_in_dim3A_714 = vector.broadcast %broadcast_in_dim3A_713 : i32 to vector<16xi32>
      %scan3A_715 = arith.constant 0 : i32
      %scan3A_716 = arith.constant 0 : i32
      %scan3A_717 = arith.constant 64 : i32
      %scan3A_718 = arith.addi %scan3A_716, %scan3A_717 : i32
      %scan3A_719 = arith.constant 1 : i32
      scf.for %scan3A_983 = %scan3A_716 to %scan3A_718 step %scan3A_719  : i32 {
        %get3A_984 = arith.constant 1 : i32
        %get3A_985 = arith.index_cast %get3A_984 : i32 to index
        %get3A_986 = arith.index_cast %scan3A_983 : i32 to index
        %get3A_987 = arith.constant 0 : index
        %get3A_988 = tpu.vector_load %arg13[%get3A_985, %get3A_986, %get3A_987] {strides = array<i32>} : memref<2x64x64xi32, #tpu.memory_space<vmem>>, vector<16xi32>,
        %shift_left3A = arith.constant 16 : i32
        %shift_left3A_989 = vector.broadcast %shift_left3A : i32 to vector<16xi32>
        %shift_left3A_990 = arith.shli %get3A_988, %shift_left3A_989 : vector<16xi32>
        %bitcast3A = vector.bitcast %shift_left3A_990 : vector<16xi32> to vector<16xf32>
        %and3A = arith.andi %get3A_988, %broadcast_in_dim3A_714 : vector<16xi32>
        %bitcast3A_991 = vector.bitcast %and3A : vector<16xi32> to vector<16xf32>
        %get3A_992 = arith.constant 1 : i32
        %get3A_993 = arith.index_cast %get3A_992 : i32 to index
        %get3A_994 = arith.index_cast %scan3A_983 : i32 to index
        %get3A_995 = arith.constant 0 : index
        %get3A_996 = tpu.vector_load %arg12[%get3A_993, %get3A_994, %get3A_995] {strides = array<i32>} : memref<2x64x128xf32, #tpu.memory_space<vmem>>, vector<16xf32>,
        %get3A_997 = arith.constant 1 : i32
        %get3A_998 = arith.index_cast %get3A_997 : i32 to index
        %get3A_999 = arith.index_cast %scan3A_983 : i32 to index
        %get3A_1000 = arith.constant 64 : index
        %get3A_1001 = tpu.vector_load %arg12[%get3A_998, %get3A_999, %get3A_1000] {strides = array<i32>} : memref<2x64x128xf32, #tpu.memory_space<vmem>>, vector<16xf32>,
        %mul3A_1002 = arith.mulf %bitcast3A, %get3A_996 : vector<16xf32>
        %swap3A_1003 = arith.constant 1 : i32
        %swap3A_1004 = arith.index_cast %swap3A_1003 : i32 to index
        %swap3A_1005 = arith.index_cast %scan3A_983 : i32 to index
        %swap3A_1006 = arith.constant 0 : index
        %swap3A_1007 = tpu.vector_load %arg14[%swap3A_1004, %swap3A_1005, %swap3A_1006] {strides = array<i32>} : memref<2x64x128xf32, #tpu.memory_space<vmem>>, vector<16xf32>,
        tpu.vector_store %arg14[%swap3A_1004, %swap3A_1005, %swap3A_1006], %mul3A_1002 {strides = array<i32>} : memref<2x64x128xf32, #tpu.memory_space<vmem>>, vector<16xf32>,
        %mul3A_1008 = arith.mulf %bitcast3A_991, %get3A_1001 : vector<16xf32>
        %swap3A_1009 = arith.constant 1 : i32
        %swap3A_1010 = arith.index_cast %swap3A_1009 : i32 to index
        %swap3A_1011 = arith.index_cast %scan3A_983 : i32 to index
        %swap3A_1012 = arith.constant 64 : index
        %swap3A_1013 = tpu.vector_load %arg14[%swap3A_1010, %swap3A_1011, %swap3A_1012] {strides = array<i32>} : memref<2x64x128xf32, #tpu.memory_space<vmem>>, vector<16xf32>,
        tpu.vector_store %arg14[%swap3A_1010, %swap3A_1011, %swap3A_1012], %mul3A_1008 {strides = array<i32>} : memref<2x64x128xf32, #tpu.memory_space<vmem>>, vector<16xf32>,
        %get3A_1014 = arith.constant 1 : i32
        %get3A_1015 = arith.index_cast %get3A_1014 : i32 to index
        %get3A_1016 = arith.index_cast %scan3A_983 : i32 to index
        %get3A_1017 = arith.constant 16 : index
        %get3A_1018 = tpu.vector_load %arg13[%get3A_1015, %get3A_1016, %get3A_1017] {strides = array<i32>} : memref<2x64x64xi32, #tpu.memory_space<vmem>>, vector<16xi32>,
        %shift_left3A_1019 = arith.constant 16 : i32
        %shift_left3A_1020 = vector.broadcast %shift_left3A_1019 : i32 to vector<16xi32>
        %shift_left3A_1021 = arith.shli %get3A_1018, %shift_left3A_1020 : vector<16xi32>
        %bitcast3A_1022 = vector.bitcast %shift_left3A_1021 : vector<16xi32> to vector<16xf32>
        %and3A_1023 = arith.andi %get3A_1018, %broadcast_in_dim3A_714 : vector<16xi32>
        %bitcast3A_1024 = vector.bitcast %and3A_1023 : vector<16xi32> to vector<16xf32>
        %get3A_1025 = arith.constant 1 : i32
        %get3A_1026 = arith.index_cast %get3A_1025 : i32 to index
        %get3A_1027 = arith.index_cast %scan3A_983 : i32 to index
        %get3A_1028 = arith.constant 16 : index
        %get3A_1029 = tpu.vector_load %arg12[%get3A_1026, %get3A_1027, %get3A_1028] {strides = array<i32>} : memref<2x64x128xf32, #tpu.memory_space<vmem>>, vector<16xf32>,
        %get3A_1030 = arith.constant 1 : i32
        %get3A_1031 = arith.index_cast %get3A_1030 : i32 to index
        %get3A_1032 = arith.index_cast %scan3A_983 : i32 to index
        %get3A_1033 = arith.constant 80 : index
        %get3A_1034 = tpu.vector_load %arg12[%get3A_1031, %get3A_1032, %get3A_1033] {strides = array<i32>} : memref<2x64x128xf32, #tpu.memory_space<vmem>>, vector<16xf32>,
        %mul3A_1035 = arith.mulf %bitcast3A_1022, %get3A_1029 : vector<16xf32>
        %swap3A_1036 = arith.constant 1 : i32
        %swap3A_1037 = arith.index_cast %swap3A_1036 : i32 to index
        %swap3A_1038 = arith.index_cast %scan3A_983 : i32 to index
        %swap3A_1039 = arith.constant 16 : index
        %swap3A_1040 = tpu.vector_load %arg14[%swap3A_1037, %swap3A_1038, %swap3A_1039] {strides = array<i32>} : memref<2x64x128xf32, #tpu.memory_space<vmem>>, vector<16xf32>,
        tpu.vector_store %arg14[%swap3A_1037, %swap3A_1038, %swap3A_1039], %mul3A_1035 {strides = array<i32>} : memref<2x64x128xf32, #tpu.memory_space<vmem>>, vector<16xf32>,
        %mul3A_1041 = arith.mulf %bitcast3A_1024, %get3A_1034 : vector<16xf32>
        %swap3A_1042 = arith.constant 1 : i32
        %swap3A_1043 = arith.index_cast %swap3A_1042 : i32 to index
        %swap3A_1044 = arith.index_cast %scan3A_983 : i32 to index
        %swap3A_1045 = arith.constant 80 : index
        %swap3A_1046 = tpu.vector_load %arg14[%swap3A_1043, %swap3A_1044, %swap3A_1045] {strides = array<i32>} : memref<2x64x128xf32, #tpu.memory_space<vmem>>, vector<16xf32>,
        tpu.vector_store %arg14[%swap3A_1043, %swap3A_1044, %swap3A_1045], %mul3A_1041 {strides = array<i32>} : memref<2x64x128xf32, #tpu.memory_space<vmem>>, vector<16xf32>,
        %get3A_1047 = arith.constant 1 : i32
        %get3A_1048 = arith.index_cast %get3A_1047 : i32 to index
        %get3A_1049 = arith.index_cast %scan3A_983 : i32 to index
        %get3A_1050 = arith.constant 32 : index
        %get3A_1051 = tpu.vector_load %arg13[%get3A_1048, %get3A_1049, %get3A_1050] {strides = array<i32>} : memref<2x64x64xi32, #tpu.memory_space<vmem>>, vector<16xi32>,
        %shift_left3A_1052 = arith.constant 16 : i32
        %shift_left3A_1053 = vector.broadcast %shift_left3A_1052 : i32 to vector<16xi32>
        %shift_left3A_1054 = arith.shli %get3A_1051, %shift_left3A_1053 : vector<16xi32>
        %bitcast3A_1055 = vector.bitcast %shift_left3A_1054 : vector<16xi32> to vector<16xf32>
        %and3A_1056 = arith.andi %get3A_1051, %broadcast_in_dim3A_714 : vector<16xi32>
        %bitcast3A_1057 = vector.bitcast %and3A_1056 : vector<16xi32> to vector<16xf32>
        %get3A_1058 = arith.constant 1 : i32
        %get3A_1059 = arith.index_cast %get3A_1058 : i32 to index
        %get3A_1060 = arith.index_cast %scan3A_983 : i32 to index
        %get3A_1061 = arith.constant 32 : index
        %get3A_1062 = tpu.vector_load %arg12[%get3A_1059, %get3A_1060, %get3A_1061] {strides = array<i32>} : memref<2x64x128xf32, #tpu.memory_space<vmem>>, vector<16xf32>,
        %get3A_1063 = arith.constant 1 : i32
        %get3A_1064 = arith.index_cast %get3A_1063 : i32 to index
        %get3A_1065 = arith.index_cast %scan3A_983 : i32 to index
        %get3A_1066 = arith.constant 96 : index
        %get3A_1067 = tpu.vector_load %arg12[%get3A_1064, %get3A_1065, %get3A_1066] {strides = array<i32>} : memref<2x64x128xf32, #tpu.memory_space<vmem>>, vector<16xf32>,
        %mul3A_1068 = arith.mulf %bitcast3A_1055, %get3A_1062 : vector<16xf32>
        %swap3A_1069 = arith.constant 1 : i32
        %swap3A_1070 = arith.index_cast %swap3A_1069 : i32 to index
        %swap3A_1071 = arith.index_cast %scan3A_983 : i32 to index
        %swap3A_1072 = arith.constant 32 : index
        %swap3A_1073 = tpu.vector_load %arg14[%swap3A_1070, %swap3A_1071, %swap3A_1072] {strides = array<i32>} : memref<2x64x128xf32, #tpu.memory_space<vmem>>, vector<16xf32>,
        tpu.vector_store %arg14[%swap3A_1070, %swap3A_1071, %swap3A_1072], %mul3A_1068 {strides = array<i32>} : memref<2x64x128xf32, #tpu.memory_space<vmem>>, vector<16xf32>,
        %mul3A_1074 = arith.mulf %bitcast3A_1057, %get3A_1067 : vector<16xf32>
        %swap3A_1075 = arith.constant 1 : i32
        %swap3A_1076 = arith.index_cast %swap3A_1075 : i32 to index
        %swap3A_1077 = arith.index_cast %scan3A_983 : i32 to index
        %swap3A_1078 = arith.constant 96 : index
        %swap3A_1079 = tpu.vector_load %arg14[%swap3A_1076, %swap3A_1077, %swap3A_1078] {strides = array<i32>} : memref<2x64x128xf32, #tpu.memory_space<vmem>>, vector<16xf32>,
        tpu.vector_store %arg14[%swap3A_1076, %swap3A_1077, %swap3A_1078], %mul3A_1074 {strides = array<i32>} : memref<2x64x128xf32, #tpu.memory_space<vmem>>, vector<16xf32>,
        %get3A_1080 = arith.constant 1 : i32
        %get3A_1081 = arith.index_cast %get3A_1080 : i32 to index
        %get3A_1082 = arith.index_cast %scan3A_983 : i32 to index
        %get3A_1083 = arith.constant 48 : index
        %get3A_1084 = tpu.vector_load %arg13[%get3A_1081, %get3A_1082, %get3A_1083] {strides = array<i32>} : memref<2x64x64xi32, #tpu.memory_space<vmem>>, vector<16xi32>,
        %shift_left3A_1085 = arith.constant 16 : i32
        %shift_left3A_1086 = vector.broadcast %shift_left3A_1085 : i32 to vector<16xi32>
        %shift_left3A_1087 = arith.shli %get3A_1084, %shift_left3A_1086 : vector<16xi32>
        %bitcast3A_1088 = vector.bitcast %shift_left3A_1087 : vector<16xi32> to vector<16xf32>
        %and3A_1089 = arith.andi %get3A_1084, %broadcast_in_dim3A_714 : vector<16xi32>
        %bitcast3A_1090 = vector.bitcast %and3A_1089 : vector<16xi32> to vector<16xf32>
        %get3A_1091 = arith.constant 1 : i32
        %get3A_1092 = arith.index_cast %get3A_1091 : i32 to index
        %get3A_1093 = arith.index_cast %scan3A_983 : i32 to index
        %get3A_1094 = arith.constant 48 : index
        %get3A_1095 = tpu.vector_load %arg12[%get3A_1092, %get3A_1093, %get3A_1094] {strides = array<i32>} : memref<2x64x128xf32, #tpu.memory_space<vmem>>, vector<16xf32>,
        %get3A_1096 = arith.constant 1 : i32
        %get3A_1097 = arith.index_cast %get3A_1096 : i32 to index
        %get3A_1098 = arith.index_cast %scan3A_983 : i32 to index
        %get3A_1099 = arith.constant 112 : index
        %get3A_1100 = tpu.vector_load %arg12[%get3A_1097, %get3A_1098, %get3A_1099] {strides = array<i32>} : memref<2x64x128xf32, #tpu.memory_space<vmem>>, vector<16xf32>,
        %mul3A_1101 = arith.mulf %bitcast3A_1088, %get3A_1095 : vector<16xf32>
        %swap3A_1102 = arith.constant 1 : i32
        %swap3A_1103 = arith.index_cast %swap3A_1102 : i32 to index
        %swap3A_1104 = arith.index_cast %scan3A_983 : i32 to index
        %swap3A_1105 = arith.constant 48 : index
        %swap3A_1106 = tpu.vector_load %arg14[%swap3A_1103, %swap3A_1104, %swap3A_1105] {strides = array<i32>} : memref<2x64x128xf32, #tpu.memory_space<vmem>>, vector<16xf32>,
        tpu.vector_store %arg14[%swap3A_1103, %swap3A_1104, %swap3A_1105], %mul3A_1101 {strides = array<i32>} : memref<2x64x128xf32, #tpu.memory_space<vmem>>, vector<16xf32>,
        %mul3A_1107 = arith.mulf %bitcast3A_1090, %get3A_1100 : vector<16xf32>
        %swap3A_1108 = arith.constant 1 : i32
        %swap3A_1109 = arith.index_cast %swap3A_1108 : i32 to index
        %swap3A_1110 = arith.index_cast %scan3A_983 : i32 to index
        %swap3A_1111 = arith.constant 112 : index
        %swap3A_1112 = tpu.vector_load %arg14[%swap3A_1109, %swap3A_1110, %swap3A_1111] {strides = array<i32>} : memref<2x64x128xf32, #tpu.memory_space<vmem>>, vector<16xf32>,
        tpu.vector_store %arg14[%swap3A_1109, %swap3A_1110, %swap3A_1111], %mul3A_1107 {strides = array<i32>} : memref<2x64x128xf32, #tpu.memory_space<vmem>>, vector<16xf32>,
      }
      %scan3A_720 = arith.constant 64 : i32
      %get3A_721 = arith.constant 0 : index
      %get3A_722 = tpu.vector_load %arg9[%get3A_721] {strides = array<i32>} : memref<192xi32, #tpu.memory_space<vmem>>, vector<16xi32>,
      %swap3A_723 = arith.constant 1 : i32
      %swap3A_724 = arith.index_cast %swap3A_723 : i32 to index
      %swap3A_725 = arith.constant 0 : index
      %swap3A_726 = tpu.vector_load %arg10[%swap3A_724, %swap3A_725] {strides = array<i32>} : memref<2x64xi32, #tpu.memory_space<vmem>>, vector<16xi32>,
      tpu.vector_store %arg10[%swap3A_724, %swap3A_725], %get3A_722 {strides = array<i32>} : memref<2x64xi32, #tpu.memory_space<vmem>>, vector<16xi32>,
      %get3A_727 = arith.constant 16 : index
      %get3A_728 = tpu.vector_load %arg9[%get3A_727] {strides = array<i32>} : memref<192xi32, #tpu.memory_space<vmem>>, vector<16xi32>,
      %swap3A_729 = arith.constant 1 : i32
      %swap3A_730 = arith.index_cast %swap3A_729 : i32 to index
      %swap3A_731 = arith.constant 16 : index
      %swap3A_732 = tpu.vector_load %arg10[%swap3A_730, %swap3A_731] {strides = array<i32>} : memref<2x64xi32, #tpu.memory_space<vmem>>, vector<16xi32>,
      tpu.vector_store %arg10[%swap3A_730, %swap3A_731], %get3A_728 {strides = array<i32>} : memref<2x64xi32, #tpu.memory_space<vmem>>, vector<16xi32>,
      %get3A_733 = arith.constant 32 : index
      %get3A_734 = tpu.vector_load %arg9[%get3A_733] {strides = array<i32>} : memref<192xi32, #tpu.memory_space<vmem>>, vector<16xi32>,
      %swap3A_735 = arith.constant 1 : i32
      %swap3A_736 = arith.index_cast %swap3A_735 : i32 to index
      %swap3A_737 = arith.constant 32 : index
      %swap3A_738 = tpu.vector_load %arg10[%swap3A_736, %swap3A_737] {strides = array<i32>} : memref<2x64xi32, #tpu.memory_space<vmem>>, vector<16xi32>,
      tpu.vector_store %arg10[%swap3A_736, %swap3A_737], %get3A_734 {strides = array<i32>} : memref<2x64xi32, #tpu.memory_space<vmem>>, vector<16xi32>,
      %get3A_739 = arith.constant 48 : index
      %get3A_740 = tpu.vector_load %arg9[%get3A_739] {strides = array<i32>} : memref<192xi32, #tpu.memory_space<vmem>>, vector<16xi32>,
      %swap3A_741 = arith.constant 1 : i32
      %swap3A_742 = arith.index_cast %swap3A_741 : i32 to index
      %swap3A_743 = arith.constant 48 : index
      %swap3A_744 = tpu.vector_load %arg10[%swap3A_742, %swap3A_743] {strides = array<i32>} : memref<2x64xi32, #tpu.memory_space<vmem>>, vector<16xi32>,
      tpu.vector_store %arg10[%swap3A_742, %swap3A_743], %get3A_740 {strides = array<i32>} : memref<2x64xi32, #tpu.memory_space<vmem>>, vector<16xi32>,
      %dma_start3A_745 = arith.constant 1 : i32
      %dma_start3A_746 = arith.constant 1 : i32
      %dma_start3A_747 = arith.constant 0 : i32
      %dma_start3A_748 = arith.constant 0 : i32
      %dma_start3A_749 = tpu.memref_slice %arg14[%dma_start3A_745, %dma_start3A_747, %dma_start3A_748] : memref<2x64x128xf32, #tpu.memory_space<vmem>> -> memref<1x64x128xf32, #tpu.memory_space<vmem>>
      %dma_start3A_750 = tpu.memref_squeeze %dma_start3A_749 : memref<1x64x128xf32, #tpu.memory_space<vmem>> -> memref<64x128xf32, #tpu.memory_space<vmem>>
      %dma_start3A_751 = arith.constant 0 : i32
      %dma_start3A_752 = tpu.memref_slice %arg10[%dma_start3A_746, %dma_start3A_751] : memref<2x64xi32, #tpu.memory_space<vmem>> -> memref<1x64xi32, #tpu.memory_space<vmem>>
      %dma_start3A_753 = tpu.memref_squeeze %dma_start3A_752 : memref<1x64xi32, #tpu.memory_space<vmem>> -> memref<64xi32, #tpu.memory_space<vmem>>
      %dma_start3A_754 = arith.constant 0 : i32
      %dma_start3A_755 = arith.constant 0 : i32
      %dma_start3A_756 = tpu.memref_slice %arg15[%dma_start3A_754, %dma_start3A_755] : memref<10000x128xf32, #tpu.memory_space<vmem_shared>> -> memref<10000x128xf32, #tpu.memory_space<vmem_shared>>
      tpu.enqueue_indirect_dma source(%dma_start3A_750 : memref<64x128xf32, #tpu.memory_space<vmem>>) target(%dma_start3A_756 : memref<10000x128xf32, #tpu.memory_space<vmem_shared>>) offsets(%dma_start3A_753 : memref<64xi32, #tpu.memory_space<vmem>>) semaphore(%arg21 : memref<!tpu.dma_semaphore, #tpu.memory_space<semaphore_mem>>) {add = true}
      %mul3A_757 = arith.constant 3 : i32
      %mul3A_758 = arith.muli %add3A_613, %mul3A_757 : i32
      %add3A_759 = arith.constant 1 : i32
      %add3A_760 = arith.addi %mul3A_758, %add3A_759 : i32
      %dma_wait3A_761 = arith.constant 0 : i32
      %dma_wait3A_762 = arith.constant 0 : i32
      %dma_wait3A_763 = arith.constant 0 : i32
      %dma_wait3A_764 = tpu.memref_slice %arg12[%dma_wait3A_761, %dma_wait3A_762, %dma_wait3A_763] : memref<2x64x128xf32, #tpu.memory_space<vmem>> -> memref<1x64x128xf32, #tpu.memory_space<vmem>>
      %dma_wait3A_765 = tpu.memref_squeeze %dma_wait3A_764 : memref<1x64x128xf32, #tpu.memory_space<vmem>> -> memref<64x128xf32, #tpu.memory_space<vmem>>
      %dma_wait3A_766 = arith.constant 0 : i32
      %dma_wait3A_767 = arith.constant 0 : i32
      %dma_wait3A_768 = tpu.memref_slice %arg2[%dma_wait3A_766, %dma_wait3A_767] : memref<10000x128xf32, #tpu.memory_space<hbm>> -> memref<64x128xf32, #tpu.memory_space<hbm>>
      %dma_wait3A_769 = arith.constant 0 : i32
      %dma_wait3A_770 = arith.constant 0 : i32
      %dma_wait3A_771 = tpu.memref_slice %arg12[%dma_wait3A_761, %dma_wait3A_769, %dma_wait3A_770] : memref<2x64x128xf32, #tpu.memory_space<vmem>> -> memref<1x64x128xf32, #tpu.memory_space<vmem>>
      %dma_wait3A_772 = tpu.memref_squeeze %dma_wait3A_771 : memref<1x64x128xf32, #tpu.memory_space<vmem>> -> memref<64x128xf32, #tpu.memory_space<vmem>>
      %dma_wait3A_773 = arith.constant 0 : i32
      %dma_wait3A_774 = arith.constant 0 : i32
      %dma_wait3A_775 = tpu.memref_slice %arg2[%dma_wait3A_773, %dma_wait3A_774] : memref<10000x128xf32, #tpu.memory_space<hbm>> -> memref<64x128xf32, #tpu.memory_space<hbm>>
      tpu.wait_dma2 semaphore(%arg16 : memref<!tpu.dma_semaphore, #tpu.memory_space<semaphore_mem>>) src(%dma_wait3A_775 : memref<64x128xf32, #tpu.memory_space<hbm>>) dst(%dma_wait3A_772 : memref<64x128xf32, #tpu.memory_space<vmem>>)
      %dma_wait3A_776 = arith.constant 0 : i32
      %dma_wait3A_777 = arith.constant 0 : i32
      %dma_wait3A_778 = arith.constant 0 : i32
      %dma_wait3A_779 = tpu.memref_slice %arg13[%dma_wait3A_776, %dma_wait3A_777, %dma_wait3A_778] : memref<2x64x64xi32, #tpu.memory_space<vmem>> -> memref<1x64x64xi32, #tpu.memory_space<vmem>>
      %dma_wait3A_780 = tpu.memref_squeeze %dma_wait3A_779 : memref<1x64x64xi32, #tpu.memory_space<vmem>> -> memref<64x64xi32, #tpu.memory_space<vmem>>
      %dma_wait3A_781 = arith.constant 0 : i32
      %dma_wait3A_782 = arith.constant 0 : i32
      %dma_wait3A_783 = tpu.memref_slice %arg3[%dma_wait3A_781, %dma_wait3A_782] : memref<320000x64xi32, #tpu.memory_space<hbm>> -> memref<64x64xi32, #tpu.memory_space<hbm>>
      %dma_wait3A_784 = arith.constant 0 : i32
      %dma_wait3A_785 = arith.constant 0 : i32
      %dma_wait3A_786 = tpu.memref_slice %arg13[%dma_wait3A_776, %dma_wait3A_784, %dma_wait3A_785] : memref<2x64x64xi32, #tpu.memory_space<vmem>> -> memref<1x64x64xi32, #tpu.memory_space<vmem>>
      %dma_wait3A_787 = tpu.memref_squeeze %dma_wait3A_786 : memref<1x64x64xi32, #tpu.memory_space<vmem>> -> memref<64x64xi32, #tpu.memory_space<vmem>>
      %dma_wait3A_788 = arith.constant 0 : i32
      %dma_wait3A_789 = arith.constant 0 : i32
      %dma_wait3A_790 = tpu.memref_slice %arg3[%dma_wait3A_788, %dma_wait3A_789] : memref<320000x64xi32, #tpu.memory_space<hbm>> -> memref<64x64xi32, #tpu.memory_space<hbm>>
      tpu.wait_dma2 semaphore(%arg18 : memref<!tpu.dma_semaphore, #tpu.memory_space<semaphore_mem>>) src(%dma_wait3A_790 : memref<64x64xi32, #tpu.memory_space<hbm>>) dst(%dma_wait3A_787 : memref<64x64xi32, #tpu.memory_space<vmem>>)
      %get3A_791 = arith.constant 128 : index
      %get3A_792 = tpu.vector_load %arg7[%get3A_791] {strides = array<i32>} : memref<192xi32, #tpu.memory_space<vmem>>, vector<16xi32>,
      %swap3A_793 = arith.constant 1 : i32
      %swap3A_794 = arith.index_cast %swap3A_793 : i32 to index
      %swap3A_795 = arith.constant 0 : index
      %swap3A_796 = tpu.vector_load %arg11[%swap3A_794, %swap3A_795] {strides = array<i32>} : memref<2x64xi32, #tpu.memory_space<vmem>>, vector<16xi32>,
      tpu.vector_store %arg11[%swap3A_794, %swap3A_795], %get3A_792 {strides = array<i32>} : memref<2x64xi32, #tpu.memory_space<vmem>>, vector<16xi32>,
      %get3A_797 = arith.constant 144 : index
      %get3A_798 = tpu.vector_load %arg7[%get3A_797] {strides = array<i32>} : memref<192xi32, #tpu.memory_space<vmem>>, vector<16xi32>,
      %swap3A_799 = arith.constant 1 : i32
      %swap3A_800 = arith.index_cast %swap3A_799 : i32 to index
      %swap3A_801 = arith.constant 16 : index
      %swap3A_802 = tpu.vector_load %arg11[%swap3A_800, %swap3A_801] {strides = array<i32>} : memref<2x64xi32, #tpu.memory_space<vmem>>, vector<16xi32>,
      tpu.vector_store %arg11[%swap3A_800, %swap3A_801], %get3A_798 {strides = array<i32>} : memref<2x64xi32, #tpu.memory_space<vmem>>, vector<16xi32>,
      %get3A_803 = arith.constant 160 : index
      %get3A_804 = tpu.vector_load %arg7[%get3A_803] {strides = array<i32>} : memref<192xi32, #tpu.memory_space<vmem>>, vector<16xi32>,
      %swap3A_805 = arith.constant 1 : i32
      %swap3A_806 = arith.index_cast %swap3A_805 : i32 to index
      %swap3A_807 = arith.constant 32 : index
      %swap3A_808 = tpu.vector_load %arg11[%swap3A_806, %swap3A_807] {strides = array<i32>} : memref<2x64xi32, #tpu.memory_space<vmem>>, vector<16xi32>,
      tpu.vector_store %arg11[%swap3A_806, %swap3A_807], %get3A_804 {strides = array<i32>} : memref<2x64xi32, #tpu.memory_space<vmem>>, vector<16xi32>,
      %get3A_809 = arith.constant 176 : index
      %get3A_810 = tpu.vector_load %arg7[%get3A_809] {strides = array<i32>} : memref<192xi32, #tpu.memory_space<vmem>>, vector<16xi32>,
      %swap3A_811 = arith.constant 1 : i32
      %swap3A_812 = arith.index_cast %swap3A_811 : i32 to index
      %swap3A_813 = arith.constant 48 : index
      %swap3A_814 = tpu.vector_load %arg11[%swap3A_812, %swap3A_813] {strides = array<i32>} : memref<2x64xi32, #tpu.memory_space<vmem>>, vector<16xi32>,
      tpu.vector_store %arg11[%swap3A_812, %swap3A_813], %get3A_810 {strides = array<i32>} : memref<2x64xi32, #tpu.memory_space<vmem>>, vector<16xi32>,
      %add3A_815 = arith.constant 1 : i32
      %add3A_816 = arith.addi %add3A_760, %add3A_815 : i32
      %add3A_817 = arith.addi %mul3A_57, %add3A_816 : i32
      %mul3A_818 = arith.constant 64 : i32
      %mul3A_819 = arith.muli %add3A_817, %mul3A_818 : i32
      %multiple_of3A_820 = tpu.assume_multiple %mul3A_819, 64 : i32
      %dma_start3A_821 = arith.constant 1 : i32
      %dma_start3A_822 = arith.constant 1 : i32
      %dma_start3A_823 = arith.constant 0 : i32
      %dma_start3A_824 = arith.constant 0 : i32
      %dma_start3A_825 = tpu.memref_slice %arg12[%dma_start3A_822, %dma_start3A_823, %dma_start3A_824] : memref<2x64x128xf32, #tpu.memory_space<vmem>> -> memref<1x64x128xf32, #tpu.memory_space<vmem>>
      %dma_start3A_826 = tpu.memref_squeeze %dma_start3A_825 : memref<1x64x128xf32, #tpu.memory_space<vmem>> -> memref<64x128xf32, #tpu.memory_space<vmem>>
      %dma_start3A_827 = arith.constant 0 : i32
      %dma_start3A_828 = tpu.memref_slice %arg11[%dma_start3A_821, %dma_start3A_827] : memref<2x64xi32, #tpu.memory_space<vmem>> -> memref<1x64xi32, #tpu.memory_space<vmem>>
      %dma_start3A_829 = tpu.memref_squeeze %dma_start3A_828 : memref<1x64xi32, #tpu.memory_space<vmem>> -> memref<64xi32, #tpu.memory_space<vmem>>
      %dma_start3A_830 = arith.constant 0 : i32
      %dma_start3A_831 = arith.constant 0 : i32
      %dma_start3A_832 = tpu.memref_slice %arg2[%dma_start3A_830, %dma_start3A_831] : memref<10000x128xf32, #tpu.memory_space<hbm>> -> memref<10000x128xf32, #tpu.memory_space<hbm>>
      tpu.enqueue_indirect_dma source(%dma_start3A_832 : memref<10000x128xf32, #tpu.memory_space<hbm>>) target(%dma_start3A_826 : memref<64x128xf32, #tpu.memory_space<vmem>>) offsets(%dma_start3A_829 : memref<64xi32, #tpu.memory_space<vmem>>) semaphore(%arg17 : memref<!tpu.dma_semaphore, #tpu.memory_space<semaphore_mem>>)
      %dma_start3A_833 = arith.constant 1 : i32
      %dma_start3A_834 = arith.constant 0 : i32
      %dma_start3A_835 = arith.constant 0 : i32
      %dma_start3A_836 = tpu.memref_slice %arg13[%dma_start3A_833, %dma_start3A_834, %dma_start3A_835] : memref<2x64x64xi32, #tpu.memory_space<vmem>> -> memref<1x64x64xi32, #tpu.memory_space<vmem>>
      %dma_start3A_837 = tpu.memref_squeeze %dma_start3A_836 : memref<1x64x64xi32, #tpu.memory_space<vmem>> -> memref<64x64xi32, #tpu.memory_space<vmem>>
      %dma_start3A_838 = arith.constant 0 : i32
      %dma_start3A_839 = tpu.memref_slice %arg3[%multiple_of3A_820, %dma_start3A_838] : memref<320000x64xi32, #tpu.memory_space<hbm>> -> memref<64x64xi32, #tpu.memory_space<hbm>>
      %dma_start3A_840 = arith.constant 0 : i32
      %dma_start3A_841 = arith.constant 0 : i32
      %dma_start3A_842 = tpu.memref_slice %arg13[%dma_start3A_833, %dma_start3A_840, %dma_start3A_841] : memref<2x64x64xi32, #tpu.memory_space<vmem>> -> memref<1x64x64xi32, #tpu.memory_space<vmem>>
      %dma_start3A_843 = tpu.memref_squeeze %dma_start3A_842 : memref<1x64x64xi32, #tpu.memory_space<vmem>> -> memref<64x64xi32, #tpu.memory_space<vmem>>
      %dma_start3A_844 = arith.constant 0 : i32
      %dma_start3A_845 = tpu.memref_slice %arg3[%multiple_of3A_820, %dma_start3A_844] : memref<320000x64xi32, #tpu.memory_space<hbm>> -> memref<64x64xi32, #tpu.memory_space<hbm>>
      tpu.enqueue_dma source(%dma_start3A_845 : memref<64x64xi32, #tpu.memory_space<hbm>>) target(%dma_start3A_843 : memref<64x64xi32, #tpu.memory_space<vmem>>) target_semaphore(%arg19 : memref<!tpu.dma_semaphore, #tpu.memory_space<semaphore_mem>>)
      %ge3A_846 = arith.constant 2 : i32
      %ge3A_847 = arith.cmpi sge, %add3A_760, %ge3A_846 : i32
      %convert_element_type3A_848 = arith.extui %ge3A_847 : i1 to i32
      %cond3A_849 = arith.constant 0 : i32
      %cond3A_850 = arith.cmpi ne, %convert_element_type3A_848, %cond3A_849 : i32
      scf.if %cond3A_850 {
        %dma_wait3A_983 = arith.constant 0 : i32
        %dma_wait3A_984 = arith.constant 0 : i32
        %dma_wait3A_985 = arith.constant 0 : i32
        %dma_wait3A_986 = arith.constant 0 : i32
        %dma_wait3A_987 = tpu.memref_slice %arg14[%dma_wait3A_984, %dma_wait3A_985, %dma_wait3A_986] : memref<2x64x128xf32, #tpu.memory_space<vmem>> -> memref<1x64x128xf32, #tpu.memory_space<vmem>>
        %dma_wait3A_988 = tpu.memref_squeeze %dma_wait3A_987 : memref<1x64x128xf32, #tpu.memory_space<vmem>> -> memref<64x128xf32, #tpu.memory_space<vmem>>
        %dma_wait3A_989 = arith.constant 0 : i32
        %dma_wait3A_990 = arith.constant 0 : i32
        %dma_wait3A_991 = tpu.memref_slice %arg5[%dma_wait3A_983, %dma_wait3A_989, %dma_wait3A_990] : memref<2x10000x128xf32, #tpu.memory_space<hbm>> -> memref<1x64x128xf32, #tpu.memory_space<hbm>>
        %dma_wait3A_992 = tpu.memref_squeeze %dma_wait3A_991 : memref<1x64x128xf32, #tpu.memory_space<hbm>> -> memref<64x128xf32, #tpu.memory_space<hbm>>
        %dma_wait3A_993 = arith.constant 0 : i32
        %dma_wait3A_994 = arith.constant 0 : i32
        %dma_wait3A_995 = tpu.memref_slice %arg14[%dma_wait3A_984, %dma_wait3A_993, %dma_wait3A_994] : memref<2x64x128xf32, #tpu.memory_space<vmem>> -> memref<1x64x128xf32, #tpu.memory_space<vmem>>
        %dma_wait3A_996 = tpu.memref_squeeze %dma_wait3A_995 : memref<1x64x128xf32, #tpu.memory_space<vmem>> -> memref<64x128xf32, #tpu.memory_space<vmem>>
        %dma_wait3A_997 = arith.constant 0 : i32
        %dma_wait3A_998 = arith.constant 0 : i32
        %dma_wait3A_999 = tpu.memref_slice %arg5[%dma_wait3A_983, %dma_wait3A_997, %dma_wait3A_998] : memref<2x10000x128xf32, #tpu.memory_space<hbm>> -> memref<1x64x128xf32, #tpu.memory_space<hbm>>
        %dma_wait3A_1000 = tpu.memref_squeeze %dma_wait3A_999 : memref<1x64x128xf32, #tpu.memory_space<hbm>> -> memref<64x128xf32, #tpu.memory_space<hbm>>
        tpu.wait_dma2 semaphore(%arg20 : memref<!tpu.dma_semaphore, #tpu.memory_space<semaphore_mem>>) src(%dma_wait3A_1000 : memref<64x128xf32, #tpu.memory_space<hbm>>) dst(%dma_wait3A_996 : memref<64x128xf32, #tpu.memory_space<vmem>>)
      } else {
      }
      %broadcast_in_dim3A_851 = arith.constant -65536 : i32
      %broadcast_in_dim3A_852 = vector.broadcast %broadcast_in_dim3A_851 : i32 to vector<16xi32>
      %scan3A_853 = arith.constant 0 : i32
      %scan3A_854 = arith.constant 0 : i32
      %scan3A_855 = arith.constant 64 : i32
      %scan3A_856 = arith.addi %scan3A_854, %scan3A_855 : i32
      %scan3A_857 = arith.constant 1 : i32
      scf.for %scan3A_983 = %scan3A_854 to %scan3A_856 step %scan3A_857  : i32 {
        %get3A_984 = arith.constant 0 : i32
        %get3A_985 = arith.index_cast %get3A_984 : i32 to index
        %get3A_986 = arith.index_cast %scan3A_983 : i32 to index
        %get3A_987 = arith.constant 0 : index
        %get3A_988 = tpu.vector_load %arg13[%get3A_985, %get3A_986, %get3A_987] {strides = array<i32>} : memref<2x64x64xi32, #tpu.memory_space<vmem>>, vector<16xi32>,
        %shift_left3A = arith.constant 16 : i32
        %shift_left3A_989 = vector.broadcast %shift_left3A : i32 to vector<16xi32>
        %shift_left3A_990 = arith.shli %get3A_988, %shift_left3A_989 : vector<16xi32>
        %bitcast3A = vector.bitcast %shift_left3A_990 : vector<16xi32> to vector<16xf32>
        %and3A = arith.andi %get3A_988, %broadcast_in_dim3A_852 : vector<16xi32>
        %bitcast3A_991 = vector.bitcast %and3A : vector<16xi32> to vector<16xf32>
        %get3A_992 = arith.constant 0 : i32
        %get3A_993 = arith.index_cast %get3A_992 : i32 to index
        %get3A_994 = arith.index_cast %scan3A_983 : i32 to index
        %get3A_995 = arith.constant 0 : index
        %get3A_996 = tpu.vector_load %arg12[%get3A_993, %get3A_994, %get3A_995] {strides = array<i32>} : memref<2x64x128xf32, #tpu.memory_space<vmem>>, vector<16xf32>,
        %get3A_997 = arith.constant 0 : i32
        %get3A_998 = arith.index_cast %get3A_997 : i32 to index
        %get3A_999 = arith.index_cast %scan3A_983 : i32 to index
        %get3A_1000 = arith.constant 64 : index
        %get3A_1001 = tpu.vector_load %arg12[%get3A_998, %get3A_999, %get3A_1000] {strides = array<i32>} : memref<2x64x128xf32, #tpu.memory_space<vmem>>, vector<16xf32>,
        %mul3A_1002 = arith.mulf %bitcast3A, %get3A_996 : vector<16xf32>
        %swap3A_1003 = arith.constant 0 : i32
        %swap3A_1004 = arith.index_cast %swap3A_1003 : i32 to index
        %swap3A_1005 = arith.index_cast %scan3A_983 : i32 to index
        %swap3A_1006 = arith.constant 0 : index
        %swap3A_1007 = tpu.vector_load %arg14[%swap3A_1004, %swap3A_1005, %swap3A_1006] {strides = array<i32>} : memref<2x64x128xf32, #tpu.memory_space<vmem>>, vector<16xf32>,
        tpu.vector_store %arg14[%swap3A_1004, %swap3A_1005, %swap3A_1006], %mul3A_1002 {strides = array<i32>} : memref<2x64x128xf32, #tpu.memory_space<vmem>>, vector<16xf32>,
        %mul3A_1008 = arith.mulf %bitcast3A_991, %get3A_1001 : vector<16xf32>
        %swap3A_1009 = arith.constant 0 : i32
        %swap3A_1010 = arith.index_cast %swap3A_1009 : i32 to index
        %swap3A_1011 = arith.index_cast %scan3A_983 : i32 to index
        %swap3A_1012 = arith.constant 64 : index
        %swap3A_1013 = tpu.vector_load %arg14[%swap3A_1010, %swap3A_1011, %swap3A_1012] {strides = array<i32>} : memref<2x64x128xf32, #tpu.memory_space<vmem>>, vector<16xf32>,
        tpu.vector_store %arg14[%swap3A_1010, %swap3A_1011, %swap3A_1012], %mul3A_1008 {strides = array<i32>} : memref<2x64x128xf32, #tpu.memory_space<vmem>>, vector<16xf32>,
        %get3A_1014 = arith.constant 0 : i32
        %get3A_1015 = arith.index_cast %get3A_1014 : i32 to index
        %get3A_1016 = arith.index_cast %scan3A_983 : i32 to index
        %get3A_1017 = arith.constant 16 : index
        %get3A_1018 = tpu.vector_load %arg13[%get3A_1015, %get3A_1016, %get3A_1017] {strides = array<i32>} : memref<2x64x64xi32, #tpu.memory_space<vmem>>, vector<16xi32>,
        %shift_left3A_1019 = arith.constant 16 : i32
        %shift_left3A_1020 = vector.broadcast %shift_left3A_1019 : i32 to vector<16xi32>
        %shift_left3A_1021 = arith.shli %get3A_1018, %shift_left3A_1020 : vector<16xi32>
        %bitcast3A_1022 = vector.bitcast %shift_left3A_1021 : vector<16xi32> to vector<16xf32>
        %and3A_1023 = arith.andi %get3A_1018, %broadcast_in_dim3A_852 : vector<16xi32>
        %bitcast3A_1024 = vector.bitcast %and3A_1023 : vector<16xi32> to vector<16xf32>
        %get3A_1025 = arith.constant 0 : i32
        %get3A_1026 = arith.index_cast %get3A_1025 : i32 to index
        %get3A_1027 = arith.index_cast %scan3A_983 : i32 to index
        %get3A_1028 = arith.constant 16 : index
        %get3A_1029 = tpu.vector_load %arg12[%get3A_1026, %get3A_1027, %get3A_1028] {strides = array<i32>} : memref<2x64x128xf32, #tpu.memory_space<vmem>>, vector<16xf32>,
        %get3A_1030 = arith.constant 0 : i32
        %get3A_1031 = arith.index_cast %get3A_1030 : i32 to index
        %get3A_1032 = arith.index_cast %scan3A_983 : i32 to index
        %get3A_1033 = arith.constant 80 : index
        %get3A_1034 = tpu.vector_load %arg12[%get3A_1031, %get3A_1032, %get3A_1033] {strides = array<i32>} : memref<2x64x128xf32, #tpu.memory_space<vmem>>, vector<16xf32>,
        %mul3A_1035 = arith.mulf %bitcast3A_1022, %get3A_1029 : vector<16xf32>
        %swap3A_1036 = arith.constant 0 : i32
        %swap3A_1037 = arith.index_cast %swap3A_1036 : i32 to index
        %swap3A_1038 = arith.index_cast %scan3A_983 : i32 to index
        %swap3A_1039 = arith.constant 16 : index
        %swap3A_1040 = tpu.vector_load %arg14[%swap3A_1037, %swap3A_1038, %swap3A_1039] {strides = array<i32>} : memref<2x64x128xf32, #tpu.memory_space<vmem>>, vector<16xf32>,
        tpu.vector_store %arg14[%swap3A_1037, %swap3A_1038, %swap3A_1039], %mul3A_1035 {strides = array<i32>} : memref<2x64x128xf32, #tpu.memory_space<vmem>>, vector<16xf32>,
        %mul3A_1041 = arith.mulf %bitcast3A_1024, %get3A_1034 : vector<16xf32>
        %swap3A_1042 = arith.constant 0 : i32
        %swap3A_1043 = arith.index_cast %swap3A_1042 : i32 to index
        %swap3A_1044 = arith.index_cast %scan3A_983 : i32 to index
        %swap3A_1045 = arith.constant 80 : index
        %swap3A_1046 = tpu.vector_load %arg14[%swap3A_1043, %swap3A_1044, %swap3A_1045] {strides = array<i32>} : memref<2x64x128xf32, #tpu.memory_space<vmem>>, vector<16xf32>,
        tpu.vector_store %arg14[%swap3A_1043, %swap3A_1044, %swap3A_1045], %mul3A_1041 {strides = array<i32>} : memref<2x64x128xf32, #tpu.memory_space<vmem>>, vector<16xf32>,
        %get3A_1047 = arith.constant 0 : i32
        %get3A_1048 = arith.index_cast %get3A_1047 : i32 to index
        %get3A_1049 = arith.index_cast %scan3A_983 : i32 to index
        %get3A_1050 = arith.constant 32 : index
        %get3A_1051 = tpu.vector_load %arg13[%get3A_1048, %get3A_1049, %get3A_1050] {strides = array<i32>} : memref<2x64x64xi32, #tpu.memory_space<vmem>>, vector<16xi32>,
        %shift_left3A_1052 = arith.constant 16 : i32
        %shift_left3A_1053 = vector.broadcast %shift_left3A_1052 : i32 to vector<16xi32>
        %shift_left3A_1054 = arith.shli %get3A_1051, %shift_left3A_1053 : vector<16xi32>
        %bitcast3A_1055 = vector.bitcast %shift_left3A_1054 : vector<16xi32> to vector<16xf32>
        %and3A_1056 = arith.andi %get3A_1051, %broadcast_in_dim3A_852 : vector<16xi32>
        %bitcast3A_1057 = vector.bitcast %and3A_1056 : vector<16xi32> to vector<16xf32>
        %get3A_1058 = arith.constant 0 : i32
        %get3A_1059 = arith.index_cast %get3A_1058 : i32 to index
        %get3A_1060 = arith.index_cast %scan3A_983 : i32 to index
        %get3A_1061 = arith.constant 32 : index
        %get3A_1062 = tpu.vector_load %arg12[%get3A_1059, %get3A_1060, %get3A_1061] {strides = array<i32>} : memref<2x64x128xf32, #tpu.memory_space<vmem>>, vector<16xf32>,
        %get3A_1063 = arith.constant 0 : i32
        %get3A_1064 = arith.index_cast %get3A_1063 : i32 to index
        %get3A_1065 = arith.index_cast %scan3A_983 : i32 to index
        %get3A_1066 = arith.constant 96 : index
        %get3A_1067 = tpu.vector_load %arg12[%get3A_1064, %get3A_1065, %get3A_1066] {strides = array<i32>} : memref<2x64x128xf32, #tpu.memory_space<vmem>>, vector<16xf32>,
        %mul3A_1068 = arith.mulf %bitcast3A_1055, %get3A_1062 : vector<16xf32>
        %swap3A_1069 = arith.constant 0 : i32
        %swap3A_1070 = arith.index_cast %swap3A_1069 : i32 to index
        %swap3A_1071 = arith.index_cast %scan3A_983 : i32 to index
        %swap3A_1072 = arith.constant 32 : index
        %swap3A_1073 = tpu.vector_load %arg14[%swap3A_1070, %swap3A_1071, %swap3A_1072] {strides = array<i32>} : memref<2x64x128xf32, #tpu.memory_space<vmem>>, vector<16xf32>,
        tpu.vector_store %arg14[%swap3A_1070, %swap3A_1071, %swap3A_1072], %mul3A_1068 {strides = array<i32>} : memref<2x64x128xf32, #tpu.memory_space<vmem>>, vector<16xf32>,
        %mul3A_1074 = arith.mulf %bitcast3A_1057, %get3A_1067 : vector<16xf32>
        %swap3A_1075 = arith.constant 0 : i32
        %swap3A_1076 = arith.index_cast %swap3A_1075 : i32 to index
        %swap3A_1077 = arith.index_cast %scan3A_983 : i32 to index
        %swap3A_1078 = arith.constant 96 : index
        %swap3A_1079 = tpu.vector_load %arg14[%swap3A_1076, %swap3A_1077, %swap3A_1078] {strides = array<i32>} : memref<2x64x128xf32, #tpu.memory_space<vmem>>, vector<16xf32>,
        tpu.vector_store %arg14[%swap3A_1076, %swap3A_1077, %swap3A_1078], %mul3A_1074 {strides = array<i32>} : memref<2x64x128xf32, #tpu.memory_space<vmem>>, vector<16xf32>,
        %get3A_1080 = arith.constant 0 : i32
        %get3A_1081 = arith.index_cast %get3A_1080 : i32 to index
        %get3A_1082 = arith.index_cast %scan3A_983 : i32 to index
        %get3A_1083 = arith.constant 48 : index
        %get3A_1084 = tpu.vector_load %arg13[%get3A_1081, %get3A_1082, %get3A_1083] {strides = array<i32>} : memref<2x64x64xi32, #tpu.memory_space<vmem>>, vector<16xi32>,
        %shift_left3A_1085 = arith.constant 16 : i32
        %shift_left3A_1086 = vector.broadcast %shift_left3A_1085 : i32 to vector<16xi32>
        %shift_left3A_1087 = arith.shli %get3A_1084, %shift_left3A_1086 : vector<16xi32>
        %bitcast3A_1088 = vector.bitcast %shift_left3A_1087 : vector<16xi32> to vector<16xf32>
        %and3A_1089 = arith.andi %get3A_1084, %broadcast_in_dim3A_852 : vector<16xi32>
        %bitcast3A_1090 = vector.bitcast %and3A_1089 : vector<16xi32> to vector<16xf32>
        %get3A_1091 = arith.constant 0 : i32
        %get3A_1092 = arith.index_cast %get3A_1091 : i32 to index
        %get3A_1093 = arith.index_cast %scan3A_983 : i32 to index
        %get3A_1094 = arith.constant 48 : index
        %get3A_1095 = tpu.vector_load %arg12[%get3A_1092, %get3A_1093, %get3A_1094] {strides = array<i32>} : memref<2x64x128xf32, #tpu.memory_space<vmem>>, vector<16xf32>,
        %get3A_1096 = arith.constant 0 : i32
        %get3A_1097 = arith.index_cast %get3A_1096 : i32 to index
        %get3A_1098 = arith.index_cast %scan3A_983 : i32 to index
        %get3A_1099 = arith.constant 112 : index
        %get3A_1100 = tpu.vector_load %arg12[%get3A_1097, %get3A_1098, %get3A_1099] {strides = array<i32>} : memref<2x64x128xf32, #tpu.memory_space<vmem>>, vector<16xf32>,
        %mul3A_1101 = arith.mulf %bitcast3A_1088, %get3A_1095 : vector<16xf32>
        %swap3A_1102 = arith.constant 0 : i32
        %swap3A_1103 = arith.index_cast %swap3A_1102 : i32 to index
        %swap3A_1104 = arith.index_cast %scan3A_983 : i32 to index
        %swap3A_1105 = arith.constant 48 : index
        %swap3A_1106 = tpu.vector_load %arg14[%swap3A_1103, %swap3A_1104, %swap3A_1105] {strides = array<i32>} : memref<2x64x128xf32, #tpu.memory_space<vmem>>, vector<16xf32>,
        tpu.vector_store %arg14[%swap3A_1103, %swap3A_1104, %swap3A_1105], %mul3A_1101 {strides = array<i32>} : memref<2x64x128xf32, #tpu.memory_space<vmem>>, vector<16xf32>,
        %mul3A_1107 = arith.mulf %bitcast3A_1090, %get3A_1100 : vector<16xf32>
        %swap3A_1108 = arith.constant 0 : i32
        %swap3A_1109 = arith.index_cast %swap3A_1108 : i32 to index
        %swap3A_1110 = arith.index_cast %scan3A_983 : i32 to index
        %swap3A_1111 = arith.constant 112 : index
        %swap3A_1112 = tpu.vector_load %arg14[%swap3A_1109, %swap3A_1110, %swap3A_1111] {strides = array<i32>} : memref<2x64x128xf32, #tpu.memory_space<vmem>>, vector<16xf32>,
        tpu.vector_store %arg14[%swap3A_1109, %swap3A_1110, %swap3A_1111], %mul3A_1107 {strides = array<i32>} : memref<2x64x128xf32, #tpu.memory_space<vmem>>, vector<16xf32>,
      }
      %scan3A_858 = arith.constant 64 : i32
      %get3A_859 = arith.constant 64 : index
      %get3A_860 = tpu.vector_load %arg9[%get3A_859] {strides = array<i32>} : memref<192xi32, #tpu.memory_space<vmem>>, vector<16xi32>,
      %swap3A_861 = arith.constant 0 : i32
      %swap3A_862 = arith.index_cast %swap3A_861 : i32 to index
      %swap3A_863 = arith.constant 0 : index
      %swap3A_864 = tpu.vector_load %arg10[%swap3A_862, %swap3A_863] {strides = array<i32>} : memref<2x64xi32, #tpu.memory_space<vmem>>, vector<16xi32>,
      tpu.vector_store %arg10[%swap3A_862, %swap3A_863], %get3A_860 {strides = array<i32>} : memref<2x64xi32, #tpu.memory_space<vmem>>, vector<16xi32>,
      %get3A_865 = arith.constant 80 : index
      %get3A_866 = tpu.vector_load %arg9[%get3A_865] {strides = array<i32>} : memref<192xi32, #tpu.memory_space<vmem>>, vector<16xi32>,
      %swap3A_867 = arith.constant 0 : i32
      %swap3A_868 = arith.index_cast %swap3A_867 : i32 to index
      %swap3A_869 = arith.constant 16 : index
      %swap3A_870 = tpu.vector_load %arg10[%swap3A_868, %swap3A_869] {strides = array<i32>} : memref<2x64xi32, #tpu.memory_space<vmem>>, vector<16xi32>,
      tpu.vector_store %arg10[%swap3A_868, %swap3A_869], %get3A_866 {strides = array<i32>} : memref<2x64xi32, #tpu.memory_space<vmem>>, vector<16xi32>,
      %get3A_871 = arith.constant 96 : index
      %get3A_872 = tpu.vector_load %arg9[%get3A_871] {strides = array<i32>} : memref<192xi32, #tpu.memory_space<vmem>>, vector<16xi32>,
      %swap3A_873 = arith.constant 0 : i32
      %swap3A_874 = arith.index_cast %swap3A_873 : i32 to index
      %swap3A_875 = arith.constant 32 : index
      %swap3A_876 = tpu.vector_load %arg10[%swap3A_874, %swap3A_875] {strides = array<i32>} : memref<2x64xi32, #tpu.memory_space<vmem>>, vector<16xi32>,
      tpu.vector_store %arg10[%swap3A_874, %swap3A_875], %get3A_872 {strides = array<i32>} : memref<2x64xi32, #tpu.memory_space<vmem>>, vector<16xi32>,
      %get3A_877 = arith.constant 112 : index
      %get3A_878 = tpu.vector_load %arg9[%get3A_877] {strides = array<i32>} : memref<192xi32, #tpu.memory_space<vmem>>, vector<16xi32>,
      %swap3A_879 = arith.constant 0 : i32
      %swap3A_880 = arith.index_cast %swap3A_879 : i32 to index
      %swap3A_881 = arith.constant 48 : index
      %swap3A_882 = tpu.vector_load %arg10[%swap3A_880, %swap3A_881] {strides = array<i32>} : memref<2x64xi32, #tpu.memory_space<vmem>>, vector<16xi32>,
      tpu.vector_store %arg10[%swap3A_880, %swap3A_881], %get3A_878 {strides = array<i32>} : memref<2x64xi32, #tpu.memory_space<vmem>>, vector<16xi32>,
      %dma_start3A_883 = arith.constant 0 : i32
      %dma_start3A_884 = arith.constant 0 : i32
      %dma_start3A_885 = arith.constant 0 : i32
      %dma_start3A_886 = arith.constant 0 : i32
      %dma_start3A_887 = tpu.memref_slice %arg14[%dma_start3A_883, %dma_start3A_885, %dma_start3A_886] : memref<2x64x128xf32, #tpu.memory_space<vmem>> -> memref<1x64x128xf32, #tpu.memory_space<vmem>>
      %dma_start3A_888 = tpu.memref_squeeze %dma_start3A_887 : memref<1x64x128xf32, #tpu.memory_space<vmem>> -> memref<64x128xf32, #tpu.memory_space<vmem>>
      %dma_start3A_889 = arith.constant 0 : i32
      %dma_start3A_890 = tpu.memref_slice %arg10[%dma_start3A_884, %dma_start3A_889] : memref<2x64xi32, #tpu.memory_space<vmem>> -> memref<1x64xi32, #tpu.memory_space<vmem>>
      %dma_start3A_891 = tpu.memref_squeeze %dma_start3A_890 : memref<1x64xi32, #tpu.memory_space<vmem>> -> memref<64xi32, #tpu.memory_space<vmem>>
      %dma_start3A_892 = arith.constant 0 : i32
      %dma_start3A_893 = arith.constant 0 : i32
      %dma_start3A_894 = tpu.memref_slice %arg15[%dma_start3A_892, %dma_start3A_893] : memref<10000x128xf32, #tpu.memory_space<vmem_shared>> -> memref<10000x128xf32, #tpu.memory_space<vmem_shared>>
      tpu.enqueue_indirect_dma source(%dma_start3A_888 : memref<64x128xf32, #tpu.memory_space<vmem>>) target(%dma_start3A_894 : memref<10000x128xf32, #tpu.memory_space<vmem_shared>>) offsets(%dma_start3A_891 : memref<64xi32, #tpu.memory_space<vmem>>) semaphore(%arg20 : memref<!tpu.dma_semaphore, #tpu.memory_space<semaphore_mem>>) {add = true}
      %mul3A_895 = arith.constant 3 : i32
      %mul3A_896 = arith.muli %add3A_613, %mul3A_895 : i32
      %add3A_897 = arith.constant 2 : i32
      %add3A_898 = arith.addi %mul3A_896, %add3A_897 : i32
      %dma_wait3A_899 = arith.constant 1 : i32
      %dma_wait3A_900 = arith.constant 0 : i32
      %dma_wait3A_901 = arith.constant 0 : i32
      %dma_wait3A_902 = tpu.memref_slice %arg12[%dma_wait3A_899, %dma_wait3A_900, %dma_wait3A_901] : memref<2x64x128xf32, #tpu.memory_space<vmem>> -> memref<1x64x128xf32, #tpu.memory_space<vmem>>
      %dma_wait3A_903 = tpu.memref_squeeze %dma_wait3A_902 : memref<1x64x128xf32, #tpu.memory_space<vmem>> -> memref<64x128xf32, #tpu.memory_space<vmem>>
      %dma_wait3A_904 = arith.constant 0 : i32
      %dma_wait3A_905 = arith.constant 0 : i32
      %dma_wait3A_906 = tpu.memref_slice %arg2[%dma_wait3A_904, %dma_wait3A_905] : memref<10000x128xf32, #tpu.memory_space<hbm>> -> memref<64x128xf32, #tpu.memory_space<hbm>>
      %dma_wait3A_907 = arith.constant 0 : i32
      %dma_wait3A_908 = arith.constant 0 : i32
      %dma_wait3A_909 = tpu.memref_slice %arg12[%dma_wait3A_899, %dma_wait3A_907, %dma_wait3A_908] : memref<2x64x128xf32, #tpu.memory_space<vmem>> -> memref<1x64x128xf32, #tpu.memory_space<vmem>>
      %dma_wait3A_910 = tpu.memref_squeeze %dma_wait3A_909 : memref<1x64x128xf32, #tpu.memory_space<vmem>> -> memref<64x128xf32, #tpu.memory_space<vmem>>
      %dma_wait3A_911 = arith.constant 0 : i32
      %dma_wait3A_912 = arith.constant 0 : i32
      %dma_wait3A_913 = tpu.memref_slice %arg2[%dma_wait3A_911, %dma_wait3A_912] : memref<10000x128xf32, #tpu.memory_space<hbm>> -> memref<64x128xf32, #tpu.memory_space<hbm>>
      tpu.wait_dma2 semaphore(%arg17 : memref<!tpu.dma_semaphore, #tpu.memory_space<semaphore_mem>>) src(%dma_wait3A_913 : memref<64x128xf32, #tpu.memory_space<hbm>>) dst(%dma_wait3A_910 : memref<64x128xf32, #tpu.memory_space<vmem>>)
      %dma_wait3A_914 = arith.constant 1 : i32
      %dma_wait3A_915 = arith.constant 0 : i32
      %dma_wait3A_916 = arith.constant 0 : i32
      %dma_wait3A_917 = tpu.memref_slice %arg13[%dma_wait3A_914, %dma_wait3A_915, %dma_wait3A_916] : memref<2x64x64xi32, #tpu.memory_space<vmem>> -> memref<1x64x64xi32, #tpu.memory_space<vmem>>
      %dma_wait3A_918 = tpu.memref_squeeze %dma_wait3A_917 : memref<1x64x64xi32, #tpu.memory_space<vmem>> -> memref<64x64xi32, #tpu.memory_space<vmem>>
      %dma_wait3A_919 = arith.constant 0 : i32
      %dma_wait3A_920 = arith.constant 0 : i32
      %dma_wait3A_921 = tpu.memref_slice %arg3[%dma_wait3A_919, %dma_wait3A_920] : memref<320000x64xi32, #tpu.memory_space<hbm>> -> memref<64x64xi32, #tpu.memory_space<hbm>>
      %dma_wait3A_922 = arith.constant 0 : i32
      %dma_wait3A_923 = arith.constant 0 : i32
      %dma_wait3A_924 = tpu.memref_slice %arg13[%dma_wait3A_914, %dma_wait3A_922, %dma_wait3A_923] : memref<2x64x64xi32, #tpu.memory_space<vmem>> -> memref<1x64x64xi32, #tpu.memory_space<vmem>>
      %dma_wait3A_925 = tpu.memref_squeeze %dma_wait3A_924 : memref<1x64x64xi32, #tpu.memory_space<vmem>> -> memref<64x64xi32, #tpu.memory_space<vmem>>
      %dma_wait3A_926 = arith.constant 0 : i32
      %dma_wait3A_927 = arith.constant 0 : i32
      %dma_wait3A_928 = tpu.memref_slice %arg3[%dma_wait3A_926, %dma_wait3A_927] : memref<320000x64xi32, #tpu.memory_space<hbm>> -> memref<64x64xi32, #tpu.memory_space<hbm>>
      tpu.wait_dma2 semaphore(%arg19 : memref<!tpu.dma_semaphore, #tpu.memory_space<semaphore_mem>>) src(%dma_wait3A_928 : memref<64x64xi32, #tpu.memory_space<hbm>>) dst(%dma_wait3A_925 : memref<64x64xi32, #tpu.memory_space<vmem>>)
      %lt3A_929 = arith.constant 50 : i32
      %lt3A_930 = arith.cmpi slt, %add3A_175, %lt3A_929 : i32
      %convert_element_type3A_931 = arith.extui %lt3A_930 : i1 to i32
      %cond3A_932 = arith.constant 0 : i32
      %cond3A_933 = arith.cmpi ne, %convert_element_type3A_931, %cond3A_932 : i32
      scf.if %cond3A_933 {
        %dma_wait3A_983 = arith.constant 0 : i32
        %dma_wait3A_984 = tpu.memref_slice %arg4[%dma_wait3A_983] : memref<640000xi32, #tpu.memory_space<hbm>> -> memref<192xi32, #tpu.memory_space<hbm>>
        %dma_wait3A_985 = arith.constant 0 : i32
        %dma_wait3A_986 = tpu.memref_slice %arg4[%dma_wait3A_985] : memref<640000xi32, #tpu.memory_space<hbm>> -> memref<192xi32, #tpu.memory_space<hbm>>
        tpu.wait_dma2 semaphore(%arg22 : memref<!tpu.dma_semaphore, #tpu.memory_space<semaphore_mem>>) src(%dma_wait3A_986 : memref<192xi32, #tpu.memory_space<hbm>>) dst(%arg6 : memref<192xi32, #tpu.memory_space<vmem>>)
        %dma_wait3A_987 = arith.constant 0 : i32
        %dma_wait3A_988 = tpu.memref_slice %arg4[%dma_wait3A_987] : memref<640000xi32, #tpu.memory_space<hbm>> -> memref<192xi32, #tpu.memory_space<hbm>>
        %dma_wait3A_989 = arith.constant 0 : i32
        %dma_wait3A_990 = tpu.memref_slice %arg4[%dma_wait3A_989] : memref<640000xi32, #tpu.memory_space<hbm>> -> memref<192xi32, #tpu.memory_space<hbm>>
        tpu.wait_dma2 semaphore(%arg22 : memref<!tpu.dma_semaphore, #tpu.memory_space<semaphore_mem>>) src(%dma_wait3A_990 : memref<192xi32, #tpu.memory_space<hbm>>) dst(%arg8 : memref<192xi32, #tpu.memory_space<vmem>>)
        %get3A_991 = arith.constant 0 : index
        %get3A_992 = tpu.vector_load %arg6[%get3A_991] {strides = array<i32>} : memref<192xi32, #tpu.memory_space<vmem>>, vector<16xi32>,
        %swap3A_993 = arith.constant 0 : i32
        %swap3A_994 = arith.index_cast %swap3A_993 : i32 to index
        %swap3A_995 = arith.constant 0 : index
        %swap3A_996 = tpu.vector_load %arg11[%swap3A_994, %swap3A_995] {strides = array<i32>} : memref<2x64xi32, #tpu.memory_space<vmem>>, vector<16xi32>,
        tpu.vector_store %arg11[%swap3A_994, %swap3A_995], %get3A_992 {strides = array<i32>} : memref<2x64xi32, #tpu.memory_space<vmem>>, vector<16xi32>,
        %get3A_997 = arith.constant 16 : index
        %get3A_998 = tpu.vector_load %arg6[%get3A_997] {strides = array<i32>} : memref<192xi32, #tpu.memory_space<vmem>>, vector<16xi32>,
        %swap3A_999 = arith.constant 0 : i32
        %swap3A_1000 = arith.index_cast %swap3A_999 : i32 to index
        %swap3A_1001 = arith.constant 16 : index
        %swap3A_1002 = tpu.vector_load %arg11[%swap3A_1000, %swap3A_1001] {strides = array<i32>} : memref<2x64xi32, #tpu.memory_space<vmem>>, vector<16xi32>,
        tpu.vector_store %arg11[%swap3A_1000, %swap3A_1001], %get3A_998 {strides = array<i32>} : memref<2x64xi32, #tpu.memory_space<vmem>>, vector<16xi32>,
        %get3A_1003 = arith.constant 32 : index
        %get3A_1004 = tpu.vector_load %arg6[%get3A_1003] {strides = array<i32>} : memref<192xi32, #tpu.memory_space<vmem>>, vector<16xi32>,
        %swap3A_1005 = arith.constant 0 : i32
        %swap3A_1006 = arith.index_cast %swap3A_1005 : i32 to index
        %swap3A_1007 = arith.constant 32 : index
        %swap3A_1008 = tpu.vector_load %arg11[%swap3A_1006, %swap3A_1007] {strides = array<i32>} : memref<2x64xi32, #tpu.memory_space<vmem>>, vector<16xi32>,
        tpu.vector_store %arg11[%swap3A_1006, %swap3A_1007], %get3A_1004 {strides = array<i32>} : memref<2x64xi32, #tpu.memory_space<vmem>>, vector<16xi32>,
        %get3A_1009 = arith.constant 48 : index
        %get3A_1010 = tpu.vector_load %arg6[%get3A_1009] {strides = array<i32>} : memref<192xi32, #tpu.memory_space<vmem>>, vector<16xi32>,
        %swap3A_1011 = arith.constant 0 : i32
        %swap3A_1012 = arith.index_cast %swap3A_1011 : i32 to index
        %swap3A_1013 = arith.constant 48 : index
        %swap3A_1014 = tpu.vector_load %arg11[%swap3A_1012, %swap3A_1013] {strides = array<i32>} : memref<2x64xi32, #tpu.memory_space<vmem>>, vector<16xi32>,
        tpu.vector_store %arg11[%swap3A_1012, %swap3A_1013], %get3A_1010 {strides = array<i32>} : memref<2x64xi32, #tpu.memory_space<vmem>>, vector<16xi32>,
        %add3A_1015 = arith.constant 1 : i32
        %add3A_1016 = arith.addi %add3A_898, %add3A_1015 : i32
        %add3A_1017 = arith.addi %mul3A_57, %add3A_1016 : i32
        %mul3A_1018 = arith.constant 64 : i32
        %mul3A_1019 = arith.muli %add3A_1017, %mul3A_1018 : i32
        %multiple_of3A_1020 = tpu.assume_multiple %mul3A_1019, 64 : i32
        %dma_start3A_1021 = arith.constant 0 : i32
        %dma_start3A_1022 = arith.constant 0 : i32
        %dma_start3A_1023 = arith.constant 0 : i32
        %dma_start3A_1024 = arith.constant 0 : i32
        %dma_start3A_1025 = tpu.memref_slice %arg12[%dma_start3A_1022, %dma_start3A_1023, %dma_start3A_1024] : memref<2x64x128xf32, #tpu.memory_space<vmem>> -> memref<1x64x128xf32, #tpu.memory_space<vmem>>
        %dma_start3A_1026 = tpu.memref_squeeze %dma_start3A_1025 : memref<1x64x128xf32, #tpu.memory_space<vmem>> -> memref<64x128xf32, #tpu.memory_space<vmem>>
        %dma_start3A_1027 = arith.constant 0 : i32
        %dma_start3A_1028 = tpu.memref_slice %arg11[%dma_start3A_1021, %dma_start3A_1027] : memref<2x64xi32, #tpu.memory_space<vmem>> -> memref<1x64xi32, #tpu.memory_space<vmem>>
        %dma_start3A_1029 = tpu.memref_squeeze %dma_start3A_1028 : memref<1x64xi32, #tpu.memory_space<vmem>> -> memref<64xi32, #tpu.memory_space<vmem>>
        %dma_start3A_1030 = arith.constant 0 : i32
        %dma_start3A_1031 = arith.constant 0 : i32
        %dma_start3A_1032 = tpu.memref_slice %arg2[%dma_start3A_1030, %dma_start3A_1031] : memref<10000x128xf32, #tpu.memory_space<hbm>> -> memref<10000x128xf32, #tpu.memory_space<hbm>>
        tpu.enqueue_indirect_dma source(%dma_start3A_1032 : memref<10000x128xf32, #tpu.memory_space<hbm>>) target(%dma_start3A_1026 : memref<64x128xf32, #tpu.memory_space<vmem>>) offsets(%dma_start3A_1029 : memref<64xi32, #tpu.memory_space<vmem>>) semaphore(%arg16 : memref<!tpu.dma_semaphore, #tpu.memory_space<semaphore_mem>>)
        %dma_start3A_1033 = arith.constant 0 : i32
        %dma_start3A_1034 = arith.constant 0 : i32
        %dma_start3A_1035 = arith.constant 0 : i32
        %dma_start3A_1036 = tpu.memref_slice %arg13[%dma_start3A_1033, %dma_start3A_1034, %dma_start3A_1035] : memref<2x64x64xi32, #tpu.memory_space<vmem>> -> memref<1x64x64xi32, #tpu.memory_space<vmem>>
        %dma_start3A_1037 = tpu.memref_squeeze %dma_start3A_1036 : memref<1x64x64xi32, #tpu.memory_space<vmem>> -> memref<64x64xi32, #tpu.memory_space<vmem>>
        %dma_start3A_1038 = arith.constant 0 : i32
        %dma_start3A_1039 = tpu.memref_slice %arg3[%multiple_of3A_1020, %dma_start3A_1038] : memref<320000x64xi32, #tpu.memory_space<hbm>> -> memref<64x64xi32, #tpu.memory_space<hbm>>
        %dma_start3A_1040 = arith.constant 0 : i32
        %dma_start3A_1041 = arith.constant 0 : i32
        %dma_start3A_1042 = tpu.memref_slice %arg13[%dma_start3A_1033, %dma_start3A_1040, %dma_start3A_1041] : memref<2x64x64xi32, #tpu.memory_space<vmem>> -> memref<1x64x64xi32, #tpu.memory_space<vmem>>
        %dma_start3A_1043 = tpu.memref_squeeze %dma_start3A_1042 : memref<1x64x64xi32, #tpu.memory_space<vmem>> -> memref<64x64xi32, #tpu.memory_space<vmem>>
        %dma_start3A_1044 = arith.constant 0 : i32
        %dma_start3A_1045 = tpu.memref_slice %arg3[%multiple_of3A_1020, %dma_start3A_1044] : memref<320000x64xi32, #tpu.memory_space<hbm>> -> memref<64x64xi32, #tpu.memory_space<hbm>>
        tpu.enqueue_dma source(%dma_start3A_1045 : memref<64x64xi32, #tpu.memory_space<hbm>>) target(%dma_start3A_1043 : memref<64x64xi32, #tpu.memory_space<vmem>>) target_semaphore(%arg18 : memref<!tpu.dma_semaphore, #tpu.memory_space<semaphore_mem>>)
      } else {
      }
      %ge3A_934 = arith.constant 2 : i32
      %ge3A_935 = arith.cmpi sge, %add3A_898, %ge3A_934 : i32
      %convert_element_type3A_936 = arith.extui %ge3A_935 : i1 to i32
      %cond3A_937 = arith.constant 0 : i32
      %cond3A_938 = arith.cmpi ne, %convert_element_type3A_936, %cond3A_937 : i32
      scf.if %cond3A_938 {
        %dma_wait3A_983 = arith.constant 0 : i32
        %dma_wait3A_984 = arith.constant 1 : i32
        %dma_wait3A_985 = arith.constant 0 : i32
        %dma_wait3A_986 = arith.constant 0 : i32
        %dma_wait3A_987 = tpu.memref_slice %arg14[%dma_wait3A_984, %dma_wait3A_985, %dma_wait3A_986] : memref<2x64x128xf32, #tpu.memory_space<vmem>> -> memref<1x64x128xf32, #tpu.memory_space<vmem>>
        %dma_wait3A_988 = tpu.memref_squeeze %dma_wait3A_987 : memref<1x64x128xf32, #tpu.memory_space<vmem>> -> memref<64x128xf32, #tpu.memory_space<vmem>>
        %dma_wait3A_989 = arith.constant 0 : i32
        %dma_wait3A_990 = arith.constant 0 : i32
        %dma_wait3A_991 = tpu.memref_slice %arg5[%dma_wait3A_983, %dma_wait3A_989, %dma_wait3A_990] : memref<2x10000x128xf32, #tpu.memory_space<hbm>> -> memref<1x64x128xf32, #tpu.memory_space<hbm>>
        %dma_wait3A_992 = tpu.memref_squeeze %dma_wait3A_991 : memref<1x64x128xf32, #tpu.memory_space<hbm>> -> memref<64x128xf32, #tpu.memory_space<hbm>>
        %dma_wait3A_993 = arith.constant 0 : i32
        %dma_wait3A_994 = arith.constant 0 : i32
        %dma_wait3A_995 = tpu.memref_slice %arg14[%dma_wait3A_984, %dma_wait3A_993, %dma_wait3A_994] : memref<2x64x128xf32, #tpu.memory_space<vmem>> -> memref<1x64x128xf32, #tpu.memory_space<vmem>>
        %dma_wait3A_996 = tpu.memref_squeeze %dma_wait3A_995 : memref<1x64x128xf32, #tpu.memory_space<vmem>> -> memref<64x128xf32, #tpu.memory_space<vmem>>
        %dma_wait3A_997 = arith.constant 0 : i32
        %dma_wait3A_998 = arith.constant 0 : i32
        %dma_wait3A_999 = tpu.memref_slice %arg5[%dma_wait3A_983, %dma_wait3A_997, %dma_wait3A_998] : memref<2x10000x128xf32, #tpu.memory_space<hbm>> -> memref<1x64x128xf32, #tpu.memory_space<hbm>>
        %dma_wait3A_1000 = tpu.memref_squeeze %dma_wait3A_999 : memref<1x64x128xf32, #tpu.memory_space<hbm>> -> memref<64x128xf32, #tpu.memory_space<hbm>>
        tpu.wait_dma2 semaphore(%arg21 : memref<!tpu.dma_semaphore, #tpu.memory_space<semaphore_mem>>) src(%dma_wait3A_1000 : memref<64x128xf32, #tpu.memory_space<hbm>>) dst(%dma_wait3A_996 : memref<64x128xf32, #tpu.memory_space<vmem>>)
      } else {
      }
      %broadcast_in_dim3A_939 = arith.constant -65536 : i32
      %broadcast_in_dim3A_940 = vector.broadcast %broadcast_in_dim3A_939 : i32 to vector<16xi32>
      %scan3A_941 = arith.constant 0 : i32
      %scan3A_942 = arith.constant 0 : i32
      %scan3A_943 = arith.constant 64 : i32
      %scan3A_944 = arith.addi %scan3A_942, %scan3A_943 : i32
      %scan3A_945 = arith.constant 1 : i32
      scf.for %scan3A_983 = %scan3A_942 to %scan3A_944 step %scan3A_945  : i32 {
        %get3A_984 = arith.constant 1 : i32
        %get3A_985 = arith.index_cast %get3A_984 : i32 to index
        %get3A_986 = arith.index_cast %scan3A_983 : i32 to index
        %get3A_987 = arith.constant 0 : index
        %get3A_988 = tpu.vector_load %arg13[%get3A_985, %get3A_986, %get3A_987] {strides = array<i32>} : memref<2x64x64xi32, #tpu.memory_space<vmem>>, vector<16xi32>,
        %shift_left3A = arith.constant 16 : i32
        %shift_left3A_989 = vector.broadcast %shift_left3A : i32 to vector<16xi32>
        %shift_left3A_990 = arith.shli %get3A_988, %shift_left3A_989 : vector<16xi32>
        %bitcast3A = vector.bitcast %shift_left3A_990 : vector<16xi32> to vector<16xf32>
        %and3A = arith.andi %get3A_988, %broadcast_in_dim3A_940 : vector<16xi32>
        %bitcast3A_991 = vector.bitcast %and3A : vector<16xi32> to vector<16xf32>
        %get3A_992 = arith.constant 1 : i32
        %get3A_993 = arith.index_cast %get3A_992 : i32 to index
        %get3A_994 = arith.index_cast %scan3A_983 : i32 to index
        %get3A_995 = arith.constant 0 : index
        %get3A_996 = tpu.vector_load %arg12[%get3A_993, %get3A_994, %get3A_995] {strides = array<i32>} : memref<2x64x128xf32, #tpu.memory_space<vmem>>, vector<16xf32>,
        %get3A_997 = arith.constant 1 : i32
        %get3A_998 = arith.index_cast %get3A_997 : i32 to index
        %get3A_999 = arith.index_cast %scan3A_983 : i32 to index
        %get3A_1000 = arith.constant 64 : index
        %get3A_1001 = tpu.vector_load %arg12[%get3A_998, %get3A_999, %get3A_1000] {strides = array<i32>} : memref<2x64x128xf32, #tpu.memory_space<vmem>>, vector<16xf32>,
        %mul3A_1002 = arith.mulf %bitcast3A, %get3A_996 : vector<16xf32>
        %swap3A_1003 = arith.constant 1 : i32
        %swap3A_1004 = arith.index_cast %swap3A_1003 : i32 to index
        %swap3A_1005 = arith.index_cast %scan3A_983 : i32 to index
        %swap3A_1006 = arith.constant 0 : index
        %swap3A_1007 = tpu.vector_load %arg14[%swap3A_1004, %swap3A_1005, %swap3A_1006] {strides = array<i32>} : memref<2x64x128xf32, #tpu.memory_space<vmem>>, vector<16xf32>,
        tpu.vector_store %arg14[%swap3A_1004, %swap3A_1005, %swap3A_1006], %mul3A_1002 {strides = array<i32>} : memref<2x64x128xf32, #tpu.memory_space<vmem>>, vector<16xf32>,
        %mul3A_1008 = arith.mulf %bitcast3A_991, %get3A_1001 : vector<16xf32>
        %swap3A_1009 = arith.constant 1 : i32
        %swap3A_1010 = arith.index_cast %swap3A_1009 : i32 to index
        %swap3A_1011 = arith.index_cast %scan3A_983 : i32 to index
        %swap3A_1012 = arith.constant 64 : index
        %swap3A_1013 = tpu.vector_load %arg14[%swap3A_1010, %swap3A_1011, %swap3A_1012] {strides = array<i32>} : memref<2x64x128xf32, #tpu.memory_space<vmem>>, vector<16xf32>,
        tpu.vector_store %arg14[%swap3A_1010, %swap3A_1011, %swap3A_1012], %mul3A_1008 {strides = array<i32>} : memref<2x64x128xf32, #tpu.memory_space<vmem>>, vector<16xf32>,
        %get3A_1014 = arith.constant 1 : i32
        %get3A_1015 = arith.index_cast %get3A_1014 : i32 to index
        %get3A_1016 = arith.index_cast %scan3A_983 : i32 to index
        %get3A_1017 = arith.constant 16 : index
        %get3A_1018 = tpu.vector_load %arg13[%get3A_1015, %get3A_1016, %get3A_1017] {strides = array<i32>} : memref<2x64x64xi32, #tpu.memory_space<vmem>>, vector<16xi32>,
        %shift_left3A_1019 = arith.constant 16 : i32
        %shift_left3A_1020 = vector.broadcast %shift_left3A_1019 : i32 to vector<16xi32>
        %shift_left3A_1021 = arith.shli %get3A_1018, %shift_left3A_1020 : vector<16xi32>
        %bitcast3A_1022 = vector.bitcast %shift_left3A_1021 : vector<16xi32> to vector<16xf32>
        %and3A_1023 = arith.andi %get3A_1018, %broadcast_in_dim3A_940 : vector<16xi32>
        %bitcast3A_1024 = vector.bitcast %and3A_1023 : vector<16xi32> to vector<16xf32>
        %get3A_1025 = arith.constant 1 : i32
        %get3A_1026 = arith.index_cast %get3A_1025 : i32 to index
        %get3A_1027 = arith.index_cast %scan3A_983 : i32 to index
        %get3A_1028 = arith.constant 16 : index
        %get3A_1029 = tpu.vector_load %arg12[%get3A_1026, %get3A_1027, %get3A_1028] {strides = array<i32>} : memref<2x64x128xf32, #tpu.memory_space<vmem>>, vector<16xf32>,
        %get3A_1030 = arith.constant 1 : i32
        %get3A_1031 = arith.index_cast %get3A_1030 : i32 to index
        %get3A_1032 = arith.index_cast %scan3A_983 : i32 to index
        %get3A_1033 = arith.constant 80 : index
        %get3A_1034 = tpu.vector_load %arg12[%get3A_1031, %get3A_1032, %get3A_1033] {strides = array<i32>} : memref<2x64x128xf32, #tpu.memory_space<vmem>>, vector<16xf32>,
        %mul3A_1035 = arith.mulf %bitcast3A_1022, %get3A_1029 : vector<16xf32>
        %swap3A_1036 = arith.constant 1 : i32
        %swap3A_1037 = arith.index_cast %swap3A_1036 : i32 to index
        %swap3A_1038 = arith.index_cast %scan3A_983 : i32 to index
        %swap3A_1039 = arith.constant 16 : index
        %swap3A_1040 = tpu.vector_load %arg14[%swap3A_1037, %swap3A_1038, %swap3A_1039] {strides = array<i32>} : memref<2x64x128xf32, #tpu.memory_space<vmem>>, vector<16xf32>,
        tpu.vector_store %arg14[%swap3A_1037, %swap3A_1038, %swap3A_1039], %mul3A_1035 {strides = array<i32>} : memref<2x64x128xf32, #tpu.memory_space<vmem>>, vector<16xf32>,
        %mul3A_1041 = arith.mulf %bitcast3A_1024, %get3A_1034 : vector<16xf32>
        %swap3A_1042 = arith.constant 1 : i32
        %swap3A_1043 = arith.index_cast %swap3A_1042 : i32 to index
        %swap3A_1044 = arith.index_cast %scan3A_983 : i32 to index
        %swap3A_1045 = arith.constant 80 : index
        %swap3A_1046 = tpu.vector_load %arg14[%swap3A_1043, %swap3A_1044, %swap3A_1045] {strides = array<i32>} : memref<2x64x128xf32, #tpu.memory_space<vmem>>, vector<16xf32>,
        tpu.vector_store %arg14[%swap3A_1043, %swap3A_1044, %swap3A_1045], %mul3A_1041 {strides = array<i32>} : memref<2x64x128xf32, #tpu.memory_space<vmem>>, vector<16xf32>,
        %get3A_1047 = arith.constant 1 : i32
        %get3A_1048 = arith.index_cast %get3A_1047 : i32 to index
        %get3A_1049 = arith.index_cast %scan3A_983 : i32 to index
        %get3A_1050 = arith.constant 32 : index
        %get3A_1051 = tpu.vector_load %arg13[%get3A_1048, %get3A_1049, %get3A_1050] {strides = array<i32>} : memref<2x64x64xi32, #tpu.memory_space<vmem>>, vector<16xi32>,
        %shift_left3A_1052 = arith.constant 16 : i32
        %shift_left3A_1053 = vector.broadcast %shift_left3A_1052 : i32 to vector<16xi32>
        %shift_left3A_1054 = arith.shli %get3A_1051, %shift_left3A_1053 : vector<16xi32>
        %bitcast3A_1055 = vector.bitcast %shift_left3A_1054 : vector<16xi32> to vector<16xf32>
        %and3A_1056 = arith.andi %get3A_1051, %broadcast_in_dim3A_940 : vector<16xi32>
        %bitcast3A_1057 = vector.bitcast %and3A_1056 : vector<16xi32> to vector<16xf32>
        %get3A_1058 = arith.constant 1 : i32
        %get3A_1059 = arith.index_cast %get3A_1058 : i32 to index
        %get3A_1060 = arith.index_cast %scan3A_983 : i32 to index
        %get3A_1061 = arith.constant 32 : index
        %get3A_1062 = tpu.vector_load %arg12[%get3A_1059, %get3A_1060, %get3A_1061] {strides = array<i32>} : memref<2x64x128xf32, #tpu.memory_space<vmem>>, vector<16xf32>,
        %get3A_1063 = arith.constant 1 : i32
        %get3A_1064 = arith.index_cast %get3A_1063 : i32 to index
        %get3A_1065 = arith.index_cast %scan3A_983 : i32 to index
        %get3A_1066 = arith.constant 96 : index
        %get3A_1067 = tpu.vector_load %arg12[%get3A_1064, %get3A_1065, %get3A_1066] {strides = array<i32>} : memref<2x64x128xf32, #tpu.memory_space<vmem>>, vector<16xf32>,
        %mul3A_1068 = arith.mulf %bitcast3A_1055, %get3A_1062 : vector<16xf32>
        %swap3A_1069 = arith.constant 1 : i32
        %swap3A_1070 = arith.index_cast %swap3A_1069 : i32 to index
        %swap3A_1071 = arith.index_cast %scan3A_983 : i32 to index
        %swap3A_1072 = arith.constant 32 : index
        %swap3A_1073 = tpu.vector_load %arg14[%swap3A_1070, %swap3A_1071, %swap3A_1072] {strides = array<i32>} : memref<2x64x128xf32, #tpu.memory_space<vmem>>, vector<16xf32>,
        tpu.vector_store %arg14[%swap3A_1070, %swap3A_1071, %swap3A_1072], %mul3A_1068 {strides = array<i32>} : memref<2x64x128xf32, #tpu.memory_space<vmem>>, vector<16xf32>,
        %mul3A_1074 = arith.mulf %bitcast3A_1057, %get3A_1067 : vector<16xf32>
        %swap3A_1075 = arith.constant 1 : i32
        %swap3A_1076 = arith.index_cast %swap3A_1075 : i32 to index
        %swap3A_1077 = arith.index_cast %scan3A_983 : i32 to index
        %swap3A_1078 = arith.constant 96 : index
        %swap3A_1079 = tpu.vector_load %arg14[%swap3A_1076, %swap3A_1077, %swap3A_1078] {strides = array<i32>} : memref<2x64x128xf32, #tpu.memory_space<vmem>>, vector<16xf32>,
        tpu.vector_store %arg14[%swap3A_1076, %swap3A_1077, %swap3A_1078], %mul3A_1074 {strides = array<i32>} : memref<2x64x128xf32, #tpu.memory_space<vmem>>, vector<16xf32>,
        %get3A_1080 = arith.constant 1 : i32
        %get3A_1081 = arith.index_cast %get3A_1080 : i32 to index
        %get3A_1082 = arith.index_cast %scan3A_983 : i32 to index
        %get3A_1083 = arith.constant 48 : index
        %get3A_1084 = tpu.vector_load %arg13[%get3A_1081, %get3A_1082, %get3A_1083] {strides = array<i32>} : memref<2x64x64xi32, #tpu.memory_space<vmem>>, vector<16xi32>,
        %shift_left3A_1085 = arith.constant 16 : i32
        %shift_left3A_1086 = vector.broadcast %shift_left3A_1085 : i32 to vector<16xi32>
        %shift_left3A_1087 = arith.shli %get3A_1084, %shift_left3A_1086 : vector<16xi32>
        %bitcast3A_1088 = vector.bitcast %shift_left3A_1087 : vector<16xi32> to vector<16xf32>
        %and3A_1089 = arith.andi %get3A_1084, %broadcast_in_dim3A_940 : vector<16xi32>
        %bitcast3A_1090 = vector.bitcast %and3A_1089 : vector<16xi32> to vector<16xf32>
        %get3A_1091 = arith.constant 1 : i32
        %get3A_1092 = arith.index_cast %get3A_1091 : i32 to index
        %get3A_1093 = arith.index_cast %scan3A_983 : i32 to index
        %get3A_1094 = arith.constant 48 : index
        %get3A_1095 = tpu.vector_load %arg12[%get3A_1092, %get3A_1093, %get3A_1094] {strides = array<i32>} : memref<2x64x128xf32, #tpu.memory_space<vmem>>, vector<16xf32>,
        %get3A_1096 = arith.constant 1 : i32
        %get3A_1097 = arith.index_cast %get3A_1096 : i32 to index
        %get3A_1098 = arith.index_cast %scan3A_983 : i32 to index
        %get3A_1099 = arith.constant 112 : index
        %get3A_1100 = tpu.vector_load %arg12[%get3A_1097, %get3A_1098, %get3A_1099] {strides = array<i32>} : memref<2x64x128xf32, #tpu.memory_space<vmem>>, vector<16xf32>,
        %mul3A_1101 = arith.mulf %bitcast3A_1088, %get3A_1095 : vector<16xf32>
        %swap3A_1102 = arith.constant 1 : i32
        %swap3A_1103 = arith.index_cast %swap3A_1102 : i32 to index
        %swap3A_1104 = arith.index_cast %scan3A_983 : i32 to index
        %swap3A_1105 = arith.constant 48 : index
        %swap3A_1106 = tpu.vector_load %arg14[%swap3A_1103, %swap3A_1104, %swap3A_1105] {strides = array<i32>} : memref<2x64x128xf32, #tpu.memory_space<vmem>>, vector<16xf32>,
        tpu.vector_store %arg14[%swap3A_1103, %swap3A_1104, %swap3A_1105], %mul3A_1101 {strides = array<i32>} : memref<2x64x128xf32, #tpu.memory_space<vmem>>, vector<16xf32>,
        %mul3A_1107 = arith.mulf %bitcast3A_1090, %get3A_1100 : vector<16xf32>
        %swap3A_1108 = arith.constant 1 : i32
        %swap3A_1109 = arith.index_cast %swap3A_1108 : i32 to index
        %swap3A_1110 = arith.index_cast %scan3A_983 : i32 to index
        %swap3A_1111 = arith.constant 112 : index
        %swap3A_1112 = tpu.vector_load %arg14[%swap3A_1109, %swap3A_1110, %swap3A_1111] {strides = array<i32>} : memref<2x64x128xf32, #tpu.memory_space<vmem>>, vector<16xf32>,
        tpu.vector_store %arg14[%swap3A_1109, %swap3A_1110, %swap3A_1111], %mul3A_1107 {strides = array<i32>} : memref<2x64x128xf32, #tpu.memory_space<vmem>>, vector<16xf32>,
      }
      %scan3A_946 = arith.constant 64 : i32
      %get3A_947 = arith.constant 128 : index
      %get3A_948 = tpu.vector_load %arg9[%get3A_947] {strides = array<i32>} : memref<192xi32, #tpu.memory_space<vmem>>, vector<16xi32>,
      %swap3A_949 = arith.constant 1 : i32
      %swap3A_950 = arith.index_cast %swap3A_949 : i32 to index
      %swap3A_951 = arith.constant 0 : index
      %swap3A_952 = tpu.vector_load %arg10[%swap3A_950, %swap3A_951] {strides = array<i32>} : memref<2x64xi32, #tpu.memory_space<vmem>>, vector<16xi32>,
      tpu.vector_store %arg10[%swap3A_950, %swap3A_951], %get3A_948 {strides = array<i32>} : memref<2x64xi32, #tpu.memory_space<vmem>>, vector<16xi32>,
      %get3A_953 = arith.constant 144 : index
      %get3A_954 = tpu.vector_load %arg9[%get3A_953] {strides = array<i32>} : memref<192xi32, #tpu.memory_space<vmem>>, vector<16xi32>,
      %swap3A_955 = arith.constant 1 : i32
      %swap3A_956 = arith.index_cast %swap3A_955 : i32 to index
      %swap3A_957 = arith.constant 16 : index
      %swap3A_958 = tpu.vector_load %arg10[%swap3A_956, %swap3A_957] {strides = array<i32>} : memref<2x64xi32, #tpu.memory_space<vmem>>, vector<16xi32>,
      tpu.vector_store %arg10[%swap3A_956, %swap3A_957], %get3A_954 {strides = array<i32>} : memref<2x64xi32, #tpu.memory_space<vmem>>, vector<16xi32>,
      %get3A_959 = arith.constant 160 : index
      %get3A_960 = tpu.vector_load %arg9[%get3A_959] {strides = array<i32>} : memref<192xi32, #tpu.memory_space<vmem>>, vector<16xi32>,
      %swap3A_961 = arith.constant 1 : i32
      %swap3A_962 = arith.index_cast %swap3A_961 : i32 to index
      %swap3A_963 = arith.constant 32 : index
      %swap3A_964 = tpu.vector_load %arg10[%swap3A_962, %swap3A_963] {strides = array<i32>} : memref<2x64xi32, #tpu.memory_space<vmem>>, vector<16xi32>,
      tpu.vector_store %arg10[%swap3A_962, %swap3A_963], %get3A_960 {strides = array<i32>} : memref<2x64xi32, #tpu.memory_space<vmem>>, vector<16xi32>,
      %get3A_965 = arith.constant 176 : index
      %get3A_966 = tpu.vector_load %arg9[%get3A_965] {strides = array<i32>} : memref<192xi32, #tpu.memory_space<vmem>>, vector<16xi32>,
      %swap3A_967 = arith.constant 1 : i32
      %swap3A_968 = arith.index_cast %swap3A_967 : i32 to index
      %swap3A_969 = arith.constant 48 : index
      %swap3A_970 = tpu.vector_load %arg10[%swap3A_968, %swap3A_969] {strides = array<i32>} : memref<2x64xi32, #tpu.memory_space<vmem>>, vector<16xi32>,
      tpu.vector_store %arg10[%swap3A_968, %swap3A_969], %get3A_966 {strides = array<i32>} : memref<2x64xi32, #tpu.memory_space<vmem>>, vector<16xi32>,
      %dma_start3A_971 = arith.constant 1 : i32
      %dma_start3A_972 = arith.constant 1 : i32
      %dma_start3A_973 = arith.constant 0 : i32
      %dma_start3A_974 = arith.constant 0 : i32
      %dma_start3A_975 = tpu.memref_slice %arg14[%dma_start3A_971, %dma_start3A_973, %dma_start3A_974] : memref<2x64x128xf32, #tpu.memory_space<vmem>> -> memref<1x64x128xf32, #tpu.memory_space<vmem>>
      %dma_start3A_976 = tpu.memref_squeeze %dma_start3A_975 : memref<1x64x128xf32, #tpu.memory_space<vmem>> -> memref<64x128xf32, #tpu.memory_space<vmem>>
      %dma_start3A_977 = arith.constant 0 : i32
      %dma_start3A_978 = tpu.memref_slice %arg10[%dma_start3A_972, %dma_start3A_977] : memref<2x64xi32, #tpu.memory_space<vmem>> -> memref<1x64xi32, #tpu.memory_space<vmem>>
      %dma_start3A_979 = tpu.memref_squeeze %dma_start3A_978 : memref<1x64xi32, #tpu.memory_space<vmem>> -> memref<64xi32, #tpu.memory_space<vmem>>
      %dma_start3A_980 = arith.constant 0 : i32
      %dma_start3A_981 = arith.constant 0 : i32
      %dma_start3A_982 = tpu.memref_slice %arg15[%dma_start3A_980, %dma_start3A_981] : memref<10000x128xf32, #tpu.memory_space<vmem_shared>> -> memref<10000x128xf32, #tpu.memory_space<vmem_shared>>
      tpu.enqueue_indirect_dma source(%dma_start3A_976 : memref<64x128xf32, #tpu.memory_space<vmem>>) target(%dma_start3A_982 : memref<10000x128xf32, #tpu.memory_space<vmem_shared>>) offsets(%dma_start3A_979 : memref<64xi32, #tpu.memory_space<vmem>>) semaphore(%arg21 : memref<!tpu.dma_semaphore, #tpu.memory_space<semaphore_mem>>) {add = true}
    }
    %scan3A_119 = arith.constant 26 : i32
    %dma_wait3A = arith.constant 0 : i32
    %dma_wait3A_120 = arith.constant 0 : i32
    %dma_wait3A_121 = arith.constant 0 : i32
    %dma_wait3A_122 = arith.constant 0 : i32
    %dma_wait3A_123 = tpu.memref_slice %arg14[%dma_wait3A_120, %dma_wait3A_121, %dma_wait3A_122] : memref<2x64x128xf32, #tpu.memory_space<vmem>> -> memref<1x64x128xf32, #tpu.memory_space<vmem>>
    %dma_wait3A_124 = tpu.memref_squeeze %dma_wait3A_123 : memref<1x64x128xf32, #tpu.memory_space<vmem>> -> memref<64x128xf32, #tpu.memory_space<vmem>>
    %dma_wait3A_125 = arith.constant 0 : i32
    %dma_wait3A_126 = arith.constant 0 : i32
    %dma_wait3A_127 = tpu.memref_slice %arg5[%dma_wait3A, %dma_wait3A_125, %dma_wait3A_126] : memref<2x10000x128xf32, #tpu.memory_space<hbm>> -> memref<1x64x128xf32, #tpu.memory_space<hbm>>
    %dma_wait3A_128 = tpu.memref_squeeze %dma_wait3A_127 : memref<1x64x128xf32, #tpu.memory_space<hbm>> -> memref<64x128xf32, #tpu.memory_space<hbm>>
    %dma_wait3A_129 = arith.constant 0 : i32
    %dma_wait3A_130 = arith.constant 0 : i32
    %dma_wait3A_131 = tpu.memref_slice %arg14[%dma_wait3A_120, %dma_wait3A_129, %dma_wait3A_130] : memref<2x64x128xf32, #tpu.memory_space<vmem>> -> memref<1x64x128xf32, #tpu.memory_space<vmem>>
    %dma_wait3A_132 = tpu.memref_squeeze %dma_wait3A_131 : memref<1x64x128xf32, #tpu.memory_space<vmem>> -> memref<64x128xf32, #tpu.memory_space<vmem>>
    %dma_wait3A_133 = arith.constant 0 : i32
    %dma_wait3A_134 = arith.constant 0 : i32
    %dma_wait3A_135 = tpu.memref_slice %arg5[%dma_wait3A, %dma_wait3A_133, %dma_wait3A_134] : memref<2x10000x128xf32, #tpu.memory_space<hbm>> -> memref<1x64x128xf32, #tpu.memory_space<hbm>>
    %dma_wait3A_136 = tpu.memref_squeeze %dma_wait3A_135 : memref<1x64x128xf32, #tpu.memory_space<hbm>> -> memref<64x128xf32, #tpu.memory_space<hbm>>
    tpu.wait_dma2 semaphore(%arg20 : memref<!tpu.dma_semaphore, #tpu.memory_space<semaphore_mem>>) src(%dma_wait3A_136 : memref<64x128xf32, #tpu.memory_space<hbm>>) dst(%dma_wait3A_132 : memref<64x128xf32, #tpu.memory_space<vmem>>)
    %dma_wait3A_137 = arith.constant 0 : i32
    %dma_wait3A_138 = arith.constant 1 : i32
    %dma_wait3A_139 = arith.constant 0 : i32
    %dma_wait3A_140 = arith.constant 0 : i32
    %dma_wait3A_141 = tpu.memref_slice %arg14[%dma_wait3A_138, %dma_wait3A_139, %dma_wait3A_140] : memref<2x64x128xf32, #tpu.memory_space<vmem>> -> memref<1x64x128xf32, #tpu.memory_space<vmem>>
    %dma_wait3A_142 = tpu.memref_squeeze %dma_wait3A_141 : memref<1x64x128xf32, #tpu.memory_space<vmem>> -> memref<64x128xf32, #tpu.memory_space<vmem>>
    %dma_wait3A_143 = arith.constant 0 : i32
    %dma_wait3A_144 = arith.constant 0 : i32
    %dma_wait3A_145 = tpu.memref_slice %arg5[%dma_wait3A_137, %dma_wait3A_143, %dma_wait3A_144] : memref<2x10000x128xf32, #tpu.memory_space<hbm>> -> memref<1x64x128xf32, #tpu.memory_space<hbm>>
    %dma_wait3A_146 = tpu.memref_squeeze %dma_wait3A_145 : memref<1x64x128xf32, #tpu.memory_space<hbm>> -> memref<64x128xf32, #tpu.memory_space<hbm>>
    %dma_wait3A_147 = arith.constant 0 : i32
    %dma_wait3A_148 = arith.constant 0 : i32
    %dma_wait3A_149 = tpu.memref_slice %arg14[%dma_wait3A_138, %dma_wait3A_147, %dma_wait3A_148] : memref<2x64x128xf32, #tpu.memory_space<vmem>> -> memref<1x64x128xf32, #tpu.memory_space<vmem>>
    %dma_wait3A_150 = tpu.memref_squeeze %dma_wait3A_149 : memref<1x64x128xf32, #tpu.memory_space<vmem>> -> memref<64x128xf32, #tpu.memory_space<vmem>>
    %dma_wait3A_151 = arith.constant 0 : i32
    %dma_wait3A_152 = arith.constant 0 : i32
    %dma_wait3A_153 = tpu.memref_slice %arg5[%dma_wait3A_137, %dma_wait3A_151, %dma_wait3A_152] : memref<2x10000x128xf32, #tpu.memory_space<hbm>> -> memref<1x64x128xf32, #tpu.memory_space<hbm>>
    %dma_wait3A_154 = tpu.memref_squeeze %dma_wait3A_153 : memref<1x64x128xf32, #tpu.memory_space<hbm>> -> memref<64x128xf32, #tpu.memory_space<hbm>>
    tpu.wait_dma2 semaphore(%arg21 : memref<!tpu.dma_semaphore, #tpu.memory_space<semaphore_mem>>) src(%dma_wait3A_154 : memref<64x128xf32, #tpu.memory_space<hbm>>) dst(%dma_wait3A_150 : memref<64x128xf32, #tpu.memory_space<vmem>>)
    %lt3A_155 = arith.constant 8 : i32
    %lt3A_156 = arith.cmpi slt, %add3A, %lt3A_155 : i32
    %convert_element_type3A_157 = arith.extui %lt3A_156 : i1 to i32
    %cond3A_158 = arith.constant 0 : i32
    %cond3A_159 = arith.cmpi ne, %convert_element_type3A_157, %cond3A_158 : i32
    scf.if %cond3A_159 {
      %add3A_171 = arith.constant 4992 : i32
      %add3A_172 = arith.addi %add3A_171, %add3A : i32
      %mul3A_173 = arith.constant 64 : i32
      %mul3A_174 = arith.muli %add3A_172, %mul3A_173 : i32
      %multiple_of3A_175 = tpu.assume_multiple %mul3A_174, 64 : i32
      %run_scoped3A_176 = arith.constant 0 : i32
      "tpu.region"() ({
        %run_scoped3A_214 = tpu.sem_alloc : memref<!tpu.dma_semaphore, #tpu.memory_space<semaphore_mem>>
        %dma_start3A_215 = arith.constant 0 : i32
        %dma_start3A_216 = tpu.memref_slice %arg11[%run_scoped3A_176, %dma_start3A_215] : memref<2x64xi32, #tpu.memory_space<vmem>> -> memref<1x64xi32, #tpu.memory_space<vmem>>
        %dma_start3A_217 = tpu.memref_squeeze %dma_start3A_216 : memref<1x64xi32, #tpu.memory_space<vmem>> -> memref<64xi32, #tpu.memory_space<vmem>>
        %dma_start3A_218 = tpu.memref_slice %arg4[%multiple_of3A_175] : memref<640000xi32, #tpu.memory_space<hbm>> -> memref<64xi32, #tpu.memory_space<hbm>>
        %dma_start3A_219 = arith.constant 0 : i32
        %dma_start3A_220 = tpu.memref_slice %arg11[%run_scoped3A_176, %dma_start3A_219] : memref<2x64xi32, #tpu.memory_space<vmem>> -> memref<1x64xi32, #tpu.memory_space<vmem>>
        %dma_start3A_221 = tpu.memref_squeeze %dma_start3A_220 : memref<1x64xi32, #tpu.memory_space<vmem>> -> memref<64xi32, #tpu.memory_space<vmem>>
        %dma_start3A_222 = tpu.memref_slice %arg4[%multiple_of3A_175] : memref<640000xi32, #tpu.memory_space<hbm>> -> memref<64xi32, #tpu.memory_space<hbm>>
        tpu.enqueue_dma source(%dma_start3A_222 : memref<64xi32, #tpu.memory_space<hbm>>) target(%dma_start3A_221 : memref<64xi32, #tpu.memory_space<vmem>>) target_semaphore(%run_scoped3A_214 : memref<!tpu.dma_semaphore, #tpu.memory_space<semaphore_mem>>)
        %dma_wait3A_223 = arith.constant 0 : i32
        %dma_wait3A_224 = tpu.memref_slice %arg11[%run_scoped3A_176, %dma_wait3A_223] : memref<2x64xi32, #tpu.memory_space<vmem>> -> memref<1x64xi32, #tpu.memory_space<vmem>>
        %dma_wait3A_225 = tpu.memref_squeeze %dma_wait3A_224 : memref<1x64xi32, #tpu.memory_space<vmem>> -> memref<64xi32, #tpu.memory_space<vmem>>
        %dma_wait3A_226 = tpu.memref_slice %arg4[%multiple_of3A_175] : memref<640000xi32, #tpu.memory_space<hbm>> -> memref<64xi32, #tpu.memory_space<hbm>>
        %dma_wait3A_227 = arith.constant 0 : i32
        %dma_wait3A_228 = tpu.memref_slice %arg11[%run_scoped3A_176, %dma_wait3A_227] : memref<2x64xi32, #tpu.memory_space<vmem>> -> memref<1x64xi32, #tpu.memory_space<vmem>>
        %dma_wait3A_229 = tpu.memref_squeeze %dma_wait3A_228 : memref<1x64xi32, #tpu.memory_space<vmem>> -> memref<64xi32, #tpu.memory_space<vmem>>
        %dma_wait3A_230 = tpu.memref_slice %arg4[%multiple_of3A_175] : memref<640000xi32, #tpu.memory_space<hbm>> -> memref<64xi32, #tpu.memory_space<hbm>>
        tpu.wait_dma2 semaphore(%run_scoped3A_214 : memref<!tpu.dma_semaphore, #tpu.memory_space<semaphore_mem>>) src(%dma_wait3A_230 : memref<64xi32, #tpu.memory_space<hbm>>) dst(%dma_wait3A_229 : memref<64xi32, #tpu.memory_space<vmem>>)
        tpu.yield
      }) : () -> ()
      %add3A_177 = arith.constant 320000 : i32
      %add3A_178 = arith.addi %add3A_177, %multiple_of3A_175 : i32
      %run_scoped3A_179 = arith.constant 0 : i32
      "tpu.region"() ({
        %run_scoped3A_214 = tpu.sem_alloc : memref<!tpu.dma_semaphore, #tpu.memory_space<semaphore_mem>>
        %dma_start3A_215 = arith.constant 0 : i32
        %dma_start3A_216 = tpu.memref_slice %arg10[%run_scoped3A_179, %dma_start3A_215] : memref<2x64xi32, #tpu.memory_space<vmem>> -> memref<1x64xi32, #tpu.memory_space<vmem>>
        %dma_start3A_217 = tpu.memref_squeeze %dma_start3A_216 : memref<1x64xi32, #tpu.memory_space<vmem>> -> memref<64xi32, #tpu.memory_space<vmem>>
        %dma_start3A_218 = tpu.memref_slice %arg4[%add3A_178] : memref<640000xi32, #tpu.memory_space<hbm>> -> memref<64xi32, #tpu.memory_space<hbm>>
        %dma_start3A_219 = arith.constant 0 : i32
        %dma_start3A_220 = tpu.memref_slice %arg10[%run_scoped3A_179, %dma_start3A_219] : memref<2x64xi32, #tpu.memory_space<vmem>> -> memref<1x64xi32, #tpu.memory_space<vmem>>
        %dma_start3A_221 = tpu.memref_squeeze %dma_start3A_220 : memref<1x64xi32, #tpu.memory_space<vmem>> -> memref<64xi32, #tpu.memory_space<vmem>>
        %dma_start3A_222 = tpu.memref_slice %arg4[%add3A_178] : memref<640000xi32, #tpu.memory_space<hbm>> -> memref<64xi32, #tpu.memory_space<hbm>>
        tpu.enqueue_dma source(%dma_start3A_222 : memref<64xi32, #tpu.memory_space<hbm>>) target(%dma_start3A_221 : memref<64xi32, #tpu.memory_space<vmem>>) target_semaphore(%run_scoped3A_214 : memref<!tpu.dma_semaphore, #tpu.memory_space<semaphore_mem>>)
        %dma_wait3A_223 = arith.constant 0 : i32
        %dma_wait3A_224 = tpu.memref_slice %arg10[%run_scoped3A_179, %dma_wait3A_223] : memref<2x64xi32, #tpu.memory_space<vmem>> -> memref<1x64xi32, #tpu.memory_space<vmem>>
        %dma_wait3A_225 = tpu.memref_squeeze %dma_wait3A_224 : memref<1x64xi32, #tpu.memory_space<vmem>> -> memref<64xi32, #tpu.memory_space<vmem>>
        %dma_wait3A_226 = tpu.memref_slice %arg4[%add3A_178] : memref<640000xi32, #tpu.memory_space<hbm>> -> memref<64xi32, #tpu.memory_space<hbm>>
        %dma_wait3A_227 = arith.constant 0 : i32
        %dma_wait3A_228 = tpu.memref_slice %arg10[%run_scoped3A_179, %dma_wait3A_227] : memref<2x64xi32, #tpu.memory_space<vmem>> -> memref<1x64xi32, #tpu.memory_space<vmem>>
        %dma_wait3A_229 = tpu.memref_squeeze %dma_wait3A_228 : memref<1x64xi32, #tpu.memory_space<vmem>> -> memref<64xi32, #tpu.memory_space<vmem>>
        %dma_wait3A_230 = tpu.memref_slice %arg4[%add3A_178] : memref<640000xi32, #tpu.memory_space<hbm>> -> memref<64xi32, #tpu.memory_space<hbm>>
        tpu.wait_dma2 semaphore(%run_scoped3A_214 : memref<!tpu.dma_semaphore, #tpu.memory_space<semaphore_mem>>) src(%dma_wait3A_230 : memref<64xi32, #tpu.memory_space<hbm>>) dst(%dma_wait3A_229 : memref<64xi32, #tpu.memory_space<vmem>>)
        tpu.yield
      }) : () -> ()
      %dma_start3A_180 = arith.constant 0 : i32
      %dma_start3A_181 = arith.constant 0 : i32
      %dma_start3A_182 = arith.constant 0 : i32
      %dma_start3A_183 = arith.constant 0 : i32
      %dma_start3A_184 = tpu.memref_slice %arg12[%dma_start3A_181, %dma_start3A_182, %dma_start3A_183] : memref<2x64x128xf32, #tpu.memory_space<vmem>> -> memref<1x64x128xf32, #tpu.memory_space<vmem>>
      %dma_start3A_185 = tpu.memref_squeeze %dma_start3A_184 : memref<1x64x128xf32, #tpu.memory_space<vmem>> -> memref<64x128xf32, #tpu.memory_space<vmem>>
      %dma_start3A_186 = arith.constant 0 : i32
      %dma_start3A_187 = tpu.memref_slice %arg11[%dma_start3A_180, %dma_start3A_186] : memref<2x64xi32, #tpu.memory_space<vmem>> -> memref<1x64xi32, #tpu.memory_space<vmem>>
      %dma_start3A_188 = tpu.memref_squeeze %dma_start3A_187 : memref<1x64xi32, #tpu.memory_space<vmem>> -> memref<64xi32, #tpu.memory_space<vmem>>
      %dma_start3A_189 = arith.constant 0 : i32
      %dma_start3A_190 = arith.constant 0 : i32
      %dma_start3A_191 = tpu.memref_slice %arg2[%dma_start3A_189, %dma_start3A_190] : memref<10000x128xf32, #tpu.memory_space<hbm>> -> memref<10000x128xf32, #tpu.memory_space<hbm>>
      tpu.enqueue_indirect_dma source(%dma_start3A_191 : memref<10000x128xf32, #tpu.memory_space<hbm>>) target(%dma_start3A_185 : memref<64x128xf32, #tpu.memory_space<vmem>>) offsets(%dma_start3A_188 : memref<64xi32, #tpu.memory_space<vmem>>) semaphore(%arg16 : memref<!tpu.dma_semaphore, #tpu.memory_space<semaphore_mem>>)
      %dma_wait3A_192 = arith.constant 0 : i32
      %dma_wait3A_193 = arith.constant 0 : i32
      %dma_wait3A_194 = arith.constant 0 : i32
      %dma_wait3A_195 = arith.constant 0 : i32
      %dma_wait3A_196 = tpu.memref_slice %arg12[%dma_wait3A_193, %dma_wait3A_194, %dma_wait3A_195] : memref<2x64x128xf32, #tpu.memory_space<vmem>> -> memref<1x64x128xf32, #tpu.memory_space<vmem>>
      %dma_wait3A_197 = tpu.memref_squeeze %dma_wait3A_196 : memref<1x64x128xf32, #tpu.memory_space<vmem>> -> memref<64x128xf32, #tpu.memory_space<vmem>>
      %dma_wait3A_198 = arith.constant 0 : i32
      %dma_wait3A_199 = tpu.memref_slice %arg11[%dma_wait3A_192, %dma_wait3A_198] : memref<2x64xi32, #tpu.memory_space<vmem>> -> memref<1x64xi32, #tpu.memory_space<vmem>>
      %dma_wait3A_200 = tpu.memref_squeeze %dma_wait3A_199 : memref<1x64xi32, #tpu.memory_space<vmem>> -> memref<64xi32, #tpu.memory_space<vmem>>
      %dma_wait3A_201 = arith.constant 0 : i32
      %dma_wait3A_202 = arith.constant 0 : i32
      %dma_wait3A_203 = tpu.memref_slice %arg2[%dma_wait3A_201, %dma_wait3A_202] : memref<10000x128xf32, #tpu.memory_space<hbm>> -> memref<10000x128xf32, #tpu.memory_space<hbm>>
      tpu.wait_indirect_dma semaphore(%arg16 : memref<!tpu.dma_semaphore, #tpu.memory_space<semaphore_mem>>) src(%dma_wait3A_203 : memref<10000x128xf32, #tpu.memory_space<hbm>>) dst(%dma_wait3A_197 : memref<64x128xf32, #tpu.memory_space<vmem>>)
      %run_scoped3A_204 = arith.constant 0 : i32
      "tpu.region"() ({
        %run_scoped3A_214 = tpu.sem_alloc : memref<!tpu.dma_semaphore, #tpu.memory_space<semaphore_mem>>
        %dma_start3A_215 = arith.constant 0 : i32
        %dma_start3A_216 = arith.constant 0 : i32
        %dma_start3A_217 = tpu.memref_slice %arg13[%run_scoped3A_204, %dma_start3A_215, %dma_start3A_216] : memref<2x64x64xi32, #tpu.memory_space<vmem>> -> memref<1x64x64xi32, #tpu.memory_space<vmem>>
        %dma_start3A_218 = tpu.memref_squeeze %dma_start3A_217 : memref<1x64x64xi32, #tpu.memory_space<vmem>> -> memref<64x64xi32, #tpu.memory_space<vmem>>
        %dma_start3A_219 = arith.constant 0 : i32
        %dma_start3A_220 = tpu.memref_slice %arg3[%multiple_of3A_175, %dma_start3A_219] : memref<320000x64xi32, #tpu.memory_space<hbm>> -> memref<64x64xi32, #tpu.memory_space<hbm>>
        %dma_start3A_221 = arith.constant 0 : i32
        %dma_start3A_222 = arith.constant 0 : i32
        %dma_start3A_223 = tpu.memref_slice %arg13[%run_scoped3A_204, %dma_start3A_221, %dma_start3A_222] : memref<2x64x64xi32, #tpu.memory_space<vmem>> -> memref<1x64x64xi32, #tpu.memory_space<vmem>>
        %dma_start3A_224 = tpu.memref_squeeze %dma_start3A_223 : memref<1x64x64xi32, #tpu.memory_space<vmem>> -> memref<64x64xi32, #tpu.memory_space<vmem>>
        %dma_start3A_225 = arith.constant 0 : i32
        %dma_start3A_226 = tpu.memref_slice %arg3[%multiple_of3A_175, %dma_start3A_225] : memref<320000x64xi32, #tpu.memory_space<hbm>> -> memref<64x64xi32, #tpu.memory_space<hbm>>
        tpu.enqueue_dma source(%dma_start3A_226 : memref<64x64xi32, #tpu.memory_space<hbm>>) target(%dma_start3A_224 : memref<64x64xi32, #tpu.memory_space<vmem>>) target_semaphore(%run_scoped3A_214 : memref<!tpu.dma_semaphore, #tpu.memory_space<semaphore_mem>>)
        %dma_wait3A_227 = arith.constant 0 : i32
        %dma_wait3A_228 = arith.constant 0 : i32
        %dma_wait3A_229 = tpu.memref_slice %arg13[%run_scoped3A_204, %dma_wait3A_227, %dma_wait3A_228] : memref<2x64x64xi32, #tpu.memory_space<vmem>> -> memref<1x64x64xi32, #tpu.memory_space<vmem>>
        %dma_wait3A_230 = tpu.memref_squeeze %dma_wait3A_229 : memref<1x64x64xi32, #tpu.memory_space<vmem>> -> memref<64x64xi32, #tpu.memory_space<vmem>>
        %dma_wait3A_231 = arith.constant 0 : i32
        %dma_wait3A_232 = tpu.memref_slice %arg3[%multiple_of3A_175, %dma_wait3A_231] : memref<320000x64xi32, #tpu.memory_space<hbm>> -> memref<64x64xi32, #tpu.memory_space<hbm>>
        %dma_wait3A_233 = arith.constant 0 : i32
        %dma_wait3A_234 = arith.constant 0 : i32
        %dma_wait3A_235 = tpu.memref_slice %arg13[%run_scoped3A_204, %dma_wait3A_233, %dma_wait3A_234] : memref<2x64x64xi32, #tpu.memory_space<vmem>> -> memref<1x64x64xi32, #tpu.memory_space<vmem>>
        %dma_wait3A_236 = tpu.memref_squeeze %dma_wait3A_235 : memref<1x64x64xi32, #tpu.memory_space<vmem>> -> memref<64x64xi32, #tpu.memory_space<vmem>>
        %dma_wait3A_237 = arith.constant 0 : i32
        %dma_wait3A_238 = tpu.memref_slice %arg3[%multiple_of3A_175, %dma_wait3A_237] : memref<320000x64xi32, #tpu.memory_space<hbm>> -> memref<64x64xi32, #tpu.memory_space<hbm>>
        tpu.wait_dma2 semaphore(%run_scoped3A_214 : memref<!tpu.dma_semaphore, #tpu.memory_space<semaphore_mem>>) src(%dma_wait3A_238 : memref<64x64xi32, #tpu.memory_space<hbm>>) dst(%dma_wait3A_236 : memref<64x64xi32, #tpu.memory_space<vmem>>)
        tpu.yield
      }) : () -> ()
      %broadcast_in_dim3A = arith.constant -65536 : i32
      %broadcast_in_dim3A_205 = vector.broadcast %broadcast_in_dim3A : i32 to vector<16xi32>
      %scan3A_206 = arith.constant 0 : i32
      %scan3A_207 = arith.constant 0 : i32
      %scan3A_208 = arith.constant 64 : i32
      %scan3A_209 = arith.addi %scan3A_207, %scan3A_208 : i32
      %scan3A_210 = arith.constant 1 : i32
      scf.for %scan3A_214 = %scan3A_207 to %scan3A_209 step %scan3A_210  : i32 {
        %get3A_215 = arith.constant 0 : i32
        %get3A_216 = arith.index_cast %get3A_215 : i32 to index
        %get3A_217 = arith.index_cast %scan3A_214 : i32 to index
        %get3A_218 = arith.constant 0 : index
        %get3A_219 = tpu.vector_load %arg13[%get3A_216, %get3A_217, %get3A_218] {strides = array<i32>} : memref<2x64x64xi32, #tpu.memory_space<vmem>>, vector<16xi32>,
        %shift_left3A = arith.constant 16 : i32
        %shift_left3A_220 = vector.broadcast %shift_left3A : i32 to vector<16xi32>
        %shift_left3A_221 = arith.shli %get3A_219, %shift_left3A_220 : vector<16xi32>
        %bitcast3A = vector.bitcast %shift_left3A_221 : vector<16xi32> to vector<16xf32>
        %and3A = arith.andi %get3A_219, %broadcast_in_dim3A_205 : vector<16xi32>
        %bitcast3A_222 = vector.bitcast %and3A : vector<16xi32> to vector<16xf32>
        %get3A_223 = arith.constant 0 : i32
        %get3A_224 = arith.index_cast %get3A_223 : i32 to index
        %get3A_225 = arith.index_cast %scan3A_214 : i32 to index
        %get3A_226 = arith.constant 0 : index
        %get3A_227 = tpu.vector_load %arg12[%get3A_224, %get3A_225, %get3A_226] {strides = array<i32>} : memref<2x64x128xf32, #tpu.memory_space<vmem>>, vector<16xf32>,
        %get3A_228 = arith.constant 0 : i32
        %get3A_229 = arith.index_cast %get3A_228 : i32 to index
        %get3A_230 = arith.index_cast %scan3A_214 : i32 to index
        %get3A_231 = arith.constant 64 : index
        %get3A_232 = tpu.vector_load %arg12[%get3A_229, %get3A_230, %get3A_231] {strides = array<i32>} : memref<2x64x128xf32, #tpu.memory_space<vmem>>, vector<16xf32>,
        %mul3A_233 = arith.mulf %bitcast3A, %get3A_227 : vector<16xf32>
        %swap3A_234 = arith.constant 0 : i32
        %swap3A_235 = arith.index_cast %swap3A_234 : i32 to index
        %swap3A_236 = arith.index_cast %scan3A_214 : i32 to index
        %swap3A_237 = arith.constant 0 : index
        %swap3A_238 = tpu.vector_load %arg14[%swap3A_235, %swap3A_236, %swap3A_237] {strides = array<i32>} : memref<2x64x128xf32, #tpu.memory_space<vmem>>, vector<16xf32>,
        tpu.vector_store %arg14[%swap3A_235, %swap3A_236, %swap3A_237], %mul3A_233 {strides = array<i32>} : memref<2x64x128xf32, #tpu.memory_space<vmem>>, vector<16xf32>,
        %mul3A_239 = arith.mulf %bitcast3A_222, %get3A_232 : vector<16xf32>
        %swap3A_240 = arith.constant 0 : i32
        %swap3A_241 = arith.index_cast %swap3A_240 : i32 to index
        %swap3A_242 = arith.index_cast %scan3A_214 : i32 to index
        %swap3A_243 = arith.constant 64 : index
        %swap3A_244 = tpu.vector_load %arg14[%swap3A_241, %swap3A_242, %swap3A_243] {strides = array<i32>} : memref<2x64x128xf32, #tpu.memory_space<vmem>>, vector<16xf32>,
        tpu.vector_store %arg14[%swap3A_241, %swap3A_242, %swap3A_243], %mul3A_239 {strides = array<i32>} : memref<2x64x128xf32, #tpu.memory_space<vmem>>, vector<16xf32>,
        %get3A_245 = arith.constant 0 : i32
        %get3A_246 = arith.index_cast %get3A_245 : i32 to index
        %get3A_247 = arith.index_cast %scan3A_214 : i32 to index
        %get3A_248 = arith.constant 16 : index
        %get3A_249 = tpu.vector_load %arg13[%get3A_246, %get3A_247, %get3A_248] {strides = array<i32>} : memref<2x64x64xi32, #tpu.memory_space<vmem>>, vector<16xi32>,
        %shift_left3A_250 = arith.constant 16 : i32
        %shift_left3A_251 = vector.broadcast %shift_left3A_250 : i32 to vector<16xi32>
        %shift_left3A_252 = arith.shli %get3A_249, %shift_left3A_251 : vector<16xi32>
        %bitcast3A_253 = vector.bitcast %shift_left3A_252 : vector<16xi32> to vector<16xf32>
        %and3A_254 = arith.andi %get3A_249, %broadcast_in_dim3A_205 : vector<16xi32>
        %bitcast3A_255 = vector.bitcast %and3A_254 : vector<16xi32> to vector<16xf32>
        %get3A_256 = arith.constant 0 : i32
        %get3A_257 = arith.index_cast %get3A_256 : i32 to index
        %get3A_258 = arith.index_cast %scan3A_214 : i32 to index
        %get3A_259 = arith.constant 16 : index
        %get3A_260 = tpu.vector_load %arg12[%get3A_257, %get3A_258, %get3A_259] {strides = array<i32>} : memref<2x64x128xf32, #tpu.memory_space<vmem>>, vector<16xf32>,
        %get3A_261 = arith.constant 0 : i32
        %get3A_262 = arith.index_cast %get3A_261 : i32 to index
        %get3A_263 = arith.index_cast %scan3A_214 : i32 to index
        %get3A_264 = arith.constant 80 : index
        %get3A_265 = tpu.vector_load %arg12[%get3A_262, %get3A_263, %get3A_264] {strides = array<i32>} : memref<2x64x128xf32, #tpu.memory_space<vmem>>, vector<16xf32>,
        %mul3A_266 = arith.mulf %bitcast3A_253, %get3A_260 : vector<16xf32>
        %swap3A_267 = arith.constant 0 : i32
        %swap3A_268 = arith.index_cast %swap3A_267 : i32 to index
        %swap3A_269 = arith.index_cast %scan3A_214 : i32 to index
        %swap3A_270 = arith.constant 16 : index
        %swap3A_271 = tpu.vector_load %arg14[%swap3A_268, %swap3A_269, %swap3A_270] {strides = array<i32>} : memref<2x64x128xf32, #tpu.memory_space<vmem>>, vector<16xf32>,
        tpu.vector_store %arg14[%swap3A_268, %swap3A_269, %swap3A_270], %mul3A_266 {strides = array<i32>} : memref<2x64x128xf32, #tpu.memory_space<vmem>>, vector<16xf32>,
        %mul3A_272 = arith.mulf %bitcast3A_255, %get3A_265 : vector<16xf32>
        %swap3A_273 = arith.constant 0 : i32
        %swap3A_274 = arith.index_cast %swap3A_273 : i32 to index
        %swap3A_275 = arith.index_cast %scan3A_214 : i32 to index
        %swap3A_276 = arith.constant 80 : index
        %swap3A_277 = tpu.vector_load %arg14[%swap3A_274, %swap3A_275, %swap3A_276] {strides = array<i32>} : memref<2x64x128xf32, #tpu.memory_space<vmem>>, vector<16xf32>,
        tpu.vector_store %arg14[%swap3A_274, %swap3A_275, %swap3A_276], %mul3A_272 {strides = array<i32>} : memref<2x64x128xf32, #tpu.memory_space<vmem>>, vector<16xf32>,
        %get3A_278 = arith.constant 0 : i32
        %get3A_279 = arith.index_cast %get3A_278 : i32 to index
        %get3A_280 = arith.index_cast %scan3A_214 : i32 to index
        %get3A_281 = arith.constant 32 : index
        %get3A_282 = tpu.vector_load %arg13[%get3A_279, %get3A_280, %get3A_281] {strides = array<i32>} : memref<2x64x64xi32, #tpu.memory_space<vmem>>, vector<16xi32>,
        %shift_left3A_283 = arith.constant 16 : i32
        %shift_left3A_284 = vector.broadcast %shift_left3A_283 : i32 to vector<16xi32>
        %shift_left3A_285 = arith.shli %get3A_282, %shift_left3A_284 : vector<16xi32>
        %bitcast3A_286 = vector.bitcast %shift_left3A_285 : vector<16xi32> to vector<16xf32>
        %and3A_287 = arith.andi %get3A_282, %broadcast_in_dim3A_205 : vector<16xi32>
        %bitcast3A_288 = vector.bitcast %and3A_287 : vector<16xi32> to vector<16xf32>
        %get3A_289 = arith.constant 0 : i32
        %get3A_290 = arith.index_cast %get3A_289 : i32 to index
        %get3A_291 = arith.index_cast %scan3A_214 : i32 to index
        %get3A_292 = arith.constant 32 : index
        %get3A_293 = tpu.vector_load %arg12[%get3A_290, %get3A_291, %get3A_292] {strides = array<i32>} : memref<2x64x128xf32, #tpu.memory_space<vmem>>, vector<16xf32>,
        %get3A_294 = arith.constant 0 : i32
        %get3A_295 = arith.index_cast %get3A_294 : i32 to index
        %get3A_296 = arith.index_cast %scan3A_214 : i32 to index
        %get3A_297 = arith.constant 96 : index
        %get3A_298 = tpu.vector_load %arg12[%get3A_295, %get3A_296, %get3A_297] {strides = array<i32>} : memref<2x64x128xf32, #tpu.memory_space<vmem>>, vector<16xf32>,
        %mul3A_299 = arith.mulf %bitcast3A_286, %get3A_293 : vector<16xf32>
        %swap3A_300 = arith.constant 0 : i32
        %swap3A_301 = arith.index_cast %swap3A_300 : i32 to index
        %swap3A_302 = arith.index_cast %scan3A_214 : i32 to index
        %swap3A_303 = arith.constant 32 : index
        %swap3A_304 = tpu.vector_load %arg14[%swap3A_301, %swap3A_302, %swap3A_303] {strides = array<i32>} : memref<2x64x128xf32, #tpu.memory_space<vmem>>, vector<16xf32>,
        tpu.vector_store %arg14[%swap3A_301, %swap3A_302, %swap3A_303], %mul3A_299 {strides = array<i32>} : memref<2x64x128xf32, #tpu.memory_space<vmem>>, vector<16xf32>,
        %mul3A_305 = arith.mulf %bitcast3A_288, %get3A_298 : vector<16xf32>
        %swap3A_306 = arith.constant 0 : i32
        %swap3A_307 = arith.index_cast %swap3A_306 : i32 to index
        %swap3A_308 = arith.index_cast %scan3A_214 : i32 to index
        %swap3A_309 = arith.constant 96 : index
        %swap3A_310 = tpu.vector_load %arg14[%swap3A_307, %swap3A_308, %swap3A_309] {strides = array<i32>} : memref<2x64x128xf32, #tpu.memory_space<vmem>>, vector<16xf32>,
        tpu.vector_store %arg14[%swap3A_307, %swap3A_308, %swap3A_309], %mul3A_305 {strides = array<i32>} : memref<2x64x128xf32, #tpu.memory_space<vmem>>, vector<16xf32>,
        %get3A_311 = arith.constant 0 : i32
        %get3A_312 = arith.index_cast %get3A_311 : i32 to index
        %get3A_313 = arith.index_cast %scan3A_214 : i32 to index
        %get3A_314 = arith.constant 48 : index
        %get3A_315 = tpu.vector_load %arg13[%get3A_312, %get3A_313, %get3A_314] {strides = array<i32>} : memref<2x64x64xi32, #tpu.memory_space<vmem>>, vector<16xi32>,
        %shift_left3A_316 = arith.constant 16 : i32
        %shift_left3A_317 = vector.broadcast %shift_left3A_316 : i32 to vector<16xi32>
        %shift_left3A_318 = arith.shli %get3A_315, %shift_left3A_317 : vector<16xi32>
        %bitcast3A_319 = vector.bitcast %shift_left3A_318 : vector<16xi32> to vector<16xf32>
        %and3A_320 = arith.andi %get3A_315, %broadcast_in_dim3A_205 : vector<16xi32>
        %bitcast3A_321 = vector.bitcast %and3A_320 : vector<16xi32> to vector<16xf32>
        %get3A_322 = arith.constant 0 : i32
        %get3A_323 = arith.index_cast %get3A_322 : i32 to index
        %get3A_324 = arith.index_cast %scan3A_214 : i32 to index
        %get3A_325 = arith.constant 48 : index
        %get3A_326 = tpu.vector_load %arg12[%get3A_323, %get3A_324, %get3A_325] {strides = array<i32>} : memref<2x64x128xf32, #tpu.memory_space<vmem>>, vector<16xf32>,
        %get3A_327 = arith.constant 0 : i32
        %get3A_328 = arith.index_cast %get3A_327 : i32 to index
        %get3A_329 = arith.index_cast %scan3A_214 : i32 to index
        %get3A_330 = arith.constant 112 : index
        %get3A_331 = tpu.vector_load %arg12[%get3A_328, %get3A_329, %get3A_330] {strides = array<i32>} : memref<2x64x128xf32, #tpu.memory_space<vmem>>, vector<16xf32>,
        %mul3A_332 = arith.mulf %bitcast3A_319, %get3A_326 : vector<16xf32>
        %swap3A_333 = arith.constant 0 : i32
        %swap3A_334 = arith.index_cast %swap3A_333 : i32 to index
        %swap3A_335 = arith.index_cast %scan3A_214 : i32 to index
        %swap3A_336 = arith.constant 48 : index
        %swap3A_337 = tpu.vector_load %arg14[%swap3A_334, %swap3A_335, %swap3A_336] {strides = array<i32>} : memref<2x64x128xf32, #tpu.memory_space<vmem>>, vector<16xf32>,
        tpu.vector_store %arg14[%swap3A_334, %swap3A_335, %swap3A_336], %mul3A_332 {strides = array<i32>} : memref<2x64x128xf32, #tpu.memory_space<vmem>>, vector<16xf32>,
        %mul3A_338 = arith.mulf %bitcast3A_321, %get3A_331 : vector<16xf32>
        %swap3A_339 = arith.constant 0 : i32
        %swap3A_340 = arith.index_cast %swap3A_339 : i32 to index
        %swap3A_341 = arith.index_cast %scan3A_214 : i32 to index
        %swap3A_342 = arith.constant 112 : index
        %swap3A_343 = tpu.vector_load %arg14[%swap3A_340, %swap3A_341, %swap3A_342] {strides = array<i32>} : memref<2x64x128xf32, #tpu.memory_space<vmem>>, vector<16xf32>,
        tpu.vector_store %arg14[%swap3A_340, %swap3A_341, %swap3A_342], %mul3A_338 {strides = array<i32>} : memref<2x64x128xf32, #tpu.memory_space<vmem>>, vector<16xf32>,
      }
      %scan3A_211 = arith.constant 64 : i32
      %run_scoped3A_212 = arith.constant 0 : i32
      %run_scoped3A_213 = arith.constant 0 : i32
      "tpu.region"() ({
        %run_scoped3A_214 = tpu.sem_alloc : memref<!tpu.dma_semaphore, #tpu.memory_space<semaphore_mem>>
        %dma_start3A_215 = arith.constant 0 : i32
        %dma_start3A_216 = arith.constant 0 : i32
        %dma_start3A_217 = tpu.memref_slice %arg14[%run_scoped3A_212, %dma_start3A_215, %dma_start3A_216] : memref<2x64x128xf32, #tpu.memory_space<vmem>> -> memref<1x64x128xf32, #tpu.memory_space<vmem>>
        %dma_start3A_218 = tpu.memref_squeeze %dma_start3A_217 : memref<1x64x128xf32, #tpu.memory_space<vmem>> -> memref<64x128xf32, #tpu.memory_space<vmem>>
        %dma_start3A_219 = arith.constant 0 : i32
        %dma_start3A_220 = tpu.memref_slice %arg10[%run_scoped3A_213, %dma_start3A_219] : memref<2x64xi32, #tpu.memory_space<vmem>> -> memref<1x64xi32, #tpu.memory_space<vmem>>
        %dma_start3A_221 = tpu.memref_squeeze %dma_start3A_220 : memref<1x64xi32, #tpu.memory_space<vmem>> -> memref<64xi32, #tpu.memory_space<vmem>>
        %dma_start3A_222 = arith.constant 0 : i32
        %dma_start3A_223 = arith.constant 0 : i32
        %dma_start3A_224 = tpu.memref_slice %arg15[%dma_start3A_222, %dma_start3A_223] : memref<10000x128xf32, #tpu.memory_space<vmem_shared>> -> memref<10000x128xf32, #tpu.memory_space<vmem_shared>>
        tpu.enqueue_indirect_dma source(%dma_start3A_218 : memref<64x128xf32, #tpu.memory_space<vmem>>) target(%dma_start3A_224 : memref<10000x128xf32, #tpu.memory_space<vmem_shared>>) offsets(%dma_start3A_221 : memref<64xi32, #tpu.memory_space<vmem>>) semaphore(%run_scoped3A_214 : memref<!tpu.dma_semaphore, #tpu.memory_space<semaphore_mem>>) {add = true}
        %dma_wait3A_225 = arith.constant 0 : i32
        %dma_wait3A_226 = arith.constant 0 : i32
        %dma_wait3A_227 = tpu.memref_slice %arg14[%run_scoped3A_212, %dma_wait3A_225, %dma_wait3A_226] : memref<2x64x128xf32, #tpu.memory_space<vmem>> -> memref<1x64x128xf32, #tpu.memory_space<vmem>>
        %dma_wait3A_228 = tpu.memref_squeeze %dma_wait3A_227 : memref<1x64x128xf32, #tpu.memory_space<vmem>> -> memref<64x128xf32, #tpu.memory_space<vmem>>
        %dma_wait3A_229 = arith.constant 0 : i32
        %dma_wait3A_230 = tpu.memref_slice %arg10[%run_scoped3A_213, %dma_wait3A_229] : memref<2x64xi32, #tpu.memory_space<vmem>> -> memref<1x64xi32, #tpu.memory_space<vmem>>
        %dma_wait3A_231 = tpu.memref_squeeze %dma_wait3A_230 : memref<1x64xi32, #tpu.memory_space<vmem>> -> memref<64xi32, #tpu.memory_space<vmem>>
        %dma_wait3A_232 = arith.constant 0 : i32
        %dma_wait3A_233 = arith.constant 0 : i32
        %dma_wait3A_234 = tpu.memref_slice %arg15[%dma_wait3A_232, %dma_wait3A_233] : memref<10000x128xf32, #tpu.memory_space<vmem_shared>> -> memref<10000x128xf32, #tpu.memory_space<vmem_shared>>
        tpu.wait_indirect_dma semaphore(%run_scoped3A_214 : memref<!tpu.dma_semaphore, #tpu.memory_space<semaphore_mem>>) src(%dma_wait3A_228 : memref<64x128xf32, #tpu.memory_space<vmem>>) dst(%dma_wait3A_234 : memref<10000x128xf32, #tpu.memory_space<vmem_shared>>)
        tpu.yield
      }) : () -> ()
    } else {
    }
    %barrier3A_160 = arith.constant 0 : index
    tpu.barrier barrier_id(%barrier3A_160)
    %lt3A_161 = arith.constant 15 : i32
    %lt3A_162 = arith.cmpi slt, %arg1, %lt3A_161 : i32
    %convert_element_type3A_163 = arith.extui %lt3A_162 : i1 to i32
    %cond3A_164 = arith.constant 0 : i32
    %cond3A_165 = arith.cmpi ne, %convert_element_type3A_163, %cond3A_164 : i32
    scf.if %cond3A_165 {
      %mul3A_171 = arith.constant 624 : i32
      %mul3A_172 = arith.muli %arg1, %mul3A_171 : i32
      %mul3A_173 = arith.constant 624 : i32
      %mul3A_174 = arith.muli %arg1, %mul3A_173 : i32
      "tpu.region"() ({
        %run_scoped3A_175 = tpu.sem_alloc : memref<!tpu.dma_semaphore, #tpu.memory_space<semaphore_mem>>
        %dma_start3A_176 = arith.constant 0 : i32
        %dma_start3A_177 = tpu.memref_slice %arg5[%arg0, %mul3A_174, %dma_start3A_176] : memref<2x10000x128xf32, #tpu.memory_space<hbm>> -> memref<1x624x128xf32, #tpu.memory_space<hbm>>
        %dma_start3A_178 = tpu.memref_squeeze %dma_start3A_177 : memref<1x624x128xf32, #tpu.memory_space<hbm>> -> memref<624x128xf32, #tpu.memory_space<hbm>>
        %dma_start3A_179 = arith.constant 0 : i32
        %dma_start3A_180 = tpu.memref_slice %arg15[%mul3A_172, %dma_start3A_179] : memref<10000x128xf32, #tpu.memory_space<vmem_shared>> -> memref<624x128xf32, #tpu.memory_space<vmem_shared>>
        tpu.enqueue_dma source(%dma_start3A_180 : memref<624x128xf32, #tpu.memory_space<vmem_shared>>) target(%dma_start3A_178 : memref<624x128xf32, #tpu.memory_space<hbm>>) target_semaphore(%run_scoped3A_175 : memref<!tpu.dma_semaphore, #tpu.memory_space<semaphore_mem>>)
        %dma_wait3A_181 = arith.constant 0 : i32
        %dma_wait3A_182 = tpu.memref_slice %arg5[%arg0, %mul3A_174, %dma_wait3A_181] : memref<2x10000x128xf32, #tpu.memory_space<hbm>> -> memref<1x624x128xf32, #tpu.memory_space<hbm>>
        %dma_wait3A_183 = tpu.memref_squeeze %dma_wait3A_182 : memref<1x624x128xf32, #tpu.memory_space<hbm>> -> memref<624x128xf32, #tpu.memory_space<hbm>>
        %dma_wait3A_184 = arith.constant 0 : i32
        %dma_wait3A_185 = tpu.memref_slice %arg15[%mul3A_172, %dma_wait3A_184] : memref<10000x128xf32, #tpu.memory_space<vmem_shared>> -> memref<624x128xf32, #tpu.memory_space<vmem_shared>>
        tpu.wait_dma2 semaphore(%run_scoped3A_175 : memref<!tpu.dma_semaphore, #tpu.memory_space<semaphore_mem>>) src(%dma_wait3A_185 : memref<624x128xf32, #tpu.memory_space<vmem_shared>>) dst(%dma_wait3A_183 : memref<624x128xf32, #tpu.memory_space<hbm>>)
        tpu.yield
      }) : () -> ()
    } else {
    }
    %eq3A_166 = arith.constant 15 : i32
    %eq3A_167 = arith.cmpi eq, %arg1, %eq3A_166 : i32
    %convert_element_type3A_168 = arith.extui %eq3A_167 : i1 to i32
    %cond3A_169 = arith.constant 0 : i32
    %cond3A_170 = arith.cmpi ne, %convert_element_type3A_168, %cond3A_169 : i32
    scf.if %cond3A_170 {
      %mul3A_171 = arith.constant 624 : i32
      %mul3A_172 = arith.muli %arg1, %mul3A_171 : i32
      %mul3A_173 = arith.constant 624 : i32
      %mul3A_174 = arith.muli %arg1, %mul3A_173 : i32
      "tpu.region"() ({
        %run_scoped3A_175 = tpu.sem_alloc : memref<!tpu.dma_semaphore, #tpu.memory_space<semaphore_mem>>
        %dma_start3A_176 = arith.constant 0 : i32
        %dma_start3A_177 = tpu.memref_slice %arg5[%arg0, %mul3A_174, %dma_start3A_176] : memref<2x10000x128xf32, #tpu.memory_space<hbm>> -> memref<1x640x128xf32, #tpu.memory_space<hbm>>
        %dma_start3A_178 = tpu.memref_squeeze %dma_start3A_177 : memref<1x640x128xf32, #tpu.memory_space<hbm>> -> memref<640x128xf32, #tpu.memory_space<hbm>>
        %dma_start3A_179 = arith.constant 0 : i32
        %dma_start3A_180 = tpu.memref_slice %arg15[%mul3A_172, %dma_start3A_179] : memref<10000x128xf32, #tpu.memory_space<vmem_shared>> -> memref<640x128xf32, #tpu.memory_space<vmem_shared>>
        tpu.enqueue_dma source(%dma_start3A_180 : memref<640x128xf32, #tpu.memory_space<vmem_shared>>) target(%dma_start3A_178 : memref<640x128xf32, #tpu.memory_space<hbm>>) target_semaphore(%run_scoped3A_175 : memref<!tpu.dma_semaphore, #tpu.memory_space<semaphore_mem>>)
        %dma_wait3A_181 = arith.constant 0 : i32
        %dma_wait3A_182 = tpu.memref_slice %arg5[%arg0, %mul3A_174, %dma_wait3A_181] : memref<2x10000x128xf32, #tpu.memory_space<hbm>> -> memref<1x640x128xf32, #tpu.memory_space<hbm>>
        %dma_wait3A_183 = tpu.memref_squeeze %dma_wait3A_182 : memref<1x640x128xf32, #tpu.memory_space<hbm>> -> memref<640x128xf32, #tpu.memory_space<hbm>>
        %dma_wait3A_184 = arith.constant 0 : i32
        %dma_wait3A_185 = tpu.memref_slice %arg15[%mul3A_172, %dma_wait3A_184] : memref<10000x128xf32, #tpu.memory_space<vmem_shared>> -> memref<640x128xf32, #tpu.memory_space<vmem_shared>>
        tpu.wait_dma2 semaphore(%run_scoped3A_175 : memref<!tpu.dma_semaphore, #tpu.memory_space<semaphore_mem>>) src(%dma_wait3A_185 : memref<640x128xf32, #tpu.memory_space<vmem_shared>>) dst(%dma_wait3A_183 : memref<640x128xf32, #tpu.memory_space<hbm>>)
        tpu.yield
      }) : () -> ()
    } else {
    }
    return
  }
}

module attributes {stable_mosaic.version = 14 : i64} {
  func.func @_nf_body(%arg0: i32, %arg1: memref<2000x128xf32, #tpu.memory_space<vmem>>, %arg2: memref<128x128xf32, #tpu.memory_space<vmem>>, %arg3: memref<2000x128xf32, #tpu.memory_space<vmem>>) attributes {dimension_semantics = [#tpu.dimension_semantics<arbitrary>], iteration_bounds = array<i64: 5>, scalar_prefetch = 0 : i64, scratch_operands = 0 : i64, tpu.core_type = #tpu.core_type<tc>, window_params = [{transform_indices = @transform_0, window_bounds = array<i64: 2000, 128>}, {pipeline_mode = #tpu.pipeline_mode<synchronous>, transform_indices = @transform_1, window_bounds = array<i64: 128, 128>}, {transform_indices = @transform_2, window_bounds = array<i64: 2000, 128>}]} {
    %get3A = arith.constant 0 : index
    %get3A_0 = arith.constant 0 : index
    %get3A_1 = vector.load %arg1[%get3A, %get3A_0] : memref<2000x128xf32, #tpu.memory_space<vmem>>, vector<2000x128xf32>
    %get3A_2 = arith.constant 0 : index
    %get3A_3 = arith.constant 0 : index
    %get3A_4 = vector.load %arg2[%get3A_2, %get3A_3] : memref<128x128xf32, #tpu.memory_space<vmem>>, vector<128x128xf32>
    %dot_general3A = arith.constant dense<0.000000e+00> : vector<2000x128xf32>
    %dot_general3A_5 = tpu.matmul %get3A_1, %get3A_4, %dot_general3A {dimension_numbers = #tpu.dot_dimension_numbers<[1], [0], [0], [1], [0, 0, 1, 1], [], []>, transpose_lhs_hint = false} : vector<2000x128xf32>, vector<128x128xf32>, vector<2000x128xf32> -> vector<2000x128xf32>
    %mul3A = arith.constant 0.0883883461 : f32
    %mul3A_6 = vector.broadcast %mul3A : f32 to vector<2000x128xf32>
    %mul3A_7 = arith.mulf %dot_general3A_5, %mul3A_6 : vector<2000x128xf32>
    %swap3A = arith.constant 0 : index
    %swap3A_8 = arith.constant 0 : index
    %swap3A_9 = vector.load %arg3[%swap3A, %swap3A_8] : memref<2000x128xf32, #tpu.memory_space<vmem>>, vector<2000x128xf32>
    tpu.vector_store %arg3[%swap3A, %swap3A_8], %mul3A_7 {strides = array<i32>} : memref<2000x128xf32, #tpu.memory_space<vmem>>, vector<2000x128xf32>,
    return
  }
  func.func @transform_0(%arg0: i32) -> (i32, i32) {
    %c0_i32 = arith.constant 0 : i32
    %c0_i32_0 = arith.constant 0 : i32
    return %arg0, %c0_i32 : i32, i32
  }
  func.func @transform_1(%arg0: i32) -> (i32, i32) {
    %c0_i32 = arith.constant 0 : i32
    %c0_i32_0 = arith.constant 0 : i32
    %c0_i32_1 = arith.constant 0 : i32
    return %c0_i32, %c0_i32_0 : i32, i32
  }
  func.func @transform_2(%arg0: i32) -> (i32, i32) {
    %c0_i32 = arith.constant 0 : i32
    %c0_i32_0 = arith.constant 0 : i32
    return %arg0, %c0_i32 : i32, i32
  }
}

module attributes {stable_mosaic.version = 14 : i64} {
  func.func @_wsum_body(%arg0: i32, %arg1: memref<16x12800xf32, #tpu.memory_space<vmem>>, %arg2: memref<4x12800xf32, #tpu.memory_space<vmem>>, %arg3: memref<16x8xf32, #tpu.memory_space<vmem>>, %arg4: memref<32x128xf32, #tpu.memory_space<vmem>>, %arg5: memref<8x32xf32, #tpu.memory_space<vmem>>, %arg6: memref<4x32xf32, #tpu.memory_space<vmem>>, %arg7: memref<12800x64xi32, #tpu.memory_space<vmem>>) attributes {dimension_semantics = [#tpu.dimension_semantics<arbitrary>], iteration_bounds = array<i64: 25>, scalar_prefetch = 0 : i64, scratch_operands = 0 : i64, tpu.core_type = #tpu.core_type<tc>, window_params = [{transform_indices = @transform_0, window_bounds = array<i64: 16, 12800>}, {transform_indices = @transform_1, window_bounds = array<i64: 4, 12800>}, {pipeline_mode = #tpu.pipeline_mode<synchronous>, transform_indices = @transform_2, window_bounds = array<i64: 16, 8>}, {pipeline_mode = #tpu.pipeline_mode<synchronous>, transform_indices = @transform_3, window_bounds = array<i64: 32, 128>}, {pipeline_mode = #tpu.pipeline_mode<synchronous>, transform_indices = @transform_4, window_bounds = array<i64: 8, 32>}, {pipeline_mode = #tpu.pipeline_mode<synchronous>, transform_indices = @transform_5, window_bounds = array<i64: 4, 32>}, {transform_indices = @transform_6, window_bounds = array<i64: 12800, 64>}]} {
    %get3A = arith.constant 0 : index
    %get3A_0 = arith.constant 0 : index
    %get3A_1 = vector.load %arg3[%get3A, %get3A_0] : memref<16x8xf32, #tpu.memory_space<vmem>>, vector<16x8xf32>
    %get3A_2 = arith.constant 0 : index
    %get3A_3 = arith.constant 0 : index
    %get3A_4 = vector.load %arg1[%get3A_2, %get3A_3] : memref<16x12800xf32, #tpu.memory_space<vmem>>, vector<16x12800xf32>
    %dot_general3A = arith.constant dense<0.000000e+00> : vector<8x12800xf32>
    %dot_general3A_5 = tpu.matmul %get3A_1, %get3A_4, %dot_general3A {dimension_numbers = #tpu.dot_dimension_numbers<[0], [0], [1], [1], [0, 1, 1, 1], [], []>, transpose_lhs_hint = false} : vector<16x8xf32>, vector<16x12800xf32>, vector<8x12800xf32> -> vector<8x12800xf32>
    %mul3A = arith.constant 2.500000e-01 : f32
    %mul3A_6 = vector.broadcast %mul3A : f32 to vector<8x12800xf32>
    %mul3A_7 = arith.mulf %dot_general3A_5, %mul3A_6 : vector<8x12800xf32>
    %logistic3A = arith.negf %mul3A_7 : vector<8x12800xf32>
    %logistic3A_8 = math.exp %logistic3A : vector<8x12800xf32>
    %logistic3A_9 = arith.constant 1.000000e+00 : f32
    %logistic3A_10 = vector.broadcast %logistic3A_9 : f32 to vector<8x12800xf32>
    %logistic3A_11 = arith.addf %logistic3A_10, %logistic3A_8 : vector<8x12800xf32>
    %logistic3A_12 = arith.divf %logistic3A_10, %logistic3A_11 : vector<8x12800xf32>
    %mul3A_13 = arith.mulf %mul3A_7, %logistic3A_12 : vector<8x12800xf32>
    %get3A_14 = arith.constant 0 : index
    %get3A_15 = arith.constant 0 : index
    %get3A_16 = vector.load %arg5[%get3A_14, %get3A_15] : memref<8x32xf32, #tpu.memory_space<vmem>>, vector<8x32xf32>
    %dot_general3A_17 = arith.constant dense<0.000000e+00> : vector<32x12800xf32>
    %dot_general3A_18 = tpu.matmul %get3A_16, %mul3A_13, %dot_general3A_17 {dimension_numbers = #tpu.dot_dimension_numbers<[0], [0], [1], [1], [0, 1, 1, 1], [], []>, transpose_lhs_hint = false} : vector<8x32xf32>, vector<8x12800xf32>, vector<32x12800xf32> -> vector<32x12800xf32>
    %get3A_19 = arith.constant 0 : index
    %get3A_20 = arith.constant 0 : index
    %get3A_21 = vector.load %arg6[%get3A_19, %get3A_20] : memref<4x32xf32, #tpu.memory_space<vmem>>, vector<4x32xf32>
    %get3A_22 = arith.constant 0 : index
    %get3A_23 = arith.constant 0 : index
    %get3A_24 = vector.load %arg2[%get3A_22, %get3A_23] : memref<4x12800xf32, #tpu.memory_space<vmem>>, vector<4x12800xf32>
    %dot_general3A_25 = arith.constant dense<0.000000e+00> : vector<32x12800xf32>
    %dot_general3A_26 = tpu.matmul %get3A_21, %get3A_24, %dot_general3A_25 {dimension_numbers = #tpu.dot_dimension_numbers<[0], [0], [1], [1], [0, 1, 1, 1], [], []>, transpose_lhs_hint = false} : vector<4x32xf32>, vector<4x12800xf32>, vector<32x12800xf32> -> vector<32x12800xf32>
    %mul3A_27 = arith.mulf %dot_general3A_18, %dot_general3A_26 : vector<32x12800xf32>
    %get3A_28 = arith.constant 0 : index
    %get3A_29 = arith.constant 0 : index
    %get3A_30 = vector.load %arg4[%get3A_28, %get3A_29] : memref<32x128xf32, #tpu.memory_space<vmem>>, vector<32x128xf32>
    %dot_general3A_31 = arith.constant dense<0.000000e+00> : vector<12800x128xf32>
    %dot_general3A_32 = tpu.matmul %mul3A_27, %get3A_30, %dot_general3A_31 {dimension_numbers = #tpu.dot_dimension_numbers<[0], [0], [1], [1], [0, 1, 1, 1], [], []>, transpose_lhs_hint = false} : vector<32x12800xf32>, vector<32x128xf32>, vector<12800x128xf32> -> vector<12800x128xf32>
    %mul3A_33 = arith.constant 3.125000e-02 : f32
    %mul3A_34 = vector.broadcast %mul3A_33 : f32 to vector<12800x128xf32>
    %mul3A_35 = arith.mulf %dot_general3A_32, %mul3A_34 : vector<12800x128xf32>
    %slice3A = vector.extract_strided_slice %mul3A_35 {offsets = [0, 0], sizes = [12800, 64], strides = [1, 1]} : vector<12800x128xf32> to vector<12800x64xf32>
    %bitcast_convert_type3A = tpu.bitcast %slice3A : vector<12800x64xf32> -> vector<12800x64xi32>
    %slice3A_36 = vector.extract_strided_slice %mul3A_35 {offsets = [0, 64], sizes = [12800, 64], strides = [1, 1]} : vector<12800x128xf32> to vector<12800x64xf32>
    %bitcast_convert_type3A_37 = tpu.bitcast %slice3A_36 : vector<12800x64xf32> -> vector<12800x64xi32>
    %add3A = arith.constant 32768 : i32
    %add3A_38 = vector.broadcast %add3A : i32 to vector<12800x64xi32>
    %add3A_39 = arith.addi %bitcast_convert_type3A, %add3A_38 : vector<12800x64xi32>
    %shift_right_logical3A = arith.constant 16 : i32
    %shift_right_logical3A_40 = vector.broadcast %shift_right_logical3A : i32 to vector<12800x64xi32>
    %shift_right_logical3A_41 = arith.shrui %add3A_39, %shift_right_logical3A_40 : vector<12800x64xi32>
    %add3A_42 = arith.constant 32768 : i32
    %add3A_43 = vector.broadcast %add3A_42 : i32 to vector<12800x64xi32>
    %add3A_44 = arith.addi %bitcast_convert_type3A_37, %add3A_43 : vector<12800x64xi32>
    %and3A = arith.constant -65536 : i32
    %and3A_45 = vector.broadcast %and3A : i32 to vector<12800x64xi32>
    %and3A_46 = arith.andi %add3A_44, %and3A_45 : vector<12800x64xi32>
    %or3A = arith.ori %shift_right_logical3A_41, %and3A_46 : vector<12800x64xi32>
    %swap3A = arith.constant 0 : index
    %swap3A_47 = arith.constant 0 : index
    %swap3A_48 = vector.load %arg7[%swap3A, %swap3A_47] : memref<12800x64xi32, #tpu.memory_space<vmem>>, vector<12800x64xi32>
    tpu.vector_store %arg7[%swap3A, %swap3A_47], %or3A {strides = array<i32>} : memref<12800x64xi32, #tpu.memory_space<vmem>>, vector<12800x64xi32>,
    return
  }
  func.func @transform_0(%arg0: i32) -> (i32, i32) {
    %c0_i32 = arith.constant 0 : i32
    %c0_i32_0 = arith.constant 0 : i32
    return %c0_i32, %arg0 : i32, i32
  }
  func.func @transform_1(%arg0: i32) -> (i32, i32) {
    %c0_i32 = arith.constant 0 : i32
    %c0_i32_0 = arith.constant 0 : i32
    return %c0_i32, %arg0 : i32, i32
  }
  func.func @transform_2(%arg0: i32) -> (i32, i32) {
    %c0_i32 = arith.constant 0 : i32
    %c0_i32_0 = arith.constant 0 : i32
    %c0_i32_1 = arith.constant 0 : i32
    return %c0_i32, %c0_i32_0 : i32, i32
  }
  func.func @transform_3(%arg0: i32) -> (i32, i32) {
    %c0_i32 = arith.constant 0 : i32
    %c0_i32_0 = arith.constant 0 : i32
    %c0_i32_1 = arith.constant 0 : i32
    return %c0_i32, %c0_i32_0 : i32, i32
  }
  func.func @transform_4(%arg0: i32) -> (i32, i32) {
    %c0_i32 = arith.constant 0 : i32
    %c0_i32_0 = arith.constant 0 : i32
    %c0_i32_1 = arith.constant 0 : i32
    return %c0_i32, %c0_i32_0 : i32, i32
  }
  func.func @transform_5(%arg0: i32) -> (i32, i32) {
    %c0_i32 = arith.constant 0 : i32
    %c0_i32_0 = arith.constant 0 : i32
    %c0_i32_1 = arith.constant 0 : i32
    return %c0_i32, %c0_i32_0 : i32, i32
  }
  func.func @transform_6(%arg0: i32) -> (i32, i32) {
    %c0_i32 = arith.constant 0 : i32
    %c0_i32_0 = arith.constant 0 : i32
    return %arg0, %c0_i32 : i32, i32
  }
}

module attributes {stable_mosaic.version = 14 : i64} {
  func.func @_out_body(%arg0: i32, %arg1: memref<2000x128xf32, #tpu.memory_space<vmem>>, %arg2: memref<2000x128xf32, #tpu.memory_space<vmem>>, %arg3: memref<2000x128xf32, #tpu.memory_space<vmem>>, %arg4: memref<2000x8xf32, #tpu.memory_space<vmem>>, %arg5: memref<128x128xf32, #tpu.memory_space<vmem>>, %arg6: memref<8x128x128xf32, #tpu.memory_space<vmem>>, %arg7: memref<2000x128xf32, #tpu.memory_space<vmem>>) attributes {dimension_semantics = [#tpu.dimension_semantics<arbitrary>], iteration_bounds = array<i64: 5>, scalar_prefetch = 0 : i64, scratch_operands = 0 : i64, tpu.core_type = #tpu.core_type<tc>, window_params = [{transform_indices = @transform_0, window_bounds = array<i64: 2000, 128>}, {transform_indices = @transform_1, window_bounds = array<i64: 2000, 128>}, {transform_indices = @transform_2, window_bounds = array<i64: 2000, 128>}, {transform_indices = @transform_3, window_bounds = array<i64: 2000, 8>}, {pipeline_mode = #tpu.pipeline_mode<synchronous>, transform_indices = @transform_4, window_bounds = array<i64: 128, 128>}, {pipeline_mode = #tpu.pipeline_mode<synchronous>, transform_indices = @transform_5, window_bounds = array<i64: 8, 128, 128>}, {transform_indices = @transform_6, window_bounds = array<i64: 2000, 128>}]} {
    %get3A = arith.constant 0 : index
    %get3A_0 = arith.constant 0 : index
    %get3A_1 = vector.load %arg1[%get3A, %get3A_0] : memref<2000x128xf32, #tpu.memory_space<vmem>>, vector<2000x128xf32>
    %get3A_2 = arith.constant 0 : index
    %get3A_3 = arith.constant 0 : index
    %get3A_4 = vector.load %arg2[%get3A_2, %get3A_3] : memref<2000x128xf32, #tpu.memory_space<vmem>>, vector<2000x128xf32>
    %add3A = arith.addf %get3A_1, %get3A_4 : vector<2000x128xf32>
    %get3A_5 = arith.constant 0 : index
    %get3A_6 = arith.constant 0 : index
    %get3A_7 = vector.load %arg5[%get3A_5, %get3A_6] : memref<128x128xf32, #tpu.memory_space<vmem>>, vector<128x128xf32>
    %dot_general3A = arith.constant dense<0.000000e+00> : vector<2000x128xf32>
    %dot_general3A_8 = tpu.matmul %add3A, %get3A_7, %dot_general3A {dimension_numbers = #tpu.dot_dimension_numbers<[1], [0], [0], [1], [0, 0, 1, 1], [], []>, transpose_lhs_hint = false} : vector<2000x128xf32>, vector<128x128xf32>, vector<2000x128xf32> -> vector<2000x128xf32>
    %mul3A = arith.constant 0.0883883461 : f32
    %mul3A_9 = vector.broadcast %mul3A : f32 to vector<2000x128xf32>
    %mul3A_10 = arith.mulf %dot_general3A_8, %mul3A_9 : vector<2000x128xf32>
    %get3A_11 = arith.constant 0 : index
    %get3A_12 = arith.constant 0 : index
    %get3A_13 = vector.load %arg3[%get3A_11, %get3A_12] : memref<2000x128xf32, #tpu.memory_space<vmem>>, vector<2000x128xf32>
    %get3A_14 = arith.constant 0 : index
    %get3A_15 = arith.constant 0 : index
    %get3A_16 = vector.load %arg4[%get3A_14, %get3A_15] : memref<2000x8xf32, #tpu.memory_space<vmem>>, vector<2000x8xf32>
    %slice3A = vector.extract_strided_slice %get3A_16 {offsets = [0, 0], sizes = [2000, 1], strides = [1, 1]} : vector<2000x8xf32> to vector<2000x1xf32>
    %mul3A_17 = vector.broadcast %slice3A : vector<2000x1xf32> to vector<2000x128xf32>
    %mul3A_18 = arith.mulf %get3A_13, %mul3A_17 : vector<2000x128xf32>
    %get3A_19 = arith.constant 0 : index
    %get3A_20 = arith.constant 0 : index
    %get3A_21 = arith.constant 0 : index
    %get3A_22 = vector.load %arg6[%get3A_19, %get3A_20, %get3A_21] : memref<8x128x128xf32, #tpu.memory_space<vmem>>, vector<1x128x128xf32>
    %get3A_23 = vector.shape_cast %get3A_22 : vector<1x128x128xf32> to vector<128x128xf32>
    %dot_general3A_24 = arith.constant dense<0.000000e+00> : vector<2000x128xf32>
    %dot_general3A_25 = tpu.matmul %mul3A_18, %get3A_23, %dot_general3A_24 {dimension_numbers = #tpu.dot_dimension_numbers<[1], [0], [0], [1], [0, 0, 1, 1], [], []>, transpose_lhs_hint = false} : vector<2000x128xf32>, vector<128x128xf32>, vector<2000x128xf32> -> vector<2000x128xf32>
    %slice3A_26 = vector.extract_strided_slice %get3A_16 {offsets = [0, 1], sizes = [2000, 1], strides = [1, 1]} : vector<2000x8xf32> to vector<2000x1xf32>
    %mul3A_27 = vector.broadcast %slice3A_26 : vector<2000x1xf32> to vector<2000x128xf32>
    %mul3A_28 = arith.mulf %get3A_13, %mul3A_27 : vector<2000x128xf32>
    %get3A_29 = arith.constant 1 : index
    %get3A_30 = arith.constant 0 : index
    %get3A_31 = arith.constant 0 : index
    %get3A_32 = vector.load %arg6[%get3A_29, %get3A_30, %get3A_31] : memref<8x128x128xf32, #tpu.memory_space<vmem>>, vector<1x128x128xf32>
    %get3A_33 = vector.shape_cast %get3A_32 : vector<1x128x128xf32> to vector<128x128xf32>
    %dot_general3A_34 = arith.constant dense<0.000000e+00> : vector<2000x128xf32>
    %dot_general3A_35 = tpu.matmul %mul3A_28, %get3A_33, %dot_general3A_34 {dimension_numbers = #tpu.dot_dimension_numbers<[1], [0], [0], [1], [0, 0, 1, 1], [], []>, transpose_lhs_hint = false} : vector<2000x128xf32>, vector<128x128xf32>, vector<2000x128xf32> -> vector<2000x128xf32>
    %add3A_36 = arith.addf %dot_general3A_25, %dot_general3A_35 : vector<2000x128xf32>
    %slice3A_37 = vector.extract_strided_slice %get3A_16 {offsets = [0, 2], sizes = [2000, 1], strides = [1, 1]} : vector<2000x8xf32> to vector<2000x1xf32>
    %mul3A_38 = vector.broadcast %slice3A_37 : vector<2000x1xf32> to vector<2000x128xf32>
    %mul3A_39 = arith.mulf %get3A_13, %mul3A_38 : vector<2000x128xf32>
    %get3A_40 = arith.constant 2 : index
    %get3A_41 = arith.constant 0 : index
    %get3A_42 = arith.constant 0 : index
    %get3A_43 = vector.load %arg6[%get3A_40, %get3A_41, %get3A_42] : memref<8x128x128xf32, #tpu.memory_space<vmem>>, vector<1x128x128xf32>
    %get3A_44 = vector.shape_cast %get3A_43 : vector<1x128x128xf32> to vector<128x128xf32>
    %dot_general3A_45 = arith.constant dense<0.000000e+00> : vector<2000x128xf32>
    %dot_general3A_46 = tpu.matmul %mul3A_39, %get3A_44, %dot_general3A_45 {dimension_numbers = #tpu.dot_dimension_numbers<[1], [0], [0], [1], [0, 0, 1, 1], [], []>, transpose_lhs_hint = false} : vector<2000x128xf32>, vector<128x128xf32>, vector<2000x128xf32> -> vector<2000x128xf32>
    %add3A_47 = arith.addf %add3A_36, %dot_general3A_46 : vector<2000x128xf32>
    %slice3A_48 = vector.extract_strided_slice %get3A_16 {offsets = [0, 3], sizes = [2000, 1], strides = [1, 1]} : vector<2000x8xf32> to vector<2000x1xf32>
    %mul3A_49 = vector.broadcast %slice3A_48 : vector<2000x1xf32> to vector<2000x128xf32>
    %mul3A_50 = arith.mulf %get3A_13, %mul3A_49 : vector<2000x128xf32>
    %get3A_51 = arith.constant 3 : index
    %get3A_52 = arith.constant 0 : index
    %get3A_53 = arith.constant 0 : index
    %get3A_54 = vector.load %arg6[%get3A_51, %get3A_52, %get3A_53] : memref<8x128x128xf32, #tpu.memory_space<vmem>>, vector<1x128x128xf32>
    %get3A_55 = vector.shape_cast %get3A_54 : vector<1x128x128xf32> to vector<128x128xf32>
    %dot_general3A_56 = arith.constant dense<0.000000e+00> : vector<2000x128xf32>
    %dot_general3A_57 = tpu.matmul %mul3A_50, %get3A_55, %dot_general3A_56 {dimension_numbers = #tpu.dot_dimension_numbers<[1], [0], [0], [1], [0, 0, 1, 1], [], []>, transpose_lhs_hint = false} : vector<2000x128xf32>, vector<128x128xf32>, vector<2000x128xf32> -> vector<2000x128xf32>
    %add3A_58 = arith.addf %add3A_47, %dot_general3A_57 : vector<2000x128xf32>
    %slice3A_59 = vector.extract_strided_slice %get3A_16 {offsets = [0, 4], sizes = [2000, 1], strides = [1, 1]} : vector<2000x8xf32> to vector<2000x1xf32>
    %mul3A_60 = vector.broadcast %slice3A_59 : vector<2000x1xf32> to vector<2000x128xf32>
    %mul3A_61 = arith.mulf %get3A_13, %mul3A_60 : vector<2000x128xf32>
    %get3A_62 = arith.constant 4 : index
    %get3A_63 = arith.constant 0 : index
    %get3A_64 = arith.constant 0 : index
    %get3A_65 = vector.load %arg6[%get3A_62, %get3A_63, %get3A_64] : memref<8x128x128xf32, #tpu.memory_space<vmem>>, vector<1x128x128xf32>
    %get3A_66 = vector.shape_cast %get3A_65 : vector<1x128x128xf32> to vector<128x128xf32>
    %dot_general3A_67 = arith.constant dense<0.000000e+00> : vector<2000x128xf32>
    %dot_general3A_68 = tpu.matmul %mul3A_61, %get3A_66, %dot_general3A_67 {dimension_numbers = #tpu.dot_dimension_numbers<[1], [0], [0], [1], [0, 0, 1, 1], [], []>, transpose_lhs_hint = false} : vector<2000x128xf32>, vector<128x128xf32>, vector<2000x128xf32> -> vector<2000x128xf32>
    %add3A_69 = arith.addf %add3A_58, %dot_general3A_68 : vector<2000x128xf32>
    %slice3A_70 = vector.extract_strided_slice %get3A_16 {offsets = [0, 5], sizes = [2000, 1], strides = [1, 1]} : vector<2000x8xf32> to vector<2000x1xf32>
    %mul3A_71 = vector.broadcast %slice3A_70 : vector<2000x1xf32> to vector<2000x128xf32>
    %mul3A_72 = arith.mulf %get3A_13, %mul3A_71 : vector<2000x128xf32>
    %get3A_73 = arith.constant 5 : index
    %get3A_74 = arith.constant 0 : index
    %get3A_75 = arith.constant 0 : index
    %get3A_76 = vector.load %arg6[%get3A_73, %get3A_74, %get3A_75] : memref<8x128x128xf32, #tpu.memory_space<vmem>>, vector<1x128x128xf32>
    %get3A_77 = vector.shape_cast %get3A_76 : vector<1x128x128xf32> to vector<128x128xf32>
    %dot_general3A_78 = arith.constant dense<0.000000e+00> : vector<2000x128xf32>
    %dot_general3A_79 = tpu.matmul %mul3A_72, %get3A_77, %dot_general3A_78 {dimension_numbers = #tpu.dot_dimension_numbers<[1], [0], [0], [1], [0, 0, 1, 1], [], []>, transpose_lhs_hint = false} : vector<2000x128xf32>, vector<128x128xf32>, vector<2000x128xf32> -> vector<2000x128xf32>
    %add3A_80 = arith.addf %add3A_69, %dot_general3A_79 : vector<2000x128xf32>
    %slice3A_81 = vector.extract_strided_slice %get3A_16 {offsets = [0, 6], sizes = [2000, 1], strides = [1, 1]} : vector<2000x8xf32> to vector<2000x1xf32>
    %mul3A_82 = vector.broadcast %slice3A_81 : vector<2000x1xf32> to vector<2000x128xf32>
    %mul3A_83 = arith.mulf %get3A_13, %mul3A_82 : vector<2000x128xf32>
    %get3A_84 = arith.constant 6 : index
    %get3A_85 = arith.constant 0 : index
    %get3A_86 = arith.constant 0 : index
    %get3A_87 = vector.load %arg6[%get3A_84, %get3A_85, %get3A_86] : memref<8x128x128xf32, #tpu.memory_space<vmem>>, vector<1x128x128xf32>
    %get3A_88 = vector.shape_cast %get3A_87 : vector<1x128x128xf32> to vector<128x128xf32>
    %dot_general3A_89 = arith.constant dense<0.000000e+00> : vector<2000x128xf32>
    %dot_general3A_90 = tpu.matmul %mul3A_83, %get3A_88, %dot_general3A_89 {dimension_numbers = #tpu.dot_dimension_numbers<[1], [0], [0], [1], [0, 0, 1, 1], [], []>, transpose_lhs_hint = false} : vector<2000x128xf32>, vector<128x128xf32>, vector<2000x128xf32> -> vector<2000x128xf32>
    %add3A_91 = arith.addf %add3A_80, %dot_general3A_90 : vector<2000x128xf32>
    %slice3A_92 = vector.extract_strided_slice %get3A_16 {offsets = [0, 7], sizes = [2000, 1], strides = [1, 1]} : vector<2000x8xf32> to vector<2000x1xf32>
    %mul3A_93 = vector.broadcast %slice3A_92 : vector<2000x1xf32> to vector<2000x128xf32>
    %mul3A_94 = arith.mulf %get3A_13, %mul3A_93 : vector<2000x128xf32>
    %get3A_95 = arith.constant 7 : index
    %get3A_96 = arith.constant 0 : index
    %get3A_97 = arith.constant 0 : index
    %get3A_98 = vector.load %arg6[%get3A_95, %get3A_96, %get3A_97] : memref<8x128x128xf32, #tpu.memory_space<vmem>>, vector<1x128x128xf32>
    %get3A_99 = vector.shape_cast %get3A_98 : vector<1x128x128xf32> to vector<128x128xf32>
    %dot_general3A_100 = arith.constant dense<0.000000e+00> : vector<2000x128xf32>
    %dot_general3A_101 = tpu.matmul %mul3A_94, %get3A_99, %dot_general3A_100 {dimension_numbers = #tpu.dot_dimension_numbers<[1], [0], [0], [1], [0, 0, 1, 1], [], []>, transpose_lhs_hint = false} : vector<2000x128xf32>, vector<128x128xf32>, vector<2000x128xf32> -> vector<2000x128xf32>
    %add3A_102 = arith.addf %add3A_91, %dot_general3A_101 : vector<2000x128xf32>
    %mul3A_103 = arith.constant 3.125000e-02 : f32
    %mul3A_104 = vector.broadcast %mul3A_103 : f32 to vector<2000x128xf32>
    %mul3A_105 = arith.mulf %add3A_102, %mul3A_104 : vector<2000x128xf32>
    %add3A_106 = arith.addf %mul3A_10, %mul3A_105 : vector<2000x128xf32>
    %swap3A = arith.constant 0 : index
    %swap3A_107 = arith.constant 0 : index
    %swap3A_108 = vector.load %arg7[%swap3A, %swap3A_107] : memref<2000x128xf32, #tpu.memory_space<vmem>>, vector<2000x128xf32>
    tpu.vector_store %arg7[%swap3A, %swap3A_107], %add3A_106 {strides = array<i32>} : memref<2000x128xf32, #tpu.memory_space<vmem>>, vector<2000x128xf32>,
    return
  }
  func.func @transform_0(%arg0: i32) -> (i32, i32) {
    %c0_i32 = arith.constant 0 : i32
    %c0_i32_0 = arith.constant 0 : i32
    return %arg0, %c0_i32 : i32, i32
  }
  func.func @transform_1(%arg0: i32) -> (i32, i32) {
    %c0_i32 = arith.constant 0 : i32
    %c0_i32_0 = arith.constant 0 : i32
    return %arg0, %c0_i32 : i32, i32
  }
  func.func @transform_2(%arg0: i32) -> (i32, i32) {
    %c0_i32 = arith.constant 0 : i32
    %c0_i32_0 = arith.constant 0 : i32
    return %arg0, %c0_i32 : i32, i32
  }
  func.func @transform_3(%arg0: i32) -> (i32, i32) {
    %c0_i32 = arith.constant 0 : i32
    %c0_i32_0 = arith.constant 0 : i32
    return %arg0, %c0_i32 : i32, i32
  }
  func.func @transform_4(%arg0: i32) -> (i32, i32) {
    %c0_i32 = arith.constant 0 : i32
    %c0_i32_0 = arith.constant 0 : i32
    %c0_i32_1 = arith.constant 0 : i32
    return %c0_i32, %c0_i32_0 : i32, i32
  }
  func.func @transform_5(%arg0: i32) -> (i32, i32, i32) {
    %c0_i32 = arith.constant 0 : i32
    %c0_i32_0 = arith.constant 0 : i32
    %c0_i32_1 = arith.constant 0 : i32
    %c0_i32_2 = arith.constant 0 : i32
    return %c0_i32, %c0_i32_0, %c0_i32_1 : i32, i32, i32
  }
  func.func @transform_6(%arg0: i32) -> (i32, i32) {
    %c0_i32 = arith.constant 0 : i32
    %c0_i32_0 = arith.constant 0 : i32
    return %arg0, %c0_i32 : i32, i32
  }
}

</mosaic_0001>

<sc_bundles>
// kernel: kernel.6.cloned.1.call-start
scs
__scs_entry_jumppad:
0x0: {  	(pc) =	sbr.rel $0x88, $3  }
0x1: {  	(tag) =	ssettag $0x0;
	lr =	simm.s32 $0x1  }
0x2: {  	[smem:$0x3F97] =	sst lr;
	_ =	strace $0xD0000000  }
0x3: {  	_ = 	snop  }
0x4: {  	_ = 	snop  }
0x5: {  	_ = 	snop  }
0x6: {  	_ = 	snop  }
0x7: {  	_ = 	snop  }
__scs_overlays_trampoline_lowered:
0x8: {  	[smem:$0x3FA6] =	sst s0  }
0x9: {  	[smem:$0x3FA7] =	sst s1  }
0xa: {  	[smem:$0x3FA8] =	sst s2  }
0xb: {  	[smem:$0x3FA9] =	sst s3  }
0xc: {  	[smem:$0x3FAA] =	sst s4  }
0xd: {  	[smem:$0x3FAB] =	sst s5  }
0xe: {  	[smem:$0x3FAC] =	sst s6  }
0xf: {  	[smem:$0x3FAD] =	sst s7  }
0x10: {  	[smem:$0x3FAE] =	sst s8  }
0x11: {  	[smem:$0x3FAF] =	sst s9;
	s0 =	simm.s32 @!p0 $0x0  }
0x12: {  	s1 =	sld [smem:$0x3F95];
	s0 =	simm.s32 @p0 $0x1  }
0x13: {  	[smem:$0x3FB0] =	sst s0;
	s0 =	simm.s32 @!p1 $0x0  }
0x14: {  	s2 =	sld [smem:$0x3F94];
	s0 =	simm.s32 @p1 $0x1  }
0x15: {  	[smem:$0x3FB1] =	sst s0;
	s0 =	simm.s32 @!p2 $0x0  }
0x16: {  	s3 =	sld [smem:$0x3FDB];
	s0 =	simm.s32 @p2 $0x1  }
0x17: {  	s4 =	simm.s32 $0x1BF5;
	[smem:$0x3FB3] =	sst s0  }
0x18: {  	s0 =	sld [smem:$0x3F96];
	_ =	swait.ge [sflag:s4], $0x0  }
0x19: {  	s7 =	sld [smem:$0x3F97]  }
0x1a: {  	s8 =	sadd.s32 $0xFFFFE003, lr  }
0x1b: {  	s9 =	sadd.s32 $0xFFFFFEF7, lr;
	s5 =	simm.s32 $0xFFFFFFFF;
	p2 =	slt.u32 s8, $0xFFFFF086  }
0x1c: {  	p1 =	slt.u32 s9, $0xF7A;
	s5 =	simm.s32 @!p2 $0x0  }
0x1d: {  	s5 =	simm.s32 @p1 $0x1;
	p0 =	seq.s32 s7, s2  }
0x1e: {  	s7 =	smul.u32 @!p0 $0xF7A, s2;
	p2 =	seq.s32 @!p0 s5, $0x0  }
0x1f: {  	s9 =	smul.u32 $0xF7A, s1;
	s8 =	simm.s32 @!p0 $0x1BF5;
	p2 =	por !p2, p0  }
0x20: {  	[sflag:s8] =	ssyncset.s32 @!p0 $0xFFFFF086;
	s6 =	sadd.s32 @!p0 s3, s7;
	s7 =	simm.s32 @!p0 $0x108  }
0x21: {  	s3 =	sadd.s32 s3, s9;
	s6 =	sadd.s32 @!p0 $0x88, s6;
	s7 =	simm.s32 @p2 $0x1082  }
0x22: {  	[simem:s7], [sflag:s8] =	dma.local @!p0 [hbm:s6], $0xF7A  }
0x23: {  	s9 =	sor.u32 $0xD0000000, s2;
	s6 =	simm.s32 $0x108;
	_ =	swait.ge @!p0 [sflag:s8], $0x0  }
0x24: {  	s3 =	sadd.s32 $0x88, s3;
	s6 =	simm.s32 @!p1 $0x1082;
	[sflag:s4] =	ssyncset.s32 $0xFFFFF086  }
0x25: {  	[simem:s6], [sflag:s4] =	dma.local [hbm:s3], $0xF7A  }
0x26: {  	[smem:$0x3F97] =	sst s1;
	(tag) =	ssettag s2;
	_ =	strace s9  }
0x27: {  	s1 =	sld [smem:$0x3FA7]  }
0x28: {  	s2 =	sld [smem:$0x3FA8]  }
0x29: {  	s4 =	sld [smem:$0x3FAA]  }
0x2a: {  	p0 =	seq.s32 s5, $0x0;
	s5 =	sld [smem:$0x3FAB]  }
0x2b: {  	s6 =	sld [smem:$0x3FAC]  }
0x2c: {  	s7 =	sld [smem:$0x3FAD]  }
0x2d: {  	s3 =	simm.s32 $0x108;
	s8 =	sld [smem:$0x3FAE]  }
0x2e: {  	s3 =	simm.s32 @!p0 $0x1082;
	s9 =	sld [smem:$0x3FAF]  }
0x2f: {  	lr =	sadd.s32 s0, s3;
	s0 =	sld [smem:$0x3FA6]  }
0x30: {  	s3 =	sld [smem:$0x3FA9]  }
0x31: {  	[smem:$0x3FB2] =	sst s10  }
0x32: {  	s10 =	sld [smem:$0x3FB0];
	_ =	sdelay $0x3  }
0x33: {  	p0 =	seq.s32 s10, $0x1;
	s10 =	sld [smem:$0x3FB2];
	_ =	sdelay $0x3  }
0x34: {  	[smem:$0x3FB2] =	sst s10  }
0x35: {  	s10 =	sld [smem:$0x3FB1];
	_ =	sdelay $0x3  }
0x36: {  	p1 =	seq.s32 s10, $0x1;
	s10 =	sld [smem:$0x3FB2];
	_ =	sdelay $0x3  }
0x37: {  	[smem:$0x3FB2] =	sst s10  }
0x38: {  	s10 =	sld [smem:$0x3FB3]  }
0x39: {  	_ = 	snop;
	(pc) =	sbr.ind lr, $3  }
0x3a: {  	_ = 	snop  }
0x3b: {  	_ = 	snop  }
0x3c: {  	p2 =	seq.s32 s10, $0x1;
	s10 =	sld [smem:$0x3FB2]  }
0x3d: {  	_ =	shalt  }
0x3e: {  	_ =	shalt  }
0x3f: {  	_ =	shalt  }
0x40: {  	_ =	shalt  }
0x41: {  	_ =	shalt  }
0x42: {  	_ =	shalt  }
0x43: {  	_ =	shalt  }
0x44: {  	_ =	shalt  }
0x45: {  	_ =	shalt  }
0x46: {  	_ =	shalt  }
0x47: {  	_ =	shalt  }
0x48: {  	_ =	shalt  }
0x49: {  	_ =	shalt  }
0x4a: {  	_ =	shalt  }
0x4b: {  	_ =	shalt  }
0x4c: {  	_ =	shalt  }
0x4d: {  	_ =	shalt  }
0x4e: {  	_ =	shalt  }
0x4f: {  	_ =	shalt  }
0x50: {  	_ =	shalt  }
0x51: {  	_ =	shalt  }
0x52: {  	_ =	shalt  }
0x53: {  	_ =	shalt  }
0x54: {  	_ =	shalt  }
0x55: {  	_ =	shalt  }
0x56: {  	_ =	shalt  }
0x57: {  	_ =	shalt  }
0x58: {  	_ =	shalt  }
0x59: {  	_ =	shalt  }
0x5a: {  	_ =	shalt  }
0x5b: {  	_ =	shalt  }
0x5c: {  	_ =	shalt  }
0x5d: {  	_ =	shalt  }
0x5e: {  	_ =	shalt  }
0x5f: {  	_ =	shalt  }
0x60: {  	_ =	shalt  }
0x61: {  	_ =	shalt  }
0x62: {  	_ =	shalt  }
0x63: {  	_ =	shalt  }
0x64: {  	_ =	shalt  }
0x65: {  	_ =	shalt  }
0x66: {  	_ =	shalt  }
0x67: {  	_ =	shalt  }
0x68: {  	_ =	shalt  }
0x69: {  	_ =	shalt  }
0x6a: {  	_ =	shalt  }
0x6b: {  	_ =	shalt  }
0x6c: {  	_ =	shalt  }
0x6d: {  	_ =	shalt  }
0x6e: {  	_ =	shalt  }
0x6f: {  	_ =	shalt  }
0x70: {  	_ =	shalt  }
0x71: {  	_ =	shalt  }
0x72: {  	_ =	shalt  }
0x73: {  	_ =	shalt  }
0x74: {  	_ =	shalt  }
0x75: {  	_ =	shalt  }
0x76: {  	_ =	shalt  }
0x77: {  	_ =	shalt  }
0x78: {  	_ =	shalt  }
0x79: {  	_ =	shalt  }
0x7a: {  	_ =	shalt  }
0x7b: {  	_ =	shalt  }
0x7c: {  	_ =	shalt  }
0x7d: {  	_ =	shalt  }
0x7e: {  	_ =	shalt  }
0x7f: {  	_ =	shalt  }
0x80: {  	_ =	shalt  }
0x81: {  	_ =	shalt  }
0x82: {  	_ =	shalt  }
0x83: {  	_ =	shalt  }
0x84: {  	_ =	shalt  }
0x85: {  	_ =	shalt  }
0x86: {  	_ =	shalt  }
0x87: {  	_ =	shalt  }
.Lfunc_end0:
.L_simem_size_0:
called_computation_lowered:
.L_overlay_start_0:
0x88: {  	s2 =	sld [smem:$0x3FD9]  }
0x89: {  	s3 =	sld [smem:$0x3FFE];
	_ =	sdelay $0x1  }
0x8a: {  	s1 =	srdreg.scid  }
0x8b: {  	s0 =	sand.u32 $0x1, s1  }
0x8c: {  	s17 =	sshll.u32 s0, $0xA;
	s2 =	sadd.s32 s3, s2  }
0x8d: {  	s2 =	sadd.s32 s2, s17  }
0x8e: {  	[smem:$0x3FBE] =	sst s2  }
0x8f: {  	_ = 	snop  }
0x90: {  	s2 =	sld [smem:$0x3FD0];
	(tm) =	ssettm $0x1  }
0x91: {  	s18 =	sld [smem:$0x3FFB];
	_ =	sdelay $0x3  }
0x92: {  	_ =	strace s18  }
0x93: {  	s3 =	sld [smem:$0x3FFC];
	_ =	sdelay $0x3  }
0x94: {  	_ =	strace s3  }
0x95: {  	s3 =	sld [smem:$0x3FFD];
	_ =	sdelay $0x3  }
0x96: {  	_ =	strace s3  }
0x97: {  	_ =	strace $0x8FFFFFFF  }
0x98: {  	s19 =	sld [smem:$0x3FDB];
	_ =	sdelay $0x1  }
0x99: {  	s4 =	simm.s32 $_scs_section_size  }
0x9a: {  	s5 =	simm.s32 $_size__tile_overlayer_lowered;
	s6 =	simm.s32 $_tile_overlayer_lowered  }
0x9b: {  	s22 =	simm.s32 $0x1BFF;
	s21 =	sshll.u32 s6, $0x1;
	s3 =	sadd.s32 s4, s19  }
0x9c: {  	s7 =	simm.s32 $0x0;
	s20 =	sshll.u32 s5, $0x1;
	s5 =	sadd.s32 s21, s3  }
0x9d: {  	[timem:s7], [sflag:s22] =	dma.local [hbm:s5], s20  }
0x9e: {  	_ =	swait.ge [sflag:s22], s20  }
0x9f: {  	s4 =	ssub.s32 $0x0, s20;
	[sflag:s22] =	ssyncset.done $0x0  }
0xa0: {  	[sflag:s22] =	ssyncadd.s32 s4;
	_ =	sdelay $0x1  }
0xa1: {  	s23 =	simm.s32 $0x1B8B  }
0xa2: {  	_ =	swait.ge [sflag:s23], $0x1  }
0xa3: {  	[sflag:s23] =	ssyncset.done $0x0  }
0xa4: {  	s25 =	simm.s32 $0x1B8E;
	s24 =	sld [smem:$0x3FFE];
	[sflag:s23] =	ssyncadd.s32 $0xFFFFFFFF  }
0xa5: {  	s26 =	simm.s32 $execute0_lowered;
	[smem:$0x3FD2] =	sst s25  }
0xa6: {  	s5 =	sshll.u32 s26, $0x1;
	_ =	strace $0x80000046;
	[dreg:$0x1] =	wrdreg $0xFFFFFFFF  }
0xa7: {  	s28 =	simm.s32 $_size_execute0_lowered;
	s3 =	sadd.s32 s3, s5;
	[dreg:$0x0] =	wrdreg $0x0  }
0xa8: {  	s5 =	sshll.u32 s28, $0x1;
	[dreg:$0x2] =	wrdreg s3  }
0xa9: {  	[dreg:$0x3] =	wrdreg s5  }
0xaa: {  	[dreg:$0x4] =	wrdreg $0xC0  }
0xab: {  	_ =	task [dreg:s7], $0x5FFFF  }
0xac: {  	[dreg:$0x1] =	wrdreg $0xFFFFFFFF  }
0xad: {  	[dreg:$0x0] =	wrdreg $0x60  }
0xae: {  	[dreg:$0x2] =	wrdreg s2  }
0xaf: {  	[dreg:$0x3] =	wrdreg s24  }
0xb0: {  	[dreg:$0x4] =	wrdreg $0xC6000  }
0xb1: {  	[dreg:$0x5] =	wrdreg $0x9  }
0xb2: {  	_ =	task.clear_ibuf [dreg:s7], $0x6FFFF;
	_ =	strace $0x90000046  }
0xb3: {  	s29 =	simm.s32 $0x9;
	_ =	strace $0x80000048  }
0xb4: {  	_ =	swait.ge [sflag:s29], $0x1  }
0xb5: {  	[sflag:s29] =	ssyncadd.s32 $0xFFFFFFFF  }
0xb6: {  	_ =	strace $0x90000048  }
0xb7: {  	_ =	sfence  }
0xb8: {  	s30 =	sld [smem:$0x0];
	_ =	sdelay $0x2  }
0xb9: {  	s31 =	sshll.u32 s1, $0xD;
	s1 =	sshrl.u32 s1, $0x2  }
0xba: {  	s3 =	sand.u32 $0x4000, s31;
	s1 =	sadd.s32 s1, s30  }
0xbb: {  	s0 =	sor.u32 s3, s0;
	s1 =	sshll.u32 s1, $0x11  }
0xbc: {  	s0 =	sor.u32 s1, s0  }
0xbd: {  	s0 =	sadd.s32 $0x8F2B, s0  }
0xbe: {  	[sflag:s0] =	ssyncadd.remote.s32 $0x1  }
0xbf: {  	_ =	sfence.sel $0xFFFF  }
0xc0: {  	[dreg:$0x0] =	wrdreg $0xFFFFFFFF;
	(pc) =	sbr.abs _section_cstart, $3  }
0xc1: {  	[dreg:$0x1] =	wrdreg $0xFFFFFFFF  }
0xc2: {  	_ =	task.clear_ibuf [dreg:s7], $0x2FFFF;
	_ =	strace $0x9FFFFFFF  }
0xc3: {  	(tm) =	ssettm $0x7FFFFFFF  }
tec
execute0_lowered:
.L_overlay_start_1:
0x0: {  	(tag) =	ssettag $0x1  }
0x1: {  	s1 =	rddreg [dreg:$0x0]  }
0x2: {  	s0 =	rddreg [dreg:$0x1]  }
0x3: {  	s2 =	rddreg [dreg:$0x2]  }
0x4: {  	s3 =	simm.s32 $0x0;
	s4 =	srdreg.scid;
	s14 =	stileid.u32  }
0x5: {  	s29 =	simm.s32 $0x580;
	s30 =	simm.s32 $0x2600;
	s31 =	simm.s32 $0x6600  }
0x6: {  	s28 =	simm.s32 $0x6;
	[smem:$0x7FF] =	sst s3;
	s5 =	sadd.s32 $0x15C00, s0  }
0x7: {  	s4 =	sand.u32 $0x1, s4;
	s6 =	sadd.s32 $0x2200, s0;
	s8 =	smul.u32 $0x4E000, s14  }
0x8: {  	s9 =	sadd.s32 $0x4F7C00, s0;
	s18 =	smul.u32 $0x13800, s14;
	p1 =	seq.s32 s14, $0xF  }
0x9: {  	_ =	strace $0x80000047;
	s7 =	sshll.u32 s4, $0x4;
	s8 =	sshrl.u32 s8, $0x2  }
0xa: {  	s10 =	ssub.s32 $0x2, s4;
	s7 =	sor.u32 s14, s7;
	s15 =	sadd.s32 s8, s2  }
0xb: {  	s26 =	smul.u32 $0x27000, s7;
	s24 =	sadd.s32 $0x2000, s15;
	[dreg:$0x4] =	wrdreg s15  }
0xc: {  	s8 =	smul.u32 $0x9C, s7;
	s13 =	sadd.s32 $0x4000, s15;
	[dreg:$0x5] =	wrdreg s24  }
0xd: {  	s4 =	smul.u32 $0x138800, s4;
	[dreg:$0x6] =	wrdreg s13;
	s13 =	sadd.s32 s5, s26  }
0xe: {  	s11 =	sshrl.u32 s10, $0x1;
	s17 =	sor.u32 $0x3, s8;
	[dreg:$0x8] =	wrdreg s13  }
0xf: {  	s12 =	smul.u32 $0x2700, s7;
	s19 =	sor.u32 $0x1, s8;
	[dreg:$0x9] =	wrdreg s17  }
0x10: {  	s10 =	ssub.s32 s10, s11;
	s20 =	sor.u32 $0x2, s8;
	[dreg:$0xa] =	wrdreg s19  }
0x11: {  	s23 =	sadd.s32 s18, s4;
	s21 =	sadd.s32 $0x6, s8;
	[dreg:$0xb] =	wrdreg s20  }
0x12: {  	p0 =	sgt.u32 s7, $0x7;
	s22 =	sadd.s32 $0x4, s8;
	[dreg:$0xc] =	wrdreg s21  }
0x13: {  	s25 =	sshrl.u32 s12, $0x3;
	s24 =	sshll.u32 s14, $0x6;
	[dreg:$0xd] =	wrdreg s22  }
0x14: {  	s18 =	sadd.s32 $0x5, s8;
	s12 =	smax.u32 s10, $0x1;
	[dreg:$0xe] =	wrdreg s24  }
0x15: {  	s26 =	sshll.u32 s14, $0x3;
	[dreg:$0x14] =	wrdreg s12;
	s17 =	sadd.s32 $0x6000, s15  }
0x16: {  	s10 =	simm.s32 $0xA600;
	s19 =	sadd.s32 $0x8000, s15;
	[dreg:$0x15] =	wrdreg s17  }
0x17: {  	s16 =	sadd.s32 s6, s25;
	s20 =	sadd.s32 $0xA000, s15;
	[dreg:$0x16] =	wrdreg s19  }
0x18: {  	s13 =	sadd.s32 $0xBE40, s0;
	s21 =	sadd.s32 $0xC000, s15;
	[dreg:$0x17] =	wrdreg s20  }
0x19: {  	s0 =	sshrl.u32 s23, $0x3;
	s22 =	sadd.s32 $0xE000, s15;
	[dreg:$0x18] =	wrdreg s21  }
0x1a: {  	s8 =	sor.u32 $0x4E000, s24;
	s23 =	sadd.s32 $0x10000, s15;
	[dreg:$0x19] =	wrdreg s22  }
0x1b: {  	s25 =	sshrl.u32 s4, $0x3;
	s24 =	sadd.s32 $0x12000, s15;
	[dreg:$0x1a] =	wrdreg s23  }
0x1c: {  	s4 =	sadd.s32 s26, s6;
	s12 =	simm.s32 $0x0;
	[dreg:$0x1b] =	wrdreg s24  }
0x1d: {  	s0 =	sadd.s32 s9, s0;
	s4 =	sadd.s32 $0x13840, s4;
	[dreg:$0x7] =	wrdreg s16  }
0x1e: {  	s26 =	sadd.s32 $0x9C40, s16;
	s22 =	simm.s32 $0x8600;
	s16 =	simm.s32 $0x9  }
0x1f: {  	s20 =	simm.s32 $0x40;
	s19 =	simm.s32 $0x500;
	s24 =	simm.s32 $0x4  }
0x20: {  	s21 =	simm.s32 $0x480;
	[dreg:$0xf] =	wrdreg s0;
	s0 =	sadd.s32 s9, s25  }
0x21: {  	s9 =	sshrl.u32 s8, $0x3;
	s8 =	sshll.u32 s8, $0x4;
	[dreg:$0x11] =	wrdreg s4  }
0x22: {  	s25 =	sadd.s32 $0x136800, s2;
	[dreg:$0x1d] =	wrdreg s26;
	s4 =	simm.s32 $0x2  }
.Ltmp0:
0x23: {  	s7 =	sadd.s32 s6, s9;
	[dreg:$0x1c] =	wrdreg s25;
	(pc) =	sbr.rel .LBB2_1-.Ltmp0, $4  }
0x24: {  	s26 =	simm.s32 $0x5;
	s11 =	sadd.s32 s5, s8;
	[dreg:$0x10] =	wrdreg s7  }
0x25: {  	s0 =	sadd.s32 $0x24900, s0;
	s8 =	simm.s32 $0x600;
	[dreg:$0x12] =	wrdreg s11  }
0x26: {  	s9 =	simm.s32 $0x4600;
	s25 =	simm.s32 $0x3;
	[dreg:$0x13] =	wrdreg s0  }
0x27: {  	v0 =	vimm.f32 $0.0e+00;
	s11 =	simm.s32 $0x1;
	s0 =	simm.s32 $0x400;
	s7 =	simm.s32 $0x8  }
.LBB2_23:
0x28: {  	s15 =	rddreg [dreg:$0x4]  }
0x29: {  	s14 =	rddreg [dreg:$0x13];
	s16 =	simm.s32 $0x1FC9;
	s12 =	sshrl.u32 s15, $0x3  }
0x2a: {  	[hbm:s14], [sflag:s16] =	dma.local [spmem:s12], $0x2800  }
0x2b: {  	_ =	swait.ge [sflag:s17], $0x2800  }
0x2c: {  	[sflag:s17] =	ssyncset.done $0x0  }
0x2d: {  	s16 =	simm.s32 $0x9;
	s14 =	rddreg [dreg:$0x1e];
	[sflag:s17] =	ssyncadd.s32 $0xFFFFD800  }
.LBB2_24:
0x2e: {  	s14 =	sadd.s32 $0x1, s14;
	s12 =	rddreg [dreg:$0x14]  }
0x2f: {  	p2 =	sne.s32 s14, s12  }
.Ltmp1:
0x30: {  	_ = 	snop;
	(pc) =	sbr.rel @!p2 .LBB2_25-.Ltmp1, $2  }
0x31: {  	_ =	sdelay $0x2  }
0x32: {  	s12 =	smov.u32 s14  }
.LBB2_1:
0x33: {  	[dreg:$0x1e] =	wrdreg s12;
	s12 =	simm.s32 $0x0;
	s14 =	simm.s32 $0x200  }
.LBB2_2:
0x34: {  	p2 =	sne.s32 s14, $0x7E00;
	[tilespmem:s12+$0x8670] =	vst v0  }
0x35: {  	[tilespmem:s12+$0x8600] =	vst v0  }
0x36: {  	[tilespmem:s12+$0x8610] =	vst v0  }
.Ltmp2:
0x37: {  	[tilespmem:s12+$0x8620] =	vst v0;
	(pc) =	sbr.rel @p2 .LBB2_2-.Ltmp2, $4  }
0x38: {  	[tilespmem:s12+$0x8630] =	vst v0  }
0x39: {  	[tilespmem:s12+$0x8640] =	vst v0  }
0x3a: {  	[tilespmem:s12+$0x8650] =	vst v0  }
0x3b: {  	[tilespmem:s12+$0x8660] =	vst v0;
	s12 =	sshra.s32 s14, $0x2;
	s14 =	sadd.s32 $0x200, s14  }
0x3c: {  	[tilespmem:s12+$0x8670] =	vst v0  }
0x3d: {  	[tilespmem:s12+$0x8600] =	vst v0  }
0x3e: {  	[tilespmem:s12+$0x8610] =	vst v0  }
0x3f: {  	[tilespmem:s12+$0x8620] =	vst v0  }
0x40: {  	[tilespmem:s12+$0x8630] =	vst v0  }
0x41: {  	[tilespmem:s12+$0x8640] =	vst v0  }
0x42: {  	[tilespmem:s12+$0x8650] =	vst v0  }
0x43: {  	[tilespmem:s12+$0x8660] =	vst v0  }
0x44: {  	[spmem:s15] =	stream.linear.scatter [tilespmem:s22], [sflag:$0x9], $0x2000, $0x38;
	[tilespmem:$0x1FE80] =	vst v63  }
0x45: {  	_ =	swait.ge [sflag:s16], $0x2000  }
0x46: {  	[sflag:s16] =	ssyncset.done $0x0  }
0x47: {  	s17 =	rddreg [dreg:$0x5];
	[sflag:s16] =	ssyncadd.s32 $0xFFFFE000  }
0x48: {  	[spmem:s17] =	stream.linear.scatter [tilespmem:s22], [sflag:$0x9], $0x2000, $0x38;
	[tilespmem:$0x1FE80] =	vst v63  }
0x49: {  	_ =	swait.ge [sflag:s16], $0x2000  }
0x4a: {  	[sflag:s16] =	ssyncset.done $0x0  }
0x4b: {  	s23 =	rddreg [dreg:$0x6];
	[sflag:s16] =	ssyncadd.s32 $0xFFFFE000  }
0x4c: {  	[spmem:s23] =	stream.linear.scatter [tilespmem:s22], [sflag:$0x9], $0x2000, $0x38;
	[tilespmem:$0x1FE80] =	vst v63  }
0x4d: {  	_ =	swait.ge [sflag:s16], $0x2000  }
0x4e: {  	[sflag:s16] =	ssyncset.done $0x0  }
0x4f: {  	s14 =	rddreg [dreg:$0x15];
	[sflag:s16] =	ssyncadd.s32 $0xFFFFE000  }
0x50: {  	[spmem:s14] =	stream.linear.scatter [tilespmem:s22], [sflag:$0x9], $0x2000, $0x38;
	[tilespmem:$0x1FE80] =	vst v63  }
0x51: {  	_ =	swait.ge [sflag:s16], $0x2000  }
0x52: {  	[sflag:s16] =	ssyncset.done $0x0  }
0x53: {  	s15 =	rddreg [dreg:$0x16];
	[sflag:s16] =	ssyncadd.s32 $0xFFFFE000  }
0x54: {  	[spmem:s15] =	stream.linear.scatter [tilespmem:s22], [sflag:$0x9], $0x2000, $0x38;
	[tilespmem:$0x1FE80] =	vst v63  }
0x55: {  	_ =	swait.ge [sflag:s16], $0x2000  }
0x56: {  	[sflag:s16] =	ssyncset.done $0x0  }
0x57: {  	s17 =	rddreg [dreg:$0x17];
	[sflag:s16] =	ssyncadd.s32 $0xFFFFE000  }
0x58: {  	[spmem:s17] =	stream.linear.scatter [tilespmem:s22], [sflag:$0x9], $0x2000, $0x38;
	[tilespmem:$0x1FE80] =	vst v63  }
0x59: {  	_ =	swait.ge [sflag:s16], $0x2000  }
0x5a: {  	[sflag:s16] =	ssyncset.done $0x0  }
0x5b: {  	s23 =	rddreg [dreg:$0x18];
	[sflag:s16] =	ssyncadd.s32 $0xFFFFE000  }
0x5c: {  	[spmem:s23] =	stream.linear.scatter [tilespmem:s22], [sflag:$0x9], $0x2000, $0x38;
	[tilespmem:$0x1FE80] =	vst v63  }
0x5d: {  	_ =	swait.ge [sflag:s16], $0x2000  }
0x5e: {  	[sflag:s16] =	ssyncset.done $0x0  }
0x5f: {  	s14 =	rddreg [dreg:$0x19];
	[sflag:s16] =	ssyncadd.s32 $0xFFFFE000  }
0x60: {  	[spmem:s14] =	stream.linear.scatter [tilespmem:s22], [sflag:$0x9], $0x2000, $0x38;
	[tilespmem:$0x1FE80] =	vst v63  }
0x61: {  	_ =	swait.ge [sflag:s16], $0x2000  }
0x62: {  	[sflag:s16] =	ssyncset.done $0x0  }
0x63: {  	s15 =	rddreg [dreg:$0x1a];
	[sflag:s16] =	ssyncadd.s32 $0xFFFFE000  }
0x64: {  	[spmem:s15] =	stream.linear.scatter [tilespmem:s22], [sflag:$0x9], $0x2000, $0x38;
	[tilespmem:$0x1FE80] =	vst v63  }
0x65: {  	_ =	swait.ge [sflag:s16], $0x2000  }
0x66: {  	[sflag:s16] =	ssyncset.done $0x0  }
0x67: {  	s12 =	simm.s32 @p1 $0x8600;
	s14 =	rddreg [dreg:$0x1c];
	[sflag:s16] =	ssyncadd.s32 $0xFFFFE000  }
0x68: {  	[spmem:s14] =	stream.linear.scatter @p1 [tilespmem:s12], [sflag:$0x9], $0x2000, $0x38;
	[tilespmem:$0x1FE80] =	vst v63  }
0x69: {  	s12 =	simm.s32 @p1 $0x9  }
0x6a: {  	_ =	swait.ge @p1 [sflag:s12], $0x2000  }
0x6b: {  	[sflag:s12] =	ssyncset.done @p1 $0x0  }
0x6c: {  	s14 =	rddreg [dreg:$0x1b];
	[sflag:s12] =	ssyncadd.s32 @p1 $0xFFFFE000;
	s12 =	simm.s32 @!p1 $0x8600  }
0x6d: {  	[spmem:s14] =	stream.linear.scatter @!p1 [tilespmem:s12], [sflag:$0x9], $0x1800, $0x38;
	[tilespmem:$0x1FE80] =	vst v63  }
0x6e: {  	s12 =	simm.s32 @!p1 $0x9  }
0x6f: {  	_ =	swait.ge @!p1 [sflag:s12], $0x1800  }
0x70: {  	[sflag:s12] =	ssyncset.done @!p1 $0x0  }
0x71: {  	[sflag:s12] =	ssyncadd.s32 @!p1 $0xFFFFE800  }
0x72: {  	[bflag:$0x0] =	sbarrier.arrive $0xFFFF  }
0x73: {  	s23 =	simm.s32 $0x0;
	s17 =	rddreg [dreg:$0x7]  }
0x74: {  	[tilespmem:s23], [sflag:$0x9] =	stream.linear.gather [hbm4b:s17+s23], $0xC0, $0x38;
	[tilespmem:$0x1FE80] =	vst v63  }
0x75: {  	_ =	swait.ge [sflag:s16], $0xC0  }
0x76: {  	[sflag:s16] =	ssyncset.done $0x0  }
0x77: {  	s15 =	simm.s32 $0x200;
	s14 =	rddreg [dreg:$0x1d];
	[sflag:s16] =	ssyncadd.s32 $0xFFFFFF40  }
0x78: {  	[tilespmem:s15], [sflag:$0x9] =	stream.linear.gather [hbm4b:s14+s23], $0xC0, $0x38;
	[tilespmem:$0x1FE80] =	vst v63  }
0x79: {  	_ =	swait.ge [sflag:s16], $0xC0  }
0x7a: {  	[sflag:s16] =	ssyncset.done $0x0  }
0x7b: {  	[sflag:s16] =	ssyncadd.s32 $0xFFFFFF40  }
0x7c: {  	v1 =	vld [tilespmem:$0x0]  }
0x7d: {  	v2 =	vld [tilespmem:$0x10]  }
0x7e: {  	v3 =	vld [tilespmem:$0x20]  }
0x7f: {  	v4 =	vld [tilespmem:$0x30];
	_ =	sdelay $0x1  }
0x80: {  	[tilespmem:$0x500] =	vst v1  }
0x81: {  	[tilespmem:$0x510] =	vst v2  }
0x82: {  	[tilespmem:$0x520] =	vst v3  }
0x83: {  	[tilespmem:$0x530] =	vst v4  }
0x84: {  	[tilespmem:s8], [sflag:$0x1] =	stream.indirect.gather [hbm4b:s1+s20], $0x80, s19, s20, $0xb8;
	[tilespmem:$0x1FE80] =	vst v63  }
0x85: {  	s17 =	rddreg [dreg:$0x8]  }
0x86: {  	[tilespmem:s9], [sflag:$0x3] =	stream.linear.gather [hbm4b:s17+s23], $0x2000, $0x38;
	[tilespmem:$0x1FE80] =	vst v63  }
.LBB2_4:
0x87: {  	_ =	swait.ge [sflag:s11], $0x2000  }
0x88: {  	[sflag:s11] =	ssyncset.done $0x0  }
0x89: {  	[sflag:s11] =	ssyncadd.s32 $0xFFFFE000  }
0x8a: {  	s12 =	smul.u32 $0x6, s23;
	_ =	swait.ge [sflag:s25], $0x2000  }
0x8b: {  	s14 =	rddreg [dreg:$0x9]  }
0x8c: {  	s14 =	sadd.s32 s12, s14  }
0x8d: {  	[sflag:s25] =	ssyncset.done $0x0;
	s15 =	sshll.u32 s14, $0x3  }
0x8e: {  	s17 =	simm.s32 $0x100;
	[sflag:s25] =	ssyncadd.s32 $0xFFFFE000;
	s16 =	sadd.s32 s6, s15  }
0x8f: {  	[tilespmem:s17], [sflag:$0x8] =	stream.linear.gather [hbm4b:s16+s3], $0xC0, $0x38;
	[tilespmem:$0x1FE80] =	vst v63  }
0x90: {  	s15 =	sadd.s32 s15, s13;
	s17 =	simm.s32 $0x300  }
0x91: {  	[tilespmem:s17], [sflag:$0x8] =	stream.linear.gather [hbm4b:s15+s3], $0xC0, $0x38;
	[tilespmem:$0x1FE80] =	vst v63  }
0x92: {  	v1 =	vld [tilespmem:$0x40]  }
0x93: {  	v2 =	vld [tilespmem:$0x50]  }
0x94: {  	v3 =	vld [tilespmem:$0x60]  }
0x95: {  	v4 =	vld [tilespmem:$0x70];
	_ =	sdelay $0x1  }
0x96: {  	s17 =	rddreg [dreg:$0xa];
	[tilespmem:$0x580] =	vst v1  }
0x97: {  	s15 =	sadd.s32 s12, s17;
	[tilespmem:$0x590] =	vst v2  }
0x98: {  	s15 =	sshll.u32 s15, $0xA;
	[tilespmem:$0x5A0] =	vst v3  }
0x99: {  	s15 =	sand.u32 $0x1FFFFC00, s15;
	[tilespmem:$0x5B0] =	vst v4  }
0x9a: {  	[tilespmem:s30], [sflag:$0x2] =	stream.indirect.gather [hbm4b:s1+s20], $0x80, s29, s20, $0xb8;
	[tilespmem:$0x1FE80] =	vst v63  }
0x9b: {  	p2 =	seq.s32 s23, $0x0;
	s15 =	sadd.s32 s5, s15  }
0x9c: {  	[tilespmem:s31], [sflag:$0x4] =	stream.linear.gather [hbm4b:s15+s3], $0x2000, $0x38;
	[tilespmem:$0x1FE80] =	vst v63  }
0x9d: {  	s15 =	simm.s32 @!p2 $0x5  }
0x9e: {  	_ =	swait.ge @!p2 [sflag:s15], $0x2000  }
0x9f: {  	[sflag:s15] =	ssyncset.done @!p2 $0x0  }
0xa0: {  	[sflag:s15] =	ssyncadd.s32 @!p2 $0xFFFFE000;
	s15 =	simm.s32 $0x0  }
0xa1: {  	v1 =	vld [tilespmem:s15+$0x4630]  }
0xa2: {  	v2 =	vld [tilespmem:s15+$0x670]  }
0xa3: {  	v3 =	vld [tilespmem:s15+$0x4600]  }
0xa4: {  	v6 =	vld [tilespmem:s15+$0x4610]  }
0xa5: {  	v9 =	vld [tilespmem:s15+$0x4620]  }
0xa6: {  	v8 =	vld [tilespmem:s15+$0x600]  }
0xa7: {  	v12 =	vld [tilespmem:s15+$0x640];
	v4 =	vand.u32 $0xFFFF0000, v1  }
0xa8: {  	v5 =	vmul.f32 v4, v2;
	v4 =	vld [tilespmem:s15+$0x610]  }
0xa9: {  	v2 =	vld [tilespmem:s15+$0x650]  }
0xaa: {  	v1 =	vshll.u32 v1, $0x10;
	v11 =	vshll.u32 v3, $0x10;
	v13 =	vand.u32 $0xFFFF0000, v3;
	[tilespmem:s15+$0x8670] =	vst v5;
	v5 =	vld [tilespmem:s15+$0x620]  }
0xab: {  	v10 =	vshll.u32 v6, $0x10;
	v7 =	vand.u32 $0xFFFF0000, v6;
	v6 =	vld [tilespmem:s15+$0x660];
	v11 =	vmul.f32 v11, v8  }
0xac: {  	s16 =	simm.s32 $0x80;
	s17 =	simm.s32 $0x400;
	v3 =	vand.u32 $0xFFFF0000, v9;
	v8 =	vshll.u32 v9, $0x10;
	v12 =	vmul.f32 v13, v12;
	v9 =	vld [tilespmem:s15+$0x630]  }
.LBB2_5:
0xad: {  	p3 =	sne.s32 s17, $0x7E00;
	v13 =	vld [tilespmem:s16+$0x4630];
	[tilespmem:s15+$0x8600] =	vst v11;
	v4 =	vmul.f32 v10, v4  }
0xae: {  	v10 =	vld [tilespmem:s16+$0x670];
	[tilespmem:s15+$0x8640] =	vst v12;
	v2 =	vmul.f32 v7, v2  }
0xaf: {  	v7 =	vld [tilespmem:s16+$0x4600];
	[tilespmem:s15+$0x8610] =	vst v4;
	v4 =	vmul.f32 v8, v5  }
0xb0: {  	v5 =	vld [tilespmem:s16+$0x4610];
	[tilespmem:s15+$0x8650] =	vst v2;
	v2 =	vmul.f32 v3, v6  }
0xb1: {  	v3 =	vld [tilespmem:s16+$0x4620];
	[tilespmem:s15+$0x8620] =	vst v4;
	v4 =	vmul.f32 v1, v9  }
0xb2: {  	v6 =	vld [tilespmem:s16+$0x600];
	v1 =	vshll.u32 v13, $0x10;
	v8 =	vand.u32 $0xFFFF0000, v13;
	[tilespmem:s15+$0x8660] =	vst v2  }
0xb3: {  	v9 =	vld [tilespmem:s16+$0x640];
	v8 =	vmul.f32 v8, v10;
	[tilespmem:s15+$0x8630] =	vst v4;
	s15 =	smov.u32 s16  }
.Ltmp3:
0xb4: {  	v11 =	vshll.u32 v7, $0x10;
	v12 =	vand.u32 $0xFFFF0000, v7;
	v4 =	vld [tilespmem:s15+$0x610];
	(pc) =	sbr.rel @p3 .LBB2_5-.Ltmp3, $4  }
0xb5: {  	v10 =	vshll.u32 v5, $0x10;
	v7 =	vand.u32 $0xFFFF0000, v5;
	v2 =	vld [tilespmem:s15+$0x650];
	[tilespmem:s15+$0x8670] =	vst v8  }
0xb6: {  	v8 =	vshll.u32 v3, $0x10;
	v3 =	vand.u32 $0xFFFF0000, v3;
	v5 =	vld [tilespmem:s15+$0x620]  }
0xb7: {  	v11 =	vmul.f32 v11, v6;
	v6 =	vld [tilespmem:s15+$0x660]  }
0xb8: {  	s16 =	sshra.s32 s17, $0x2;
	s17 =	sadd.s32 $0x200, s17;
	v12 =	vmul.f32 v12, v9;
	v9 =	vld [tilespmem:s15+$0x630]  }
0xb9: {  	v13 =	vld [tilespmem:s16+$0x4630];
	[tilespmem:s15+$0x8600] =	vst v11;
	v4 =	vmul.f32 v10, v4  }
0xba: {  	v11 =	vld [tilespmem:s16+$0x670];
	[tilespmem:s15+$0x8640] =	vst v12;
	v2 =	vmul.f32 v7, v2  }
0xbb: {  	v10 =	vld [tilespmem:s16+$0x4600];
	[tilespmem:s15+$0x8610] =	vst v4;
	v5 =	vmul.f32 v8, v5  }
0xbc: {  	v4 =	vld [tilespmem:s16+$0x4610];
	[tilespmem:s15+$0x8650] =	vst v2;
	v3 =	vmul.f32 v3, v6  }
0xbd: {  	v2 =	vld [tilespmem:s16+$0x4620];
	[tilespmem:s15+$0x8620] =	vst v5;
	v1 =	vmul.f32 v1, v9  }
0xbe: {  	v5 =	vld [tilespmem:s16+$0x600];
	[tilespmem:s15+$0x8660] =	vst v3  }
0xbf: {  	v6 =	vand.u32 $0xFFFF0000, v13;
	v3 =	vld [tilespmem:s16+$0x640];
	[tilespmem:s15+$0x8630] =	vst v1  }
0xc0: {  	v1 =	vmul.f32 v6, v11;
	v6 =	vld [tilespmem:s16+$0x610]  }
0xc1: {  	v7 =	vld [tilespmem:s16+$0x650]  }
0xc2: {  	v8 =	vld [tilespmem:s16+$0x620];
	[tilespmem:s16+$0x8670] =	vst v1;
	v1 =	vshll.u32 v10, $0x10  }
0xc3: {  	v9 =	vand.u32 $0xFFFF0000, v10;
	v1 =	vmul.f32 v1, v5;
	v5 =	vld [tilespmem:s16+$0x660]  }
0xc4: {  	v10 =	vshll.u32 v4, $0x10;
	v3 =	vmul.f32 v9, v3;
	v9 =	vld [tilespmem:s16+$0x630]  }
0xc5: {  	v4 =	vand.u32 $0xFFFF0000, v4;
	[tilespmem:s16+$0x8600] =	vst v1;
	v1 =	vmul.f32 v10, v6  }
0xc6: {  	v6 =	vshll.u32 v2, $0x10;
	[tilespmem:s16+$0x8640] =	vst v3;
	v3 =	vmul.f32 v4, v7  }
0xc7: {  	v2 =	vand.u32 $0xFFFF0000, v2;
	[tilespmem:s16+$0x8610] =	vst v1;
	v1 =	vmul.f32 v6, v8  }
0xc8: {  	v4 =	vshll.u32 v13, $0x10;
	[tilespmem:s16+$0x8650] =	vst v3;
	v2 =	vmul.f32 v2, v5  }
0xc9: {  	[tilespmem:s16+$0x8620] =	vst v1;
	v1 =	vmul.f32 v4, v9  }
0xca: {  	[tilespmem:s16+$0x8660] =	vst v2  }
0xcb: {  	[tilespmem:s16+$0x8630] =	vst v1  }
0xcc: {  	v1 =	vld [tilespmem:$0x200]  }
0xcd: {  	v2 =	vld [tilespmem:$0x210]  }
0xce: {  	v3 =	vld [tilespmem:$0x220]  }
0xcf: {  	v4 =	vld [tilespmem:$0x230];
	_ =	sdelay $0x1  }
0xd0: {  	[tilespmem:$0x400] =	vst v1  }
0xd1: {  	[tilespmem:$0x410] =	vst v2  }
0xd2: {  	[tilespmem:$0x420] =	vst v3  }
0xd3: {  	[tilespmem:$0x430] =	vst v4  }
0xd4: {  	[spmem:s2] =	stream.indirect.scatter.add.f32 [tilespmem:s22], [sflag:$0x5], $0x80, s0, s20, $0xb8;
	[tilespmem:$0x1FE80] =	vst v63  }
0xd5: {  	_ =	swait.ge [sflag:s4], $0x2000  }
0xd6: {  	[sflag:s4] =	ssyncset.done $0x0  }
0xd7: {  	[sflag:s4] =	ssyncadd.s32 $0xFFFFE000  }
0xd8: {  	_ =	swait.ge [sflag:s24], $0x2000  }
0xd9: {  	[sflag:s24] =	ssyncset.done $0x0  }
0xda: {  	[sflag:s24] =	ssyncadd.s32 $0xFFFFE000  }
0xdb: {  	v1 =	vld [tilespmem:$0x80]  }
0xdc: {  	v2 =	vld [tilespmem:$0x90]  }
0xdd: {  	v3 =	vld [tilespmem:$0xA0]  }
0xde: {  	v4 =	vld [tilespmem:$0xB0];
	_ =	sdelay $0x1  }
0xdf: {  	s17 =	rddreg [dreg:$0xb];
	[tilespmem:$0x500] =	vst v1  }
0xe0: {  	s15 =	sadd.s32 s12, s17;
	[tilespmem:$0x510] =	vst v2  }
0xe1: {  	s15 =	sshll.u32 s15, $0xA;
	[tilespmem:$0x520] =	vst v3  }
0xe2: {  	s15 =	sand.u32 $0x1FFFF800, s15;
	[tilespmem:$0x530] =	vst v4  }
0xe3: {  	[tilespmem:s8], [sflag:$0x1] =	stream.indirect.gather [hbm4b:s1+s20], $0x80, s19, s20, $0xb8;
	[tilespmem:$0x1FE80] =	vst v63  }
0xe4: {  	s15 =	sadd.s32 s5, s15  }
0xe5: {  	[tilespmem:s9], [sflag:$0x3] =	stream.linear.gather [hbm4b:s15+s3], $0x2000, $0x38;
	[tilespmem:$0x1FE80] =	vst v63  }
0xe6: {  	s15 =	simm.s32 @!p2 $0x6  }
0xe7: {  	_ =	swait.ge @!p2 [sflag:s15], $0x2000  }
0xe8: {  	[sflag:s15] =	ssyncset.done @!p2 $0x0  }
0xe9: {  	[sflag:s15] =	ssyncadd.s32 @!p2 $0xFFFFE000;
	s15 =	simm.s32 $0x0  }
0xea: {  	v1 =	vld [tilespmem:s15+$0x6630]  }
0xeb: {  	v2 =	vld [tilespmem:s15+$0x2670]  }
0xec: {  	v3 =	vld [tilespmem:s15+$0x6600]  }
0xed: {  	v6 =	vld [tilespmem:s15+$0x6610]  }
0xee: {  	v9 =	vld [tilespmem:s15+$0x6620]  }
0xef: {  	v11 =	vld [tilespmem:s15+$0x2600]  }
0xf0: {  	v12 =	vld [tilespmem:s15+$0x2640];
	v4 =	vand.u32 $0xFFFF0000, v1  }
0xf1: {  	v5 =	vmul.f32 v4, v2;
	v4 =	vld [tilespmem:s15+$0x2610]  }
0xf2: {  	v2 =	vld [tilespmem:s15+$0x2650]  }
0xf3: {  	v1 =	vshll.u32 v1, $0x10;
	v13 =	vshll.u32 v3, $0x10;
	v14 =	vand.u32 $0xFFFF0000, v3;
	[tilespmem:s15+$0xA670] =	vst v5;
	v5 =	vld [tilespmem:s15+$0x2620]  }
0xf4: {  	v10 =	vshll.u32 v6, $0x10;
	v8 =	vand.u32 $0xFFFF0000, v6;
	v6 =	vld [tilespmem:s15+$0x2660];
	v11 =	vmul.f32 v13, v11  }
0xf5: {  	s16 =	simm.s32 $0x80;
	s17 =	simm.s32 $0x400;
	v7 =	vshll.u32 v9, $0x10;
	v3 =	vand.u32 $0xFFFF0000, v9;
	v9 =	vld [tilespmem:s15+$0x2630];
	v12 =	vmul.f32 v14, v12  }
.LBB2_7:
0xf6: {  	p2 =	sne.s32 s17, $0x7E00;
	v13 =	vld [tilespmem:s16+$0x6630];
	[tilespmem:s15+$0xA600] =	vst v11;
	v4 =	vmul.f32 v10, v4  }
0xf7: {  	v10 =	vld [tilespmem:s16+$0x2670];
	[tilespmem:s15+$0xA640] =	vst v12;
	v2 =	vmul.f32 v8, v2  }
0xf8: {  	v8 =	vld [tilespmem:s16+$0x6600];
	[tilespmem:s15+$0xA610] =	vst v4;
	v4 =	vmul.f32 v7, v5  }
0xf9: {  	v5 =	vld [tilespmem:s16+$0x6610];
	[tilespmem:s15+$0xA650] =	vst v2;
	v2 =	vmul.f32 v3, v6  }
0xfa: {  	v3 =	vld [tilespmem:s16+$0x6620];
	[tilespmem:s15+$0xA620] =	vst v4;
	v4 =	vmul.f32 v1, v9  }
0xfb: {  	v6 =	vld [tilespmem:s16+$0x2600];
	v1 =	vshll.u32 v13, $0x10;
	v7 =	vand.u32 $0xFFFF0000, v13;
	[tilespmem:s15+$0xA660] =	vst v2  }
0xfc: {  	v9 =	vld [tilespmem:s16+$0x2640];
	v7 =	vmul.f32 v7, v10;
	[tilespmem:s15+$0xA630] =	vst v4;
	s15 =	smov.u32 s16  }
.Ltmp4:
0xfd: {  	v11 =	vshll.u32 v8, $0x10;
	v12 =	vand.u32 $0xFFFF0000, v8;
	v4 =	vld [tilespmem:s15+$0x2610];
	(pc) =	sbr.rel @p2 .LBB2_7-.Ltmp4, $4  }
0xfe: {  	v10 =	vshll.u32 v5, $0x10;
	v8 =	vand.u32 $0xFFFF0000, v5;
	v2 =	vld [tilespmem:s15+$0x2650];
	[tilespmem:s15+$0xA670] =	vst v7  }
0xff: {  	v7 =	vshll.u32 v3, $0x10;
	v3 =	vand.u32 $0xFFFF0000, v3;
	v5 =	vld [tilespmem:s15+$0x2620]  }
0x100: {  	v11 =	vmul.f32 v11, v6;
	v6 =	vld [tilespmem:s15+$0x2660]  }
0x101: {  	s16 =	sshra.s32 s17, $0x2;
	s17 =	sadd.s32 $0x200, s17;
	v12 =	vmul.f32 v12, v9;
	v9 =	vld [tilespmem:s15+$0x2630]  }
0x102: {  	v13 =	vld [tilespmem:s16+$0x6630];
	[tilespmem:s15+$0xA600] =	vst v11;
	v4 =	vmul.f32 v10, v4  }
0x103: {  	v11 =	vld [tilespmem:s16+$0x2670];
	[tilespmem:s15+$0xA640] =	vst v12;
	v2 =	vmul.f32 v8, v2  }
0x104: {  	v10 =	vld [tilespmem:s16+$0x6600];
	[tilespmem:s15+$0xA610] =	vst v4;
	v5 =	vmul.f32 v7, v5  }
0x105: {  	v4 =	vld [tilespmem:s16+$0x6610];
	[tilespmem:s15+$0xA650] =	vst v2;
	v3 =	vmul.f32 v3, v6  }
0x106: {  	v2 =	vld [tilespmem:s16+$0x6620];
	[tilespmem:s15+$0xA620] =	vst v5;
	v1 =	vmul.f32 v1, v9  }
0x107: {  	v5 =	vld [tilespmem:s16+$0x2600];
	[tilespmem:s15+$0xA660] =	vst v3  }
0x108: {  	v6 =	vand.u32 $0xFFFF0000, v13;
	v3 =	vld [tilespmem:s16+$0x2640];
	[tilespmem:s15+$0xA630] =	vst v1  }
0x109: {  	v1 =	vmul.f32 v6, v11;
	v6 =	vld [tilespmem:s16+$0x2610]  }
0x10a: {  	v7 =	vld [tilespmem:s16+$0x2650]  }
0x10b: {  	v8 =	vld [tilespmem:s16+$0x2620];
	[tilespmem:s16+$0xA670] =	vst v1;
	v1 =	vshll.u32 v10, $0x10  }
0x10c: {  	v9 =	vand.u32 $0xFFFF0000, v10;
	v1 =	vmul.f32 v1, v5;
	v5 =	vld [tilespmem:s16+$0x2660]  }
0x10d: {  	v10 =	vshll.u32 v4, $0x10;
	v3 =	vmul.f32 v9, v3;
	v9 =	vld [tilespmem:s16+$0x2630]  }
0x10e: {  	v4 =	vand.u32 $0xFFFF0000, v4;
	[tilespmem:s16+$0xA600] =	vst v1;
	v1 =	vmul.f32 v10, v6  }
0x10f: {  	v6 =	vshll.u32 v2, $0x10;
	[tilespmem:s16+$0xA640] =	vst v3;
	v3 =	vmul.f32 v4, v7  }
0x110: {  	v2 =	vand.u32 $0xFFFF0000, v2;
	[tilespmem:s16+$0xA610] =	vst v1;
	v1 =	vmul.f32 v6, v8  }
0x111: {  	v4 =	vshll.u32 v13, $0x10;
	[tilespmem:s16+$0xA650] =	vst v3;
	v2 =	vmul.f32 v2, v5  }
0x112: {  	[tilespmem:s16+$0xA620] =	vst v1;
	v1 =	vmul.f32 v4, v9  }
0x113: {  	[tilespmem:s16+$0xA660] =	vst v2  }
0x114: {  	[tilespmem:s16+$0xA630] =	vst v1  }
0x115: {  	v1 =	vld [tilespmem:$0x240]  }
0x116: {  	v2 =	vld [tilespmem:$0x250]  }
0x117: {  	v3 =	vld [tilespmem:$0x260]  }
0x118: {  	v4 =	vld [tilespmem:$0x270];
	_ =	sdelay $0x1  }
0x119: {  	[tilespmem:$0x480] =	vst v1  }
0x11a: {  	[tilespmem:$0x490] =	vst v2  }
0x11b: {  	[tilespmem:$0x4A0] =	vst v3  }
0x11c: {  	[tilespmem:$0x4B0] =	vst v4  }
0x11d: {  	[spmem:s2] =	stream.indirect.scatter.add.f32 [tilespmem:s10], [sflag:$0x6], $0x80, s21, s20, $0xb8;
	[tilespmem:$0x1FE80] =	vst v63  }
0x11e: {  	_ =	swait.ge [sflag:s11], $0x2000  }
0x11f: {  	[sflag:s11] =	ssyncset.done $0x0  }
0x120: {  	[sflag:s11] =	ssyncadd.s32 $0xFFFFE000  }
0x121: {  	_ =	swait.ge [sflag:s25], $0x2000  }
0x122: {  	[sflag:s25] =	ssyncset.done $0x0  }
0x123: {  	[sflag:s25] =	ssyncadd.s32 $0xFFFFE000  }
0x124: {  	_ =	swait.ge [sflag:s7], $0xC0  }
0x125: {  	[sflag:s7] =	ssyncset.done $0x0  }
0x126: {  	[sflag:s7] =	ssyncadd.s32 $0xFFFFFF40  }
0x127: {  	_ =	swait.ge [sflag:s7], $0xC0  }
0x128: {  	[sflag:s7] =	ssyncset.done $0x0  }
0x129: {  	[sflag:s7] =	ssyncadd.s32 $0xFFFFFF40  }
0x12a: {  	v1 =	vld [tilespmem:$0x100]  }
0x12b: {  	v2 =	vld [tilespmem:$0x110]  }
0x12c: {  	v3 =	vld [tilespmem:$0x120]  }
0x12d: {  	v4 =	vld [tilespmem:$0x130];
	_ =	sdelay $0x1  }
0x12e: {  	[tilespmem:$0x580] =	vst v1  }
0x12f: {  	[tilespmem:$0x590] =	vst v2  }
0x130: {  	s14 =	sshll.u32 s14, $0xA;
	[tilespmem:$0x5A0] =	vst v3  }
0x131: {  	s14 =	sand.u32 $0x1FFFFC00, s14;
	[tilespmem:$0x5B0] =	vst v4  }
0x132: {  	[tilespmem:s30], [sflag:$0x2] =	stream.indirect.gather [hbm4b:s1+s20], $0x80, s29, s20, $0xb8;
	[tilespmem:$0x1FE80] =	vst v63  }
0x133: {  	s17 =	simm.s32 $0x0;
	s14 =	sadd.s32 s5, s14  }
0x134: {  	[tilespmem:s31], [sflag:$0x4] =	stream.linear.gather [hbm4b:s14+s17], $0x2000, $0x38;
	[tilespmem:$0x1FE80] =	vst v63  }
0x135: {  	_ =	swait.ge [sflag:s26], $0x2000  }
0x136: {  	[sflag:s26] =	ssyncset.done $0x0  }
0x137: {  	s14 =	simm.s32 $0x0;
	[sflag:s26] =	ssyncadd.s32 $0xFFFFE000  }
0x138: {  	v1 =	vld [tilespmem:s14+$0x4630]  }
0x139: {  	v2 =	vld [tilespmem:s14+$0x670]  }
0x13a: {  	v3 =	vld [tilespmem:s14+$0x4600]  }
0x13b: {  	v6 =	vld [tilespmem:s14+$0x4610]  }
0x13c: {  	v9 =	vld [tilespmem:s14+$0x4620]  }
0x13d: {  	v11 =	vld [tilespmem:s14+$0x600]  }
0x13e: {  	v12 =	vld [tilespmem:s14+$0x640];
	v4 =	vand.u32 $0xFFFF0000, v1  }
0x13f: {  	v5 =	vmul.f32 v4, v2;
	v4 =	vld [tilespmem:s14+$0x610]  }
0x140: {  	v2 =	vld [tilespmem:s14+$0x650]  }
0x141: {  	v1 =	vshll.u32 v1, $0x10;
	v13 =	vshll.u32 v3, $0x10;
	v14 =	vand.u32 $0xFFFF0000, v3;
	[tilespmem:s14+$0x8670] =	vst v5;
	v5 =	vld [tilespmem:s14+$0x620]  }
0x142: {  	v10 =	vshll.u32 v6, $0x10;
	v8 =	vand.u32 $0xFFFF0000, v6;
	v6 =	vld [tilespmem:s14+$0x660];
	v11 =	vmul.f32 v13, v11  }
0x143: {  	s15 =	simm.s32 $0x80;
	s16 =	simm.s32 $0x400;
	v7 =	vshll.u32 v9, $0x10;
	v3 =	vand.u32 $0xFFFF0000, v9;
	v9 =	vld [tilespmem:s14+$0x630];
	v12 =	vmul.f32 v14, v12  }
.LBB2_9:
0x144: {  	p2 =	sne.s32 s16, $0x7E00;
	v13 =	vld [tilespmem:s15+$0x4630];
	[tilespmem:s14+$0x8600] =	vst v11;
	v4 =	vmul.f32 v10, v4  }
0x145: {  	v10 =	vld [tilespmem:s15+$0x670];
	[tilespmem:s14+$0x8640] =	vst v12;
	v2 =	vmul.f32 v8, v2  }
0x146: {  	v8 =	vld [tilespmem:s15+$0x4600];
	[tilespmem:s14+$0x8610] =	vst v4;
	v4 =	vmul.f32 v7, v5  }
0x147: {  	v5 =	vld [tilespmem:s15+$0x4610];
	[tilespmem:s14+$0x8650] =	vst v2;
	v2 =	vmul.f32 v3, v6  }
0x148: {  	v3 =	vld [tilespmem:s15+$0x4620];
	[tilespmem:s14+$0x8620] =	vst v4;
	v4 =	vmul.f32 v1, v9  }
0x149: {  	v6 =	vld [tilespmem:s15+$0x600];
	v1 =	vshll.u32 v13, $0x10;
	v7 =	vand.u32 $0xFFFF0000, v13;
	[tilespmem:s14+$0x8660] =	vst v2  }
0x14a: {  	v9 =	vld [tilespmem:s15+$0x640];
	v7 =	vmul.f32 v7, v10;
	[tilespmem:s14+$0x8630] =	vst v4;
	s14 =	smov.u32 s15  }
.Ltmp5:
0x14b: {  	v11 =	vshll.u32 v8, $0x10;
	v12 =	vand.u32 $0xFFFF0000, v8;
	v4 =	vld [tilespmem:s14+$0x610];
	(pc) =	sbr.rel @p2 .LBB2_9-.Ltmp5, $4  }
0x14c: {  	v10 =	vshll.u32 v5, $0x10;
	v8 =	vand.u32 $0xFFFF0000, v5;
	v2 =	vld [tilespmem:s14+$0x650];
	[tilespmem:s14+$0x8670] =	vst v7  }
0x14d: {  	v7 =	vshll.u32 v3, $0x10;
	v3 =	vand.u32 $0xFFFF0000, v3;
	v5 =	vld [tilespmem:s14+$0x620]  }
0x14e: {  	v11 =	vmul.f32 v11, v6;
	v6 =	vld [tilespmem:s14+$0x660]  }
0x14f: {  	s15 =	sshra.s32 s16, $0x2;
	s16 =	sadd.s32 $0x200, s16;
	v12 =	vmul.f32 v12, v9;
	v9 =	vld [tilespmem:s14+$0x630]  }
0x150: {  	v13 =	vld [tilespmem:s15+$0x4630];
	[tilespmem:s14+$0x8600] =	vst v11;
	v4 =	vmul.f32 v10, v4  }
0x151: {  	v11 =	vld [tilespmem:s15+$0x670];
	[tilespmem:s14+$0x8640] =	vst v12;
	v2 =	vmul.f32 v8, v2  }
0x152: {  	v10 =	vld [tilespmem:s15+$0x4600];
	[tilespmem:s14+$0x8610] =	vst v4;
	v5 =	vmul.f32 v7, v5  }
0x153: {  	v4 =	vld [tilespmem:s15+$0x4610];
	[tilespmem:s14+$0x8650] =	vst v2;
	v3 =	vmul.f32 v3, v6  }
0x154: {  	v2 =	vld [tilespmem:s15+$0x4620];
	[tilespmem:s14+$0x8620] =	vst v5;
	v1 =	vmul.f32 v1, v9  }
0x155: {  	v5 =	vld [tilespmem:s15+$0x600];
	[tilespmem:s14+$0x8660] =	vst v3  }
0x156: {  	v6 =	vand.u32 $0xFFFF0000, v13;
	v3 =	vld [tilespmem:s15+$0x640];
	[tilespmem:s14+$0x8630] =	vst v1  }
0x157: {  	v1 =	vmul.f32 v6, v11;
	v6 =	vld [tilespmem:s15+$0x610]  }
0x158: {  	v7 =	vld [tilespmem:s15+$0x650]  }
0x159: {  	v8 =	vld [tilespmem:s15+$0x620];
	[tilespmem:s15+$0x8670] =	vst v1;
	v1 =	vshll.u32 v10, $0x10  }
0x15a: {  	v9 =	vand.u32 $0xFFFF0000, v10;
	v1 =	vmul.f32 v1, v5;
	v5 =	vld [tilespmem:s15+$0x660]  }
0x15b: {  	v10 =	vshll.u32 v4, $0x10;
	v3 =	vmul.f32 v9, v3;
	v9 =	vld [tilespmem:s15+$0x630]  }
0x15c: {  	v4 =	vand.u32 $0xFFFF0000, v4;
	[tilespmem:s15+$0x8600] =	vst v1;
	v1 =	vmul.f32 v10, v6  }
0x15d: {  	v6 =	vshll.u32 v2, $0x10;
	[tilespmem:s15+$0x8640] =	vst v3;
	v3 =	vmul.f32 v4, v7  }
0x15e: {  	v2 =	vand.u32 $0xFFFF0000, v2;
	[tilespmem:s15+$0x8610] =	vst v1;
	v1 =	vmul.f32 v6, v8  }
0x15f: {  	v4 =	vshll.u32 v13, $0x10;
	[tilespmem:s15+$0x8650] =	vst v3;
	v2 =	vmul.f32 v2, v5  }
0x160: {  	[tilespmem:s15+$0x8620] =	vst v1;
	v1 =	vmul.f32 v4, v9  }
0x161: {  	[tilespmem:s15+$0x8660] =	vst v2  }
0x162: {  	[tilespmem:s15+$0x8630] =	vst v1  }
0x163: {  	v1 =	vld [tilespmem:$0x280]  }
0x164: {  	v2 =	vld [tilespmem:$0x290]  }
0x165: {  	v3 =	vld [tilespmem:$0x2A0]  }
0x166: {  	v4 =	vld [tilespmem:$0x2B0];
	_ =	sdelay $0x1  }
0x167: {  	[tilespmem:$0x400] =	vst v1  }
0x168: {  	[tilespmem:$0x410] =	vst v2  }
0x169: {  	[tilespmem:$0x420] =	vst v3  }
0x16a: {  	[tilespmem:$0x430] =	vst v4  }
0x16b: {  	[spmem:s2] =	stream.indirect.scatter.add.f32 [tilespmem:s22], [sflag:$0x5], $0x80, s0, s20, $0xb8;
	[tilespmem:$0x1FE80] =	vst v63  }
0x16c: {  	_ =	swait.ge [sflag:s4], $0x2000  }
0x16d: {  	[sflag:s4] =	ssyncset.done $0x0  }
0x16e: {  	[sflag:s4] =	ssyncadd.s32 $0xFFFFE000  }
0x16f: {  	_ =	swait.ge [sflag:s24], $0x2000  }
0x170: {  	p2 =	seq.s32 s23, $0x19;
	s14 =	rddreg [dreg:$0xc]  }
0x171: {  	s14 =	sadd.s32 @!p2 s12, s14  }
0x172: {  	[sflag:s24] =	ssyncset.done $0x0;
	s15 =	sshll.u32 @!p2 s14, $0x3  }
0x173: {  	s17 =	simm.s32 @!p2 $0x0;
	[sflag:s24] =	ssyncadd.s32 $0xFFFFE000;
	s16 =	sadd.s32 @!p2 s6, s15  }
0x174: {  	[tilespmem:s17], [sflag:$0x7] =	stream.linear.gather @!p2 [hbm4b:s16+s17], $0xC0, $0x38;
	[tilespmem:$0x1FE80] =	vst v63  }
0x175: {  	s15 =	sadd.s32 @!p2 s15, s13;
	s16 =	simm.s32 @!p2 $0x200  }
0x176: {  	[tilespmem:s16], [sflag:$0x7] =	stream.linear.gather @!p2 [hbm4b:s15+s17], $0xC0, $0x38;
	[tilespmem:$0x1FE80] =	vst v63  }
0x177: {  	v1 =	vld [tilespmem:$0x140]  }
0x178: {  	v2 =	vld [tilespmem:$0x150]  }
0x179: {  	v3 =	vld [tilespmem:$0x160]  }
0x17a: {  	v4 =	vld [tilespmem:$0x170];
	_ =	sdelay $0x1  }
0x17b: {  	s16 =	rddreg [dreg:$0xd];
	[tilespmem:$0x500] =	vst v1  }
0x17c: {  	s15 =	sadd.s32 s12, s16;
	[tilespmem:$0x510] =	vst v2  }
0x17d: {  	s15 =	sshll.u32 s15, $0xA;
	[tilespmem:$0x520] =	vst v3  }
0x17e: {  	s15 =	sand.u32 $0x1FFFF800, s15;
	[tilespmem:$0x530] =	vst v4  }
0x17f: {  	[tilespmem:s8], [sflag:$0x1] =	stream.indirect.gather [hbm4b:s1+s20], $0x80, s19, s20, $0xb8;
	[tilespmem:$0x1FE80] =	vst v63  }
0x180: {  	s17 =	simm.s32 $0x0;
	s15 =	sadd.s32 s5, s15  }
0x181: {  	[tilespmem:s9], [sflag:$0x3] =	stream.linear.gather [hbm4b:s15+s17], $0x2000, $0x38;
	[tilespmem:$0x1FE80] =	vst v63  }
0x182: {  	_ =	swait.ge [sflag:s28], $0x2000  }
0x183: {  	[sflag:s28] =	ssyncset.done $0x0  }
0x184: {  	s15 =	simm.s32 $0x0;
	[sflag:s28] =	ssyncadd.s32 $0xFFFFE000  }
0x185: {  	v1 =	vld [tilespmem:s15+$0x6630]  }
0x186: {  	v2 =	vld [tilespmem:s15+$0x2670]  }
0x187: {  	v3 =	vld [tilespmem:s15+$0x6600]  }
0x188: {  	v6 =	vld [tilespmem:s15+$0x6610]  }
0x189: {  	v9 =	vld [tilespmem:s15+$0x6620]  }
0x18a: {  	v11 =	vld [tilespmem:s15+$0x2600]  }
0x18b: {  	v12 =	vld [tilespmem:s15+$0x2640];
	v4 =	vand.u32 $0xFFFF0000, v1  }
0x18c: {  	v5 =	vmul.f32 v4, v2;
	v4 =	vld [tilespmem:s15+$0x2610]  }
0x18d: {  	v2 =	vld [tilespmem:s15+$0x2650]  }
0x18e: {  	v1 =	vshll.u32 v1, $0x10;
	v13 =	vshll.u32 v3, $0x10;
	v14 =	vand.u32 $0xFFFF0000, v3;
	[tilespmem:s15+$0xA670] =	vst v5;
	v5 =	vld [tilespmem:s15+$0x2620]  }
0x18f: {  	v10 =	vshll.u32 v6, $0x10;
	v8 =	vand.u32 $0xFFFF0000, v6;
	v6 =	vld [tilespmem:s15+$0x2660];
	v11 =	vmul.f32 v13, v11  }
0x190: {  	s16 =	simm.s32 $0x80;
	s17 =	simm.s32 $0x400;
	v7 =	vshll.u32 v9, $0x10;
	v3 =	vand.u32 $0xFFFF0000, v9;
	v9 =	vld [tilespmem:s15+$0x2630];
	v12 =	vmul.f32 v14, v12  }
.LBB2_11:
0x191: {  	p3 =	sne.s32 s17, $0x7E00;
	v13 =	vld [tilespmem:s16+$0x6630];
	[tilespmem:s15+$0xA600] =	vst v11;
	v4 =	vmul.f32 v10, v4  }
0x192: {  	v10 =	vld [tilespmem:s16+$0x2670];
	[tilespmem:s15+$0xA640] =	vst v12;
	v2 =	vmul.f32 v8, v2  }
0x193: {  	v8 =	vld [tilespmem:s16+$0x6600];
	[tilespmem:s15+$0xA610] =	vst v4;
	v4 =	vmul.f32 v7, v5  }
0x194: {  	v5 =	vld [tilespmem:s16+$0x6610];
	[tilespmem:s15+$0xA650] =	vst v2;
	v2 =	vmul.f32 v3, v6  }
0x195: {  	v3 =	vld [tilespmem:s16+$0x6620];
	[tilespmem:s15+$0xA620] =	vst v4;
	v4 =	vmul.f32 v1, v9  }
0x196: {  	v6 =	vld [tilespmem:s16+$0x2600];
	v1 =	vshll.u32 v13, $0x10;
	v7 =	vand.u32 $0xFFFF0000, v13;
	[tilespmem:s15+$0xA660] =	vst v2  }
0x197: {  	v9 =	vld [tilespmem:s16+$0x2640];
	v7 =	vmul.f32 v7, v10;
	[tilespmem:s15+$0xA630] =	vst v4;
	s15 =	smov.u32 s16  }
.Ltmp6:
0x198: {  	v11 =	vshll.u32 v8, $0x10;
	v12 =	vand.u32 $0xFFFF0000, v8;
	v4 =	vld [tilespmem:s15+$0x2610];
	(pc) =	sbr.rel @p3 .LBB2_11-.Ltmp6, $4  }
0x199: {  	v10 =	vshll.u32 v5, $0x10;
	v8 =	vand.u32 $0xFFFF0000, v5;
	v2 =	vld [tilespmem:s15+$0x2650];
	[tilespmem:s15+$0xA670] =	vst v7  }
0x19a: {  	v7 =	vshll.u32 v3, $0x10;
	v3 =	vand.u32 $0xFFFF0000, v3;
	v5 =	vld [tilespmem:s15+$0x2620]  }
0x19b: {  	v11 =	vmul.f32 v11, v6;
	v6 =	vld [tilespmem:s15+$0x2660]  }
0x19c: {  	s16 =	sshra.s32 s17, $0x2;
	s17 =	sadd.s32 $0x200, s17;
	v12 =	vmul.f32 v12, v9;
	v9 =	vld [tilespmem:s15+$0x2630]  }
0x19d: {  	v13 =	vld [tilespmem:s16+$0x6630];
	[tilespmem:s15+$0xA600] =	vst v11;
	v4 =	vmul.f32 v10, v4  }
0x19e: {  	v11 =	vld [tilespmem:s16+$0x2670];
	[tilespmem:s15+$0xA640] =	vst v12;
	v2 =	vmul.f32 v8, v2  }
0x19f: {  	v10 =	vld [tilespmem:s16+$0x6600];
	[tilespmem:s15+$0xA610] =	vst v4;
	v5 =	vmul.f32 v7, v5  }
0x1a0: {  	v4 =	vld [tilespmem:s16+$0x6610];
	[tilespmem:s15+$0xA650] =	vst v2;
	v3 =	vmul.f32 v3, v6  }
0x1a1: {  	v2 =	vld [tilespmem:s16+$0x6620];
	[tilespmem:s15+$0xA620] =	vst v5;
	v1 =	vmul.f32 v1, v9  }
0x1a2: {  	v5 =	vld [tilespmem:s16+$0x2600];
	[tilespmem:s15+$0xA660] =	vst v3  }
0x1a3: {  	v6 =	vand.u32 $0xFFFF0000, v13;
	v3 =	vld [tilespmem:s16+$0x2640];
	[tilespmem:s15+$0xA630] =	vst v1  }
0x1a4: {  	v1 =	vmul.f32 v6, v11;
	v6 =	vld [tilespmem:s16+$0x2610]  }
0x1a5: {  	v7 =	vld [tilespmem:s16+$0x2650]  }
0x1a6: {  	v8 =	vld [tilespmem:s16+$0x2620];
	[tilespmem:s16+$0xA670] =	vst v1;
	v1 =	vshll.u32 v10, $0x10  }
0x1a7: {  	v9 =	vand.u32 $0xFFFF0000, v10;
	v1 =	vmul.f32 v1, v5;
	v5 =	vld [tilespmem:s16+$0x2660]  }
0x1a8: {  	v10 =	vshll.u32 v4, $0x10;
	v3 =	vmul.f32 v9, v3;
	v9 =	vld [tilespmem:s16+$0x2630]  }
0x1a9: {  	v4 =	vand.u32 $0xFFFF0000, v4;
	[tilespmem:s16+$0xA600] =	vst v1;
	v1 =	vmul.f32 v10, v6  }
0x1aa: {  	v6 =	vshll.u32 v2, $0x10;
	[tilespmem:s16+$0xA640] =	vst v3;
	v3 =	vmul.f32 v4, v7  }
0x1ab: {  	v2 =	vand.u32 $0xFFFF0000, v2;
	[tilespmem:s16+$0xA610] =	vst v1;
	v1 =	vmul.f32 v6, v8  }
0x1ac: {  	v4 =	vshll.u32 v13, $0x10;
	[tilespmem:s16+$0xA650] =	vst v3;
	v2 =	vmul.f32 v2, v5  }
0x1ad: {  	[tilespmem:s16+$0xA620] =	vst v1;
	v1 =	vmul.f32 v4, v9  }
0x1ae: {  	[tilespmem:s16+$0xA660] =	vst v2  }
0x1af: {  	[tilespmem:s16+$0xA630] =	vst v1  }
0x1b0: {  	v1 =	vld [tilespmem:$0x300]  }
0x1b1: {  	v2 =	vld [tilespmem:$0x310]  }
0x1b2: {  	v3 =	vld [tilespmem:$0x320]  }
0x1b3: {  	v4 =	vld [tilespmem:$0x330];
	_ =	sdelay $0x1  }
0x1b4: {  	[tilespmem:$0x480] =	vst v1  }
0x1b5: {  	[tilespmem:$0x490] =	vst v2  }
0x1b6: {  	[tilespmem:$0x4A0] =	vst v3  }
0x1b7: {  	[tilespmem:$0x4B0] =	vst v4  }
0x1b8: {  	[spmem:s2] =	stream.indirect.scatter.add.f32 [tilespmem:s10], [sflag:$0x6], $0x80, s21, s20, $0xb8;
	[tilespmem:$0x1FE80] =	vst v63  }
0x1b9: {  	_ =	swait.ge [sflag:s11], $0x2000  }
0x1ba: {  	[sflag:s11] =	ssyncset.done $0x0  }
0x1bb: {  	[sflag:s11] =	ssyncadd.s32 $0xFFFFE000  }
0x1bc: {  	_ =	swait.ge [sflag:s25], $0x2000  }
0x1bd: {  	[sflag:s25] =	ssyncset.done $0x0  }
0x1be: {  	[sflag:s25] =	ssyncadd.s32 $0xFFFFE000  }
0x1bf: {  	v1 =	vld [tilespmem:$0x180]  }
0x1c0: {  	v2 =	vld [tilespmem:$0x190]  }
0x1c1: {  	v3 =	vld [tilespmem:$0x1A0]  }
0x1c2: {  	v4 =	vld [tilespmem:$0x1B0];
	_ =	sdelay $0x1  }
0x1c3: {  	[tilespmem:$0x580] =	vst v1  }
0x1c4: {  	s12 =	sadd.s32 s12, s18;
	[tilespmem:$0x590] =	vst v2  }
0x1c5: {  	s12 =	sshll.u32 s12, $0xA;
	[tilespmem:$0x5A0] =	vst v3  }
0x1c6: {  	s12 =	sand.u32 $0x1FFFFC00, s12;
	[tilespmem:$0x5B0] =	vst v4  }
0x1c7: {  	[tilespmem:s30], [sflag:$0x2] =	stream.indirect.gather [hbm4b:s1+s20], $0x80, s29, s20, $0xb8;
	[tilespmem:$0x1FE80] =	vst v63  }
0x1c8: {  	s17 =	simm.s32 $0x0;
	s12 =	sadd.s32 s5, s12  }
0x1c9: {  	[tilespmem:s31], [sflag:$0x4] =	stream.linear.gather [hbm4b:s12+s17], $0x2000, $0x38;
	[tilespmem:$0x1FE80] =	vst v63  }
0x1ca: {  	_ =	swait.ge [sflag:s26], $0x2000  }
0x1cb: {  	[sflag:s26] =	ssyncset.done $0x0  }
0x1cc: {  	s12 =	simm.s32 $0x0;
	[sflag:s26] =	ssyncadd.s32 $0xFFFFE000  }
0x1cd: {  	v1 =	vld [tilespmem:s12+$0x4630]  }
0x1ce: {  	v2 =	vld [tilespmem:s12+$0x670]  }
0x1cf: {  	v3 =	vld [tilespmem:s12+$0x4600]  }
0x1d0: {  	v6 =	vld [tilespmem:s12+$0x4610]  }
0x1d1: {  	v9 =	vld [tilespmem:s12+$0x4620]  }
0x1d2: {  	v11 =	vld [tilespmem:s12+$0x600]  }
0x1d3: {  	v12 =	vld [tilespmem:s12+$0x640];
	v4 =	vand.u32 $0xFFFF0000, v1  }
0x1d4: {  	v5 =	vmul.f32 v4, v2;
	v4 =	vld [tilespmem:s12+$0x610]  }
0x1d5: {  	v2 =	vld [tilespmem:s12+$0x650]  }
0x1d6: {  	v1 =	vshll.u32 v1, $0x10;
	v13 =	vshll.u32 v3, $0x10;
	v14 =	vand.u32 $0xFFFF0000, v3;
	[tilespmem:s12+$0x8670] =	vst v5;
	v5 =	vld [tilespmem:s12+$0x620]  }
0x1d7: {  	v10 =	vshll.u32 v6, $0x10;
	v8 =	vand.u32 $0xFFFF0000, v6;
	v6 =	vld [tilespmem:s12+$0x660];
	v11 =	vmul.f32 v13, v11  }
0x1d8: {  	s15 =	simm.s32 $0x80;
	s16 =	simm.s32 $0x400;
	v7 =	vshll.u32 v9, $0x10;
	v3 =	vand.u32 $0xFFFF0000, v9;
	v9 =	vld [tilespmem:s12+$0x630];
	v12 =	vmul.f32 v14, v12  }
.LBB2_13:
0x1d9: {  	p3 =	sne.s32 s16, $0x7E00;
	v13 =	vld [tilespmem:s15+$0x4630];
	[tilespmem:s12+$0x8600] =	vst v11;
	v4 =	vmul.f32 v10, v4  }
0x1da: {  	v10 =	vld [tilespmem:s15+$0x670];
	[tilespmem:s12+$0x8640] =	vst v12;
	v2 =	vmul.f32 v8, v2  }
0x1db: {  	v8 =	vld [tilespmem:s15+$0x4600];
	[tilespmem:s12+$0x8610] =	vst v4;
	v4 =	vmul.f32 v7, v5  }
0x1dc: {  	v5 =	vld [tilespmem:s15+$0x4610];
	[tilespmem:s12+$0x8650] =	vst v2;
	v2 =	vmul.f32 v3, v6  }
0x1dd: {  	v3 =	vld [tilespmem:s15+$0x4620];
	[tilespmem:s12+$0x8620] =	vst v4;
	v4 =	vmul.f32 v1, v9  }
0x1de: {  	v6 =	vld [tilespmem:s15+$0x600];
	v1 =	vshll.u32 v13, $0x10;
	v7 =	vand.u32 $0xFFFF0000, v13;
	[tilespmem:s12+$0x8660] =	vst v2  }
0x1df: {  	v9 =	vld [tilespmem:s15+$0x640];
	v7 =	vmul.f32 v7, v10;
	[tilespmem:s12+$0x8630] =	vst v4;
	s12 =	smov.u32 s15  }
.Ltmp7:
0x1e0: {  	v11 =	vshll.u32 v8, $0x10;
	v12 =	vand.u32 $0xFFFF0000, v8;
	v4 =	vld [tilespmem:s12+$0x610];
	(pc) =	sbr.rel @p3 .LBB2_13-.Ltmp7, $4  }
0x1e1: {  	v10 =	vshll.u32 v5, $0x10;
	v8 =	vand.u32 $0xFFFF0000, v5;
	v2 =	vld [tilespmem:s12+$0x650];
	[tilespmem:s12+$0x8670] =	vst v7  }
0x1e2: {  	v7 =	vshll.u32 v3, $0x10;
	v3 =	vand.u32 $0xFFFF0000, v3;
	v5 =	vld [tilespmem:s12+$0x620]  }
0x1e3: {  	v11 =	vmul.f32 v11, v6;
	v6 =	vld [tilespmem:s12+$0x660]  }
0x1e4: {  	s15 =	sshra.s32 s16, $0x2;
	s16 =	sadd.s32 $0x200, s16;
	v12 =	vmul.f32 v12, v9;
	v9 =	vld [tilespmem:s12+$0x630]  }
0x1e5: {  	v13 =	vld [tilespmem:s15+$0x4630];
	[tilespmem:s12+$0x8600] =	vst v11;
	v4 =	vmul.f32 v10, v4  }
0x1e6: {  	v11 =	vld [tilespmem:s15+$0x670];
	[tilespmem:s12+$0x8640] =	vst v12;
	v2 =	vmul.f32 v8, v2  }
0x1e7: {  	v10 =	vld [tilespmem:s15+$0x4600];
	[tilespmem:s12+$0x8610] =	vst v4;
	v5 =	vmul.f32 v7, v5  }
0x1e8: {  	v4 =	vld [tilespmem:s15+$0x4610];
	[tilespmem:s12+$0x8650] =	vst v2;
	v3 =	vmul.f32 v3, v6  }
0x1e9: {  	v2 =	vld [tilespmem:s15+$0x4620];
	[tilespmem:s12+$0x8620] =	vst v5;
	v1 =	vmul.f32 v1, v9  }
0x1ea: {  	v5 =	vld [tilespmem:s15+$0x600];
	[tilespmem:s12+$0x8660] =	vst v3  }
0x1eb: {  	v6 =	vand.u32 $0xFFFF0000, v13;
	v3 =	vld [tilespmem:s15+$0x640];
	[tilespmem:s12+$0x8630] =	vst v1  }
0x1ec: {  	v1 =	vmul.f32 v6, v11;
	v6 =	vld [tilespmem:s15+$0x610]  }
0x1ed: {  	v7 =	vld [tilespmem:s15+$0x650]  }
0x1ee: {  	v8 =	vld [tilespmem:s15+$0x620];
	[tilespmem:s15+$0x8670] =	vst v1;
	v1 =	vshll.u32 v10, $0x10  }
0x1ef: {  	v9 =	vand.u32 $0xFFFF0000, v10;
	v1 =	vmul.f32 v1, v5;
	v5 =	vld [tilespmem:s15+$0x660]  }
0x1f0: {  	v10 =	vshll.u32 v4, $0x10;
	v3 =	vmul.f32 v9, v3;
	v9 =	vld [tilespmem:s15+$0x630]  }
0x1f1: {  	v4 =	vand.u32 $0xFFFF0000, v4;
	[tilespmem:s15+$0x8600] =	vst v1;
	v1 =	vmul.f32 v10, v6  }
0x1f2: {  	v6 =	vshll.u32 v2, $0x10;
	[tilespmem:s15+$0x8640] =	vst v3;
	v3 =	vmul.f32 v4, v7  }
0x1f3: {  	v2 =	vand.u32 $0xFFFF0000, v2;
	[tilespmem:s15+$0x8610] =	vst v1;
	v1 =	vmul.f32 v6, v8  }
0x1f4: {  	v4 =	vshll.u32 v13, $0x10;
	[tilespmem:s15+$0x8650] =	vst v3;
	v2 =	vmul.f32 v2, v5  }
0x1f5: {  	[tilespmem:s15+$0x8620] =	vst v1;
	v1 =	vmul.f32 v4, v9  }
0x1f6: {  	[tilespmem:s15+$0x8660] =	vst v2  }
0x1f7: {  	[tilespmem:s15+$0x8630] =	vst v1  }
0x1f8: {  	v1 =	vld [tilespmem:$0x340]  }
0x1f9: {  	v2 =	vld [tilespmem:$0x350]  }
0x1fa: {  	v3 =	vld [tilespmem:$0x360]  }
0x1fb: {  	v4 =	vld [tilespmem:$0x370];
	_ =	sdelay $0x1  }
0x1fc: {  	[tilespmem:$0x400] =	vst v1  }
0x1fd: {  	[tilespmem:$0x410] =	vst v2  }
0x1fe: {  	[tilespmem:$0x420] =	vst v3  }
0x1ff: {  	[tilespmem:$0x430] =	vst v4  }
0x200: {  	[spmem:s2] =	stream.indirect.scatter.add.f32 [tilespmem:s22], [sflag:$0x5], $0x80, s0, s20, $0xb8;
	[tilespmem:$0x1FE80] =	vst v63  }
0x201: {  	_ =	swait.ge [sflag:s4], $0x2000  }
0x202: {  	[sflag:s4] =	ssyncset.done $0x0  }
0x203: {  	[sflag:s4] =	ssyncadd.s32 $0xFFFFE000  }
0x204: {  	_ =	swait.ge [sflag:s24], $0x2000  }
0x205: {  	[sflag:s24] =	ssyncset.done $0x0  }
0x206: {  	s12 =	simm.s32 @!p2 $0x7;
	[sflag:s24] =	ssyncadd.s32 $0xFFFFE000  }
0x207: {  	_ =	swait.ge @!p2 [sflag:s12], $0xC0  }
0x208: {  	[sflag:s12] =	ssyncset.done @!p2 $0x0  }
0x209: {  	[sflag:s12] =	ssyncadd.s32 @!p2 $0xFFFFFF40  }
0x20a: {  	_ =	swait.ge @!p2 [sflag:s12], $0xC0  }
0x20b: {  	[sflag:s12] =	ssyncset.done @!p2 $0x0  }
0x20c: {  	[sflag:s12] =	ssyncadd.s32 @!p2 $0xFFFFFF40  }
0x20d: {  	v1 =	vld @!p2 [tilespmem:$0x0]  }
0x20e: {  	v2 =	vld @!p2 [tilespmem:$0x10]  }
0x20f: {  	v3 =	vld @!p2 [tilespmem:$0x20]  }
0x210: {  	v4 =	vld @!p2 [tilespmem:$0x30];
	_ =	sdelay $0x1  }
0x211: {  	[tilespmem:$0x500] =	vst @!p2 v1  }
0x212: {  	[tilespmem:$0x510] =	vst @!p2 v2  }
0x213: {  	[tilespmem:$0x520] =	vst @!p2 v3  }
0x214: {  	s16 =	simm.s32 @!p2 $0x600;
	s15 =	simm.s32 @!p2 $0x500;
	s12 =	simm.s32 @!p2 $0x40;
	[tilespmem:$0x530] =	vst @!p2 v4  }
0x215: {  	[tilespmem:s16], [sflag:$0x1] =	stream.indirect.gather @!p2 [hbm4b:s1+s12], $0x80, s15, s12, $0xb8;
	[tilespmem:$0x1FE80] =	vst v63  }
0x216: {  	s12 =	sshll.u32 @!p2 s14, $0xA  }
0x217: {  	s12 =	sand.u32 @!p2 $0x1FFFF800, s12  }
0x218: {  	s14 =	simm.s32 @!p2 $0x0;
	s15 =	simm.s32 @!p2 $0x4600;
	s12 =	sadd.s32 @!p2 s5, s12  }
0x219: {  	[tilespmem:s15], [sflag:$0x3] =	stream.linear.gather @!p2 [hbm4b:s12+s14], $0x2000, $0x38;
	[tilespmem:$0x1FE80] =	vst v63  }
0x21a: {  	_ =	swait.ge [sflag:s28], $0x2000  }
0x21b: {  	[sflag:s28] =	ssyncset.done $0x0  }
0x21c: {  	s12 =	simm.s32 $0x0;
	[sflag:s28] =	ssyncadd.s32 $0xFFFFE000  }
0x21d: {  	v1 =	vld [tilespmem:s12+$0x6630]  }
0x21e: {  	v2 =	vld [tilespmem:s12+$0x2670]  }
0x21f: {  	v3 =	vld [tilespmem:s12+$0x6600]  }
0x220: {  	v6 =	vld [tilespmem:s12+$0x6610]  }
0x221: {  	v9 =	vld [tilespmem:s12+$0x6620]  }
0x222: {  	v11 =	vld [tilespmem:s12+$0x2600]  }
0x223: {  	v12 =	vld [tilespmem:s12+$0x2640];
	v4 =	vand.u32 $0xFFFF0000, v1  }
0x224: {  	v5 =	vmul.f32 v4, v2;
	v4 =	vld [tilespmem:s12+$0x2610]  }
0x225: {  	v2 =	vld [tilespmem:s12+$0x2650]  }
0x226: {  	v1 =	vshll.u32 v1, $0x10;
	v13 =	vshll.u32 v3, $0x10;
	v14 =	vand.u32 $0xFFFF0000, v3;
	[tilespmem:s12+$0xA670] =	vst v5;
	v5 =	vld [tilespmem:s12+$0x2620]  }
0x227: {  	v10 =	vshll.u32 v6, $0x10;
	v8 =	vand.u32 $0xFFFF0000, v6;
	v6 =	vld [tilespmem:s12+$0x2660];
	v11 =	vmul.f32 v13, v11  }
0x228: {  	s14 =	simm.s32 $0x80;
	s15 =	simm.s32 $0x400;
	v7 =	vshll.u32 v9, $0x10;
	v3 =	vand.u32 $0xFFFF0000, v9;
	v9 =	vld [tilespmem:s12+$0x2630];
	v12 =	vmul.f32 v14, v12  }
.LBB2_15:
0x229: {  	p2 =	sne.s32 s15, $0x7E00;
	v13 =	vld [tilespmem:s14+$0x6630];
	[tilespmem:s12+$0xA600] =	vst v11;
	v4 =	vmul.f32 v10, v4  }
0x22a: {  	v10 =	vld [tilespmem:s14+$0x2670];
	[tilespmem:s12+$0xA640] =	vst v12;
	v2 =	vmul.f32 v8, v2  }
0x22b: {  	v8 =	vld [tilespmem:s14+$0x6600];
	[tilespmem:s12+$0xA610] =	vst v4;
	v4 =	vmul.f32 v7, v5  }
0x22c: {  	v5 =	vld [tilespmem:s14+$0x6610];
	[tilespmem:s12+$0xA650] =	vst v2;
	v2 =	vmul.f32 v3, v6  }
0x22d: {  	v3 =	vld [tilespmem:s14+$0x6620];
	[tilespmem:s12+$0xA620] =	vst v4;
	v4 =	vmul.f32 v1, v9  }
0x22e: {  	v6 =	vld [tilespmem:s14+$0x2600];
	v1 =	vshll.u32 v13, $0x10;
	v7 =	vand.u32 $0xFFFF0000, v13;
	[tilespmem:s12+$0xA660] =	vst v2  }
0x22f: {  	v9 =	vld [tilespmem:s14+$0x2640];
	v7 =	vmul.f32 v7, v10;
	[tilespmem:s12+$0xA630] =	vst v4;
	s12 =	smov.u32 s14  }
.Ltmp8:
0x230: {  	v11 =	vshll.u32 v8, $0x10;
	v12 =	vand.u32 $0xFFFF0000, v8;
	v4 =	vld [tilespmem:s12+$0x2610];
	(pc) =	sbr.rel @p2 .LBB2_15-.Ltmp8, $4  }
0x231: {  	v10 =	vshll.u32 v5, $0x10;
	v8 =	vand.u32 $0xFFFF0000, v5;
	v2 =	vld [tilespmem:s12+$0x2650];
	[tilespmem:s12+$0xA670] =	vst v7  }
0x232: {  	v7 =	vshll.u32 v3, $0x10;
	v3 =	vand.u32 $0xFFFF0000, v3;
	v5 =	vld [tilespmem:s12+$0x2620]  }
0x233: {  	v11 =	vmul.f32 v11, v6;
	v6 =	vld [tilespmem:s12+$0x2660]  }
0x234: {  	s14 =	sshra.s32 s15, $0x2;
	s15 =	sadd.s32 $0x200, s15;
	v12 =	vmul.f32 v12, v9;
	v9 =	vld [tilespmem:s12+$0x2630]  }
0x235: {  	v13 =	vld [tilespmem:s14+$0x6630];
	[tilespmem:s12+$0xA600] =	vst v11;
	v4 =	vmul.f32 v10, v4  }
0x236: {  	v11 =	vld [tilespmem:s14+$0x2670];
	[tilespmem:s12+$0xA640] =	vst v12;
	v2 =	vmul.f32 v8, v2  }
0x237: {  	v52 =	vld [tilespmem:s14+$0x6600];
	[tilespmem:s12+$0xA610] =	vst v4;
	v5 =	vmul.f32 v7, v5  }
0x238: {  	v4 =	vld [tilespmem:s14+$0x6610];
	[tilespmem:s12+$0xA650] =	vst v2;
	v3 =	vmul.f32 v3, v6  }
0x239: {  	v2 =	vld [tilespmem:s14+$0x6620];
	[tilespmem:s12+$0xA620] =	vst v5;
	v1 =	vmul.f32 v1, v9  }
0x23a: {  	v5 =	vld [tilespmem:s14+$0x2600];
	[tilespmem:s12+$0xA660] =	vst v3  }
0x23b: {  	v53 =	vand.u32 $0xFFFF0000, v13;
	v3 =	vld [tilespmem:s14+$0x2640];
	[tilespmem:s12+$0xA630] =	vst v1  }
0x23c: {  	v1 =	vmul.f32 v53, v11;
	v54 =	vld [tilespmem:s14+$0x2610]  }
0x23d: {  	v58 =	vld [tilespmem:s14+$0x2660]  }
0x23e: {  	v56 =	vld [tilespmem:s14+$0x2620];
	[tilespmem:s14+$0xA670] =	vst v1;
	v1 =	vshll.u32 v52, $0x10  }
0x23f: {  	v55 =	vld [tilespmem:s14+$0x2650];
	v57 =	vand.u32 $0xFFFF0000, v52;
	v1 =	vmul.f32 v1, v5  }
0x240: {  	v60 =	vld [tilespmem:s14+$0x2630];
	v59 =	vshll.u32 v4, $0x10;
	v3 =	vmul.f32 v57, v3  }
0x241: {  	v61 =	vshll.u32 v2, $0x10;
	v2 =	vand.u32 $0xFFFF0000, v2;
	[tilespmem:s14+$0xA600] =	vst v1;
	v1 =	vmul.f32 v59, v54  }
0x242: {  	v2 =	vmul.f32 v2, v58;
	[tilespmem:s14+$0xA640] =	vst v3  }
0x243: {  	v4 =	vand.u32 $0xFFFF0000, v4;
	[tilespmem:s14+$0xA610] =	vst v1;
	v1 =	vmul.f32 v61, v56  }
0x244: {  	v62 =	vshll.u32 v13, $0x10;
	v3 =	vmul.f32 v4, v55;
	[tilespmem:s14+$0xA660] =	vst v2  }
0x245: {  	[tilespmem:s14+$0xA620] =	vst v1;
	v1 =	vmul.f32 v62, v60  }
0x246: {  	[tilespmem:s14+$0xA650] =	vst v3  }
0x247: {  	[tilespmem:s14+$0xA630] =	vst v1  }
0x248: {  	v1 =	vld [tilespmem:$0x380]  }
0x249: {  	v2 =	vld [tilespmem:$0x390]  }
0x24a: {  	v3 =	vld [tilespmem:$0x3A0]  }
0x24b: {  	s23 =	sadd.s32 $0x1, s23;
	v63 =	vld [tilespmem:$0x3B0]  }
0x24c: {  	p2 =	sne.s32 s23, $0x1A  }
.Ltmp9:
0x24d: {  	[tilespmem:$0x480] =	vst v1;
	(pc) =	sbr.rel @p2 .LBB2_4-.Ltmp9, $4  }
0x24e: {  	[tilespmem:$0x490] =	vst v2  }
0x24f: {  	[tilespmem:$0x4A0] =	vst v3  }
0x250: {  	[tilespmem:$0x4B0] =	vst v63  }
0x251: {  	[spmem:s2] =	stream.indirect.scatter.add.f32 [tilespmem:s10], [sflag:$0x6], $0x80, s21, s20, $0xb8;
	[tilespmem:$0x1FE80] =	vst v63  }
0x252: {  	_ =	swait.ge [sflag:s26], $0x2000  }
.Ltmp10:
0x253: {  	[sflag:s26] =	ssyncset.done $0x0;
	(pc) =	sbr.rel @p0 .LBB2_21-.Ltmp10, $4  }
0x254: {  	[sflag:s26] =	ssyncadd.s32 $0xFFFFE000  }
0x255: {  	_ =	swait.ge [sflag:s28], $0x2000  }
0x256: {  	[sflag:s28] =	ssyncset.done $0x0  }
0x257: {  	[sflag:s28] =	ssyncadd.s32 $0xFFFFE000  }
0x258: {  	s12 =	simm.s32 $0x0;
	s14 =	rddreg [dreg:$0x10];
	s16 =	simm.s32 $0x9  }
0x259: {  	[tilespmem:s19], [sflag:$0x9] =	stream.linear.gather [hbm4b:s14+s12], $0x40, $0x38;
	[tilespmem:$0x1FE80] =	vst v63  }
0x25a: {  	_ =	swait.ge [sflag:s16], $0x40  }
0x25b: {  	[sflag:s16] =	ssyncset.done $0x0  }
0x25c: {  	s17 =	rddreg [dreg:$0x11];
	[sflag:s16] =	ssyncadd.s32 $0xFFFFFFC0  }
0x25d: {  	[tilespmem:s0], [sflag:$0x9] =	stream.linear.gather [hbm4b:s17+s12], $0x40, $0x38;
	[tilespmem:$0x1FE80] =	vst v63  }
0x25e: {  	_ =	swait.ge [sflag:s16], $0x40  }
0x25f: {  	[sflag:s16] =	ssyncset.done $0x0  }
0x260: {  	[sflag:s16] =	ssyncadd.s32 $0xFFFFFFC0  }
0x261: {  	[tilespmem:s8], [sflag:$0x1] =	stream.indirect.gather [hbm4b:s1+s20], $0x80, s19, s20, $0xb8;
	[tilespmem:$0x1FE80] =	vst v63  }
0x262: {  	_ =	swait.ge [sflag:s11], $0x2000  }
0x263: {  	[sflag:s11] =	ssyncset.done $0x0  }
0x264: {  	s23 =	rddreg [dreg:$0x12];
	[sflag:s11] =	ssyncadd.s32 $0xFFFFE000  }
0x265: {  	[tilespmem:s9], [sflag:$0x9] =	stream.linear.gather [hbm4b:s23+s12], $0x2000, $0x38;
	[tilespmem:$0x1FE80] =	vst v63  }
0x266: {  	_ =	swait.ge [sflag:s16], $0x2000  }
0x267: {  	[sflag:s16] =	ssyncset.done $0x0  }
0x268: {  	s12 =	simm.s32 $0x0;
	[sflag:s16] =	ssyncadd.s32 $0xFFFFE000  }
0x269: {  	v1 =	vld [tilespmem:s12+$0x4630]  }
0x26a: {  	v2 =	vld [tilespmem:s12+$0x670]  }
0x26b: {  	v3 =	vld [tilespmem:s12+$0x4600]  }
0x26c: {  	v6 =	vld [tilespmem:s12+$0x4610]  }
0x26d: {  	v9 =	vld [tilespmem:s12+$0x4620]  }
0x26e: {  	v8 =	vld [tilespmem:s12+$0x600]  }
0x26f: {  	v12 =	vld [tilespmem:s12+$0x640];
	v4 =	vand.u32 $0xFFFF0000, v1  }
0x270: {  	v5 =	vmul.f32 v4, v2;
	v4 =	vld [tilespmem:s12+$0x610]  }
0x271: {  	v2 =	vld [tilespmem:s12+$0x650]  }
0x272: {  	v1 =	vshll.u32 v1, $0x10;
	v11 =	vshll.u32 v3, $0x10;
	v13 =	vand.u32 $0xFFFF0000, v3;
	[tilespmem:s12+$0x8670] =	vst v5;
	v5 =	vld [tilespmem:s12+$0x620]  }
0x273: {  	v10 =	vshll.u32 v6, $0x10;
	v7 =	vand.u32 $0xFFFF0000, v6;
	v6 =	vld [tilespmem:s12+$0x660];
	v11 =	vmul.f32 v11, v8  }
0x274: {  	s15 =	simm.s32 $0x400;
	s14 =	simm.s32 $0x80;
	v3 =	vand.u32 $0xFFFF0000, v9;
	v8 =	vshll.u32 v9, $0x10;
	v12 =	vmul.f32 v13, v12;
	v9 =	vld [tilespmem:s12+$0x630]  }
.LBB2_19:
0x275: {  	p2 =	sne.s32 s15, $0x7E00;
	v13 =	vld [tilespmem:s14+$0x4630];
	[tilespmem:s12+$0x8600] =	vst v11;
	v4 =	vmul.f32 v10, v4  }
0x276: {  	v10 =	vld [tilespmem:s14+$0x670];
	[tilespmem:s12+$0x8640] =	vst v12;
	v2 =	vmul.f32 v7, v2  }
0x277: {  	v7 =	vld [tilespmem:s14+$0x4600];
	[tilespmem:s12+$0x8610] =	vst v4;
	v4 =	vmul.f32 v8, v5  }
0x278: {  	v5 =	vld [tilespmem:s14+$0x4610];
	[tilespmem:s12+$0x8650] =	vst v2;
	v2 =	vmul.f32 v3, v6  }
0x279: {  	v3 =	vld [tilespmem:s14+$0x4620];
	[tilespmem:s12+$0x8620] =	vst v4;
	v4 =	vmul.f32 v1, v9  }
0x27a: {  	v6 =	vld [tilespmem:s14+$0x600];
	v1 =	vshll.u32 v13, $0x10;
	v8 =	vand.u32 $0xFFFF0000, v13;
	[tilespmem:s12+$0x8660] =	vst v2  }
0x27b: {  	v9 =	vld [tilespmem:s14+$0x640];
	v8 =	vmul.f32 v8, v10;
	[tilespmem:s12+$0x8630] =	vst v4;
	s12 =	smov.u32 s14  }
.Ltmp11:
0x27c: {  	v11 =	vshll.u32 v7, $0x10;
	v12 =	vand.u32 $0xFFFF0000, v7;
	v4 =	vld [tilespmem:s12+$0x610];
	(pc) =	sbr.rel @p2 .LBB2_19-.Ltmp11, $4  }
0x27d: {  	v10 =	vshll.u32 v5, $0x10;
	v7 =	vand.u32 $0xFFFF0000, v5;
	v2 =	vld [tilespmem:s12+$0x650];
	[tilespmem:s12+$0x8670] =	vst v8  }
0x27e: {  	v8 =	vshll.u32 v3, $0x10;
	v3 =	vand.u32 $0xFFFF0000, v3;
	v5 =	vld [tilespmem:s12+$0x620]  }
0x27f: {  	v11 =	vmul.f32 v11, v6;
	v6 =	vld [tilespmem:s12+$0x660]  }
0x280: {  	s14 =	sshra.s32 s15, $0x2;
	s15 =	sadd.s32 $0x200, s15;
	v12 =	vmul.f32 v12, v9;
	v9 =	vld [tilespmem:s12+$0x630]  }
0x281: {  	v13 =	vld [tilespmem:s14+$0x4630];
	[tilespmem:s12+$0x8600] =	vst v11;
	v4 =	vmul.f32 v10, v4  }
0x282: {  	v11 =	vld [tilespmem:s14+$0x670];
	[tilespmem:s12+$0x8640] =	vst v12;
	v2 =	vmul.f32 v7, v2  }
0x283: {  	v53 =	vld [tilespmem:s14+$0x4600];
	[tilespmem:s12+$0x8610] =	vst v4;
	v5 =	vmul.f32 v8, v5  }
0x284: {  	v4 =	vld [tilespmem:s14+$0x4610];
	[tilespmem:s12+$0x8650] =	vst v2;
	v3 =	vmul.f32 v3, v6  }
0x285: {  	v2 =	vld [tilespmem:s14+$0x4620];
	[tilespmem:s12+$0x8620] =	vst v5;
	v1 =	vmul.f32 v1, v9  }
0x286: {  	v5 =	vld [tilespmem:s14+$0x600];
	[tilespmem:s12+$0x8660] =	vst v3  }
0x287: {  	v54 =	vand.u32 $0xFFFF0000, v13;
	v3 =	vld [tilespmem:s14+$0x640];
	[tilespmem:s12+$0x8630] =	vst v1  }
0x288: {  	v1 =	vmul.f32 v54, v11;
	v55 =	vld [tilespmem:s14+$0x610]  }
0x289: {  	v59 =	vld [tilespmem:s14+$0x660]  }
0x28a: {  	v57 =	vld [tilespmem:s14+$0x620];
	[tilespmem:s14+$0x8670] =	vst v1;
	v1 =	vshll.u32 v53, $0x10  }
0x28b: {  	v56 =	vld [tilespmem:s14+$0x650];
	v58 =	vand.u32 $0xFFFF0000, v53;
	v1 =	vmul.f32 v1, v5  }
0x28c: {  	v61 =	vld [tilespmem:s14+$0x630];
	v60 =	vshll.u32 v4, $0x10;
	v3 =	vmul.f32 v58, v3  }
0x28d: {  	v62 =	vshll.u32 v2, $0x10;
	v2 =	vand.u32 $0xFFFF0000, v2;
	[tilespmem:s14+$0x8600] =	vst v1;
	v1 =	vmul.f32 v60, v55  }
0x28e: {  	v2 =	vmul.f32 v2, v59;
	[tilespmem:s14+$0x8640] =	vst v3  }
0x28f: {  	v4 =	vand.u32 $0xFFFF0000, v4;
	[tilespmem:s14+$0x8610] =	vst v1;
	v1 =	vmul.f32 v62, v57  }
0x290: {  	v63 =	vshll.u32 v13, $0x10;
	v3 =	vmul.f32 v4, v56;
	[tilespmem:s14+$0x8660] =	vst v2  }
0x291: {  	[tilespmem:s14+$0x8620] =	vst v1;
	v1 =	vmul.f32 v63, v61  }
0x292: {  	[tilespmem:s14+$0x8650] =	vst v3  }
0x293: {  	[tilespmem:s14+$0x8630] =	vst v1  }
0x294: {  	[spmem:s2] =	stream.indirect.scatter.add.f32 [tilespmem:s22], [sflag:$0x9], $0x80, s0, s20, $0xb8;
	[tilespmem:$0x1FE80] =	vst v63  }
.Ltmp12:
0x295: {  	_ =	swait.ge [sflag:s16], $0x2000;
	(pc) =	sbr.rel .LBB2_22-.Ltmp12, $4  }
0x296: {  	[sflag:s16] =	ssyncset.done $0x0  }
0x297: {  	[sflag:s16] =	ssyncadd.s32 $0xFFFFE000  }
0x298: {  	[bflag:$0x0] =	sbarrier.arrive $0xFFFF  }
0x299: {  	s17 =	simm.s32 $0x9  }
.LBB2_21:
.Ltmp13:
0x29a: {  	(pc) =	sbr.rel @p1 .LBB2_23-.Ltmp13, $3  }
0x29b: {  	_ =	sdelay $0x1  }
0x29c: {  	[bflag:$0x0] =	sbarrier.arrive $0xFFFF  }
0x29d: {  	s17 =	simm.s32 $0x9  }
.LBB2_22:
0x29e: {  	s12 =	rddreg [dreg:$0xe]  }
0x29f: {  	s15 =	rddreg [dreg:$0x4]  }
0x2a0: {  	s16 =	rddreg [dreg:$0xf]  }
.Ltmp14:
0x2a1: {  	s12 =	sor.u32 $0x1C09, s12;
	s14 =	sshrl.u32 s15, $0x3;
	(pc) =	sbr.rel .LBB2_24-.Ltmp14, $4  }
0x2a2: {  	[hbm:s16], [sflag:s12] =	dma.local [spmem:s14], $0x2700  }
0x2a3: {  	_ =	swait.ge [sflag:s17], $0x2700  }
0x2a4: {  	[sflag:s17] =	ssyncset.done $0x0  }
0x2a5: {  	s16 =	simm.s32 $0x9;
	s14 =	rddreg [dreg:$0x1e];
	[sflag:s17] =	ssyncadd.s32 $0xFFFFD900  }
.LBB2_25:
0x2a6: {  	_ =	sfence.sel $0x180000  }
0x2a7: {  	[bflag:$0x0] =	sbarrier.arrive $0xFFFF  }
0x2a8: {  	_ =	strace $0x90000047  }
0x2a9: {  	s0 =	stileid.u32;
	[bflag:$0x2] =	sbarrier.arrive $0xFFFF  }
0x2aa: {  	p0 =	sne.s32 s0, $0x0;
	s0 =	rddreg [dreg:$0x3]  }
0x2ab: {  	s0 =	sadd.s32 @!p0 $0x100000, s0  }
0x2ac: {  	[sflag:s0] =	ssyncadd.tile.s32 @!p0 $0x1;
	_ =	shalt  }
.Lfunc_end2:
_tile_overlayer_lowered:
.L_overlay_start_2:
0x2ad: {  	(tag) =	ssettag $0x2  }
0x2ae: {  	s0 =	rddreg [dreg:$0x0];
	s2 =	stileid.u32  }
0x2af: {  	s1 =	rddreg [dreg:$0x1];
	p0 =	sne.s32 s2, $0x0  }
0x2b0: {  	s3 =	rddreg [dreg:$0x2];
	[bflag:$0x3] =	sbarrier.arrive $0xFFFF;
	s2 =	simm.s32 @!p0 $0x1C09  }
0x2b1: {  	[timem:s3], [sflag:s2] =	dma.local @!p0 [hbm:s0], s1  }
0x2b2: {  	s0 =	simm.s32 @!p0 $0x9  }
0x2b3: {  	_ =	swait.ge @!p0 [sflag:s0], s1  }
0x2b4: {  	s1 =	ssub.s32 @!p0 $0x0, s1;
	[sflag:s0] =	ssyncset.done @!p0 $0x0  }
0x2b5: {  	[sflag:s0] =	ssyncadd.s32 @!p0 s1  }
0x2b6: {  	[bflag:$0x3] =	sbarrier.arrive $0xFFFF  }
0x2b7: {  	_ =	shalt  }

</sc_bundles>
